<compile_context>
chip_gen: v7x
topology: tpu7x:2x2x1
jax: 0.10.2.dev20260603
libtpu: 0.0.44.dev20260713+nightly
codegen_flags: <defaults>
</compile_context>

<pallas_src>
import functools

import jax
import jax.numpy as jnp
from jax import lax
from jax.experimental import pallas as pl
from jax.experimental.pallas import tpu as pltpu
from jax.experimental.pallas import tpu_sc as plsc

_C = 2048
_L = 16
_ROW = 48
_G = _C // _L
_STREAM = 128

_LN2 = 0.6931471805599453


def _density_log(acc):
    d = jnp.maximum(acc, jnp.float32(1e-38)) * jnp.float32(16777216.0)
    b = lax.bitcast_convert_type(d, jnp.int32)
    e = lax.shift_right_arithmetic(b, 23) - (127 + 24)
    mb = jnp.bitwise_or(jnp.bitwise_and(b, 0x007FFFFF), 0x3F800000)
    m = lax.bitcast_convert_type(mb, jnp.float32)
    big = m > jnp.float32(1.5)
    m = jnp.where(big, m * jnp.float32(0.5), m)
    e = jnp.where(big, e + 1, e)
    r = (m - jnp.float32(1.0)) / (m + jnp.float32(1.0))
    r2 = r * r
    poly = jnp.float32(1.0) + r2 * (
        jnp.float32(1.0 / 3.0)
        + r2 * (jnp.float32(0.2) + r2 * jnp.float32(1.0 / 7.0)))
    return e.astype(jnp.float32) * jnp.float32(_LN2) + jnp.float32(2.0) * r * poly


def _make_sc_kernel(n, kn, bb):
    num_chunks = (n + _C - 1) // _C
    info = plsc.get_sparse_core_info()
    nw = info.num_cores * info.num_subcores

    @functools.partial(
        pl.kernel,
        out_type=jax.ShapeDtypeStruct((n,), jnp.float32),
        mesh=plsc.VectorSubcoreMesh(core_axis_name="c", subcore_axis_name="s"),
        compiler_params=pltpu.CompilerParams(
            use_tc_tiling_on_sc=False, needs_layout_passes=False),
        scratch_types=[
            pltpu.VMEM((kn, 2), jnp.float32),
            pltpu.VMEM((_C, 2), jnp.float32),
            pltpu.VMEM((_C,), jnp.float32),
            pltpu.VMEM((_C,), jnp.float32),
            pltpu.VMEM((_C,), jnp.int32),
            pltpu.VMEM((_C, _ROW), jnp.float32),
            pltpu.VMEM((_C,), jnp.float32),
            pltpu.SemaphoreType.DMA,
        ],
    )
    def sc_kernel(x_hbm, knots_hbm, packed_hbm, out_hbm,
                  knots_v, x_v, t0_v, t1_v, idx_v, rows_v, outc_v, sem):
        wid = lax.axis_index("s") * info.num_cores + lax.axis_index("c")
        pltpu.sync_copy(knots_hbm, knots_v)

        iota = lax.broadcasted_iota(jnp.int32, (_L,), 0)
        zero16 = jnp.zeros((_L,), jnp.int32)
        one16 = jnp.ones((_L,), jnp.int32)
        b_max = bb - 1

        def do_chunk(k, _):
            c = wid + k * nw
            base = jnp.minimum(c * _C, n - _C)
            pltpu.sync_copy(x_hbm.at[pl.ds(base, _C), :], x_v)

            @plsc.parallel_loop(0, _G, 1, unroll=4)
            def grp_a(g):
                p = g * _L + iota
                x0 = plsc.load_gather(x_v, [p, zero16])
                x1 = plsc.load_gather(x_v, [p, one16])
                pos0 = jnp.zeros((_L,), jnp.int32)
                pos1 = jnp.zeros((_L,), jnp.int32)
                for s in (256, 128, 64, 32, 16, 8, 4, 2, 1):
                    k0 = plsc.load_gather(knots_v, [pos0 + (s - 1), zero16])
                    pos0 = jnp.where(k0 < x0, pos0 + s, pos0)
                    k1 = plsc.load_gather(knots_v, [pos1 + (s - 1), one16])
                    pos1 = jnp.where(k1 < x1, pos1 + s, pos1)
                i0 = jnp.clip(pos0 - 1, 0, b_max)
                i1 = jnp.clip(pos1 - 1, 0, b_max)
                t0 = x0 - plsc.load_gather(knots_v, [i0, zero16])
                t1 = x1 - plsc.load_gather(knots_v, [i1, one16])
                t0_v[pl.ds(g * _L, _L)] = t0
                t1_v[pl.ds(g * _L, _L)] = t1
                idx_v[pl.ds(g * _L, _L)] = i0 * bb + i1

            descs = []
            for s in range(_C // _STREAM):
                descs.append(pltpu.async_copy(
                    packed_hbm.at[idx_v.at[pl.ds(s * _STREAM, _STREAM)]],
                    rows_v.at[pl.ds(s * _STREAM, _STREAM)],
                    sem))
            for d in descs:
                d.wait()

            @plsc.parallel_loop(0, _G, 1, unroll=4)
            def grp_c(g):
                p = g * _L + iota
                t0 = t0_v[pl.ds(g * _L, _L)]
                t1 = t1_v[pl.ds(g * _L, _L)]
                acc = jnp.zeros((_L,), jnp.float32)
                for m in range(4):
                    a = []
                    for i in range(3):
                        col = m * 9 + i * 3
                        c0 = plsc.load_gather(rows_v, [p, jnp.full((_L,), col, jnp.int32)])
                        c1 = plsc.load_gather(rows_v, [p, jnp.full((_L,), col + 1, jnp.int32)])
                        c2 = plsc.load_gather(rows_v, [p, jnp.full((_L,), col + 2, jnp.int32)])
                        a.append((c2 * t1 + c1) * t1 + c0)
                    val = (a[2] * t0 + a[1]) * t0 + a[0]
                    wi = plsc.load_gather(rows_v, [p, jnp.full((_L,), 36 + m, jnp.int32)])
                    acc = acc + val * val * wi
                outc_v[pl.ds(g * _L, _L)] = _density_log(acc)

            pltpu.sync_copy(outc_v, out_hbm.at[pl.ds(base, _C)])
            return 0

        my_chunks = (num_chunks - wid + nw - 1) // nw
        lax.fori_loop(0, my_chunks, do_chunk, 0)

    return sc_kernel


def kernel(x, knots, poly_params, mixture_weights, integrals_2dgrid):
    n = x.shape[0]
    kn = knots.shape[0]
    bb = kn - 1
    coeff = jnp.transpose(poly_params[0].reshape(4, bb * bb, 9), (1, 0, 2))
    coeff = coeff.reshape(bb * bb, 36)
    wi = mixture_weights[0][:, None] / integrals_2dgrid[0].reshape(4, bb * bb)
    wi = jnp.transpose(wi, (1, 0))
    packed = jnp.concatenate(
        [coeff, wi, jnp.zeros((bb * bb, _ROW - 40), jnp.float32)], axis=1)
    return _make_sc_kernel(n, kn, bb)(x, knots, packed)

# --- scband reference (transcript-rebuilt; emitter-appended) ---
"""Pipeline reference for scband-spline-sq2-d-43731357008085 (READ-ONLY COPY).

The authoritative reference and input builder live on the scoring server;
editing this copy changes nothing except your own understanding.
"""

import jax, jax.numpy as jnp
import numpy as np

N = 500000
K = 512          # num_knots per dimension
M = 4            # num_mixtures
DEG = 3          # polynomial coeffs per dim (quadratic: 1, t, t^2)


def setup_inputs(seed: int = 0) -> dict:
    key = jax.random.key(seed)
    ks = jax.random.split(key, 6)
    # query points in [0,1]^2
    x = jax.random.uniform(ks[0], (N, 2), dtype=jnp.float32)
    # per-dimension sorted knot grid covering [0,1]
    knots = jnp.sort(jax.random.uniform(ks[1], (K, 2), dtype=jnp.float32), axis=0)
    knots = knots.at[0].set(0.0).at[-1].set(1.0)
    B = K - 1
    # per-bin, per-mixture tensor-product polynomial coefficients (unbatched: leading dim 1)
    poly_params = jax.random.normal(ks[2], (1, M, B, B, DEG, DEG), dtype=jnp.float32) * 0.5
    # precomputed integral of squared poly over each 2D bin (positive normalizers)
    integrals_2dgrid = jax.random.uniform(ks[3], (1, M, B, B), dtype=jnp.float32) + 0.5
    mixture_weights = jax.nn.softmax(jax.random.normal(ks[4], (1, M), dtype=jnp.float32), axis=-1)
    return {
        "x": x,
        "knots": knots,
        "poly_params": poly_params,
        "mixture_weights": mixture_weights,
        "integrals_2dgrid": integrals_2dgrid,
    }


def reference(x, knots, poly_params, mixture_weights, integrals_2dgrid):
    """log p(x) for a squared mixture-of-splines 2D density (SplineSQ2D.log_dens)."""
    eps = -1.0
    Kn = knots.shape[0]
    # get_bins: per-dim searchsorted, clamp to valid bin range
    i0 = jnp.clip(jnp.searchsorted(knots[:, 0], x[:, 0]) - 1, 0, Kn - 2)
    i1 = jnp.clip(jnp.searchsorted(knots[:, 1], x[:, 1]) - 1, 0, Kn - 2)
    start_coords = jnp.stack([knots[i0, 0], knots[i1, 1]], axis=1)
    t = x - start_coords  # [N, 2], offset within bin
    deg = poly_params.shape[-1]
    powers = jnp.arange(deg, dtype=jnp.float32)
    p0 = t[:, 0][:, None] ** powers  # [N, deg]
    p1 = t[:, 1][:, None] ** powers  # [N, deg]
    # gather per-bin coefficients and normalizers (memory-bound random gathers)
    coeffs = poly_params[0][:, i0, i1]          # [M, N, deg, deg]
    integ = integrals_2dgrid[0][:, i0, i1]      # [M, N]
    # evaluate tensor-product polynomial per mixture
    val = jnp.einsum('mnij,ni,nj->nm', coeffs, p0, p1)  # [N, M]
    dens_m = (val * val) / jnp.transpose(integ)          # squared poly / integral normalizer
    dens = jnp.sum(dens_m * mixture_weights[0][None, :], axis=1)  # [N]
    floor = eps if eps > 0 else 1e-38
    log_dens = jnp.log(jnp.maximum(dens, floor))
    return log_dens

if __name__ == "__main__":
    import jax
    _d = setup_inputs()
    print(jax.jit(kernel)(*tuple(_d.values())))

</pallas_src>

<mosaic_0001>
#map = affine_map<(d0, d1) -> (0, 0)>
#map1 = affine_map<(d0, d1) -> (0)>
module attributes {stable_mosaic.version = 14 : i64} {
  func.func @sc_kernel(%arg0: i32, %arg1: i32, %arg2: memref<500000x2xf32, #tpu.memory_space<hbm>>, %arg3: memref<512x2xf32, #tpu.memory_space<hbm>>, %arg4: memref<261121x48xf32, #tpu.memory_space<hbm>>, %arg5: memref<500000xf32, #tpu.memory_space<hbm>>, %arg6: memref<512x2xf32, #tpu.memory_space<vmem>>, %arg7: memref<2048x2xf32, #tpu.memory_space<vmem>>, %arg8: memref<2048xf32, #tpu.memory_space<vmem>>, %arg9: memref<2048xf32, #tpu.memory_space<vmem>>, %arg10: memref<2048xi32, #tpu.memory_space<vmem>>, %arg11: memref<2048x48xf32, #tpu.memory_space<vmem>>, %arg12: memref<2048xf32, #tpu.memory_space<vmem>>, %arg13: memref<!tpu.dma_semaphore, #tpu.memory_space<semaphore_mem>>) attributes {dimension_semantics = [#tpu.dimension_semantics<core_parallel>, #tpu.dimension_semantics<subcore_parallel>], iteration_bounds = array<i64: 2, 16>, scalar_prefetch = 0 : i64, scratch_operands = 8 : i64, tpu.core_type = #tpu.core_type<sc_vector_subcore>, window_params = [{transform_indices = #map}, {transform_indices = #map}, {transform_indices = #map}, {transform_indices = #map1}]} {
    %mul3A = arith.constant 2 : i32
    %mul3A_0 = arith.muli %arg1, %mul3A : i32
    %add3A = arith.addi %mul3A_0, %arg0 : i32
    "tpu.region"() ({
      %run_scoped3A = tpu.sem_alloc : memref<!tpu.dma_semaphore, #tpu.memory_space<semaphore_mem>>
      tpu.enqueue_dma source(%arg3 : memref<512x2xf32, #tpu.memory_space<hbm>>) target(%arg6 : memref<512x2xf32, #tpu.memory_space<vmem>>) target_semaphore(%run_scoped3A : memref<!tpu.dma_semaphore, #tpu.memory_space<semaphore_mem>>)
      tpu.wait_dma2 semaphore(%run_scoped3A : memref<!tpu.dma_semaphore, #tpu.memory_space<semaphore_mem>>) src(%arg3 : memref<512x2xf32, #tpu.memory_space<hbm>>) dst(%arg6 : memref<512x2xf32, #tpu.memory_space<vmem>>)
      tpu.yield
    }) : () -> ()
    %iota3A = tpu.iota {dimensions = array<i32: 0>} : vector<16xi32>
    %broadcast_in_dim3A = arith.constant 0 : i32
    %broadcast_in_dim3A_1 = vector.broadcast %broadcast_in_dim3A : i32 to vector<16xi32>
    %broadcast_in_dim3A_2 = arith.constant 1 : i32
    %broadcast_in_dim3A_3 = vector.broadcast %broadcast_in_dim3A_2 : i32 to vector<16xi32>
    %sub3A = arith.constant 245 : i32
    %sub3A_4 = arith.subi %sub3A, %add3A : i32
    %add3A_5 = arith.constant 32 : i32
    %add3A_6 = arith.addi %sub3A_4, %add3A_5 : i32
    %sub3A_7 = arith.constant 1 : i32
    %sub3A_8 = arith.subi %add3A_6, %sub3A_7 : i32
    %jit3A = arith.constant 32 : i32
    %div3A = arith.divsi %sub3A_8, %jit3A : i32
    %sign3A = arith.constant 0 : i32
    %sign3A_9 = arith.cmpi sgt, %sub3A_8, %sign3A : i32
    %sign3A_10 = arith.extui %sign3A_9 : i1 to i32
    %sign3A_11 = arith.constant 0 : i32
    %sign3A_12 = arith.cmpi slt, %sub3A_8, %sign3A_11 : i32
    %sign3A_13 = arith.extui %sign3A_12 : i1 to i32
    %sign3A_14 = arith.subi %sign3A_10, %sign3A_13 : i32
    %sign3A_15 = arith.constant 0 : i32
    %sign3A_16 = arith.cmpi sgt, %jit3A, %sign3A_15 : i32
    %sign3A_17 = arith.extui %sign3A_16 : i1 to i32
    %sign3A_18 = arith.constant 0 : i32
    %sign3A_19 = arith.cmpi slt, %jit3A, %sign3A_18 : i32
    %sign3A_20 = arith.extui %sign3A_19 : i1 to i32
    %sign3A_21 = arith.subi %sign3A_17, %sign3A_20 : i32
    %ne3A = arith.cmpi ne, %sign3A_14, %sign3A_21 : i32
    %rem3A = arith.remsi %sub3A_8, %jit3A : i32
    %ne3A_22 = arith.constant 0 : i32
    %ne3A_23 = arith.cmpi ne, %rem3A, %ne3A_22 : i32
    %and3A = arith.andi %ne3A, %ne3A_23 : i1
    %sub3A_24 = arith.constant 1 : i32
    %sub3A_25 = arith.subi %div3A, %sub3A_24 : i32
    %select_n3A = arith.select %and3A, %sub3A_25, %div3A : i32
    %while3A = arith.constant 0 : i32
    %while3A_26 = arith.constant 0 : i32
    %while3A_27 = arith.subi %select_n3A, %while3A : i32
    %while3A_28 = arith.addi %while3A, %while3A_27 : i32
    %while3A_29 = arith.constant 1 : i32
    %while3A_30 = arith.divsi %while3A_27, %while3A_29 : i32
    %while3A_31 = arith.muli %while3A_30, %while3A_29 : i32
    %while3A_32 = arith.addi %while3A, %while3A_31 : i32
    %while3A_33 = arith.constant 1 : i32
    %while3A_34 = scf.for %while3A_37 = %while3A to %while3A_32 step %while3A_33 iter_args(%while3A_38 = %while3A_26) -> (i32)  : i32 {
      %mul3A_39 = arith.constant 32 : i32
      %mul3A_40 = arith.muli %while3A_37, %mul3A_39 : i32
      %add3A_41 = arith.addi %add3A, %mul3A_40 : i32
      %mul3A_42 = arith.constant 2048 : i32
      %mul3A_43 = arith.muli %add3A_41, %mul3A_42 : i32
      %min3A = arith.constant 497952 : i32
      %min3A_44 = arith.minsi %mul3A_43, %min3A : i32
      "tpu.region"() ({
        %run_scoped3A = tpu.sem_alloc : memref<!tpu.dma_semaphore, #tpu.memory_space<semaphore_mem>>
        %dma_start3A_305 = arith.constant 0 : i32
        %dma_start3A_306 = tpu.memref_slice %arg2[%min3A_44, %dma_start3A_305] : memref<500000x2xf32, #tpu.memory_space<hbm>> -> memref<2048x2xf32, #tpu.memory_space<hbm>>
        %dma_start3A_307 = arith.constant 0 : i32
        %dma_start3A_308 = tpu.memref_slice %arg2[%min3A_44, %dma_start3A_307] : memref<500000x2xf32, #tpu.memory_space<hbm>> -> memref<2048x2xf32, #tpu.memory_space<hbm>>
        tpu.enqueue_dma source(%dma_start3A_308 : memref<2048x2xf32, #tpu.memory_space<hbm>>) target(%arg7 : memref<2048x2xf32, #tpu.memory_space<vmem>>) target_semaphore(%run_scoped3A : memref<!tpu.dma_semaphore, #tpu.memory_space<semaphore_mem>>)
        %dma_wait3A_309 = arith.constant 0 : i32
        %dma_wait3A_310 = tpu.memref_slice %arg2[%min3A_44, %dma_wait3A_309] : memref<500000x2xf32, #tpu.memory_space<hbm>> -> memref<2048x2xf32, #tpu.memory_space<hbm>>
        %dma_wait3A_311 = arith.constant 0 : i32
        %dma_wait3A_312 = tpu.memref_slice %arg2[%min3A_44, %dma_wait3A_311] : memref<500000x2xf32, #tpu.memory_space<hbm>> -> memref<2048x2xf32, #tpu.memory_space<hbm>>
        tpu.wait_dma2 semaphore(%run_scoped3A : memref<!tpu.dma_semaphore, #tpu.memory_space<semaphore_mem>>) src(%dma_wait3A_312 : memref<2048x2xf32, #tpu.memory_space<hbm>>) dst(%arg7 : memref<2048x2xf32, #tpu.memory_space<vmem>>)
        tpu.yield
      }) : () -> ()
      %parallel_loop3A = arith.constant 0 : i32
      %parallel_loop3A_45 = arith.constant 128 : i32
      %parallel_loop3A_46 = arith.constant 1 : i32
      scf.for %parallel_loop3A_305 = %parallel_loop3A to %parallel_loop3A_45 step %parallel_loop3A_46  : i32 {
        %parallel_loop3A_306 = arith.constant 16 : i32
        %parallel_loop3A_307 = arith.muli %parallel_loop3A_305, %parallel_loop3A_306 : i32
        %parallel_loop3A_308 = vector.broadcast %parallel_loop3A_307 : i32 to vector<16xi32>
        %parallel_loop3A_309 = arith.addi %parallel_loop3A_308, %iota3A : vector<16xi32>
        %parallel_loop3A_310 = tpu.vector_load_idx %arg7[%parallel_loop3A_309, %broadcast_in_dim3A_1] : memref<2048x2xf32, #tpu.memory_space<vmem>>[vector<16xi32>, vector<16xi32>], vector<16xf32>,
        %parallel_loop3A_311 = tpu.vector_load_idx %arg7[%parallel_loop3A_309, %broadcast_in_dim3A_3] : memref<2048x2xf32, #tpu.memory_space<vmem>>[vector<16xi32>, vector<16xi32>], vector<16xf32>,
        %parallel_loop3A_312 = arith.constant 0 : i32
        %parallel_loop3A_313 = vector.broadcast %parallel_loop3A_312 : i32 to vector<16xi32>
        %parallel_loop3A_314 = arith.constant 0 : i32
        %parallel_loop3A_315 = vector.broadcast %parallel_loop3A_314 : i32 to vector<16xi32>
        %parallel_loop3A_316 = arith.constant 255 : i32
        %parallel_loop3A_317 = vector.broadcast %parallel_loop3A_316 : i32 to vector<16xi32>
        %parallel_loop3A_318 = arith.addi %parallel_loop3A_313, %parallel_loop3A_317 : vector<16xi32>
        %parallel_loop3A_319 = tpu.vector_load_idx %arg6[%parallel_loop3A_318, %broadcast_in_dim3A_1] : memref<512x2xf32, #tpu.memory_space<vmem>>[vector<16xi32>, vector<16xi32>], vector<16xf32>,
        %parallel_loop3A_320 = arith.cmpf olt, %parallel_loop3A_319, %parallel_loop3A_310 : vector<16xf32>
        %parallel_loop3A_321 = arith.constant 256 : i32
        %parallel_loop3A_322 = vector.broadcast %parallel_loop3A_321 : i32 to vector<16xi32>
        %parallel_loop3A_323 = arith.addi %parallel_loop3A_313, %parallel_loop3A_322 : vector<16xi32>
        %parallel_loop3A_324 = arith.select %parallel_loop3A_320, %parallel_loop3A_323, %parallel_loop3A_313 : vector<16xi1>, vector<16xi32>
        %parallel_loop3A_325 = arith.constant 255 : i32
        %parallel_loop3A_326 = vector.broadcast %parallel_loop3A_325 : i32 to vector<16xi32>
        %parallel_loop3A_327 = arith.addi %parallel_loop3A_315, %parallel_loop3A_326 : vector<16xi32>
        %parallel_loop3A_328 = tpu.vector_load_idx %arg6[%parallel_loop3A_327, %broadcast_in_dim3A_3] : memref<512x2xf32, #tpu.memory_space<vmem>>[vector<16xi32>, vector<16xi32>], vector<16xf32>,
        %parallel_loop3A_329 = arith.cmpf olt, %parallel_loop3A_328, %parallel_loop3A_311 : vector<16xf32>
        %parallel_loop3A_330 = arith.constant 256 : i32
        %parallel_loop3A_331 = vector.broadcast %parallel_loop3A_330 : i32 to vector<16xi32>
        %parallel_loop3A_332 = arith.addi %parallel_loop3A_315, %parallel_loop3A_331 : vector<16xi32>
        %parallel_loop3A_333 = arith.select %parallel_loop3A_329, %parallel_loop3A_332, %parallel_loop3A_315 : vector<16xi1>, vector<16xi32>
        %parallel_loop3A_334 = arith.constant 127 : i32
        %parallel_loop3A_335 = vector.broadcast %parallel_loop3A_334 : i32 to vector<16xi32>
        %parallel_loop3A_336 = arith.addi %parallel_loop3A_324, %parallel_loop3A_335 : vector<16xi32>
        %parallel_loop3A_337 = tpu.vector_load_idx %arg6[%parallel_loop3A_336, %broadcast_in_dim3A_1] : memref<512x2xf32, #tpu.memory_space<vmem>>[vector<16xi32>, vector<16xi32>], vector<16xf32>,
        %parallel_loop3A_338 = arith.cmpf olt, %parallel_loop3A_337, %parallel_loop3A_310 : vector<16xf32>
        %parallel_loop3A_339 = arith.constant 128 : i32
        %parallel_loop3A_340 = vector.broadcast %parallel_loop3A_339 : i32 to vector<16xi32>
        %parallel_loop3A_341 = arith.addi %parallel_loop3A_324, %parallel_loop3A_340 : vector<16xi32>
        %parallel_loop3A_342 = arith.select %parallel_loop3A_338, %parallel_loop3A_341, %parallel_loop3A_324 : vector<16xi1>, vector<16xi32>
        %parallel_loop3A_343 = arith.constant 127 : i32
        %parallel_loop3A_344 = vector.broadcast %parallel_loop3A_343 : i32 to vector<16xi32>
        %parallel_loop3A_345 = arith.addi %parallel_loop3A_333, %parallel_loop3A_344 : vector<16xi32>
        %parallel_loop3A_346 = tpu.vector_load_idx %arg6[%parallel_loop3A_345, %broadcast_in_dim3A_3] : memref<512x2xf32, #tpu.memory_space<vmem>>[vector<16xi32>, vector<16xi32>], vector<16xf32>,
        %parallel_loop3A_347 = arith.cmpf olt, %parallel_loop3A_346, %parallel_loop3A_311 : vector<16xf32>
        %parallel_loop3A_348 = arith.constant 128 : i32
        %parallel_loop3A_349 = vector.broadcast %parallel_loop3A_348 : i32 to vector<16xi32>
        %parallel_loop3A_350 = arith.addi %parallel_loop3A_333, %parallel_loop3A_349 : vector<16xi32>
        %parallel_loop3A_351 = arith.select %parallel_loop3A_347, %parallel_loop3A_350, %parallel_loop3A_333 : vector<16xi1>, vector<16xi32>
        %parallel_loop3A_352 = arith.constant 63 : i32
        %parallel_loop3A_353 = vector.broadcast %parallel_loop3A_352 : i32 to vector<16xi32>
        %parallel_loop3A_354 = arith.addi %parallel_loop3A_342, %parallel_loop3A_353 : vector<16xi32>
        %parallel_loop3A_355 = tpu.vector_load_idx %arg6[%parallel_loop3A_354, %broadcast_in_dim3A_1] : memref<512x2xf32, #tpu.memory_space<vmem>>[vector<16xi32>, vector<16xi32>], vector<16xf32>,
        %parallel_loop3A_356 = arith.cmpf olt, %parallel_loop3A_355, %parallel_loop3A_310 : vector<16xf32>
        %parallel_loop3A_357 = arith.constant 64 : i32
        %parallel_loop3A_358 = vector.broadcast %parallel_loop3A_357 : i32 to vector<16xi32>
        %parallel_loop3A_359 = arith.addi %parallel_loop3A_342, %parallel_loop3A_358 : vector<16xi32>
        %parallel_loop3A_360 = arith.select %parallel_loop3A_356, %parallel_loop3A_359, %parallel_loop3A_342 : vector<16xi1>, vector<16xi32>
        %parallel_loop3A_361 = arith.constant 63 : i32
        %parallel_loop3A_362 = vector.broadcast %parallel_loop3A_361 : i32 to vector<16xi32>
        %parallel_loop3A_363 = arith.addi %parallel_loop3A_351, %parallel_loop3A_362 : vector<16xi32>
        %parallel_loop3A_364 = tpu.vector_load_idx %arg6[%parallel_loop3A_363, %broadcast_in_dim3A_3] : memref<512x2xf32, #tpu.memory_space<vmem>>[vector<16xi32>, vector<16xi32>], vector<16xf32>,
        %parallel_loop3A_365 = arith.cmpf olt, %parallel_loop3A_364, %parallel_loop3A_311 : vector<16xf32>
        %parallel_loop3A_366 = arith.constant 64 : i32
        %parallel_loop3A_367 = vector.broadcast %parallel_loop3A_366 : i32 to vector<16xi32>
        %parallel_loop3A_368 = arith.addi %parallel_loop3A_351, %parallel_loop3A_367 : vector<16xi32>
        %parallel_loop3A_369 = arith.select %parallel_loop3A_365, %parallel_loop3A_368, %parallel_loop3A_351 : vector<16xi1>, vector<16xi32>
        %parallel_loop3A_370 = arith.constant 31 : i32
        %parallel_loop3A_371 = vector.broadcast %parallel_loop3A_370 : i32 to vector<16xi32>
        %parallel_loop3A_372 = arith.addi %parallel_loop3A_360, %parallel_loop3A_371 : vector<16xi32>
        %parallel_loop3A_373 = tpu.vector_load_idx %arg6[%parallel_loop3A_372, %broadcast_in_dim3A_1] : memref<512x2xf32, #tpu.memory_space<vmem>>[vector<16xi32>, vector<16xi32>], vector<16xf32>,
        %parallel_loop3A_374 = arith.cmpf olt, %parallel_loop3A_373, %parallel_loop3A_310 : vector<16xf32>
        %parallel_loop3A_375 = arith.constant 32 : i32
        %parallel_loop3A_376 = vector.broadcast %parallel_loop3A_375 : i32 to vector<16xi32>
        %parallel_loop3A_377 = arith.addi %parallel_loop3A_360, %parallel_loop3A_376 : vector<16xi32>
        %parallel_loop3A_378 = arith.select %parallel_loop3A_374, %parallel_loop3A_377, %parallel_loop3A_360 : vector<16xi1>, vector<16xi32>
        %parallel_loop3A_379 = arith.constant 31 : i32
        %parallel_loop3A_380 = vector.broadcast %parallel_loop3A_379 : i32 to vector<16xi32>
        %parallel_loop3A_381 = arith.addi %parallel_loop3A_369, %parallel_loop3A_380 : vector<16xi32>
        %parallel_loop3A_382 = tpu.vector_load_idx %arg6[%parallel_loop3A_381, %broadcast_in_dim3A_3] : memref<512x2xf32, #tpu.memory_space<vmem>>[vector<16xi32>, vector<16xi32>], vector<16xf32>,
        %parallel_loop3A_383 = arith.cmpf olt, %parallel_loop3A_382, %parallel_loop3A_311 : vector<16xf32>
        %parallel_loop3A_384 = arith.constant 32 : i32
        %parallel_loop3A_385 = vector.broadcast %parallel_loop3A_384 : i32 to vector<16xi32>
        %parallel_loop3A_386 = arith.addi %parallel_loop3A_369, %parallel_loop3A_385 : vector<16xi32>
        %parallel_loop3A_387 = arith.select %parallel_loop3A_383, %parallel_loop3A_386, %parallel_loop3A_369 : vector<16xi1>, vector<16xi32>
        %parallel_loop3A_388 = arith.constant 15 : i32
        %parallel_loop3A_389 = vector.broadcast %parallel_loop3A_388 : i32 to vector<16xi32>
        %parallel_loop3A_390 = arith.addi %parallel_loop3A_378, %parallel_loop3A_389 : vector<16xi32>
        %parallel_loop3A_391 = tpu.vector_load_idx %arg6[%parallel_loop3A_390, %broadcast_in_dim3A_1] : memref<512x2xf32, #tpu.memory_space<vmem>>[vector<16xi32>, vector<16xi32>], vector<16xf32>,
        %parallel_loop3A_392 = arith.cmpf olt, %parallel_loop3A_391, %parallel_loop3A_310 : vector<16xf32>
        %parallel_loop3A_393 = arith.constant 16 : i32
        %parallel_loop3A_394 = vector.broadcast %parallel_loop3A_393 : i32 to vector<16xi32>
        %parallel_loop3A_395 = arith.addi %parallel_loop3A_378, %parallel_loop3A_394 : vector<16xi32>
        %parallel_loop3A_396 = arith.select %parallel_loop3A_392, %parallel_loop3A_395, %parallel_loop3A_378 : vector<16xi1>, vector<16xi32>
        %parallel_loop3A_397 = arith.constant 15 : i32
        %parallel_loop3A_398 = vector.broadcast %parallel_loop3A_397 : i32 to vector<16xi32>
        %parallel_loop3A_399 = arith.addi %parallel_loop3A_387, %parallel_loop3A_398 : vector<16xi32>
        %parallel_loop3A_400 = tpu.vector_load_idx %arg6[%parallel_loop3A_399, %broadcast_in_dim3A_3] : memref<512x2xf32, #tpu.memory_space<vmem>>[vector<16xi32>, vector<16xi32>], vector<16xf32>,
        %parallel_loop3A_401 = arith.cmpf olt, %parallel_loop3A_400, %parallel_loop3A_311 : vector<16xf32>
        %parallel_loop3A_402 = arith.constant 16 : i32
        %parallel_loop3A_403 = vector.broadcast %parallel_loop3A_402 : i32 to vector<16xi32>
        %parallel_loop3A_404 = arith.addi %parallel_loop3A_387, %parallel_loop3A_403 : vector<16xi32>
        %parallel_loop3A_405 = arith.select %parallel_loop3A_401, %parallel_loop3A_404, %parallel_loop3A_387 : vector<16xi1>, vector<16xi32>
        %parallel_loop3A_406 = arith.constant 7 : i32
        %parallel_loop3A_407 = vector.broadcast %parallel_loop3A_406 : i32 to vector<16xi32>
        %parallel_loop3A_408 = arith.addi %parallel_loop3A_396, %parallel_loop3A_407 : vector<16xi32>
        %parallel_loop3A_409 = tpu.vector_load_idx %arg6[%parallel_loop3A_408, %broadcast_in_dim3A_1] : memref<512x2xf32, #tpu.memory_space<vmem>>[vector<16xi32>, vector<16xi32>], vector<16xf32>,
        %parallel_loop3A_410 = arith.cmpf olt, %parallel_loop3A_409, %parallel_loop3A_310 : vector<16xf32>
        %parallel_loop3A_411 = arith.constant 8 : i32
        %parallel_loop3A_412 = vector.broadcast %parallel_loop3A_411 : i32 to vector<16xi32>
        %parallel_loop3A_413 = arith.addi %parallel_loop3A_396, %parallel_loop3A_412 : vector<16xi32>
        %parallel_loop3A_414 = arith.select %parallel_loop3A_410, %parallel_loop3A_413, %parallel_loop3A_396 : vector<16xi1>, vector<16xi32>
        %parallel_loop3A_415 = arith.constant 7 : i32
        %parallel_loop3A_416 = vector.broadcast %parallel_loop3A_415 : i32 to vector<16xi32>
        %parallel_loop3A_417 = arith.addi %parallel_loop3A_405, %parallel_loop3A_416 : vector<16xi32>
        %parallel_loop3A_418 = tpu.vector_load_idx %arg6[%parallel_loop3A_417, %broadcast_in_dim3A_3] : memref<512x2xf32, #tpu.memory_space<vmem>>[vector<16xi32>, vector<16xi32>], vector<16xf32>,
        %parallel_loop3A_419 = arith.cmpf olt, %parallel_loop3A_418, %parallel_loop3A_311 : vector<16xf32>
        %parallel_loop3A_420 = arith.constant 8 : i32
        %parallel_loop3A_421 = vector.broadcast %parallel_loop3A_420 : i32 to vector<16xi32>
        %parallel_loop3A_422 = arith.addi %parallel_loop3A_405, %parallel_loop3A_421 : vector<16xi32>
        %parallel_loop3A_423 = arith.select %parallel_loop3A_419, %parallel_loop3A_422, %parallel_loop3A_405 : vector<16xi1>, vector<16xi32>
        %parallel_loop3A_424 = arith.constant 3 : i32
        %parallel_loop3A_425 = vector.broadcast %parallel_loop3A_424 : i32 to vector<16xi32>
        %parallel_loop3A_426 = arith.addi %parallel_loop3A_414, %parallel_loop3A_425 : vector<16xi32>
        %parallel_loop3A_427 = tpu.vector_load_idx %arg6[%parallel_loop3A_426, %broadcast_in_dim3A_1] : memref<512x2xf32, #tpu.memory_space<vmem>>[vector<16xi32>, vector<16xi32>], vector<16xf32>,
        %parallel_loop3A_428 = arith.cmpf olt, %parallel_loop3A_427, %parallel_loop3A_310 : vector<16xf32>
        %parallel_loop3A_429 = arith.constant 4 : i32
        %parallel_loop3A_430 = vector.broadcast %parallel_loop3A_429 : i32 to vector<16xi32>
        %parallel_loop3A_431 = arith.addi %parallel_loop3A_414, %parallel_loop3A_430 : vector<16xi32>
        %parallel_loop3A_432 = arith.select %parallel_loop3A_428, %parallel_loop3A_431, %parallel_loop3A_414 : vector<16xi1>, vector<16xi32>
        %parallel_loop3A_433 = arith.constant 3 : i32
        %parallel_loop3A_434 = vector.broadcast %parallel_loop3A_433 : i32 to vector<16xi32>
        %parallel_loop3A_435 = arith.addi %parallel_loop3A_423, %parallel_loop3A_434 : vector<16xi32>
        %parallel_loop3A_436 = tpu.vector_load_idx %arg6[%parallel_loop3A_435, %broadcast_in_dim3A_3] : memref<512x2xf32, #tpu.memory_space<vmem>>[vector<16xi32>, vector<16xi32>], vector<16xf32>,
        %parallel_loop3A_437 = arith.cmpf olt, %parallel_loop3A_436, %parallel_loop3A_311 : vector<16xf32>
        %parallel_loop3A_438 = arith.constant 4 : i32
        %parallel_loop3A_439 = vector.broadcast %parallel_loop3A_438 : i32 to vector<16xi32>
        %parallel_loop3A_440 = arith.addi %parallel_loop3A_423, %parallel_loop3A_439 : vector<16xi32>
        %parallel_loop3A_441 = arith.select %parallel_loop3A_437, %parallel_loop3A_440, %parallel_loop3A_423 : vector<16xi1>, vector<16xi32>
        %parallel_loop3A_442 = arith.constant 1 : i32
        %parallel_loop3A_443 = vector.broadcast %parallel_loop3A_442 : i32 to vector<16xi32>
        %parallel_loop3A_444 = arith.addi %parallel_loop3A_432, %parallel_loop3A_443 : vector<16xi32>
        %parallel_loop3A_445 = tpu.vector_load_idx %arg6[%parallel_loop3A_444, %broadcast_in_dim3A_1] : memref<512x2xf32, #tpu.memory_space<vmem>>[vector<16xi32>, vector<16xi32>], vector<16xf32>,
        %parallel_loop3A_446 = arith.cmpf olt, %parallel_loop3A_445, %parallel_loop3A_310 : vector<16xf32>
        %parallel_loop3A_447 = arith.constant 2 : i32
        %parallel_loop3A_448 = vector.broadcast %parallel_loop3A_447 : i32 to vector<16xi32>
        %parallel_loop3A_449 = arith.addi %parallel_loop3A_432, %parallel_loop3A_448 : vector<16xi32>
        %parallel_loop3A_450 = arith.select %parallel_loop3A_446, %parallel_loop3A_449, %parallel_loop3A_432 : vector<16xi1>, vector<16xi32>
        %parallel_loop3A_451 = arith.constant 1 : i32
        %parallel_loop3A_452 = vector.broadcast %parallel_loop3A_451 : i32 to vector<16xi32>
        %parallel_loop3A_453 = arith.addi %parallel_loop3A_441, %parallel_loop3A_452 : vector<16xi32>
        %parallel_loop3A_454 = tpu.vector_load_idx %arg6[%parallel_loop3A_453, %broadcast_in_dim3A_3] : memref<512x2xf32, #tpu.memory_space<vmem>>[vector<16xi32>, vector<16xi32>], vector<16xf32>,
        %parallel_loop3A_455 = arith.cmpf olt, %parallel_loop3A_454, %parallel_loop3A_311 : vector<16xf32>
        %parallel_loop3A_456 = arith.constant 2 : i32
        %parallel_loop3A_457 = vector.broadcast %parallel_loop3A_456 : i32 to vector<16xi32>
        %parallel_loop3A_458 = arith.addi %parallel_loop3A_441, %parallel_loop3A_457 : vector<16xi32>
        %parallel_loop3A_459 = arith.select %parallel_loop3A_455, %parallel_loop3A_458, %parallel_loop3A_441 : vector<16xi1>, vector<16xi32>
        %parallel_loop3A_460 = arith.constant 0 : i32
        %parallel_loop3A_461 = vector.broadcast %parallel_loop3A_460 : i32 to vector<16xi32>
        %parallel_loop3A_462 = arith.addi %parallel_loop3A_450, %parallel_loop3A_461 : vector<16xi32>
        %parallel_loop3A_463 = tpu.vector_load_idx %arg6[%parallel_loop3A_462, %broadcast_in_dim3A_1] : memref<512x2xf32, #tpu.memory_space<vmem>>[vector<16xi32>, vector<16xi32>], vector<16xf32>,
        %parallel_loop3A_464 = arith.cmpf olt, %parallel_loop3A_463, %parallel_loop3A_310 : vector<16xf32>
        %parallel_loop3A_465 = arith.constant 1 : i32
        %parallel_loop3A_466 = vector.broadcast %parallel_loop3A_465 : i32 to vector<16xi32>
        %parallel_loop3A_467 = arith.addi %parallel_loop3A_450, %parallel_loop3A_466 : vector<16xi32>
        %parallel_loop3A_468 = arith.select %parallel_loop3A_464, %parallel_loop3A_467, %parallel_loop3A_450 : vector<16xi1>, vector<16xi32>
        %parallel_loop3A_469 = arith.constant 0 : i32
        %parallel_loop3A_470 = vector.broadcast %parallel_loop3A_469 : i32 to vector<16xi32>
        %parallel_loop3A_471 = arith.addi %parallel_loop3A_459, %parallel_loop3A_470 : vector<16xi32>
        %parallel_loop3A_472 = tpu.vector_load_idx %arg6[%parallel_loop3A_471, %broadcast_in_dim3A_3] : memref<512x2xf32, #tpu.memory_space<vmem>>[vector<16xi32>, vector<16xi32>], vector<16xf32>,
        %parallel_loop3A_473 = arith.cmpf olt, %parallel_loop3A_472, %parallel_loop3A_311 : vector<16xf32>
        %parallel_loop3A_474 = arith.constant 1 : i32
        %parallel_loop3A_475 = vector.broadcast %parallel_loop3A_474 : i32 to vector<16xi32>
        %parallel_loop3A_476 = arith.addi %parallel_loop3A_459, %parallel_loop3A_475 : vector<16xi32>
        %parallel_loop3A_477 = arith.select %parallel_loop3A_473, %parallel_loop3A_476, %parallel_loop3A_459 : vector<16xi1>, vector<16xi32>
        %parallel_loop3A_478 = arith.constant 1 : i32
        %parallel_loop3A_479 = vector.broadcast %parallel_loop3A_478 : i32 to vector<16xi32>
        %parallel_loop3A_480 = arith.subi %parallel_loop3A_468, %parallel_loop3A_479 : vector<16xi32>
        %parallel_loop3A_481 = arith.constant 0 : i32
        %parallel_loop3A_482 = arith.constant 510 : i32
        %parallel_loop3A_483 = vector.broadcast %parallel_loop3A_481 : i32 to vector<16xi32>
        %parallel_loop3A_484 = arith.maxsi %parallel_loop3A_483, %parallel_loop3A_480 : vector<16xi32>
        %parallel_loop3A_485 = vector.broadcast %parallel_loop3A_482 : i32 to vector<16xi32>
        %parallel_loop3A_486 = arith.minsi %parallel_loop3A_485, %parallel_loop3A_484 : vector<16xi32>
        %parallel_loop3A_487 = arith.constant 1 : i32
        %parallel_loop3A_488 = vector.broadcast %parallel_loop3A_487 : i32 to vector<16xi32>
        %parallel_loop3A_489 = arith.subi %parallel_loop3A_477, %parallel_loop3A_488 : vector<16xi32>
        %parallel_loop3A_490 = arith.constant 0 : i32
        %parallel_loop3A_491 = arith.constant 510 : i32
        %parallel_loop3A_492 = vector.broadcast %parallel_loop3A_490 : i32 to vector<16xi32>
        %parallel_loop3A_493 = arith.maxsi %parallel_loop3A_492, %parallel_loop3A_489 : vector<16xi32>
        %parallel_loop3A_494 = vector.broadcast %parallel_loop3A_491 : i32 to vector<16xi32>
        %parallel_loop3A_495 = arith.minsi %parallel_loop3A_494, %parallel_loop3A_493 : vector<16xi32>
        %parallel_loop3A_496 = tpu.vector_load_idx %arg6[%parallel_loop3A_486, %broadcast_in_dim3A_1] : memref<512x2xf32, #tpu.memory_space<vmem>>[vector<16xi32>, vector<16xi32>], vector<16xf32>,
        %parallel_loop3A_497 = arith.subf %parallel_loop3A_310, %parallel_loop3A_496 : vector<16xf32>
        %parallel_loop3A_498 = tpu.vector_load_idx %arg6[%parallel_loop3A_495, %broadcast_in_dim3A_3] : memref<512x2xf32, #tpu.memory_space<vmem>>[vector<16xi32>, vector<16xi32>], vector<16xf32>,
        %parallel_loop3A_499 = arith.subf %parallel_loop3A_311, %parallel_loop3A_498 : vector<16xf32>
        %parallel_loop3A_500 = arith.constant 16 : i32
        %parallel_loop3A_501 = arith.muli %parallel_loop3A_305, %parallel_loop3A_500 : i32
        %parallel_loop3A_502 = arith.index_cast %parallel_loop3A_501 : i32 to index
        %parallel_loop3A_503 = tpu.vector_load %arg8[%parallel_loop3A_502] {strides = array<i32>} : memref<2048xf32, #tpu.memory_space<vmem>>, vector<16xf32>,
        tpu.vector_store %arg8[%parallel_loop3A_502], %parallel_loop3A_497 {strides = array<i32>} : memref<2048xf32, #tpu.memory_space<vmem>>, vector<16xf32>,
        %parallel_loop3A_504 = arith.constant 16 : i32
        %parallel_loop3A_505 = arith.muli %parallel_loop3A_305, %parallel_loop3A_504 : i32
        %parallel_loop3A_506 = arith.index_cast %parallel_loop3A_505 : i32 to index
        %parallel_loop3A_507 = tpu.vector_load %arg9[%parallel_loop3A_506] {strides = array<i32>} : memref<2048xf32, #tpu.memory_space<vmem>>, vector<16xf32>,
        tpu.vector_store %arg9[%parallel_loop3A_506], %parallel_loop3A_499 {strides = array<i32>} : memref<2048xf32, #tpu.memory_space<vmem>>, vector<16xf32>,
        %parallel_loop3A_508 = arith.constant 511 : i32
        %parallel_loop3A_509 = vector.broadcast %parallel_loop3A_508 : i32 to vector<16xi32>
        %parallel_loop3A_510 = arith.muli %parallel_loop3A_486, %parallel_loop3A_509 : vector<16xi32>
        %parallel_loop3A_511 = arith.addi %parallel_loop3A_510, %parallel_loop3A_495 : vector<16xi32>
        %parallel_loop3A_512 = arith.constant 16 : i32
        %parallel_loop3A_513 = arith.muli %parallel_loop3A_305, %parallel_loop3A_512 : i32
        %parallel_loop3A_514 = arith.index_cast %parallel_loop3A_513 : i32 to index
        %parallel_loop3A_515 = tpu.vector_load %arg10[%parallel_loop3A_514] {strides = array<i32>} : memref<2048xi32, #tpu.memory_space<vmem>>, vector<16xi32>,
        tpu.vector_store %arg10[%parallel_loop3A_514], %parallel_loop3A_511 {strides = array<i32>} : memref<2048xi32, #tpu.memory_space<vmem>>, vector<16xi32>,
      } {sc.loop_unroll_factor = 4 : i64, sc.parallel_access}
      %dma_start3A = arith.constant 0 : i32
      %dma_start3A_47 = arith.constant 0 : i32
      %dma_start3A_48 = tpu.memref_slice %arg11[%dma_start3A, %dma_start3A_47] : memref<2048x48xf32, #tpu.memory_space<vmem>> -> memref<128x48xf32, #tpu.memory_space<vmem>>
      %dma_start3A_49 = arith.constant 0 : i32
      %dma_start3A_50 = tpu.memref_slice %arg10[%dma_start3A_49] : memref<2048xi32, #tpu.memory_space<vmem>> -> memref<128xi32, #tpu.memory_space<vmem>>
      %dma_start3A_51 = arith.constant 0 : i32
      %dma_start3A_52 = arith.constant 0 : i32
      %dma_start3A_53 = tpu.memref_slice %arg4[%dma_start3A_51, %dma_start3A_52] : memref<261121x48xf32, #tpu.memory_space<hbm>> -> memref<261121x48xf32, #tpu.memory_space<hbm>>
      tpu.enqueue_indirect_dma source(%dma_start3A_53 : memref<261121x48xf32, #tpu.memory_space<hbm>>) target(%dma_start3A_48 : memref<128x48xf32, #tpu.memory_space<vmem>>) offsets(%dma_start3A_50 : memref<128xi32, #tpu.memory_space<vmem>>) semaphore(%arg13 : memref<!tpu.dma_semaphore, #tpu.memory_space<semaphore_mem>>)
      %dma_start3A_54 = arith.constant 128 : i32
      %dma_start3A_55 = arith.constant 0 : i32
      %dma_start3A_56 = tpu.memref_slice %arg11[%dma_start3A_54, %dma_start3A_55] : memref<2048x48xf32, #tpu.memory_space<vmem>> -> memref<128x48xf32, #tpu.memory_space<vmem>>
      %dma_start3A_57 = arith.constant 128 : i32
      %dma_start3A_58 = tpu.memref_slice %arg10[%dma_start3A_57] : memref<2048xi32, #tpu.memory_space<vmem>> -> memref<128xi32, #tpu.memory_space<vmem>>
      %dma_start3A_59 = arith.constant 0 : i32
      %dma_start3A_60 = arith.constant 0 : i32
      %dma_start3A_61 = tpu.memref_slice %arg4[%dma_start3A_59, %dma_start3A_60] : memref<261121x48xf32, #tpu.memory_space<hbm>> -> memref<261121x48xf32, #tpu.memory_space<hbm>>
      tpu.enqueue_indirect_dma source(%dma_start3A_61 : memref<261121x48xf32, #tpu.memory_space<hbm>>) target(%dma_start3A_56 : memref<128x48xf32, #tpu.memory_space<vmem>>) offsets(%dma_start3A_58 : memref<128xi32, #tpu.memory_space<vmem>>) semaphore(%arg13 : memref<!tpu.dma_semaphore, #tpu.memory_space<semaphore_mem>>)
      %dma_start3A_62 = arith.constant 256 : i32
      %dma_start3A_63 = arith.constant 0 : i32
      %dma_start3A_64 = tpu.memref_slice %arg11[%dma_start3A_62, %dma_start3A_63] : memref<2048x48xf32, #tpu.memory_space<vmem>> -> memref<128x48xf32, #tpu.memory_space<vmem>>
      %dma_start3A_65 = arith.constant 256 : i32
      %dma_start3A_66 = tpu.memref_slice %arg10[%dma_start3A_65] : memref<2048xi32, #tpu.memory_space<vmem>> -> memref<128xi32, #tpu.memory_space<vmem>>
      %dma_start3A_67 = arith.constant 0 : i32
      %dma_start3A_68 = arith.constant 0 : i32
      %dma_start3A_69 = tpu.memref_slice %arg4[%dma_start3A_67, %dma_start3A_68] : memref<261121x48xf32, #tpu.memory_space<hbm>> -> memref<261121x48xf32, #tpu.memory_space<hbm>>
      tpu.enqueue_indirect_dma source(%dma_start3A_69 : memref<261121x48xf32, #tpu.memory_space<hbm>>) target(%dma_start3A_64 : memref<128x48xf32, #tpu.memory_space<vmem>>) offsets(%dma_start3A_66 : memref<128xi32, #tpu.memory_space<vmem>>) semaphore(%arg13 : memref<!tpu.dma_semaphore, #tpu.memory_space<semaphore_mem>>)
      %dma_start3A_70 = arith.constant 384 : i32
      %dma_start3A_71 = arith.constant 0 : i32
      %dma_start3A_72 = tpu.memref_slice %arg11[%dma_start3A_70, %dma_start3A_71] : memref<2048x48xf32, #tpu.memory_space<vmem>> -> memref<128x48xf32, #tpu.memory_space<vmem>>
      %dma_start3A_73 = arith.constant 384 : i32
      %dma_start3A_74 = tpu.memref_slice %arg10[%dma_start3A_73] : memref<2048xi32, #tpu.memory_space<vmem>> -> memref<128xi32, #tpu.memory_space<vmem>>
      %dma_start3A_75 = arith.constant 0 : i32
      %dma_start3A_76 = arith.constant 0 : i32
      %dma_start3A_77 = tpu.memref_slice %arg4[%dma_start3A_75, %dma_start3A_76] : memref<261121x48xf32, #tpu.memory_space<hbm>> -> memref<261121x48xf32, #tpu.memory_space<hbm>>
      tpu.enqueue_indirect_dma source(%dma_start3A_77 : memref<261121x48xf32, #tpu.memory_space<hbm>>) target(%dma_start3A_72 : memref<128x48xf32, #tpu.memory_space<vmem>>) offsets(%dma_start3A_74 : memref<128xi32, #tpu.memory_space<vmem>>) semaphore(%arg13 : memref<!tpu.dma_semaphore, #tpu.memory_space<semaphore_mem>>)
      %dma_start3A_78 = arith.constant 512 : i32
      %dma_start3A_79 = arith.constant 0 : i32
      %dma_start3A_80 = tpu.memref_slice %arg11[%dma_start3A_78, %dma_start3A_79] : memref<2048x48xf32, #tpu.memory_space<vmem>> -> memref<128x48xf32, #tpu.memory_space<vmem>>
      %dma_start3A_81 = arith.constant 512 : i32
      %dma_start3A_82 = tpu.memref_slice %arg10[%dma_start3A_81] : memref<2048xi32, #tpu.memory_space<vmem>> -> memref<128xi32, #tpu.memory_space<vmem>>
      %dma_start3A_83 = arith.constant 0 : i32
      %dma_start3A_84 = arith.constant 0 : i32
      %dma_start3A_85 = tpu.memref_slice %arg4[%dma_start3A_83, %dma_start3A_84] : memref<261121x48xf32, #tpu.memory_space<hbm>> -> memref<261121x48xf32, #tpu.memory_space<hbm>>
      tpu.enqueue_indirect_dma source(%dma_start3A_85 : memref<261121x48xf32, #tpu.memory_space<hbm>>) target(%dma_start3A_80 : memref<128x48xf32, #tpu.memory_space<vmem>>) offsets(%dma_start3A_82 : memref<128xi32, #tpu.memory_space<vmem>>) semaphore(%arg13 : memref<!tpu.dma_semaphore, #tpu.memory_space<semaphore_mem>>)
      %dma_start3A_86 = arith.constant 640 : i32
      %dma_start3A_87 = arith.constant 0 : i32
      %dma_start3A_88 = tpu.memref_slice %arg11[%dma_start3A_86, %dma_start3A_87] : memref<2048x48xf32, #tpu.memory_space<vmem>> -> memref<128x48xf32, #tpu.memory_space<vmem>>
      %dma_start3A_89 = arith.constant 640 : i32
      %dma_start3A_90 = tpu.memref_slice %arg10[%dma_start3A_89] : memref<2048xi32, #tpu.memory_space<vmem>> -> memref<128xi32, #tpu.memory_space<vmem>>
      %dma_start3A_91 = arith.constant 0 : i32
      %dma_start3A_92 = arith.constant 0 : i32
      %dma_start3A_93 = tpu.memref_slice %arg4[%dma_start3A_91, %dma_start3A_92] : memref<261121x48xf32, #tpu.memory_space<hbm>> -> memref<261121x48xf32, #tpu.memory_space<hbm>>
      tpu.enqueue_indirect_dma source(%dma_start3A_93 : memref<261121x48xf32, #tpu.memory_space<hbm>>) target(%dma_start3A_88 : memref<128x48xf32, #tpu.memory_space<vmem>>) offsets(%dma_start3A_90 : memref<128xi32, #tpu.memory_space<vmem>>) semaphore(%arg13 : memref<!tpu.dma_semaphore, #tpu.memory_space<semaphore_mem>>)
      %dma_start3A_94 = arith.constant 768 : i32
      %dma_start3A_95 = arith.constant 0 : i32
      %dma_start3A_96 = tpu.memref_slice %arg11[%dma_start3A_94, %dma_start3A_95] : memref<2048x48xf32, #tpu.memory_space<vmem>> -> memref<128x48xf32, #tpu.memory_space<vmem>>
      %dma_start3A_97 = arith.constant 768 : i32
      %dma_start3A_98 = tpu.memref_slice %arg10[%dma_start3A_97] : memref<2048xi32, #tpu.memory_space<vmem>> -> memref<128xi32, #tpu.memory_space<vmem>>
      %dma_start3A_99 = arith.constant 0 : i32
      %dma_start3A_100 = arith.constant 0 : i32
      %dma_start3A_101 = tpu.memref_slice %arg4[%dma_start3A_99, %dma_start3A_100] : memref<261121x48xf32, #tpu.memory_space<hbm>> -> memref<261121x48xf32, #tpu.memory_space<hbm>>
      tpu.enqueue_indirect_dma source(%dma_start3A_101 : memref<261121x48xf32, #tpu.memory_space<hbm>>) target(%dma_start3A_96 : memref<128x48xf32, #tpu.memory_space<vmem>>) offsets(%dma_start3A_98 : memref<128xi32, #tpu.memory_space<vmem>>) semaphore(%arg13 : memref<!tpu.dma_semaphore, #tpu.memory_space<semaphore_mem>>)
      %dma_start3A_102 = arith.constant 896 : i32
      %dma_start3A_103 = arith.constant 0 : i32
      %dma_start3A_104 = tpu.memref_slice %arg11[%dma_start3A_102, %dma_start3A_103] : memref<2048x48xf32, #tpu.memory_space<vmem>> -> memref<128x48xf32, #tpu.memory_space<vmem>>
      %dma_start3A_105 = arith.constant 896 : i32
      %dma_start3A_106 = tpu.memref_slice %arg10[%dma_start3A_105] : memref<2048xi32, #tpu.memory_space<vmem>> -> memref<128xi32, #tpu.memory_space<vmem>>
      %dma_start3A_107 = arith.constant 0 : i32
      %dma_start3A_108 = arith.constant 0 : i32
      %dma_start3A_109 = tpu.memref_slice %arg4[%dma_start3A_107, %dma_start3A_108] : memref<261121x48xf32, #tpu.memory_space<hbm>> -> memref<261121x48xf32, #tpu.memory_space<hbm>>
      tpu.enqueue_indirect_dma source(%dma_start3A_109 : memref<261121x48xf32, #tpu.memory_space<hbm>>) target(%dma_start3A_104 : memref<128x48xf32, #tpu.memory_space<vmem>>) offsets(%dma_start3A_106 : memref<128xi32, #tpu.memory_space<vmem>>) semaphore(%arg13 : memref<!tpu.dma_semaphore, #tpu.memory_space<semaphore_mem>>)
      %dma_start3A_110 = arith.constant 1024 : i32
      %dma_start3A_111 = arith.constant 0 : i32
      %dma_start3A_112 = tpu.memref_slice %arg11[%dma_start3A_110, %dma_start3A_111] : memref<2048x48xf32, #tpu.memory_space<vmem>> -> memref<128x48xf32, #tpu.memory_space<vmem>>
      %dma_start3A_113 = arith.constant 1024 : i32
      %dma_start3A_114 = tpu.memref_slice %arg10[%dma_start3A_113] : memref<2048xi32, #tpu.memory_space<vmem>> -> memref<128xi32, #tpu.memory_space<vmem>>
      %dma_start3A_115 = arith.constant 0 : i32
      %dma_start3A_116 = arith.constant 0 : i32
      %dma_start3A_117 = tpu.memref_slice %arg4[%dma_start3A_115, %dma_start3A_116] : memref<261121x48xf32, #tpu.memory_space<hbm>> -> memref<261121x48xf32, #tpu.memory_space<hbm>>
      tpu.enqueue_indirect_dma source(%dma_start3A_117 : memref<261121x48xf32, #tpu.memory_space<hbm>>) target(%dma_start3A_112 : memref<128x48xf32, #tpu.memory_space<vmem>>) offsets(%dma_start3A_114 : memref<128xi32, #tpu.memory_space<vmem>>) semaphore(%arg13 : memref<!tpu.dma_semaphore, #tpu.memory_space<semaphore_mem>>)
      %dma_start3A_118 = arith.constant 1152 : i32
      %dma_start3A_119 = arith.constant 0 : i32
      %dma_start3A_120 = tpu.memref_slice %arg11[%dma_start3A_118, %dma_start3A_119] : memref<2048x48xf32, #tpu.memory_space<vmem>> -> memref<128x48xf32, #tpu.memory_space<vmem>>
      %dma_start3A_121 = arith.constant 1152 : i32
      %dma_start3A_122 = tpu.memref_slice %arg10[%dma_start3A_121] : memref<2048xi32, #tpu.memory_space<vmem>> -> memref<128xi32, #tpu.memory_space<vmem>>
      %dma_start3A_123 = arith.constant 0 : i32
      %dma_start3A_124 = arith.constant 0 : i32
      %dma_start3A_125 = tpu.memref_slice %arg4[%dma_start3A_123, %dma_start3A_124] : memref<261121x48xf32, #tpu.memory_space<hbm>> -> memref<261121x48xf32, #tpu.memory_space<hbm>>
      tpu.enqueue_indirect_dma source(%dma_start3A_125 : memref<261121x48xf32, #tpu.memory_space<hbm>>) target(%dma_start3A_120 : memref<128x48xf32, #tpu.memory_space<vmem>>) offsets(%dma_start3A_122 : memref<128xi32, #tpu.memory_space<vmem>>) semaphore(%arg13 : memref<!tpu.dma_semaphore, #tpu.memory_space<semaphore_mem>>)
      %dma_start3A_126 = arith.constant 1280 : i32
      %dma_start3A_127 = arith.constant 0 : i32
      %dma_start3A_128 = tpu.memref_slice %arg11[%dma_start3A_126, %dma_start3A_127] : memref<2048x48xf32, #tpu.memory_space<vmem>> -> memref<128x48xf32, #tpu.memory_space<vmem>>
      %dma_start3A_129 = arith.constant 1280 : i32
      %dma_start3A_130 = tpu.memref_slice %arg10[%dma_start3A_129] : memref<2048xi32, #tpu.memory_space<vmem>> -> memref<128xi32, #tpu.memory_space<vmem>>
      %dma_start3A_131 = arith.constant 0 : i32
      %dma_start3A_132 = arith.constant 0 : i32
      %dma_start3A_133 = tpu.memref_slice %arg4[%dma_start3A_131, %dma_start3A_132] : memref<261121x48xf32, #tpu.memory_space<hbm>> -> memref<261121x48xf32, #tpu.memory_space<hbm>>
      tpu.enqueue_indirect_dma source(%dma_start3A_133 : memref<261121x48xf32, #tpu.memory_space<hbm>>) target(%dma_start3A_128 : memref<128x48xf32, #tpu.memory_space<vmem>>) offsets(%dma_start3A_130 : memref<128xi32, #tpu.memory_space<vmem>>) semaphore(%arg13 : memref<!tpu.dma_semaphore, #tpu.memory_space<semaphore_mem>>)
      %dma_start3A_134 = arith.constant 1408 : i32
      %dma_start3A_135 = arith.constant 0 : i32
      %dma_start3A_136 = tpu.memref_slice %arg11[%dma_start3A_134, %dma_start3A_135] : memref<2048x48xf32, #tpu.memory_space<vmem>> -> memref<128x48xf32, #tpu.memory_space<vmem>>
      %dma_start3A_137 = arith.constant 1408 : i32
      %dma_start3A_138 = tpu.memref_slice %arg10[%dma_start3A_137] : memref<2048xi32, #tpu.memory_space<vmem>> -> memref<128xi32, #tpu.memory_space<vmem>>
      %dma_start3A_139 = arith.constant 0 : i32
      %dma_start3A_140 = arith.constant 0 : i32
      %dma_start3A_141 = tpu.memref_slice %arg4[%dma_start3A_139, %dma_start3A_140] : memref<261121x48xf32, #tpu.memory_space<hbm>> -> memref<261121x48xf32, #tpu.memory_space<hbm>>
      tpu.enqueue_indirect_dma source(%dma_start3A_141 : memref<261121x48xf32, #tpu.memory_space<hbm>>) target(%dma_start3A_136 : memref<128x48xf32, #tpu.memory_space<vmem>>) offsets(%dma_start3A_138 : memref<128xi32, #tpu.memory_space<vmem>>) semaphore(%arg13 : memref<!tpu.dma_semaphore, #tpu.memory_space<semaphore_mem>>)
      %dma_start3A_142 = arith.constant 1536 : i32
      %dma_start3A_143 = arith.constant 0 : i32
      %dma_start3A_144 = tpu.memref_slice %arg11[%dma_start3A_142, %dma_start3A_143] : memref<2048x48xf32, #tpu.memory_space<vmem>> -> memref<128x48xf32, #tpu.memory_space<vmem>>
      %dma_start3A_145 = arith.constant 1536 : i32
      %dma_start3A_146 = tpu.memref_slice %arg10[%dma_start3A_145] : memref<2048xi32, #tpu.memory_space<vmem>> -> memref<128xi32, #tpu.memory_space<vmem>>
      %dma_start3A_147 = arith.constant 0 : i32
      %dma_start3A_148 = arith.constant 0 : i32
      %dma_start3A_149 = tpu.memref_slice %arg4[%dma_start3A_147, %dma_start3A_148] : memref<261121x48xf32, #tpu.memory_space<hbm>> -> memref<261121x48xf32, #tpu.memory_space<hbm>>
      tpu.enqueue_indirect_dma source(%dma_start3A_149 : memref<261121x48xf32, #tpu.memory_space<hbm>>) target(%dma_start3A_144 : memref<128x48xf32, #tpu.memory_space<vmem>>) offsets(%dma_start3A_146 : memref<128xi32, #tpu.memory_space<vmem>>) semaphore(%arg13 : memref<!tpu.dma_semaphore, #tpu.memory_space<semaphore_mem>>)
      %dma_start3A_150 = arith.constant 1664 : i32
      %dma_start3A_151 = arith.constant 0 : i32
      %dma_start3A_152 = tpu.memref_slice %arg11[%dma_start3A_150, %dma_start3A_151] : memref<2048x48xf32, #tpu.memory_space<vmem>> -> memref<128x48xf32, #tpu.memory_space<vmem>>
      %dma_start3A_153 = arith.constant 1664 : i32
      %dma_start3A_154 = tpu.memref_slice %arg10[%dma_start3A_153] : memref<2048xi32, #tpu.memory_space<vmem>> -> memref<128xi32, #tpu.memory_space<vmem>>
      %dma_start3A_155 = arith.constant 0 : i32
      %dma_start3A_156 = arith.constant 0 : i32
      %dma_start3A_157 = tpu.memref_slice %arg4[%dma_start3A_155, %dma_start3A_156] : memref<261121x48xf32, #tpu.memory_space<hbm>> -> memref<261121x48xf32, #tpu.memory_space<hbm>>
      tpu.enqueue_indirect_dma source(%dma_start3A_157 : memref<261121x48xf32, #tpu.memory_space<hbm>>) target(%dma_start3A_152 : memref<128x48xf32, #tpu.memory_space<vmem>>) offsets(%dma_start3A_154 : memref<128xi32, #tpu.memory_space<vmem>>) semaphore(%arg13 : memref<!tpu.dma_semaphore, #tpu.memory_space<semaphore_mem>>)
      %dma_start3A_158 = arith.constant 1792 : i32
      %dma_start3A_159 = arith.constant 0 : i32
      %dma_start3A_160 = tpu.memref_slice %arg11[%dma_start3A_158, %dma_start3A_159] : memref<2048x48xf32, #tpu.memory_space<vmem>> -> memref<128x48xf32, #tpu.memory_space<vmem>>
      %dma_start3A_161 = arith.constant 1792 : i32
      %dma_start3A_162 = tpu.memref_slice %arg10[%dma_start3A_161] : memref<2048xi32, #tpu.memory_space<vmem>> -> memref<128xi32, #tpu.memory_space<vmem>>
      %dma_start3A_163 = arith.constant 0 : i32
      %dma_start3A_164 = arith.constant 0 : i32
      %dma_start3A_165 = tpu.memref_slice %arg4[%dma_start3A_163, %dma_start3A_164] : memref<261121x48xf32, #tpu.memory_space<hbm>> -> memref<261121x48xf32, #tpu.memory_space<hbm>>
      tpu.enqueue_indirect_dma source(%dma_start3A_165 : memref<261121x48xf32, #tpu.memory_space<hbm>>) target(%dma_start3A_160 : memref<128x48xf32, #tpu.memory_space<vmem>>) offsets(%dma_start3A_162 : memref<128xi32, #tpu.memory_space<vmem>>) semaphore(%arg13 : memref<!tpu.dma_semaphore, #tpu.memory_space<semaphore_mem>>)
      %dma_start3A_166 = arith.constant 1920 : i32
      %dma_start3A_167 = arith.constant 0 : i32
      %dma_start3A_168 = tpu.memref_slice %arg11[%dma_start3A_166, %dma_start3A_167] : memref<2048x48xf32, #tpu.memory_space<vmem>> -> memref<128x48xf32, #tpu.memory_space<vmem>>
      %dma_start3A_169 = arith.constant 1920 : i32
      %dma_start3A_170 = tpu.memref_slice %arg10[%dma_start3A_169] : memref<2048xi32, #tpu.memory_space<vmem>> -> memref<128xi32, #tpu.memory_space<vmem>>
      %dma_start3A_171 = arith.constant 0 : i32
      %dma_start3A_172 = arith.constant 0 : i32
      %dma_start3A_173 = tpu.memref_slice %arg4[%dma_start3A_171, %dma_start3A_172] : memref<261121x48xf32, #tpu.memory_space<hbm>> -> memref<261121x48xf32, #tpu.memory_space<hbm>>
      tpu.enqueue_indirect_dma source(%dma_start3A_173 : memref<261121x48xf32, #tpu.memory_space<hbm>>) target(%dma_start3A_168 : memref<128x48xf32, #tpu.memory_space<vmem>>) offsets(%dma_start3A_170 : memref<128xi32, #tpu.memory_space<vmem>>) semaphore(%arg13 : memref<!tpu.dma_semaphore, #tpu.memory_space<semaphore_mem>>)
      %dma_wait3A = arith.constant 0 : i32
      %dma_wait3A_174 = arith.constant 0 : i32
      %dma_wait3A_175 = tpu.memref_slice %arg11[%dma_wait3A, %dma_wait3A_174] : memref<2048x48xf32, #tpu.memory_space<vmem>> -> memref<128x48xf32, #tpu.memory_space<vmem>>
      %dma_wait3A_176 = arith.constant 0 : i32
      %dma_wait3A_177 = tpu.memref_slice %arg10[%dma_wait3A_176] : memref<2048xi32, #tpu.memory_space<vmem>> -> memref<128xi32, #tpu.memory_space<vmem>>
      %dma_wait3A_178 = arith.constant 0 : i32
      %dma_wait3A_179 = arith.constant 0 : i32
      %dma_wait3A_180 = tpu.memref_slice %arg4[%dma_wait3A_178, %dma_wait3A_179] : memref<261121x48xf32, #tpu.memory_space<hbm>> -> memref<261121x48xf32, #tpu.memory_space<hbm>>
      tpu.wait_indirect_dma semaphore(%arg13 : memref<!tpu.dma_semaphore, #tpu.memory_space<semaphore_mem>>) src(%dma_wait3A_180 : memref<261121x48xf32, #tpu.memory_space<hbm>>) dst(%dma_wait3A_175 : memref<128x48xf32, #tpu.memory_space<vmem>>)
      %dma_wait3A_181 = arith.constant 128 : i32
      %dma_wait3A_182 = arith.constant 0 : i32
      %dma_wait3A_183 = tpu.memref_slice %arg11[%dma_wait3A_181, %dma_wait3A_182] : memref<2048x48xf32, #tpu.memory_space<vmem>> -> memref<128x48xf32, #tpu.memory_space<vmem>>
      %dma_wait3A_184 = arith.constant 128 : i32
      %dma_wait3A_185 = tpu.memref_slice %arg10[%dma_wait3A_184] : memref<2048xi32, #tpu.memory_space<vmem>> -> memref<128xi32, #tpu.memory_space<vmem>>
      %dma_wait3A_186 = arith.constant 0 : i32
      %dma_wait3A_187 = arith.constant 0 : i32
      %dma_wait3A_188 = tpu.memref_slice %arg4[%dma_wait3A_186, %dma_wait3A_187] : memref<261121x48xf32, #tpu.memory_space<hbm>> -> memref<261121x48xf32, #tpu.memory_space<hbm>>
      tpu.wait_indirect_dma semaphore(%arg13 : memref<!tpu.dma_semaphore, #tpu.memory_space<semaphore_mem>>) src(%dma_wait3A_188 : memref<261121x48xf32, #tpu.memory_space<hbm>>) dst(%dma_wait3A_183 : memref<128x48xf32, #tpu.memory_space<vmem>>)
      %dma_wait3A_189 = arith.constant 256 : i32
      %dma_wait3A_190 = arith.constant 0 : i32
      %dma_wait3A_191 = tpu.memref_slice %arg11[%dma_wait3A_189, %dma_wait3A_190] : memref<2048x48xf32, #tpu.memory_space<vmem>> -> memref<128x48xf32, #tpu.memory_space<vmem>>
      %dma_wait3A_192 = arith.constant 256 : i32
      %dma_wait3A_193 = tpu.memref_slice %arg10[%dma_wait3A_192] : memref<2048xi32, #tpu.memory_space<vmem>> -> memref<128xi32, #tpu.memory_space<vmem>>
      %dma_wait3A_194 = arith.constant 0 : i32
      %dma_wait3A_195 = arith.constant 0 : i32
      %dma_wait3A_196 = tpu.memref_slice %arg4[%dma_wait3A_194, %dma_wait3A_195] : memref<261121x48xf32, #tpu.memory_space<hbm>> -> memref<261121x48xf32, #tpu.memory_space<hbm>>
      tpu.wait_indirect_dma semaphore(%arg13 : memref<!tpu.dma_semaphore, #tpu.memory_space<semaphore_mem>>) src(%dma_wait3A_196 : memref<261121x48xf32, #tpu.memory_space<hbm>>) dst(%dma_wait3A_191 : memref<128x48xf32, #tpu.memory_space<vmem>>)
      %dma_wait3A_197 = arith.constant 384 : i32
      %dma_wait3A_198 = arith.constant 0 : i32
      %dma_wait3A_199 = tpu.memref_slice %arg11[%dma_wait3A_197, %dma_wait3A_198] : memref<2048x48xf32, #tpu.memory_space<vmem>> -> memref<128x48xf32, #tpu.memory_space<vmem>>
      %dma_wait3A_200 = arith.constant 384 : i32
      %dma_wait3A_201 = tpu.memref_slice %arg10[%dma_wait3A_200] : memref<2048xi32, #tpu.memory_space<vmem>> -> memref<128xi32, #tpu.memory_space<vmem>>
      %dma_wait3A_202 = arith.constant 0 : i32
      %dma_wait3A_203 = arith.constant 0 : i32
      %dma_wait3A_204 = tpu.memref_slice %arg4[%dma_wait3A_202, %dma_wait3A_203] : memref<261121x48xf32, #tpu.memory_space<hbm>> -> memref<261121x48xf32, #tpu.memory_space<hbm>>
      tpu.wait_indirect_dma semaphore(%arg13 : memref<!tpu.dma_semaphore, #tpu.memory_space<semaphore_mem>>) src(%dma_wait3A_204 : memref<261121x48xf32, #tpu.memory_space<hbm>>) dst(%dma_wait3A_199 : memref<128x48xf32, #tpu.memory_space<vmem>>)
      %dma_wait3A_205 = arith.constant 512 : i32
      %dma_wait3A_206 = arith.constant 0 : i32
      %dma_wait3A_207 = tpu.memref_slice %arg11[%dma_wait3A_205, %dma_wait3A_206] : memref<2048x48xf32, #tpu.memory_space<vmem>> -> memref<128x48xf32, #tpu.memory_space<vmem>>
      %dma_wait3A_208 = arith.constant 512 : i32
      %dma_wait3A_209 = tpu.memref_slice %arg10[%dma_wait3A_208] : memref<2048xi32, #tpu.memory_space<vmem>> -> memref<128xi32, #tpu.memory_space<vmem>>
      %dma_wait3A_210 = arith.constant 0 : i32
      %dma_wait3A_211 = arith.constant 0 : i32
      %dma_wait3A_212 = tpu.memref_slice %arg4[%dma_wait3A_210, %dma_wait3A_211] : memref<261121x48xf32, #tpu.memory_space<hbm>> -> memref<261121x48xf32, #tpu.memory_space<hbm>>
      tpu.wait_indirect_dma semaphore(%arg13 : memref<!tpu.dma_semaphore, #tpu.memory_space<semaphore_mem>>) src(%dma_wait3A_212 : memref<261121x48xf32, #tpu.memory_space<hbm>>) dst(%dma_wait3A_207 : memref<128x48xf32, #tpu.memory_space<vmem>>)
      %dma_wait3A_213 = arith.constant 640 : i32
      %dma_wait3A_214 = arith.constant 0 : i32
      %dma_wait3A_215 = tpu.memref_slice %arg11[%dma_wait3A_213, %dma_wait3A_214] : memref<2048x48xf32, #tpu.memory_space<vmem>> -> memref<128x48xf32, #tpu.memory_space<vmem>>
      %dma_wait3A_216 = arith.constant 640 : i32
      %dma_wait3A_217 = tpu.memref_slice %arg10[%dma_wait3A_216] : memref<2048xi32, #tpu.memory_space<vmem>> -> memref<128xi32, #tpu.memory_space<vmem>>
      %dma_wait3A_218 = arith.constant 0 : i32
      %dma_wait3A_219 = arith.constant 0 : i32
      %dma_wait3A_220 = tpu.memref_slice %arg4[%dma_wait3A_218, %dma_wait3A_219] : memref<261121x48xf32, #tpu.memory_space<hbm>> -> memref<261121x48xf32, #tpu.memory_space<hbm>>
      tpu.wait_indirect_dma semaphore(%arg13 : memref<!tpu.dma_semaphore, #tpu.memory_space<semaphore_mem>>) src(%dma_wait3A_220 : memref<261121x48xf32, #tpu.memory_space<hbm>>) dst(%dma_wait3A_215 : memref<128x48xf32, #tpu.memory_space<vmem>>)
      %dma_wait3A_221 = arith.constant 768 : i32
      %dma_wait3A_222 = arith.constant 0 : i32
      %dma_wait3A_223 = tpu.memref_slice %arg11[%dma_wait3A_221, %dma_wait3A_222] : memref<2048x48xf32, #tpu.memory_space<vmem>> -> memref<128x48xf32, #tpu.memory_space<vmem>>
      %dma_wait3A_224 = arith.constant 768 : i32
      %dma_wait3A_225 = tpu.memref_slice %arg10[%dma_wait3A_224] : memref<2048xi32, #tpu.memory_space<vmem>> -> memref<128xi32, #tpu.memory_space<vmem>>
      %dma_wait3A_226 = arith.constant 0 : i32
      %dma_wait3A_227 = arith.constant 0 : i32
      %dma_wait3A_228 = tpu.memref_slice %arg4[%dma_wait3A_226, %dma_wait3A_227] : memref<261121x48xf32, #tpu.memory_space<hbm>> -> memref<261121x48xf32, #tpu.memory_space<hbm>>
      tpu.wait_indirect_dma semaphore(%arg13 : memref<!tpu.dma_semaphore, #tpu.memory_space<semaphore_mem>>) src(%dma_wait3A_228 : memref<261121x48xf32, #tpu.memory_space<hbm>>) dst(%dma_wait3A_223 : memref<128x48xf32, #tpu.memory_space<vmem>>)
      %dma_wait3A_229 = arith.constant 896 : i32
      %dma_wait3A_230 = arith.constant 0 : i32
      %dma_wait3A_231 = tpu.memref_slice %arg11[%dma_wait3A_229, %dma_wait3A_230] : memref<2048x48xf32, #tpu.memory_space<vmem>> -> memref<128x48xf32, #tpu.memory_space<vmem>>
      %dma_wait3A_232 = arith.constant 896 : i32
      %dma_wait3A_233 = tpu.memref_slice %arg10[%dma_wait3A_232] : memref<2048xi32, #tpu.memory_space<vmem>> -> memref<128xi32, #tpu.memory_space<vmem>>
      %dma_wait3A_234 = arith.constant 0 : i32
      %dma_wait3A_235 = arith.constant 0 : i32
      %dma_wait3A_236 = tpu.memref_slice %arg4[%dma_wait3A_234, %dma_wait3A_235] : memref<261121x48xf32, #tpu.memory_space<hbm>> -> memref<261121x48xf32, #tpu.memory_space<hbm>>
      tpu.wait_indirect_dma semaphore(%arg13 : memref<!tpu.dma_semaphore, #tpu.memory_space<semaphore_mem>>) src(%dma_wait3A_236 : memref<261121x48xf32, #tpu.memory_space<hbm>>) dst(%dma_wait3A_231 : memref<128x48xf32, #tpu.memory_space<vmem>>)
      %dma_wait3A_237 = arith.constant 1024 : i32
      %dma_wait3A_238 = arith.constant 0 : i32
      %dma_wait3A_239 = tpu.memref_slice %arg11[%dma_wait3A_237, %dma_wait3A_238] : memref<2048x48xf32, #tpu.memory_space<vmem>> -> memref<128x48xf32, #tpu.memory_space<vmem>>
      %dma_wait3A_240 = arith.constant 1024 : i32
      %dma_wait3A_241 = tpu.memref_slice %arg10[%dma_wait3A_240] : memref<2048xi32, #tpu.memory_space<vmem>> -> memref<128xi32, #tpu.memory_space<vmem>>
      %dma_wait3A_242 = arith.constant 0 : i32
      %dma_wait3A_243 = arith.constant 0 : i32
      %dma_wait3A_244 = tpu.memref_slice %arg4[%dma_wait3A_242, %dma_wait3A_243] : memref<261121x48xf32, #tpu.memory_space<hbm>> -> memref<261121x48xf32, #tpu.memory_space<hbm>>
      tpu.wait_indirect_dma semaphore(%arg13 : memref<!tpu.dma_semaphore, #tpu.memory_space<semaphore_mem>>) src(%dma_wait3A_244 : memref<261121x48xf32, #tpu.memory_space<hbm>>) dst(%dma_wait3A_239 : memref<128x48xf32, #tpu.memory_space<vmem>>)
      %dma_wait3A_245 = arith.constant 1152 : i32
      %dma_wait3A_246 = arith.constant 0 : i32
      %dma_wait3A_247 = tpu.memref_slice %arg11[%dma_wait3A_245, %dma_wait3A_246] : memref<2048x48xf32, #tpu.memory_space<vmem>> -> memref<128x48xf32, #tpu.memory_space<vmem>>
      %dma_wait3A_248 = arith.constant 1152 : i32
      %dma_wait3A_249 = tpu.memref_slice %arg10[%dma_wait3A_248] : memref<2048xi32, #tpu.memory_space<vmem>> -> memref<128xi32, #tpu.memory_space<vmem>>
      %dma_wait3A_250 = arith.constant 0 : i32
      %dma_wait3A_251 = arith.constant 0 : i32
      %dma_wait3A_252 = tpu.memref_slice %arg4[%dma_wait3A_250, %dma_wait3A_251] : memref<261121x48xf32, #tpu.memory_space<hbm>> -> memref<261121x48xf32, #tpu.memory_space<hbm>>
      tpu.wait_indirect_dma semaphore(%arg13 : memref<!tpu.dma_semaphore, #tpu.memory_space<semaphore_mem>>) src(%dma_wait3A_252 : memref<261121x48xf32, #tpu.memory_space<hbm>>) dst(%dma_wait3A_247 : memref<128x48xf32, #tpu.memory_space<vmem>>)
      %dma_wait3A_253 = arith.constant 1280 : i32
      %dma_wait3A_254 = arith.constant 0 : i32
      %dma_wait3A_255 = tpu.memref_slice %arg11[%dma_wait3A_253, %dma_wait3A_254] : memref<2048x48xf32, #tpu.memory_space<vmem>> -> memref<128x48xf32, #tpu.memory_space<vmem>>
      %dma_wait3A_256 = arith.constant 1280 : i32
      %dma_wait3A_257 = tpu.memref_slice %arg10[%dma_wait3A_256] : memref<2048xi32, #tpu.memory_space<vmem>> -> memref<128xi32, #tpu.memory_space<vmem>>
      %dma_wait3A_258 = arith.constant 0 : i32
      %dma_wait3A_259 = arith.constant 0 : i32
      %dma_wait3A_260 = tpu.memref_slice %arg4[%dma_wait3A_258, %dma_wait3A_259] : memref<261121x48xf32, #tpu.memory_space<hbm>> -> memref<261121x48xf32, #tpu.memory_space<hbm>>
      tpu.wait_indirect_dma semaphore(%arg13 : memref<!tpu.dma_semaphore, #tpu.memory_space<semaphore_mem>>) src(%dma_wait3A_260 : memref<261121x48xf32, #tpu.memory_space<hbm>>) dst(%dma_wait3A_255 : memref<128x48xf32, #tpu.memory_space<vmem>>)
      %dma_wait3A_261 = arith.constant 1408 : i32
      %dma_wait3A_262 = arith.constant 0 : i32
      %dma_wait3A_263 = tpu.memref_slice %arg11[%dma_wait3A_261, %dma_wait3A_262] : memref<2048x48xf32, #tpu.memory_space<vmem>> -> memref<128x48xf32, #tpu.memory_space<vmem>>
      %dma_wait3A_264 = arith.constant 1408 : i32
      %dma_wait3A_265 = tpu.memref_slice %arg10[%dma_wait3A_264] : memref<2048xi32, #tpu.memory_space<vmem>> -> memref<128xi32, #tpu.memory_space<vmem>>
      %dma_wait3A_266 = arith.constant 0 : i32
      %dma_wait3A_267 = arith.constant 0 : i32
      %dma_wait3A_268 = tpu.memref_slice %arg4[%dma_wait3A_266, %dma_wait3A_267] : memref<261121x48xf32, #tpu.memory_space<hbm>> -> memref<261121x48xf32, #tpu.memory_space<hbm>>
      tpu.wait_indirect_dma semaphore(%arg13 : memref<!tpu.dma_semaphore, #tpu.memory_space<semaphore_mem>>) src(%dma_wait3A_268 : memref<261121x48xf32, #tpu.memory_space<hbm>>) dst(%dma_wait3A_263 : memref<128x48xf32, #tpu.memory_space<vmem>>)
      %dma_wait3A_269 = arith.constant 1536 : i32
      %dma_wait3A_270 = arith.constant 0 : i32
      %dma_wait3A_271 = tpu.memref_slice %arg11[%dma_wait3A_269, %dma_wait3A_270] : memref<2048x48xf32, #tpu.memory_space<vmem>> -> memref<128x48xf32, #tpu.memory_space<vmem>>
      %dma_wait3A_272 = arith.constant 1536 : i32
      %dma_wait3A_273 = tpu.memref_slice %arg10[%dma_wait3A_272] : memref<2048xi32, #tpu.memory_space<vmem>> -> memref<128xi32, #tpu.memory_space<vmem>>
      %dma_wait3A_274 = arith.constant 0 : i32
      %dma_wait3A_275 = arith.constant 0 : i32
      %dma_wait3A_276 = tpu.memref_slice %arg4[%dma_wait3A_274, %dma_wait3A_275] : memref<261121x48xf32, #tpu.memory_space<hbm>> -> memref<261121x48xf32, #tpu.memory_space<hbm>>
      tpu.wait_indirect_dma semaphore(%arg13 : memref<!tpu.dma_semaphore, #tpu.memory_space<semaphore_mem>>) src(%dma_wait3A_276 : memref<261121x48xf32, #tpu.memory_space<hbm>>) dst(%dma_wait3A_271 : memref<128x48xf32, #tpu.memory_space<vmem>>)
      %dma_wait3A_277 = arith.constant 1664 : i32
      %dma_wait3A_278 = arith.constant 0 : i32
      %dma_wait3A_279 = tpu.memref_slice %arg11[%dma_wait3A_277, %dma_wait3A_278] : memref<2048x48xf32, #tpu.memory_space<vmem>> -> memref<128x48xf32, #tpu.memory_space<vmem>>
      %dma_wait3A_280 = arith.constant 1664 : i32
      %dma_wait3A_281 = tpu.memref_slice %arg10[%dma_wait3A_280] : memref<2048xi32, #tpu.memory_space<vmem>> -> memref<128xi32, #tpu.memory_space<vmem>>
      %dma_wait3A_282 = arith.constant 0 : i32
      %dma_wait3A_283 = arith.constant 0 : i32
      %dma_wait3A_284 = tpu.memref_slice %arg4[%dma_wait3A_282, %dma_wait3A_283] : memref<261121x48xf32, #tpu.memory_space<hbm>> -> memref<261121x48xf32, #tpu.memory_space<hbm>>
      tpu.wait_indirect_dma semaphore(%arg13 : memref<!tpu.dma_semaphore, #tpu.memory_space<semaphore_mem>>) src(%dma_wait3A_284 : memref<261121x48xf32, #tpu.memory_space<hbm>>) dst(%dma_wait3A_279 : memref<128x48xf32, #tpu.memory_space<vmem>>)
      %dma_wait3A_285 = arith.constant 1792 : i32
      %dma_wait3A_286 = arith.constant 0 : i32
      %dma_wait3A_287 = tpu.memref_slice %arg11[%dma_wait3A_285, %dma_wait3A_286] : memref<2048x48xf32, #tpu.memory_space<vmem>> -> memref<128x48xf32, #tpu.memory_space<vmem>>
      %dma_wait3A_288 = arith.constant 1792 : i32
      %dma_wait3A_289 = tpu.memref_slice %arg10[%dma_wait3A_288] : memref<2048xi32, #tpu.memory_space<vmem>> -> memref<128xi32, #tpu.memory_space<vmem>>
      %dma_wait3A_290 = arith.constant 0 : i32
      %dma_wait3A_291 = arith.constant 0 : i32
      %dma_wait3A_292 = tpu.memref_slice %arg4[%dma_wait3A_290, %dma_wait3A_291] : memref<261121x48xf32, #tpu.memory_space<hbm>> -> memref<261121x48xf32, #tpu.memory_space<hbm>>
      tpu.wait_indirect_dma semaphore(%arg13 : memref<!tpu.dma_semaphore, #tpu.memory_space<semaphore_mem>>) src(%dma_wait3A_292 : memref<261121x48xf32, #tpu.memory_space<hbm>>) dst(%dma_wait3A_287 : memref<128x48xf32, #tpu.memory_space<vmem>>)
      %dma_wait3A_293 = arith.constant 1920 : i32
      %dma_wait3A_294 = arith.constant 0 : i32
      %dma_wait3A_295 = tpu.memref_slice %arg11[%dma_wait3A_293, %dma_wait3A_294] : memref<2048x48xf32, #tpu.memory_space<vmem>> -> memref<128x48xf32, #tpu.memory_space<vmem>>
      %dma_wait3A_296 = arith.constant 1920 : i32
      %dma_wait3A_297 = tpu.memref_slice %arg10[%dma_wait3A_296] : memref<2048xi32, #tpu.memory_space<vmem>> -> memref<128xi32, #tpu.memory_space<vmem>>
      %dma_wait3A_298 = arith.constant 0 : i32
      %dma_wait3A_299 = arith.constant 0 : i32
      %dma_wait3A_300 = tpu.memref_slice %arg4[%dma_wait3A_298, %dma_wait3A_299] : memref<261121x48xf32, #tpu.memory_space<hbm>> -> memref<261121x48xf32, #tpu.memory_space<hbm>>
      tpu.wait_indirect_dma semaphore(%arg13 : memref<!tpu.dma_semaphore, #tpu.memory_space<semaphore_mem>>) src(%dma_wait3A_300 : memref<261121x48xf32, #tpu.memory_space<hbm>>) dst(%dma_wait3A_295 : memref<128x48xf32, #tpu.memory_space<vmem>>)
      %parallel_loop3A_301 = arith.constant 0 : i32
      %parallel_loop3A_302 = arith.constant 128 : i32
      %parallel_loop3A_303 = arith.constant 1 : i32
      scf.for %parallel_loop3A_305 = %parallel_loop3A_301 to %parallel_loop3A_302 step %parallel_loop3A_303  : i32 {
        %parallel_loop3A_306 = arith.constant 16 : i32
        %parallel_loop3A_307 = arith.muli %parallel_loop3A_305, %parallel_loop3A_306 : i32
        %parallel_loop3A_308 = vector.broadcast %parallel_loop3A_307 : i32 to vector<16xi32>
        %parallel_loop3A_309 = arith.addi %parallel_loop3A_308, %iota3A : vector<16xi32>
        %parallel_loop3A_310 = arith.constant 16 : i32
        %parallel_loop3A_311 = arith.muli %parallel_loop3A_305, %parallel_loop3A_310 : i32
        %parallel_loop3A_312 = arith.index_cast %parallel_loop3A_311 : i32 to index
        %parallel_loop3A_313 = tpu.vector_load %arg8[%parallel_loop3A_312] {strides = array<i32>} : memref<2048xf32, #tpu.memory_space<vmem>>, vector<16xf32>,
        %parallel_loop3A_314 = arith.constant 16 : i32
        %parallel_loop3A_315 = arith.muli %parallel_loop3A_305, %parallel_loop3A_314 : i32
        %parallel_loop3A_316 = arith.index_cast %parallel_loop3A_315 : i32 to index
        %parallel_loop3A_317 = tpu.vector_load %arg9[%parallel_loop3A_316] {strides = array<i32>} : memref<2048xf32, #tpu.memory_space<vmem>>, vector<16xf32>,
        %parallel_loop3A_318 = arith.constant 0.000000e+00 : f32
        %parallel_loop3A_319 = vector.broadcast %parallel_loop3A_318 : f32 to vector<16xf32>
        %parallel_loop3A_320 = arith.constant 0 : i32
        %parallel_loop3A_321 = vector.broadcast %parallel_loop3A_320 : i32 to vector<16xi32>
        %parallel_loop3A_322 = tpu.vector_load_idx %arg11[%parallel_loop3A_309, %parallel_loop3A_321] : memref<2048x48xf32, #tpu.memory_space<vmem>>[vector<16xi32>, vector<16xi32>], vector<16xf32>,
        %parallel_loop3A_323 = arith.constant 1 : i32
        %parallel_loop3A_324 = vector.broadcast %parallel_loop3A_323 : i32 to vector<16xi32>
        %parallel_loop3A_325 = tpu.vector_load_idx %arg11[%parallel_loop3A_309, %parallel_loop3A_324] : memref<2048x48xf32, #tpu.memory_space<vmem>>[vector<16xi32>, vector<16xi32>], vector<16xf32>,
        %parallel_loop3A_326 = arith.constant 2 : i32
        %parallel_loop3A_327 = vector.broadcast %parallel_loop3A_326 : i32 to vector<16xi32>
        %parallel_loop3A_328 = tpu.vector_load_idx %arg11[%parallel_loop3A_309, %parallel_loop3A_327] : memref<2048x48xf32, #tpu.memory_space<vmem>>[vector<16xi32>, vector<16xi32>], vector<16xf32>,
        %parallel_loop3A_329 = arith.mulf %parallel_loop3A_328, %parallel_loop3A_317 : vector<16xf32>
        %parallel_loop3A_330 = arith.addf %parallel_loop3A_329, %parallel_loop3A_325 : vector<16xf32>
        %parallel_loop3A_331 = arith.mulf %parallel_loop3A_330, %parallel_loop3A_317 : vector<16xf32>
        %parallel_loop3A_332 = arith.addf %parallel_loop3A_331, %parallel_loop3A_322 : vector<16xf32>
        %parallel_loop3A_333 = arith.constant 3 : i32
        %parallel_loop3A_334 = vector.broadcast %parallel_loop3A_333 : i32 to vector<16xi32>
        %parallel_loop3A_335 = tpu.vector_load_idx %arg11[%parallel_loop3A_309, %parallel_loop3A_334] : memref<2048x48xf32, #tpu.memory_space<vmem>>[vector<16xi32>, vector<16xi32>], vector<16xf32>,
        %parallel_loop3A_336 = arith.constant 4 : i32
        %parallel_loop3A_337 = vector.broadcast %parallel_loop3A_336 : i32 to vector<16xi32>
        %parallel_loop3A_338 = tpu.vector_load_idx %arg11[%parallel_loop3A_309, %parallel_loop3A_337] : memref<2048x48xf32, #tpu.memory_space<vmem>>[vector<16xi32>, vector<16xi32>], vector<16xf32>,
        %parallel_loop3A_339 = arith.constant 5 : i32
        %parallel_loop3A_340 = vector.broadcast %parallel_loop3A_339 : i32 to vector<16xi32>
        %parallel_loop3A_341 = tpu.vector_load_idx %arg11[%parallel_loop3A_309, %parallel_loop3A_340] : memref<2048x48xf32, #tpu.memory_space<vmem>>[vector<16xi32>, vector<16xi32>], vector<16xf32>,
        %parallel_loop3A_342 = arith.mulf %parallel_loop3A_341, %parallel_loop3A_317 : vector<16xf32>
        %parallel_loop3A_343 = arith.addf %parallel_loop3A_342, %parallel_loop3A_338 : vector<16xf32>
        %parallel_loop3A_344 = arith.mulf %parallel_loop3A_343, %parallel_loop3A_317 : vector<16xf32>
        %parallel_loop3A_345 = arith.addf %parallel_loop3A_344, %parallel_loop3A_335 : vector<16xf32>
        %parallel_loop3A_346 = arith.constant 6 : i32
        %parallel_loop3A_347 = vector.broadcast %parallel_loop3A_346 : i32 to vector<16xi32>
        %parallel_loop3A_348 = tpu.vector_load_idx %arg11[%parallel_loop3A_309, %parallel_loop3A_347] : memref<2048x48xf32, #tpu.memory_space<vmem>>[vector<16xi32>, vector<16xi32>], vector<16xf32>,
        %parallel_loop3A_349 = arith.constant 7 : i32
        %parallel_loop3A_350 = vector.broadcast %parallel_loop3A_349 : i32 to vector<16xi32>
        %parallel_loop3A_351 = tpu.vector_load_idx %arg11[%parallel_loop3A_309, %parallel_loop3A_350] : memref<2048x48xf32, #tpu.memory_space<vmem>>[vector<16xi32>, vector<16xi32>], vector<16xf32>,
        %parallel_loop3A_352 = arith.constant 8 : i32
        %parallel_loop3A_353 = vector.broadcast %parallel_loop3A_352 : i32 to vector<16xi32>
        %parallel_loop3A_354 = tpu.vector_load_idx %arg11[%parallel_loop3A_309, %parallel_loop3A_353] : memref<2048x48xf32, #tpu.memory_space<vmem>>[vector<16xi32>, vector<16xi32>], vector<16xf32>,
        %parallel_loop3A_355 = arith.mulf %parallel_loop3A_354, %parallel_loop3A_317 : vector<16xf32>
        %parallel_loop3A_356 = arith.addf %parallel_loop3A_355, %parallel_loop3A_351 : vector<16xf32>
        %parallel_loop3A_357 = arith.mulf %parallel_loop3A_356, %parallel_loop3A_317 : vector<16xf32>
        %parallel_loop3A_358 = arith.addf %parallel_loop3A_357, %parallel_loop3A_348 : vector<16xf32>
        %parallel_loop3A_359 = arith.mulf %parallel_loop3A_358, %parallel_loop3A_313 : vector<16xf32>
        %parallel_loop3A_360 = arith.addf %parallel_loop3A_359, %parallel_loop3A_345 : vector<16xf32>
        %parallel_loop3A_361 = arith.mulf %parallel_loop3A_360, %parallel_loop3A_313 : vector<16xf32>
        %parallel_loop3A_362 = arith.addf %parallel_loop3A_361, %parallel_loop3A_332 : vector<16xf32>
        %parallel_loop3A_363 = arith.constant 36 : i32
        %parallel_loop3A_364 = vector.broadcast %parallel_loop3A_363 : i32 to vector<16xi32>
        %parallel_loop3A_365 = tpu.vector_load_idx %arg11[%parallel_loop3A_309, %parallel_loop3A_364] : memref<2048x48xf32, #tpu.memory_space<vmem>>[vector<16xi32>, vector<16xi32>], vector<16xf32>,
        %parallel_loop3A_366 = arith.mulf %parallel_loop3A_362, %parallel_loop3A_362 : vector<16xf32>
        %parallel_loop3A_367 = arith.mulf %parallel_loop3A_366, %parallel_loop3A_365 : vector<16xf32>
        %parallel_loop3A_368 = arith.addf %parallel_loop3A_319, %parallel_loop3A_367 : vector<16xf32>
        %parallel_loop3A_369 = arith.constant 9 : i32
        %parallel_loop3A_370 = vector.broadcast %parallel_loop3A_369 : i32 to vector<16xi32>
        %parallel_loop3A_371 = tpu.vector_load_idx %arg11[%parallel_loop3A_309, %parallel_loop3A_370] : memref<2048x48xf32, #tpu.memory_space<vmem>>[vector<16xi32>, vector<16xi32>], vector<16xf32>,
        %parallel_loop3A_372 = arith.constant 10 : i32
        %parallel_loop3A_373 = vector.broadcast %parallel_loop3A_372 : i32 to vector<16xi32>
        %parallel_loop3A_374 = tpu.vector_load_idx %arg11[%parallel_loop3A_309, %parallel_loop3A_373] : memref<2048x48xf32, #tpu.memory_space<vmem>>[vector<16xi32>, vector<16xi32>], vector<16xf32>,
        %parallel_loop3A_375 = arith.constant 11 : i32
        %parallel_loop3A_376 = vector.broadcast %parallel_loop3A_375 : i32 to vector<16xi32>
        %parallel_loop3A_377 = tpu.vector_load_idx %arg11[%parallel_loop3A_309, %parallel_loop3A_376] : memref<2048x48xf32, #tpu.memory_space<vmem>>[vector<16xi32>, vector<16xi32>], vector<16xf32>,
        %parallel_loop3A_378 = arith.mulf %parallel_loop3A_377, %parallel_loop3A_317 : vector<16xf32>
        %parallel_loop3A_379 = arith.addf %parallel_loop3A_378, %parallel_loop3A_374 : vector<16xf32>
        %parallel_loop3A_380 = arith.mulf %parallel_loop3A_379, %parallel_loop3A_317 : vector<16xf32>
        %parallel_loop3A_381 = arith.addf %parallel_loop3A_380, %parallel_loop3A_371 : vector<16xf32>
        %parallel_loop3A_382 = arith.constant 12 : i32
        %parallel_loop3A_383 = vector.broadcast %parallel_loop3A_382 : i32 to vector<16xi32>
        %parallel_loop3A_384 = tpu.vector_load_idx %arg11[%parallel_loop3A_309, %parallel_loop3A_383] : memref<2048x48xf32, #tpu.memory_space<vmem>>[vector<16xi32>, vector<16xi32>], vector<16xf32>,
        %parallel_loop3A_385 = arith.constant 13 : i32
        %parallel_loop3A_386 = vector.broadcast %parallel_loop3A_385 : i32 to vector<16xi32>
        %parallel_loop3A_387 = tpu.vector_load_idx %arg11[%parallel_loop3A_309, %parallel_loop3A_386] : memref<2048x48xf32, #tpu.memory_space<vmem>>[vector<16xi32>, vector<16xi32>], vector<16xf32>,
        %parallel_loop3A_388 = arith.constant 14 : i32
        %parallel_loop3A_389 = vector.broadcast %parallel_loop3A_388 : i32 to vector<16xi32>
        %parallel_loop3A_390 = tpu.vector_load_idx %arg11[%parallel_loop3A_309, %parallel_loop3A_389] : memref<2048x48xf32, #tpu.memory_space<vmem>>[vector<16xi32>, vector<16xi32>], vector<16xf32>,
        %parallel_loop3A_391 = arith.mulf %parallel_loop3A_390, %parallel_loop3A_317 : vector<16xf32>
        %parallel_loop3A_392 = arith.addf %parallel_loop3A_391, %parallel_loop3A_387 : vector<16xf32>
        %parallel_loop3A_393 = arith.mulf %parallel_loop3A_392, %parallel_loop3A_317 : vector<16xf32>
        %parallel_loop3A_394 = arith.addf %parallel_loop3A_393, %parallel_loop3A_384 : vector<16xf32>
        %parallel_loop3A_395 = arith.constant 15 : i32
        %parallel_loop3A_396 = vector.broadcast %parallel_loop3A_395 : i32 to vector<16xi32>
        %parallel_loop3A_397 = tpu.vector_load_idx %arg11[%parallel_loop3A_309, %parallel_loop3A_396] : memref<2048x48xf32, #tpu.memory_space<vmem>>[vector<16xi32>, vector<16xi32>], vector<16xf32>,
        %parallel_loop3A_398 = arith.constant 16 : i32
        %parallel_loop3A_399 = vector.broadcast %parallel_loop3A_398 : i32 to vector<16xi32>
        %parallel_loop3A_400 = tpu.vector_load_idx %arg11[%parallel_loop3A_309, %parallel_loop3A_399] : memref<2048x48xf32, #tpu.memory_space<vmem>>[vector<16xi32>, vector<16xi32>], vector<16xf32>,
        %parallel_loop3A_401 = arith.constant 17 : i32
        %parallel_loop3A_402 = vector.broadcast %parallel_loop3A_401 : i32 to vector<16xi32>
        %parallel_loop3A_403 = tpu.vector_load_idx %arg11[%parallel_loop3A_309, %parallel_loop3A_402] : memref<2048x48xf32, #tpu.memory_space<vmem>>[vector<16xi32>, vector<16xi32>], vector<16xf32>,
        %parallel_loop3A_404 = arith.mulf %parallel_loop3A_403, %parallel_loop3A_317 : vector<16xf32>
        %parallel_loop3A_405 = arith.addf %parallel_loop3A_404, %parallel_loop3A_400 : vector<16xf32>
        %parallel_loop3A_406 = arith.mulf %parallel_loop3A_405, %parallel_loop3A_317 : vector<16xf32>
        %parallel_loop3A_407 = arith.addf %parallel_loop3A_406, %parallel_loop3A_397 : vector<16xf32>
        %parallel_loop3A_408 = arith.mulf %parallel_loop3A_407, %parallel_loop3A_313 : vector<16xf32>
        %parallel_loop3A_409 = arith.addf %parallel_loop3A_408, %parallel_loop3A_394 : vector<16xf32>
        %parallel_loop3A_410 = arith.mulf %parallel_loop3A_409, %parallel_loop3A_313 : vector<16xf32>
        %parallel_loop3A_411 = arith.addf %parallel_loop3A_410, %parallel_loop3A_381 : vector<16xf32>
        %parallel_loop3A_412 = arith.constant 37 : i32
        %parallel_loop3A_413 = vector.broadcast %parallel_loop3A_412 : i32 to vector<16xi32>
        %parallel_loop3A_414 = tpu.vector_load_idx %arg11[%parallel_loop3A_309, %parallel_loop3A_413] : memref<2048x48xf32, #tpu.memory_space<vmem>>[vector<16xi32>, vector<16xi32>], vector<16xf32>,
        %parallel_loop3A_415 = arith.mulf %parallel_loop3A_411, %parallel_loop3A_411 : vector<16xf32>
        %parallel_loop3A_416 = arith.mulf %parallel_loop3A_415, %parallel_loop3A_414 : vector<16xf32>
        %parallel_loop3A_417 = arith.addf %parallel_loop3A_368, %parallel_loop3A_416 : vector<16xf32>
        %parallel_loop3A_418 = arith.constant 18 : i32
        %parallel_loop3A_419 = vector.broadcast %parallel_loop3A_418 : i32 to vector<16xi32>
        %parallel_loop3A_420 = tpu.vector_load_idx %arg11[%parallel_loop3A_309, %parallel_loop3A_419] : memref<2048x48xf32, #tpu.memory_space<vmem>>[vector<16xi32>, vector<16xi32>], vector<16xf32>,
        %parallel_loop3A_421 = arith.constant 19 : i32
        %parallel_loop3A_422 = vector.broadcast %parallel_loop3A_421 : i32 to vector<16xi32>
        %parallel_loop3A_423 = tpu.vector_load_idx %arg11[%parallel_loop3A_309, %parallel_loop3A_422] : memref<2048x48xf32, #tpu.memory_space<vmem>>[vector<16xi32>, vector<16xi32>], vector<16xf32>,
        %parallel_loop3A_424 = arith.constant 20 : i32
        %parallel_loop3A_425 = vector.broadcast %parallel_loop3A_424 : i32 to vector<16xi32>
        %parallel_loop3A_426 = tpu.vector_load_idx %arg11[%parallel_loop3A_309, %parallel_loop3A_425] : memref<2048x48xf32, #tpu.memory_space<vmem>>[vector<16xi32>, vector<16xi32>], vector<16xf32>,
        %parallel_loop3A_427 = arith.mulf %parallel_loop3A_426, %parallel_loop3A_317 : vector<16xf32>
        %parallel_loop3A_428 = arith.addf %parallel_loop3A_427, %parallel_loop3A_423 : vector<16xf32>
        %parallel_loop3A_429 = arith.mulf %parallel_loop3A_428, %parallel_loop3A_317 : vector<16xf32>
        %parallel_loop3A_430 = arith.addf %parallel_loop3A_429, %parallel_loop3A_420 : vector<16xf32>
        %parallel_loop3A_431 = arith.constant 21 : i32
        %parallel_loop3A_432 = vector.broadcast %parallel_loop3A_431 : i32 to vector<16xi32>
        %parallel_loop3A_433 = tpu.vector_load_idx %arg11[%parallel_loop3A_309, %parallel_loop3A_432] : memref<2048x48xf32, #tpu.memory_space<vmem>>[vector<16xi32>, vector<16xi32>], vector<16xf32>,
        %parallel_loop3A_434 = arith.constant 22 : i32
        %parallel_loop3A_435 = vector.broadcast %parallel_loop3A_434 : i32 to vector<16xi32>
        %parallel_loop3A_436 = tpu.vector_load_idx %arg11[%parallel_loop3A_309, %parallel_loop3A_435] : memref<2048x48xf32, #tpu.memory_space<vmem>>[vector<16xi32>, vector<16xi32>], vector<16xf32>,
        %parallel_loop3A_437 = arith.constant 23 : i32
        %parallel_loop3A_438 = vector.broadcast %parallel_loop3A_437 : i32 to vector<16xi32>
        %parallel_loop3A_439 = tpu.vector_load_idx %arg11[%parallel_loop3A_309, %parallel_loop3A_438] : memref<2048x48xf32, #tpu.memory_space<vmem>>[vector<16xi32>, vector<16xi32>], vector<16xf32>,
        %parallel_loop3A_440 = arith.mulf %parallel_loop3A_439, %parallel_loop3A_317 : vector<16xf32>
        %parallel_loop3A_441 = arith.addf %parallel_loop3A_440, %parallel_loop3A_436 : vector<16xf32>
        %parallel_loop3A_442 = arith.mulf %parallel_loop3A_441, %parallel_loop3A_317 : vector<16xf32>
        %parallel_loop3A_443 = arith.addf %parallel_loop3A_442, %parallel_loop3A_433 : vector<16xf32>
        %parallel_loop3A_444 = arith.constant 24 : i32
        %parallel_loop3A_445 = vector.broadcast %parallel_loop3A_444 : i32 to vector<16xi32>
        %parallel_loop3A_446 = tpu.vector_load_idx %arg11[%parallel_loop3A_309, %parallel_loop3A_445] : memref<2048x48xf32, #tpu.memory_space<vmem>>[vector<16xi32>, vector<16xi32>], vector<16xf32>,
        %parallel_loop3A_447 = arith.constant 25 : i32
        %parallel_loop3A_448 = vector.broadcast %parallel_loop3A_447 : i32 to vector<16xi32>
        %parallel_loop3A_449 = tpu.vector_load_idx %arg11[%parallel_loop3A_309, %parallel_loop3A_448] : memref<2048x48xf32, #tpu.memory_space<vmem>>[vector<16xi32>, vector<16xi32>], vector<16xf32>,
        %parallel_loop3A_450 = arith.constant 26 : i32
        %parallel_loop3A_451 = vector.broadcast %parallel_loop3A_450 : i32 to vector<16xi32>
        %parallel_loop3A_452 = tpu.vector_load_idx %arg11[%parallel_loop3A_309, %parallel_loop3A_451] : memref<2048x48xf32, #tpu.memory_space<vmem>>[vector<16xi32>, vector<16xi32>], vector<16xf32>,
        %parallel_loop3A_453 = arith.mulf %parallel_loop3A_452, %parallel_loop3A_317 : vector<16xf32>
        %parallel_loop3A_454 = arith.addf %parallel_loop3A_453, %parallel_loop3A_449 : vector<16xf32>
        %parallel_loop3A_455 = arith.mulf %parallel_loop3A_454, %parallel_loop3A_317 : vector<16xf32>
        %parallel_loop3A_456 = arith.addf %parallel_loop3A_455, %parallel_loop3A_446 : vector<16xf32>
        %parallel_loop3A_457 = arith.mulf %parallel_loop3A_456, %parallel_loop3A_313 : vector<16xf32>
        %parallel_loop3A_458 = arith.addf %parallel_loop3A_457, %parallel_loop3A_443 : vector<16xf32>
        %parallel_loop3A_459 = arith.mulf %parallel_loop3A_458, %parallel_loop3A_313 : vector<16xf32>
        %parallel_loop3A_460 = arith.addf %parallel_loop3A_459, %parallel_loop3A_430 : vector<16xf32>
        %parallel_loop3A_461 = arith.constant 38 : i32
        %parallel_loop3A_462 = vector.broadcast %parallel_loop3A_461 : i32 to vector<16xi32>
        %parallel_loop3A_463 = tpu.vector_load_idx %arg11[%parallel_loop3A_309, %parallel_loop3A_462] : memref<2048x48xf32, #tpu.memory_space<vmem>>[vector<16xi32>, vector<16xi32>], vector<16xf32>,
        %parallel_loop3A_464 = arith.mulf %parallel_loop3A_460, %parallel_loop3A_460 : vector<16xf32>
        %parallel_loop3A_465 = arith.mulf %parallel_loop3A_464, %parallel_loop3A_463 : vector<16xf32>
        %parallel_loop3A_466 = arith.addf %parallel_loop3A_417, %parallel_loop3A_465 : vector<16xf32>
        %parallel_loop3A_467 = arith.constant 27 : i32
        %parallel_loop3A_468 = vector.broadcast %parallel_loop3A_467 : i32 to vector<16xi32>
        %parallel_loop3A_469 = tpu.vector_load_idx %arg11[%parallel_loop3A_309, %parallel_loop3A_468] : memref<2048x48xf32, #tpu.memory_space<vmem>>[vector<16xi32>, vector<16xi32>], vector<16xf32>,
        %parallel_loop3A_470 = arith.constant 28 : i32
        %parallel_loop3A_471 = vector.broadcast %parallel_loop3A_470 : i32 to vector<16xi32>
        %parallel_loop3A_472 = tpu.vector_load_idx %arg11[%parallel_loop3A_309, %parallel_loop3A_471] : memref<2048x48xf32, #tpu.memory_space<vmem>>[vector<16xi32>, vector<16xi32>], vector<16xf32>,
        %parallel_loop3A_473 = arith.constant 29 : i32
        %parallel_loop3A_474 = vector.broadcast %parallel_loop3A_473 : i32 to vector<16xi32>
        %parallel_loop3A_475 = tpu.vector_load_idx %arg11[%parallel_loop3A_309, %parallel_loop3A_474] : memref<2048x48xf32, #tpu.memory_space<vmem>>[vector<16xi32>, vector<16xi32>], vector<16xf32>,
        %parallel_loop3A_476 = arith.mulf %parallel_loop3A_475, %parallel_loop3A_317 : vector<16xf32>
        %parallel_loop3A_477 = arith.addf %parallel_loop3A_476, %parallel_loop3A_472 : vector<16xf32>
        %parallel_loop3A_478 = arith.mulf %parallel_loop3A_477, %parallel_loop3A_317 : vector<16xf32>
        %parallel_loop3A_479 = arith.addf %parallel_loop3A_478, %parallel_loop3A_469 : vector<16xf32>
        %parallel_loop3A_480 = arith.constant 30 : i32
        %parallel_loop3A_481 = vector.broadcast %parallel_loop3A_480 : i32 to vector<16xi32>
        %parallel_loop3A_482 = tpu.vector_load_idx %arg11[%parallel_loop3A_309, %parallel_loop3A_481] : memref<2048x48xf32, #tpu.memory_space<vmem>>[vector<16xi32>, vector<16xi32>], vector<16xf32>,
        %parallel_loop3A_483 = arith.constant 31 : i32
        %parallel_loop3A_484 = vector.broadcast %parallel_loop3A_483 : i32 to vector<16xi32>
        %parallel_loop3A_485 = tpu.vector_load_idx %arg11[%parallel_loop3A_309, %parallel_loop3A_484] : memref<2048x48xf32, #tpu.memory_space<vmem>>[vector<16xi32>, vector<16xi32>], vector<16xf32>,
        %parallel_loop3A_486 = arith.constant 32 : i32
        %parallel_loop3A_487 = vector.broadcast %parallel_loop3A_486 : i32 to vector<16xi32>
        %parallel_loop3A_488 = tpu.vector_load_idx %arg11[%parallel_loop3A_309, %parallel_loop3A_487] : memref<2048x48xf32, #tpu.memory_space<vmem>>[vector<16xi32>, vector<16xi32>], vector<16xf32>,
        %parallel_loop3A_489 = arith.mulf %parallel_loop3A_488, %parallel_loop3A_317 : vector<16xf32>
        %parallel_loop3A_490 = arith.addf %parallel_loop3A_489, %parallel_loop3A_485 : vector<16xf32>
        %parallel_loop3A_491 = arith.mulf %parallel_loop3A_490, %parallel_loop3A_317 : vector<16xf32>
        %parallel_loop3A_492 = arith.addf %parallel_loop3A_491, %parallel_loop3A_482 : vector<16xf32>
        %parallel_loop3A_493 = arith.constant 33 : i32
        %parallel_loop3A_494 = vector.broadcast %parallel_loop3A_493 : i32 to vector<16xi32>
        %parallel_loop3A_495 = tpu.vector_load_idx %arg11[%parallel_loop3A_309, %parallel_loop3A_494] : memref<2048x48xf32, #tpu.memory_space<vmem>>[vector<16xi32>, vector<16xi32>], vector<16xf32>,
        %parallel_loop3A_496 = arith.constant 34 : i32
        %parallel_loop3A_497 = vector.broadcast %parallel_loop3A_496 : i32 to vector<16xi32>
        %parallel_loop3A_498 = tpu.vector_load_idx %arg11[%parallel_loop3A_309, %parallel_loop3A_497] : memref<2048x48xf32, #tpu.memory_space<vmem>>[vector<16xi32>, vector<16xi32>], vector<16xf32>,
        %parallel_loop3A_499 = arith.constant 35 : i32
        %parallel_loop3A_500 = vector.broadcast %parallel_loop3A_499 : i32 to vector<16xi32>
        %parallel_loop3A_501 = tpu.vector_load_idx %arg11[%parallel_loop3A_309, %parallel_loop3A_500] : memref<2048x48xf32, #tpu.memory_space<vmem>>[vector<16xi32>, vector<16xi32>], vector<16xf32>,
        %parallel_loop3A_502 = arith.mulf %parallel_loop3A_501, %parallel_loop3A_317 : vector<16xf32>
        %parallel_loop3A_503 = arith.addf %parallel_loop3A_502, %parallel_loop3A_498 : vector<16xf32>
        %parallel_loop3A_504 = arith.mulf %parallel_loop3A_503, %parallel_loop3A_317 : vector<16xf32>
        %parallel_loop3A_505 = arith.addf %parallel_loop3A_504, %parallel_loop3A_495 : vector<16xf32>
        %parallel_loop3A_506 = arith.mulf %parallel_loop3A_505, %parallel_loop3A_313 : vector<16xf32>
        %parallel_loop3A_507 = arith.addf %parallel_loop3A_506, %parallel_loop3A_492 : vector<16xf32>
        %parallel_loop3A_508 = arith.mulf %parallel_loop3A_507, %parallel_loop3A_313 : vector<16xf32>
        %parallel_loop3A_509 = arith.addf %parallel_loop3A_508, %parallel_loop3A_479 : vector<16xf32>
        %parallel_loop3A_510 = arith.constant 39 : i32
        %parallel_loop3A_511 = vector.broadcast %parallel_loop3A_510 : i32 to vector<16xi32>
        %parallel_loop3A_512 = tpu.vector_load_idx %arg11[%parallel_loop3A_309, %parallel_loop3A_511] : memref<2048x48xf32, #tpu.memory_space<vmem>>[vector<16xi32>, vector<16xi32>], vector<16xf32>,
        %parallel_loop3A_513 = arith.mulf %parallel_loop3A_509, %parallel_loop3A_509 : vector<16xf32>
        %parallel_loop3A_514 = arith.mulf %parallel_loop3A_513, %parallel_loop3A_512 : vector<16xf32>
        %parallel_loop3A_515 = arith.addf %parallel_loop3A_466, %parallel_loop3A_514 : vector<16xf32>
        %parallel_loop3A_516 = arith.constant 9.99999935E-39 : f32
        %parallel_loop3A_517 = vector.broadcast %parallel_loop3A_516 : f32 to vector<16xf32>
        %parallel_loop3A_518 = arith.maximumf %parallel_loop3A_515, %parallel_loop3A_517 : vector<16xf32>
        %parallel_loop3A_519 = arith.constant 0x4B800000 : f32
        %parallel_loop3A_520 = vector.broadcast %parallel_loop3A_519 : f32 to vector<16xf32>
        %parallel_loop3A_521 = arith.mulf %parallel_loop3A_518, %parallel_loop3A_520 : vector<16xf32>
        %parallel_loop3A_522 = tpu.bitcast %parallel_loop3A_521 : vector<16xf32> -> vector<16xi32>
        %parallel_loop3A_523 = arith.constant 23 : i32
        %parallel_loop3A_524 = vector.broadcast %parallel_loop3A_523 : i32 to vector<16xi32>
        %parallel_loop3A_525 = arith.shrsi %parallel_loop3A_522, %parallel_loop3A_524 : vector<16xi32>
        %parallel_loop3A_526 = arith.constant 151 : i32
        %parallel_loop3A_527 = vector.broadcast %parallel_loop3A_526 : i32 to vector<16xi32>
        %parallel_loop3A_528 = arith.subi %parallel_loop3A_525, %parallel_loop3A_527 : vector<16xi32>
        %parallel_loop3A_529 = arith.constant 8388607 : i32
        %parallel_loop3A_530 = vector.broadcast %parallel_loop3A_529 : i32 to vector<16xi32>
        %parallel_loop3A_531 = arith.andi %parallel_loop3A_522, %parallel_loop3A_530 : vector<16xi32>
        %parallel_loop3A_532 = arith.constant 1065353216 : i32
        %parallel_loop3A_533 = vector.broadcast %parallel_loop3A_532 : i32 to vector<16xi32>
        %parallel_loop3A_534 = arith.ori %parallel_loop3A_531, %parallel_loop3A_533 : vector<16xi32>
        %parallel_loop3A_535 = tpu.bitcast %parallel_loop3A_534 : vector<16xi32> -> vector<16xf32>
        %parallel_loop3A_536 = arith.constant 1.500000e+00 : f32
        %parallel_loop3A_537 = vector.broadcast %parallel_loop3A_536 : f32 to vector<16xf32>
        %parallel_loop3A_538 = arith.cmpf ogt, %parallel_loop3A_535, %parallel_loop3A_537 : vector<16xf32>
        %parallel_loop3A_539 = arith.constant 5.000000e-01 : f32
        %parallel_loop3A_540 = vector.broadcast %parallel_loop3A_539 : f32 to vector<16xf32>
        %parallel_loop3A_541 = arith.mulf %parallel_loop3A_535, %parallel_loop3A_540 : vector<16xf32>
        %parallel_loop3A_542 = arith.select %parallel_loop3A_538, %parallel_loop3A_541, %parallel_loop3A_535 : vector<16xi1>, vector<16xf32>
        %parallel_loop3A_543 = arith.constant 1 : i32
        %parallel_loop3A_544 = vector.broadcast %parallel_loop3A_543 : i32 to vector<16xi32>
        %parallel_loop3A_545 = arith.addi %parallel_loop3A_528, %parallel_loop3A_544 : vector<16xi32>
        %parallel_loop3A_546 = arith.select %parallel_loop3A_538, %parallel_loop3A_545, %parallel_loop3A_528 : vector<16xi1>, vector<16xi32>
        %parallel_loop3A_547 = arith.constant 1.000000e+00 : f32
        %parallel_loop3A_548 = vector.broadcast %parallel_loop3A_547 : f32 to vector<16xf32>
        %parallel_loop3A_549 = arith.subf %parallel_loop3A_542, %parallel_loop3A_548 : vector<16xf32>
        %parallel_loop3A_550 = arith.constant 1.000000e+00 : f32
        %parallel_loop3A_551 = vector.broadcast %parallel_loop3A_550 : f32 to vector<16xf32>
        %parallel_loop3A_552 = arith.addf %parallel_loop3A_542, %parallel_loop3A_551 : vector<16xf32>
        %parallel_loop3A_553 = arith.divf %parallel_loop3A_549, %parallel_loop3A_552 : vector<16xf32>
        %parallel_loop3A_554 = arith.mulf %parallel_loop3A_553, %parallel_loop3A_553 : vector<16xf32>
        %parallel_loop3A_555 = arith.constant 0.142857149 : f32
        %parallel_loop3A_556 = vector.broadcast %parallel_loop3A_555 : f32 to vector<16xf32>
        %parallel_loop3A_557 = arith.mulf %parallel_loop3A_554, %parallel_loop3A_556 : vector<16xf32>
        %parallel_loop3A_558 = arith.constant 2.000000e-01 : f32
        %parallel_loop3A_559 = vector.broadcast %parallel_loop3A_558 : f32 to vector<16xf32>
        %parallel_loop3A_560 = arith.addf %parallel_loop3A_559, %parallel_loop3A_557 : vector<16xf32>
        %parallel_loop3A_561 = arith.mulf %parallel_loop3A_554, %parallel_loop3A_560 : vector<16xf32>
        %parallel_loop3A_562 = arith.constant 0.333333343 : f32
        %parallel_loop3A_563 = vector.broadcast %parallel_loop3A_562 : f32 to vector<16xf32>
        %parallel_loop3A_564 = arith.addf %parallel_loop3A_563, %parallel_loop3A_561 : vector<16xf32>
        %parallel_loop3A_565 = arith.mulf %parallel_loop3A_554, %parallel_loop3A_564 : vector<16xf32>
        %parallel_loop3A_566 = arith.constant 1.000000e+00 : f32
        %parallel_loop3A_567 = vector.broadcast %parallel_loop3A_566 : f32 to vector<16xf32>
        %parallel_loop3A_568 = arith.addf %parallel_loop3A_567, %parallel_loop3A_565 : vector<16xf32>
        %parallel_loop3A_569 = arith.sitofp %parallel_loop3A_546 : vector<16xi32> to vector<16xf32>
        %parallel_loop3A_570 = arith.constant 0.693147182 : f32
        %parallel_loop3A_571 = vector.broadcast %parallel_loop3A_570 : f32 to vector<16xf32>
        %parallel_loop3A_572 = arith.mulf %parallel_loop3A_569, %parallel_loop3A_571 : vector<16xf32>
        %parallel_loop3A_573 = arith.constant 2.000000e+00 : f32
        %parallel_loop3A_574 = vector.broadcast %parallel_loop3A_573 : f32 to vector<16xf32>
        %parallel_loop3A_575 = arith.mulf %parallel_loop3A_574, %parallel_loop3A_553 : vector<16xf32>
        %parallel_loop3A_576 = arith.mulf %parallel_loop3A_575, %parallel_loop3A_568 : vector<16xf32>
        %parallel_loop3A_577 = arith.addf %parallel_loop3A_572, %parallel_loop3A_576 : vector<16xf32>
        %parallel_loop3A_578 = arith.constant 16 : i32
        %parallel_loop3A_579 = arith.muli %parallel_loop3A_305, %parallel_loop3A_578 : i32
        %parallel_loop3A_580 = arith.index_cast %parallel_loop3A_579 : i32 to index
        %parallel_loop3A_581 = tpu.vector_load %arg12[%parallel_loop3A_580] {strides = array<i32>} : memref<2048xf32, #tpu.memory_space<vmem>>, vector<16xf32>,
        tpu.vector_store %arg12[%parallel_loop3A_580], %parallel_loop3A_577 {strides = array<i32>} : memref<2048xf32, #tpu.memory_space<vmem>>, vector<16xf32>,
      } {sc.loop_unroll_factor = 4 : i64, sc.parallel_access}
      "tpu.region"() ({
        %run_scoped3A = tpu.sem_alloc : memref<!tpu.dma_semaphore, #tpu.memory_space<semaphore_mem>>
        %dma_start3A_305 = tpu.memref_slice %arg5[%min3A_44] : memref<500000xf32, #tpu.memory_space<hbm>> -> memref<2048xf32, #tpu.memory_space<hbm>>
        %dma_start3A_306 = tpu.memref_slice %arg5[%min3A_44] : memref<500000xf32, #tpu.memory_space<hbm>> -> memref<2048xf32, #tpu.memory_space<hbm>>
        tpu.enqueue_dma source(%arg12 : memref<2048xf32, #tpu.memory_space<vmem>>) target(%dma_start3A_306 : memref<2048xf32, #tpu.memory_space<hbm>>) target_semaphore(%run_scoped3A : memref<!tpu.dma_semaphore, #tpu.memory_space<semaphore_mem>>)
        %dma_wait3A_307 = tpu.memref_slice %arg5[%min3A_44] : memref<500000xf32, #tpu.memory_space<hbm>> -> memref<2048xf32, #tpu.memory_space<hbm>>
        %dma_wait3A_308 = tpu.memref_slice %arg5[%min3A_44] : memref<500000xf32, #tpu.memory_space<hbm>> -> memref<2048xf32, #tpu.memory_space<hbm>>
        tpu.wait_dma2 semaphore(%run_scoped3A : memref<!tpu.dma_semaphore, #tpu.memory_space<semaphore_mem>>) src(%arg12 : memref<2048xf32, #tpu.memory_space<vmem>>) dst(%dma_wait3A_308 : memref<2048xf32, #tpu.memory_space<hbm>>)
        tpu.yield
      }) : () -> ()
      %while3A_304 = arith.constant 0 : i32
      scf.yield %while3A_304 : i32
    }
    %while3A_35 = arith.constant 1 : i32
    %while3A_36 = scf.for %while3A_37 = %while3A_32 to %while3A_28 step %while3A_35 iter_args(%while3A_38 = %while3A_34) -> (i32)  : i32 {
      %mul3A_39 = arith.constant 32 : i32
      %mul3A_40 = arith.muli %while3A_37, %mul3A_39 : i32
      %add3A_41 = arith.addi %add3A, %mul3A_40 : i32
      %mul3A_42 = arith.constant 2048 : i32
      %mul3A_43 = arith.muli %add3A_41, %mul3A_42 : i32
      %min3A = arith.constant 497952 : i32
      %min3A_44 = arith.minsi %mul3A_43, %min3A : i32
      "tpu.region"() ({
        %run_scoped3A = tpu.sem_alloc : memref<!tpu.dma_semaphore, #tpu.memory_space<semaphore_mem>>
        %dma_start3A_305 = arith.constant 0 : i32
        %dma_start3A_306 = tpu.memref_slice %arg2[%min3A_44, %dma_start3A_305] : memref<500000x2xf32, #tpu.memory_space<hbm>> -> memref<2048x2xf32, #tpu.memory_space<hbm>>
        %dma_start3A_307 = arith.constant 0 : i32
        %dma_start3A_308 = tpu.memref_slice %arg2[%min3A_44, %dma_start3A_307] : memref<500000x2xf32, #tpu.memory_space<hbm>> -> memref<2048x2xf32, #tpu.memory_space<hbm>>
        tpu.enqueue_dma source(%dma_start3A_308 : memref<2048x2xf32, #tpu.memory_space<hbm>>) target(%arg7 : memref<2048x2xf32, #tpu.memory_space<vmem>>) target_semaphore(%run_scoped3A : memref<!tpu.dma_semaphore, #tpu.memory_space<semaphore_mem>>)
        %dma_wait3A_309 = arith.constant 0 : i32
        %dma_wait3A_310 = tpu.memref_slice %arg2[%min3A_44, %dma_wait3A_309] : memref<500000x2xf32, #tpu.memory_space<hbm>> -> memref<2048x2xf32, #tpu.memory_space<hbm>>
        %dma_wait3A_311 = arith.constant 0 : i32
        %dma_wait3A_312 = tpu.memref_slice %arg2[%min3A_44, %dma_wait3A_311] : memref<500000x2xf32, #tpu.memory_space<hbm>> -> memref<2048x2xf32, #tpu.memory_space<hbm>>
        tpu.wait_dma2 semaphore(%run_scoped3A : memref<!tpu.dma_semaphore, #tpu.memory_space<semaphore_mem>>) src(%dma_wait3A_312 : memref<2048x2xf32, #tpu.memory_space<hbm>>) dst(%arg7 : memref<2048x2xf32, #tpu.memory_space<vmem>>)
        tpu.yield
      }) : () -> ()
      %parallel_loop3A = arith.constant 0 : i32
      %parallel_loop3A_45 = arith.constant 128 : i32
      %parallel_loop3A_46 = arith.constant 1 : i32
      scf.for %parallel_loop3A_305 = %parallel_loop3A to %parallel_loop3A_45 step %parallel_loop3A_46  : i32 {
        %parallel_loop3A_306 = arith.constant 16 : i32
        %parallel_loop3A_307 = arith.muli %parallel_loop3A_305, %parallel_loop3A_306 : i32
        %parallel_loop3A_308 = vector.broadcast %parallel_loop3A_307 : i32 to vector<16xi32>
        %parallel_loop3A_309 = arith.addi %parallel_loop3A_308, %iota3A : vector<16xi32>
        %parallel_loop3A_310 = tpu.vector_load_idx %arg7[%parallel_loop3A_309, %broadcast_in_dim3A_1] : memref<2048x2xf32, #tpu.memory_space<vmem>>[vector<16xi32>, vector<16xi32>], vector<16xf32>,
        %parallel_loop3A_311 = tpu.vector_load_idx %arg7[%parallel_loop3A_309, %broadcast_in_dim3A_3] : memref<2048x2xf32, #tpu.memory_space<vmem>>[vector<16xi32>, vector<16xi32>], vector<16xf32>,
        %parallel_loop3A_312 = arith.constant 0 : i32
        %parallel_loop3A_313 = vector.broadcast %parallel_loop3A_312 : i32 to vector<16xi32>
        %parallel_loop3A_314 = arith.constant 0 : i32
        %parallel_loop3A_315 = vector.broadcast %parallel_loop3A_314 : i32 to vector<16xi32>
        %parallel_loop3A_316 = arith.constant 255 : i32
        %parallel_loop3A_317 = vector.broadcast %parallel_loop3A_316 : i32 to vector<16xi32>
        %parallel_loop3A_318 = arith.addi %parallel_loop3A_313, %parallel_loop3A_317 : vector<16xi32>
        %parallel_loop3A_319 = tpu.vector_load_idx %arg6[%parallel_loop3A_318, %broadcast_in_dim3A_1] : memref<512x2xf32, #tpu.memory_space<vmem>>[vector<16xi32>, vector<16xi32>], vector<16xf32>,
        %parallel_loop3A_320 = arith.cmpf olt, %parallel_loop3A_319, %parallel_loop3A_310 : vector<16xf32>
        %parallel_loop3A_321 = arith.constant 256 : i32
        %parallel_loop3A_322 = vector.broadcast %parallel_loop3A_321 : i32 to vector<16xi32>
        %parallel_loop3A_323 = arith.addi %parallel_loop3A_313, %parallel_loop3A_322 : vector<16xi32>
        %parallel_loop3A_324 = arith.select %parallel_loop3A_320, %parallel_loop3A_323, %parallel_loop3A_313 : vector<16xi1>, vector<16xi32>
        %parallel_loop3A_325 = arith.constant 255 : i32
        %parallel_loop3A_326 = vector.broadcast %parallel_loop3A_325 : i32 to vector<16xi32>
        %parallel_loop3A_327 = arith.addi %parallel_loop3A_315, %parallel_loop3A_326 : vector<16xi32>
        %parallel_loop3A_328 = tpu.vector_load_idx %arg6[%parallel_loop3A_327, %broadcast_in_dim3A_3] : memref<512x2xf32, #tpu.memory_space<vmem>>[vector<16xi32>, vector<16xi32>], vector<16xf32>,
        %parallel_loop3A_329 = arith.cmpf olt, %parallel_loop3A_328, %parallel_loop3A_311 : vector<16xf32>
        %parallel_loop3A_330 = arith.constant 256 : i32
        %parallel_loop3A_331 = vector.broadcast %parallel_loop3A_330 : i32 to vector<16xi32>
        %parallel_loop3A_332 = arith.addi %parallel_loop3A_315, %parallel_loop3A_331 : vector<16xi32>
        %parallel_loop3A_333 = arith.select %parallel_loop3A_329, %parallel_loop3A_332, %parallel_loop3A_315 : vector<16xi1>, vector<16xi32>
        %parallel_loop3A_334 = arith.constant 127 : i32
        %parallel_loop3A_335 = vector.broadcast %parallel_loop3A_334 : i32 to vector<16xi32>
        %parallel_loop3A_336 = arith.addi %parallel_loop3A_324, %parallel_loop3A_335 : vector<16xi32>
        %parallel_loop3A_337 = tpu.vector_load_idx %arg6[%parallel_loop3A_336, %broadcast_in_dim3A_1] : memref<512x2xf32, #tpu.memory_space<vmem>>[vector<16xi32>, vector<16xi32>], vector<16xf32>,
        %parallel_loop3A_338 = arith.cmpf olt, %parallel_loop3A_337, %parallel_loop3A_310 : vector<16xf32>
        %parallel_loop3A_339 = arith.constant 128 : i32
        %parallel_loop3A_340 = vector.broadcast %parallel_loop3A_339 : i32 to vector<16xi32>
        %parallel_loop3A_341 = arith.addi %parallel_loop3A_324, %parallel_loop3A_340 : vector<16xi32>
        %parallel_loop3A_342 = arith.select %parallel_loop3A_338, %parallel_loop3A_341, %parallel_loop3A_324 : vector<16xi1>, vector<16xi32>
        %parallel_loop3A_343 = arith.constant 127 : i32
        %parallel_loop3A_344 = vector.broadcast %parallel_loop3A_343 : i32 to vector<16xi32>
        %parallel_loop3A_345 = arith.addi %parallel_loop3A_333, %parallel_loop3A_344 : vector<16xi32>
        %parallel_loop3A_346 = tpu.vector_load_idx %arg6[%parallel_loop3A_345, %broadcast_in_dim3A_3] : memref<512x2xf32, #tpu.memory_space<vmem>>[vector<16xi32>, vector<16xi32>], vector<16xf32>,
        %parallel_loop3A_347 = arith.cmpf olt, %parallel_loop3A_346, %parallel_loop3A_311 : vector<16xf32>
        %parallel_loop3A_348 = arith.constant 128 : i32
        %parallel_loop3A_349 = vector.broadcast %parallel_loop3A_348 : i32 to vector<16xi32>
        %parallel_loop3A_350 = arith.addi %parallel_loop3A_333, %parallel_loop3A_349 : vector<16xi32>
        %parallel_loop3A_351 = arith.select %parallel_loop3A_347, %parallel_loop3A_350, %parallel_loop3A_333 : vector<16xi1>, vector<16xi32>
        %parallel_loop3A_352 = arith.constant 63 : i32
        %parallel_loop3A_353 = vector.broadcast %parallel_loop3A_352 : i32 to vector<16xi32>
        %parallel_loop3A_354 = arith.addi %parallel_loop3A_342, %parallel_loop3A_353 : vector<16xi32>
        %parallel_loop3A_355 = tpu.vector_load_idx %arg6[%parallel_loop3A_354, %broadcast_in_dim3A_1] : memref<512x2xf32, #tpu.memory_space<vmem>>[vector<16xi32>, vector<16xi32>], vector<16xf32>,
        %parallel_loop3A_356 = arith.cmpf olt, %parallel_loop3A_355, %parallel_loop3A_310 : vector<16xf32>
        %parallel_loop3A_357 = arith.constant 64 : i32
        %parallel_loop3A_358 = vector.broadcast %parallel_loop3A_357 : i32 to vector<16xi32>
        %parallel_loop3A_359 = arith.addi %parallel_loop3A_342, %parallel_loop3A_358 : vector<16xi32>
        %parallel_loop3A_360 = arith.select %parallel_loop3A_356, %parallel_loop3A_359, %parallel_loop3A_342 : vector<16xi1>, vector<16xi32>
        %parallel_loop3A_361 = arith.constant 63 : i32
        %parallel_loop3A_362 = vector.broadcast %parallel_loop3A_361 : i32 to vector<16xi32>
        %parallel_loop3A_363 = arith.addi %parallel_loop3A_351, %parallel_loop3A_362 : vector<16xi32>
        %parallel_loop3A_364 = tpu.vector_load_idx %arg6[%parallel_loop3A_363, %broadcast_in_dim3A_3] : memref<512x2xf32, #tpu.memory_space<vmem>>[vector<16xi32>, vector<16xi32>], vector<16xf32>,
        %parallel_loop3A_365 = arith.cmpf olt, %parallel_loop3A_364, %parallel_loop3A_311 : vector<16xf32>
        %parallel_loop3A_366 = arith.constant 64 : i32
        %parallel_loop3A_367 = vector.broadcast %parallel_loop3A_366 : i32 to vector<16xi32>
        %parallel_loop3A_368 = arith.addi %parallel_loop3A_351, %parallel_loop3A_367 : vector<16xi32>
        %parallel_loop3A_369 = arith.select %parallel_loop3A_365, %parallel_loop3A_368, %parallel_loop3A_351 : vector<16xi1>, vector<16xi32>
        %parallel_loop3A_370 = arith.constant 31 : i32
        %parallel_loop3A_371 = vector.broadcast %parallel_loop3A_370 : i32 to vector<16xi32>
        %parallel_loop3A_372 = arith.addi %parallel_loop3A_360, %parallel_loop3A_371 : vector<16xi32>
        %parallel_loop3A_373 = tpu.vector_load_idx %arg6[%parallel_loop3A_372, %broadcast_in_dim3A_1] : memref<512x2xf32, #tpu.memory_space<vmem>>[vector<16xi32>, vector<16xi32>], vector<16xf32>,
        %parallel_loop3A_374 = arith.cmpf olt, %parallel_loop3A_373, %parallel_loop3A_310 : vector<16xf32>
        %parallel_loop3A_375 = arith.constant 32 : i32
        %parallel_loop3A_376 = vector.broadcast %parallel_loop3A_375 : i32 to vector<16xi32>
        %parallel_loop3A_377 = arith.addi %parallel_loop3A_360, %parallel_loop3A_376 : vector<16xi32>
        %parallel_loop3A_378 = arith.select %parallel_loop3A_374, %parallel_loop3A_377, %parallel_loop3A_360 : vector<16xi1>, vector<16xi32>
        %parallel_loop3A_379 = arith.constant 31 : i32
        %parallel_loop3A_380 = vector.broadcast %parallel_loop3A_379 : i32 to vector<16xi32>
        %parallel_loop3A_381 = arith.addi %parallel_loop3A_369, %parallel_loop3A_380 : vector<16xi32>
        %parallel_loop3A_382 = tpu.vector_load_idx %arg6[%parallel_loop3A_381, %broadcast_in_dim3A_3] : memref<512x2xf32, #tpu.memory_space<vmem>>[vector<16xi32>, vector<16xi32>], vector<16xf32>,
        %parallel_loop3A_383 = arith.cmpf olt, %parallel_loop3A_382, %parallel_loop3A_311 : vector<16xf32>
        %parallel_loop3A_384 = arith.constant 32 : i32
        %parallel_loop3A_385 = vector.broadcast %parallel_loop3A_384 : i32 to vector<16xi32>
        %parallel_loop3A_386 = arith.addi %parallel_loop3A_369, %parallel_loop3A_385 : vector<16xi32>
        %parallel_loop3A_387 = arith.select %parallel_loop3A_383, %parallel_loop3A_386, %parallel_loop3A_369 : vector<16xi1>, vector<16xi32>
        %parallel_loop3A_388 = arith.constant 15 : i32
        %parallel_loop3A_389 = vector.broadcast %parallel_loop3A_388 : i32 to vector<16xi32>
        %parallel_loop3A_390 = arith.addi %parallel_loop3A_378, %parallel_loop3A_389 : vector<16xi32>
        %parallel_loop3A_391 = tpu.vector_load_idx %arg6[%parallel_loop3A_390, %broadcast_in_dim3A_1] : memref<512x2xf32, #tpu.memory_space<vmem>>[vector<16xi32>, vector<16xi32>], vector<16xf32>,
        %parallel_loop3A_392 = arith.cmpf olt, %parallel_loop3A_391, %parallel_loop3A_310 : vector<16xf32>
        %parallel_loop3A_393 = arith.constant 16 : i32
        %parallel_loop3A_394 = vector.broadcast %parallel_loop3A_393 : i32 to vector<16xi32>
        %parallel_loop3A_395 = arith.addi %parallel_loop3A_378, %parallel_loop3A_394 : vector<16xi32>
        %parallel_loop3A_396 = arith.select %parallel_loop3A_392, %parallel_loop3A_395, %parallel_loop3A_378 : vector<16xi1>, vector<16xi32>
        %parallel_loop3A_397 = arith.constant 15 : i32
        %parallel_loop3A_398 = vector.broadcast %parallel_loop3A_397 : i32 to vector<16xi32>
        %parallel_loop3A_399 = arith.addi %parallel_loop3A_387, %parallel_loop3A_398 : vector<16xi32>
        %parallel_loop3A_400 = tpu.vector_load_idx %arg6[%parallel_loop3A_399, %broadcast_in_dim3A_3] : memref<512x2xf32, #tpu.memory_space<vmem>>[vector<16xi32>, vector<16xi32>], vector<16xf32>,
        %parallel_loop3A_401 = arith.cmpf olt, %parallel_loop3A_400, %parallel_loop3A_311 : vector<16xf32>
        %parallel_loop3A_402 = arith.constant 16 : i32
        %parallel_loop3A_403 = vector.broadcast %parallel_loop3A_402 : i32 to vector<16xi32>
        %parallel_loop3A_404 = arith.addi %parallel_loop3A_387, %parallel_loop3A_403 : vector<16xi32>
        %parallel_loop3A_405 = arith.select %parallel_loop3A_401, %parallel_loop3A_404, %parallel_loop3A_387 : vector<16xi1>, vector<16xi32>
        %parallel_loop3A_406 = arith.constant 7 : i32
        %parallel_loop3A_407 = vector.broadcast %parallel_loop3A_406 : i32 to vector<16xi32>
        %parallel_loop3A_408 = arith.addi %parallel_loop3A_396, %parallel_loop3A_407 : vector<16xi32>
        %parallel_loop3A_409 = tpu.vector_load_idx %arg6[%parallel_loop3A_408, %broadcast_in_dim3A_1] : memref<512x2xf32, #tpu.memory_space<vmem>>[vector<16xi32>, vector<16xi32>], vector<16xf32>,
        %parallel_loop3A_410 = arith.cmpf olt, %parallel_loop3A_409, %parallel_loop3A_310 : vector<16xf32>
        %parallel_loop3A_411 = arith.constant 8 : i32
        %parallel_loop3A_412 = vector.broadcast %parallel_loop3A_411 : i32 to vector<16xi32>
        %parallel_loop3A_413 = arith.addi %parallel_loop3A_396, %parallel_loop3A_412 : vector<16xi32>
        %parallel_loop3A_414 = arith.select %parallel_loop3A_410, %parallel_loop3A_413, %parallel_loop3A_396 : vector<16xi1>, vector<16xi32>
        %parallel_loop3A_415 = arith.constant 7 : i32
        %parallel_loop3A_416 = vector.broadcast %parallel_loop3A_415 : i32 to vector<16xi32>
        %parallel_loop3A_417 = arith.addi %parallel_loop3A_405, %parallel_loop3A_416 : vector<16xi32>
        %parallel_loop3A_418 = tpu.vector_load_idx %arg6[%parallel_loop3A_417, %broadcast_in_dim3A_3] : memref<512x2xf32, #tpu.memory_space<vmem>>[vector<16xi32>, vector<16xi32>], vector<16xf32>,
        %parallel_loop3A_419 = arith.cmpf olt, %parallel_loop3A_418, %parallel_loop3A_311 : vector<16xf32>
        %parallel_loop3A_420 = arith.constant 8 : i32
        %parallel_loop3A_421 = vector.broadcast %parallel_loop3A_420 : i32 to vector<16xi32>
        %parallel_loop3A_422 = arith.addi %parallel_loop3A_405, %parallel_loop3A_421 : vector<16xi32>
        %parallel_loop3A_423 = arith.select %parallel_loop3A_419, %parallel_loop3A_422, %parallel_loop3A_405 : vector<16xi1>, vector<16xi32>
        %parallel_loop3A_424 = arith.constant 3 : i32
        %parallel_loop3A_425 = vector.broadcast %parallel_loop3A_424 : i32 to vector<16xi32>
        %parallel_loop3A_426 = arith.addi %parallel_loop3A_414, %parallel_loop3A_425 : vector<16xi32>
        %parallel_loop3A_427 = tpu.vector_load_idx %arg6[%parallel_loop3A_426, %broadcast_in_dim3A_1] : memref<512x2xf32, #tpu.memory_space<vmem>>[vector<16xi32>, vector<16xi32>], vector<16xf32>,
        %parallel_loop3A_428 = arith.cmpf olt, %parallel_loop3A_427, %parallel_loop3A_310 : vector<16xf32>
        %parallel_loop3A_429 = arith.constant 4 : i32
        %parallel_loop3A_430 = vector.broadcast %parallel_loop3A_429 : i32 to vector<16xi32>
        %parallel_loop3A_431 = arith.addi %parallel_loop3A_414, %parallel_loop3A_430 : vector<16xi32>
        %parallel_loop3A_432 = arith.select %parallel_loop3A_428, %parallel_loop3A_431, %parallel_loop3A_414 : vector<16xi1>, vector<16xi32>
        %parallel_loop3A_433 = arith.constant 3 : i32
        %parallel_loop3A_434 = vector.broadcast %parallel_loop3A_433 : i32 to vector<16xi32>
        %parallel_loop3A_435 = arith.addi %parallel_loop3A_423, %parallel_loop3A_434 : vector<16xi32>
        %parallel_loop3A_436 = tpu.vector_load_idx %arg6[%parallel_loop3A_435, %broadcast_in_dim3A_3] : memref<512x2xf32, #tpu.memory_space<vmem>>[vector<16xi32>, vector<16xi32>], vector<16xf32>,
        %parallel_loop3A_437 = arith.cmpf olt, %parallel_loop3A_436, %parallel_loop3A_311 : vector<16xf32>
        %parallel_loop3A_438 = arith.constant 4 : i32
        %parallel_loop3A_439 = vector.broadcast %parallel_loop3A_438 : i32 to vector<16xi32>
        %parallel_loop3A_440 = arith.addi %parallel_loop3A_423, %parallel_loop3A_439 : vector<16xi32>
        %parallel_loop3A_441 = arith.select %parallel_loop3A_437, %parallel_loop3A_440, %parallel_loop3A_423 : vector<16xi1>, vector<16xi32>
        %parallel_loop3A_442 = arith.constant 1 : i32
        %parallel_loop3A_443 = vector.broadcast %parallel_loop3A_442 : i32 to vector<16xi32>
        %parallel_loop3A_444 = arith.addi %parallel_loop3A_432, %parallel_loop3A_443 : vector<16xi32>
        %parallel_loop3A_445 = tpu.vector_load_idx %arg6[%parallel_loop3A_444, %broadcast_in_dim3A_1] : memref<512x2xf32, #tpu.memory_space<vmem>>[vector<16xi32>, vector<16xi32>], vector<16xf32>,
        %parallel_loop3A_446 = arith.cmpf olt, %parallel_loop3A_445, %parallel_loop3A_310 : vector<16xf32>
        %parallel_loop3A_447 = arith.constant 2 : i32
        %parallel_loop3A_448 = vector.broadcast %parallel_loop3A_447 : i32 to vector<16xi32>
        %parallel_loop3A_449 = arith.addi %parallel_loop3A_432, %parallel_loop3A_448 : vector<16xi32>
        %parallel_loop3A_450 = arith.select %parallel_loop3A_446, %parallel_loop3A_449, %parallel_loop3A_432 : vector<16xi1>, vector<16xi32>
        %parallel_loop3A_451 = arith.constant 1 : i32
        %parallel_loop3A_452 = vector.broadcast %parallel_loop3A_451 : i32 to vector<16xi32>
        %parallel_loop3A_453 = arith.addi %parallel_loop3A_441, %parallel_loop3A_452 : vector<16xi32>
        %parallel_loop3A_454 = tpu.vector_load_idx %arg6[%parallel_loop3A_453, %broadcast_in_dim3A_3] : memref<512x2xf32, #tpu.memory_space<vmem>>[vector<16xi32>, vector<16xi32>], vector<16xf32>,
        %parallel_loop3A_455 = arith.cmpf olt, %parallel_loop3A_454, %parallel_loop3A_311 : vector<16xf32>
        %parallel_loop3A_456 = arith.constant 2 : i32
        %parallel_loop3A_457 = vector.broadcast %parallel_loop3A_456 : i32 to vector<16xi32>
        %parallel_loop3A_458 = arith.addi %parallel_loop3A_441, %parallel_loop3A_457 : vector<16xi32>
        %parallel_loop3A_459 = arith.select %parallel_loop3A_455, %parallel_loop3A_458, %parallel_loop3A_441 : vector<16xi1>, vector<16xi32>
        %parallel_loop3A_460 = arith.constant 0 : i32
        %parallel_loop3A_461 = vector.broadcast %parallel_loop3A_460 : i32 to vector<16xi32>
        %parallel_loop3A_462 = arith.addi %parallel_loop3A_450, %parallel_loop3A_461 : vector<16xi32>
        %parallel_loop3A_463 = tpu.vector_load_idx %arg6[%parallel_loop3A_462, %broadcast_in_dim3A_1] : memref<512x2xf32, #tpu.memory_space<vmem>>[vector<16xi32>, vector<16xi32>], vector<16xf32>,
        %parallel_loop3A_464 = arith.cmpf olt, %parallel_loop3A_463, %parallel_loop3A_310 : vector<16xf32>
        %parallel_loop3A_465 = arith.constant 1 : i32
        %parallel_loop3A_466 = vector.broadcast %parallel_loop3A_465 : i32 to vector<16xi32>
        %parallel_loop3A_467 = arith.addi %parallel_loop3A_450, %parallel_loop3A_466 : vector<16xi32>
        %parallel_loop3A_468 = arith.select %parallel_loop3A_464, %parallel_loop3A_467, %parallel_loop3A_450 : vector<16xi1>, vector<16xi32>
        %parallel_loop3A_469 = arith.constant 0 : i32
        %parallel_loop3A_470 = vector.broadcast %parallel_loop3A_469 : i32 to vector<16xi32>
        %parallel_loop3A_471 = arith.addi %parallel_loop3A_459, %parallel_loop3A_470 : vector<16xi32>
        %parallel_loop3A_472 = tpu.vector_load_idx %arg6[%parallel_loop3A_471, %broadcast_in_dim3A_3] : memref<512x2xf32, #tpu.memory_space<vmem>>[vector<16xi32>, vector<16xi32>], vector<16xf32>,
        %parallel_loop3A_473 = arith.cmpf olt, %parallel_loop3A_472, %parallel_loop3A_311 : vector<16xf32>
        %parallel_loop3A_474 = arith.constant 1 : i32
        %parallel_loop3A_475 = vector.broadcast %parallel_loop3A_474 : i32 to vector<16xi32>
        %parallel_loop3A_476 = arith.addi %parallel_loop3A_459, %parallel_loop3A_475 : vector<16xi32>
        %parallel_loop3A_477 = arith.select %parallel_loop3A_473, %parallel_loop3A_476, %parallel_loop3A_459 : vector<16xi1>, vector<16xi32>
        %parallel_loop3A_478 = arith.constant 1 : i32
        %parallel_loop3A_479 = vector.broadcast %parallel_loop3A_478 : i32 to vector<16xi32>
        %parallel_loop3A_480 = arith.subi %parallel_loop3A_468, %parallel_loop3A_479 : vector<16xi32>
        %parallel_loop3A_481 = arith.constant 0 : i32
        %parallel_loop3A_482 = arith.constant 510 : i32
        %parallel_loop3A_483 = vector.broadcast %parallel_loop3A_481 : i32 to vector<16xi32>
        %parallel_loop3A_484 = arith.maxsi %parallel_loop3A_483, %parallel_loop3A_480 : vector<16xi32>
        %parallel_loop3A_485 = vector.broadcast %parallel_loop3A_482 : i32 to vector<16xi32>
        %parallel_loop3A_486 = arith.minsi %parallel_loop3A_485, %parallel_loop3A_484 : vector<16xi32>
        %parallel_loop3A_487 = arith.constant 1 : i32
        %parallel_loop3A_488 = vector.broadcast %parallel_loop3A_487 : i32 to vector<16xi32>
        %parallel_loop3A_489 = arith.subi %parallel_loop3A_477, %parallel_loop3A_488 : vector<16xi32>
        %parallel_loop3A_490 = arith.constant 0 : i32
        %parallel_loop3A_491 = arith.constant 510 : i32
        %parallel_loop3A_492 = vector.broadcast %parallel_loop3A_490 : i32 to vector<16xi32>
        %parallel_loop3A_493 = arith.maxsi %parallel_loop3A_492, %parallel_loop3A_489 : vector<16xi32>
        %parallel_loop3A_494 = vector.broadcast %parallel_loop3A_491 : i32 to vector<16xi32>
        %parallel_loop3A_495 = arith.minsi %parallel_loop3A_494, %parallel_loop3A_493 : vector<16xi32>
        %parallel_loop3A_496 = tpu.vector_load_idx %arg6[%parallel_loop3A_486, %broadcast_in_dim3A_1] : memref<512x2xf32, #tpu.memory_space<vmem>>[vector<16xi32>, vector<16xi32>], vector<16xf32>,
        %parallel_loop3A_497 = arith.subf %parallel_loop3A_310, %parallel_loop3A_496 : vector<16xf32>
        %parallel_loop3A_498 = tpu.vector_load_idx %arg6[%parallel_loop3A_495, %broadcast_in_dim3A_3] : memref<512x2xf32, #tpu.memory_space<vmem>>[vector<16xi32>, vector<16xi32>], vector<16xf32>,
        %parallel_loop3A_499 = arith.subf %parallel_loop3A_311, %parallel_loop3A_498 : vector<16xf32>
        %parallel_loop3A_500 = arith.constant 16 : i32
        %parallel_loop3A_501 = arith.muli %parallel_loop3A_305, %parallel_loop3A_500 : i32
        %parallel_loop3A_502 = arith.index_cast %parallel_loop3A_501 : i32 to index
        %parallel_loop3A_503 = tpu.vector_load %arg8[%parallel_loop3A_502] {strides = array<i32>} : memref<2048xf32, #tpu.memory_space<vmem>>, vector<16xf32>,
        tpu.vector_store %arg8[%parallel_loop3A_502], %parallel_loop3A_497 {strides = array<i32>} : memref<2048xf32, #tpu.memory_space<vmem>>, vector<16xf32>,
        %parallel_loop3A_504 = arith.constant 16 : i32
        %parallel_loop3A_505 = arith.muli %parallel_loop3A_305, %parallel_loop3A_504 : i32
        %parallel_loop3A_506 = arith.index_cast %parallel_loop3A_505 : i32 to index
        %parallel_loop3A_507 = tpu.vector_load %arg9[%parallel_loop3A_506] {strides = array<i32>} : memref<2048xf32, #tpu.memory_space<vmem>>, vector<16xf32>,
        tpu.vector_store %arg9[%parallel_loop3A_506], %parallel_loop3A_499 {strides = array<i32>} : memref<2048xf32, #tpu.memory_space<vmem>>, vector<16xf32>,
        %parallel_loop3A_508 = arith.constant 511 : i32
        %parallel_loop3A_509 = vector.broadcast %parallel_loop3A_508 : i32 to vector<16xi32>
        %parallel_loop3A_510 = arith.muli %parallel_loop3A_486, %parallel_loop3A_509 : vector<16xi32>
        %parallel_loop3A_511 = arith.addi %parallel_loop3A_510, %parallel_loop3A_495 : vector<16xi32>
        %parallel_loop3A_512 = arith.constant 16 : i32
        %parallel_loop3A_513 = arith.muli %parallel_loop3A_305, %parallel_loop3A_512 : i32
        %parallel_loop3A_514 = arith.index_cast %parallel_loop3A_513 : i32 to index
        %parallel_loop3A_515 = tpu.vector_load %arg10[%parallel_loop3A_514] {strides = array<i32>} : memref<2048xi32, #tpu.memory_space<vmem>>, vector<16xi32>,
        tpu.vector_store %arg10[%parallel_loop3A_514], %parallel_loop3A_511 {strides = array<i32>} : memref<2048xi32, #tpu.memory_space<vmem>>, vector<16xi32>,
      } {sc.loop_unroll_factor = 4 : i64, sc.parallel_access}
      %dma_start3A = arith.constant 0 : i32
      %dma_start3A_47 = arith.constant 0 : i32
      %dma_start3A_48 = tpu.memref_slice %arg11[%dma_start3A, %dma_start3A_47] : memref<2048x48xf32, #tpu.memory_space<vmem>> -> memref<128x48xf32, #tpu.memory_space<vmem>>
      %dma_start3A_49 = arith.constant 0 : i32
      %dma_start3A_50 = tpu.memref_slice %arg10[%dma_start3A_49] : memref<2048xi32, #tpu.memory_space<vmem>> -> memref<128xi32, #tpu.memory_space<vmem>>
      %dma_start3A_51 = arith.constant 0 : i32
      %dma_start3A_52 = arith.constant 0 : i32
      %dma_start3A_53 = tpu.memref_slice %arg4[%dma_start3A_51, %dma_start3A_52] : memref<261121x48xf32, #tpu.memory_space<hbm>> -> memref<261121x48xf32, #tpu.memory_space<hbm>>
      tpu.enqueue_indirect_dma source(%dma_start3A_53 : memref<261121x48xf32, #tpu.memory_space<hbm>>) target(%dma_start3A_48 : memref<128x48xf32, #tpu.memory_space<vmem>>) offsets(%dma_start3A_50 : memref<128xi32, #tpu.memory_space<vmem>>) semaphore(%arg13 : memref<!tpu.dma_semaphore, #tpu.memory_space<semaphore_mem>>)
      %dma_start3A_54 = arith.constant 128 : i32
      %dma_start3A_55 = arith.constant 0 : i32
      %dma_start3A_56 = tpu.memref_slice %arg11[%dma_start3A_54, %dma_start3A_55] : memref<2048x48xf32, #tpu.memory_space<vmem>> -> memref<128x48xf32, #tpu.memory_space<vmem>>
      %dma_start3A_57 = arith.constant 128 : i32
      %dma_start3A_58 = tpu.memref_slice %arg10[%dma_start3A_57] : memref<2048xi32, #tpu.memory_space<vmem>> -> memref<128xi32, #tpu.memory_space<vmem>>
      %dma_start3A_59 = arith.constant 0 : i32
      %dma_start3A_60 = arith.constant 0 : i32
      %dma_start3A_61 = tpu.memref_slice %arg4[%dma_start3A_59, %dma_start3A_60] : memref<261121x48xf32, #tpu.memory_space<hbm>> -> memref<261121x48xf32, #tpu.memory_space<hbm>>
      tpu.enqueue_indirect_dma source(%dma_start3A_61 : memref<261121x48xf32, #tpu.memory_space<hbm>>) target(%dma_start3A_56 : memref<128x48xf32, #tpu.memory_space<vmem>>) offsets(%dma_start3A_58 : memref<128xi32, #tpu.memory_space<vmem>>) semaphore(%arg13 : memref<!tpu.dma_semaphore, #tpu.memory_space<semaphore_mem>>)
      %dma_start3A_62 = arith.constant 256 : i32
      %dma_start3A_63 = arith.constant 0 : i32
      %dma_start3A_64 = tpu.memref_slice %arg11[%dma_start3A_62, %dma_start3A_63] : memref<2048x48xf32, #tpu.memory_space<vmem>> -> memref<128x48xf32, #tpu.memory_space<vmem>>
      %dma_start3A_65 = arith.constant 256 : i32
      %dma_start3A_66 = tpu.memref_slice %arg10[%dma_start3A_65] : memref<2048xi32, #tpu.memory_space<vmem>> -> memref<128xi32, #tpu.memory_space<vmem>>
      %dma_start3A_67 = arith.constant 0 : i32
      %dma_start3A_68 = arith.constant 0 : i32
      %dma_start3A_69 = tpu.memref_slice %arg4[%dma_start3A_67, %dma_start3A_68] : memref<261121x48xf32, #tpu.memory_space<hbm>> -> memref<261121x48xf32, #tpu.memory_space<hbm>>
      tpu.enqueue_indirect_dma source(%dma_start3A_69 : memref<261121x48xf32, #tpu.memory_space<hbm>>) target(%dma_start3A_64 : memref<128x48xf32, #tpu.memory_space<vmem>>) offsets(%dma_start3A_66 : memref<128xi32, #tpu.memory_space<vmem>>) semaphore(%arg13 : memref<!tpu.dma_semaphore, #tpu.memory_space<semaphore_mem>>)
      %dma_start3A_70 = arith.constant 384 : i32
      %dma_start3A_71 = arith.constant 0 : i32
      %dma_start3A_72 = tpu.memref_slice %arg11[%dma_start3A_70, %dma_start3A_71] : memref<2048x48xf32, #tpu.memory_space<vmem>> -> memref<128x48xf32, #tpu.memory_space<vmem>>
      %dma_start3A_73 = arith.constant 384 : i32
      %dma_start3A_74 = tpu.memref_slice %arg10[%dma_start3A_73] : memref<2048xi32, #tpu.memory_space<vmem>> -> memref<128xi32, #tpu.memory_space<vmem>>
      %dma_start3A_75 = arith.constant 0 : i32
      %dma_start3A_76 = arith.constant 0 : i32
      %dma_start3A_77 = tpu.memref_slice %arg4[%dma_start3A_75, %dma_start3A_76] : memref<261121x48xf32, #tpu.memory_space<hbm>> -> memref<261121x48xf32, #tpu.memory_space<hbm>>
      tpu.enqueue_indirect_dma source(%dma_start3A_77 : memref<261121x48xf32, #tpu.memory_space<hbm>>) target(%dma_start3A_72 : memref<128x48xf32, #tpu.memory_space<vmem>>) offsets(%dma_start3A_74 : memref<128xi32, #tpu.memory_space<vmem>>) semaphore(%arg13 : memref<!tpu.dma_semaphore, #tpu.memory_space<semaphore_mem>>)
      %dma_start3A_78 = arith.constant 512 : i32
      %dma_start3A_79 = arith.constant 0 : i32
      %dma_start3A_80 = tpu.memref_slice %arg11[%dma_start3A_78, %dma_start3A_79] : memref<2048x48xf32, #tpu.memory_space<vmem>> -> memref<128x48xf32, #tpu.memory_space<vmem>>
      %dma_start3A_81 = arith.constant 512 : i32
      %dma_start3A_82 = tpu.memref_slice %arg10[%dma_start3A_81] : memref<2048xi32, #tpu.memory_space<vmem>> -> memref<128xi32, #tpu.memory_space<vmem>>
      %dma_start3A_83 = arith.constant 0 : i32
      %dma_start3A_84 = arith.constant 0 : i32
      %dma_start3A_85 = tpu.memref_slice %arg4[%dma_start3A_83, %dma_start3A_84] : memref<261121x48xf32, #tpu.memory_space<hbm>> -> memref<261121x48xf32, #tpu.memory_space<hbm>>
      tpu.enqueue_indirect_dma source(%dma_start3A_85 : memref<261121x48xf32, #tpu.memory_space<hbm>>) target(%dma_start3A_80 : memref<128x48xf32, #tpu.memory_space<vmem>>) offsets(%dma_start3A_82 : memref<128xi32, #tpu.memory_space<vmem>>) semaphore(%arg13 : memref<!tpu.dma_semaphore, #tpu.memory_space<semaphore_mem>>)
      %dma_start3A_86 = arith.constant 640 : i32
      %dma_start3A_87 = arith.constant 0 : i32
      %dma_start3A_88 = tpu.memref_slice %arg11[%dma_start3A_86, %dma_start3A_87] : memref<2048x48xf32, #tpu.memory_space<vmem>> -> memref<128x48xf32, #tpu.memory_space<vmem>>
      %dma_start3A_89 = arith.constant 640 : i32
      %dma_start3A_90 = tpu.memref_slice %arg10[%dma_start3A_89] : memref<2048xi32, #tpu.memory_space<vmem>> -> memref<128xi32, #tpu.memory_space<vmem>>
      %dma_start3A_91 = arith.constant 0 : i32
      %dma_start3A_92 = arith.constant 0 : i32
      %dma_start3A_93 = tpu.memref_slice %arg4[%dma_start3A_91, %dma_start3A_92] : memref<261121x48xf32, #tpu.memory_space<hbm>> -> memref<261121x48xf32, #tpu.memory_space<hbm>>
      tpu.enqueue_indirect_dma source(%dma_start3A_93 : memref<261121x48xf32, #tpu.memory_space<hbm>>) target(%dma_start3A_88 : memref<128x48xf32, #tpu.memory_space<vmem>>) offsets(%dma_start3A_90 : memref<128xi32, #tpu.memory_space<vmem>>) semaphore(%arg13 : memref<!tpu.dma_semaphore, #tpu.memory_space<semaphore_mem>>)
      %dma_start3A_94 = arith.constant 768 : i32
      %dma_start3A_95 = arith.constant 0 : i32
      %dma_start3A_96 = tpu.memref_slice %arg11[%dma_start3A_94, %dma_start3A_95] : memref<2048x48xf32, #tpu.memory_space<vmem>> -> memref<128x48xf32, #tpu.memory_space<vmem>>
      %dma_start3A_97 = arith.constant 768 : i32
      %dma_start3A_98 = tpu.memref_slice %arg10[%dma_start3A_97] : memref<2048xi32, #tpu.memory_space<vmem>> -> memref<128xi32, #tpu.memory_space<vmem>>
      %dma_start3A_99 = arith.constant 0 : i32
      %dma_start3A_100 = arith.constant 0 : i32
      %dma_start3A_101 = tpu.memref_slice %arg4[%dma_start3A_99, %dma_start3A_100] : memref<261121x48xf32, #tpu.memory_space<hbm>> -> memref<261121x48xf32, #tpu.memory_space<hbm>>
      tpu.enqueue_indirect_dma source(%dma_start3A_101 : memref<261121x48xf32, #tpu.memory_space<hbm>>) target(%dma_start3A_96 : memref<128x48xf32, #tpu.memory_space<vmem>>) offsets(%dma_start3A_98 : memref<128xi32, #tpu.memory_space<vmem>>) semaphore(%arg13 : memref<!tpu.dma_semaphore, #tpu.memory_space<semaphore_mem>>)
      %dma_start3A_102 = arith.constant 896 : i32
      %dma_start3A_103 = arith.constant 0 : i32
      %dma_start3A_104 = tpu.memref_slice %arg11[%dma_start3A_102, %dma_start3A_103] : memref<2048x48xf32, #tpu.memory_space<vmem>> -> memref<128x48xf32, #tpu.memory_space<vmem>>
      %dma_start3A_105 = arith.constant 896 : i32
      %dma_start3A_106 = tpu.memref_slice %arg10[%dma_start3A_105] : memref<2048xi32, #tpu.memory_space<vmem>> -> memref<128xi32, #tpu.memory_space<vmem>>
      %dma_start3A_107 = arith.constant 0 : i32
      %dma_start3A_108 = arith.constant 0 : i32
      %dma_start3A_109 = tpu.memref_slice %arg4[%dma_start3A_107, %dma_start3A_108] : memref<261121x48xf32, #tpu.memory_space<hbm>> -> memref<261121x48xf32, #tpu.memory_space<hbm>>
      tpu.enqueue_indirect_dma source(%dma_start3A_109 : memref<261121x48xf32, #tpu.memory_space<hbm>>) target(%dma_start3A_104 : memref<128x48xf32, #tpu.memory_space<vmem>>) offsets(%dma_start3A_106 : memref<128xi32, #tpu.memory_space<vmem>>) semaphore(%arg13 : memref<!tpu.dma_semaphore, #tpu.memory_space<semaphore_mem>>)
      %dma_start3A_110 = arith.constant 1024 : i32
      %dma_start3A_111 = arith.constant 0 : i32
      %dma_start3A_112 = tpu.memref_slice %arg11[%dma_start3A_110, %dma_start3A_111] : memref<2048x48xf32, #tpu.memory_space<vmem>> -> memref<128x48xf32, #tpu.memory_space<vmem>>
      %dma_start3A_113 = arith.constant 1024 : i32
      %dma_start3A_114 = tpu.memref_slice %arg10[%dma_start3A_113] : memref<2048xi32, #tpu.memory_space<vmem>> -> memref<128xi32, #tpu.memory_space<vmem>>
      %dma_start3A_115 = arith.constant 0 : i32
      %dma_start3A_116 = arith.constant 0 : i32
      %dma_start3A_117 = tpu.memref_slice %arg4[%dma_start3A_115, %dma_start3A_116] : memref<261121x48xf32, #tpu.memory_space<hbm>> -> memref<261121x48xf32, #tpu.memory_space<hbm>>
      tpu.enqueue_indirect_dma source(%dma_start3A_117 : memref<261121x48xf32, #tpu.memory_space<hbm>>) target(%dma_start3A_112 : memref<128x48xf32, #tpu.memory_space<vmem>>) offsets(%dma_start3A_114 : memref<128xi32, #tpu.memory_space<vmem>>) semaphore(%arg13 : memref<!tpu.dma_semaphore, #tpu.memory_space<semaphore_mem>>)
      %dma_start3A_118 = arith.constant 1152 : i32
      %dma_start3A_119 = arith.constant 0 : i32
      %dma_start3A_120 = tpu.memref_slice %arg11[%dma_start3A_118, %dma_start3A_119] : memref<2048x48xf32, #tpu.memory_space<vmem>> -> memref<128x48xf32, #tpu.memory_space<vmem>>
      %dma_start3A_121 = arith.constant 1152 : i32
      %dma_start3A_122 = tpu.memref_slice %arg10[%dma_start3A_121] : memref<2048xi32, #tpu.memory_space<vmem>> -> memref<128xi32, #tpu.memory_space<vmem>>
      %dma_start3A_123 = arith.constant 0 : i32
      %dma_start3A_124 = arith.constant 0 : i32
      %dma_start3A_125 = tpu.memref_slice %arg4[%dma_start3A_123, %dma_start3A_124] : memref<261121x48xf32, #tpu.memory_space<hbm>> -> memref<261121x48xf32, #tpu.memory_space<hbm>>
      tpu.enqueue_indirect_dma source(%dma_start3A_125 : memref<261121x48xf32, #tpu.memory_space<hbm>>) target(%dma_start3A_120 : memref<128x48xf32, #tpu.memory_space<vmem>>) offsets(%dma_start3A_122 : memref<128xi32, #tpu.memory_space<vmem>>) semaphore(%arg13 : memref<!tpu.dma_semaphore, #tpu.memory_space<semaphore_mem>>)
      %dma_start3A_126 = arith.constant 1280 : i32
      %dma_start3A_127 = arith.constant 0 : i32
      %dma_start3A_128 = tpu.memref_slice %arg11[%dma_start3A_126, %dma_start3A_127] : memref<2048x48xf32, #tpu.memory_space<vmem>> -> memref<128x48xf32, #tpu.memory_space<vmem>>
      %dma_start3A_129 = arith.constant 1280 : i32
      %dma_start3A_130 = tpu.memref_slice %arg10[%dma_start3A_129] : memref<2048xi32, #tpu.memory_space<vmem>> -> memref<128xi32, #tpu.memory_space<vmem>>
      %dma_start3A_131 = arith.constant 0 : i32
      %dma_start3A_132 = arith.constant 0 : i32
      %dma_start3A_133 = tpu.memref_slice %arg4[%dma_start3A_131, %dma_start3A_132] : memref<261121x48xf32, #tpu.memory_space<hbm>> -> memref<261121x48xf32, #tpu.memory_space<hbm>>
      tpu.enqueue_indirect_dma source(%dma_start3A_133 : memref<261121x48xf32, #tpu.memory_space<hbm>>) target(%dma_start3A_128 : memref<128x48xf32, #tpu.memory_space<vmem>>) offsets(%dma_start3A_130 : memref<128xi32, #tpu.memory_space<vmem>>) semaphore(%arg13 : memref<!tpu.dma_semaphore, #tpu.memory_space<semaphore_mem>>)
      %dma_start3A_134 = arith.constant 1408 : i32
      %dma_start3A_135 = arith.constant 0 : i32
      %dma_start3A_136 = tpu.memref_slice %arg11[%dma_start3A_134, %dma_start3A_135] : memref<2048x48xf32, #tpu.memory_space<vmem>> -> memref<128x48xf32, #tpu.memory_space<vmem>>
      %dma_start3A_137 = arith.constant 1408 : i32
      %dma_start3A_138 = tpu.memref_slice %arg10[%dma_start3A_137] : memref<2048xi32, #tpu.memory_space<vmem>> -> memref<128xi32, #tpu.memory_space<vmem>>
      %dma_start3A_139 = arith.constant 0 : i32
      %dma_start3A_140 = arith.constant 0 : i32
      %dma_start3A_141 = tpu.memref_slice %arg4[%dma_start3A_139, %dma_start3A_140] : memref<261121x48xf32, #tpu.memory_space<hbm>> -> memref<261121x48xf32, #tpu.memory_space<hbm>>
      tpu.enqueue_indirect_dma source(%dma_start3A_141 : memref<261121x48xf32, #tpu.memory_space<hbm>>) target(%dma_start3A_136 : memref<128x48xf32, #tpu.memory_space<vmem>>) offsets(%dma_start3A_138 : memref<128xi32, #tpu.memory_space<vmem>>) semaphore(%arg13 : memref<!tpu.dma_semaphore, #tpu.memory_space<semaphore_mem>>)
      %dma_start3A_142 = arith.constant 1536 : i32
      %dma_start3A_143 = arith.constant 0 : i32
      %dma_start3A_144 = tpu.memref_slice %arg11[%dma_start3A_142, %dma_start3A_143] : memref<2048x48xf32, #tpu.memory_space<vmem>> -> memref<128x48xf32, #tpu.memory_space<vmem>>
      %dma_start3A_145 = arith.constant 1536 : i32
      %dma_start3A_146 = tpu.memref_slice %arg10[%dma_start3A_145] : memref<2048xi32, #tpu.memory_space<vmem>> -> memref<128xi32, #tpu.memory_space<vmem>>
      %dma_start3A_147 = arith.constant 0 : i32
      %dma_start3A_148 = arith.constant 0 : i32
      %dma_start3A_149 = tpu.memref_slice %arg4[%dma_start3A_147, %dma_start3A_148] : memref<261121x48xf32, #tpu.memory_space<hbm>> -> memref<261121x48xf32, #tpu.memory_space<hbm>>
      tpu.enqueue_indirect_dma source(%dma_start3A_149 : memref<261121x48xf32, #tpu.memory_space<hbm>>) target(%dma_start3A_144 : memref<128x48xf32, #tpu.memory_space<vmem>>) offsets(%dma_start3A_146 : memref<128xi32, #tpu.memory_space<vmem>>) semaphore(%arg13 : memref<!tpu.dma_semaphore, #tpu.memory_space<semaphore_mem>>)
      %dma_start3A_150 = arith.constant 1664 : i32
      %dma_start3A_151 = arith.constant 0 : i32
      %dma_start3A_152 = tpu.memref_slice %arg11[%dma_start3A_150, %dma_start3A_151] : memref<2048x48xf32, #tpu.memory_space<vmem>> -> memref<128x48xf32, #tpu.memory_space<vmem>>
      %dma_start3A_153 = arith.constant 1664 : i32
      %dma_start3A_154 = tpu.memref_slice %arg10[%dma_start3A_153] : memref<2048xi32, #tpu.memory_space<vmem>> -> memref<128xi32, #tpu.memory_space<vmem>>
      %dma_start3A_155 = arith.constant 0 : i32
      %dma_start3A_156 = arith.constant 0 : i32
      %dma_start3A_157 = tpu.memref_slice %arg4[%dma_start3A_155, %dma_start3A_156] : memref<261121x48xf32, #tpu.memory_space<hbm>> -> memref<261121x48xf32, #tpu.memory_space<hbm>>
      tpu.enqueue_indirect_dma source(%dma_start3A_157 : memref<261121x48xf32, #tpu.memory_space<hbm>>) target(%dma_start3A_152 : memref<128x48xf32, #tpu.memory_space<vmem>>) offsets(%dma_start3A_154 : memref<128xi32, #tpu.memory_space<vmem>>) semaphore(%arg13 : memref<!tpu.dma_semaphore, #tpu.memory_space<semaphore_mem>>)
      %dma_start3A_158 = arith.constant 1792 : i32
      %dma_start3A_159 = arith.constant 0 : i32
      %dma_start3A_160 = tpu.memref_slice %arg11[%dma_start3A_158, %dma_start3A_159] : memref<2048x48xf32, #tpu.memory_space<vmem>> -> memref<128x48xf32, #tpu.memory_space<vmem>>
      %dma_start3A_161 = arith.constant 1792 : i32
      %dma_start3A_162 = tpu.memref_slice %arg10[%dma_start3A_161] : memref<2048xi32, #tpu.memory_space<vmem>> -> memref<128xi32, #tpu.memory_space<vmem>>
      %dma_start3A_163 = arith.constant 0 : i32
      %dma_start3A_164 = arith.constant 0 : i32
      %dma_start3A_165 = tpu.memref_slice %arg4[%dma_start3A_163, %dma_start3A_164] : memref<261121x48xf32, #tpu.memory_space<hbm>> -> memref<261121x48xf32, #tpu.memory_space<hbm>>
      tpu.enqueue_indirect_dma source(%dma_start3A_165 : memref<261121x48xf32, #tpu.memory_space<hbm>>) target(%dma_start3A_160 : memref<128x48xf32, #tpu.memory_space<vmem>>) offsets(%dma_start3A_162 : memref<128xi32, #tpu.memory_space<vmem>>) semaphore(%arg13 : memref<!tpu.dma_semaphore, #tpu.memory_space<semaphore_mem>>)
      %dma_start3A_166 = arith.constant 1920 : i32
      %dma_start3A_167 = arith.constant 0 : i32
      %dma_start3A_168 = tpu.memref_slice %arg11[%dma_start3A_166, %dma_start3A_167] : memref<2048x48xf32, #tpu.memory_space<vmem>> -> memref<128x48xf32, #tpu.memory_space<vmem>>
      %dma_start3A_169 = arith.constant 1920 : i32
      %dma_start3A_170 = tpu.memref_slice %arg10[%dma_start3A_169] : memref<2048xi32, #tpu.memory_space<vmem>> -> memref<128xi32, #tpu.memory_space<vmem>>
      %dma_start3A_171 = arith.constant 0 : i32
      %dma_start3A_172 = arith.constant 0 : i32
      %dma_start3A_173 = tpu.memref_slice %arg4[%dma_start3A_171, %dma_start3A_172] : memref<261121x48xf32, #tpu.memory_space<hbm>> -> memref<261121x48xf32, #tpu.memory_space<hbm>>
      tpu.enqueue_indirect_dma source(%dma_start3A_173 : memref<261121x48xf32, #tpu.memory_space<hbm>>) target(%dma_start3A_168 : memref<128x48xf32, #tpu.memory_space<vmem>>) offsets(%dma_start3A_170 : memref<128xi32, #tpu.memory_space<vmem>>) semaphore(%arg13 : memref<!tpu.dma_semaphore, #tpu.memory_space<semaphore_mem>>)
      %dma_wait3A = arith.constant 0 : i32
      %dma_wait3A_174 = arith.constant 0 : i32
      %dma_wait3A_175 = tpu.memref_slice %arg11[%dma_wait3A, %dma_wait3A_174] : memref<2048x48xf32, #tpu.memory_space<vmem>> -> memref<128x48xf32, #tpu.memory_space<vmem>>
      %dma_wait3A_176 = arith.constant 0 : i32
      %dma_wait3A_177 = tpu.memref_slice %arg10[%dma_wait3A_176] : memref<2048xi32, #tpu.memory_space<vmem>> -> memref<128xi32, #tpu.memory_space<vmem>>
      %dma_wait3A_178 = arith.constant 0 : i32
      %dma_wait3A_179 = arith.constant 0 : i32
      %dma_wait3A_180 = tpu.memref_slice %arg4[%dma_wait3A_178, %dma_wait3A_179] : memref<261121x48xf32, #tpu.memory_space<hbm>> -> memref<261121x48xf32, #tpu.memory_space<hbm>>
      tpu.wait_indirect_dma semaphore(%arg13 : memref<!tpu.dma_semaphore, #tpu.memory_space<semaphore_mem>>) src(%dma_wait3A_180 : memref<261121x48xf32, #tpu.memory_space<hbm>>) dst(%dma_wait3A_175 : memref<128x48xf32, #tpu.memory_space<vmem>>)
      %dma_wait3A_181 = arith.constant 128 : i32
      %dma_wait3A_182 = arith.constant 0 : i32
      %dma_wait3A_183 = tpu.memref_slice %arg11[%dma_wait3A_181, %dma_wait3A_182] : memref<2048x48xf32, #tpu.memory_space<vmem>> -> memref<128x48xf32, #tpu.memory_space<vmem>>
      %dma_wait3A_184 = arith.constant 128 : i32
      %dma_wait3A_185 = tpu.memref_slice %arg10[%dma_wait3A_184] : memref<2048xi32, #tpu.memory_space<vmem>> -> memref<128xi32, #tpu.memory_space<vmem>>
      %dma_wait3A_186 = arith.constant 0 : i32
      %dma_wait3A_187 = arith.constant 0 : i32
      %dma_wait3A_188 = tpu.memref_slice %arg4[%dma_wait3A_186, %dma_wait3A_187] : memref<261121x48xf32, #tpu.memory_space<hbm>> -> memref<261121x48xf32, #tpu.memory_space<hbm>>
      tpu.wait_indirect_dma semaphore(%arg13 : memref<!tpu.dma_semaphore, #tpu.memory_space<semaphore_mem>>) src(%dma_wait3A_188 : memref<261121x48xf32, #tpu.memory_space<hbm>>) dst(%dma_wait3A_183 : memref<128x48xf32, #tpu.memory_space<vmem>>)
      %dma_wait3A_189 = arith.constant 256 : i32
      %dma_wait3A_190 = arith.constant 0 : i32
      %dma_wait3A_191 = tpu.memref_slice %arg11[%dma_wait3A_189, %dma_wait3A_190] : memref<2048x48xf32, #tpu.memory_space<vmem>> -> memref<128x48xf32, #tpu.memory_space<vmem>>
      %dma_wait3A_192 = arith.constant 256 : i32
      %dma_wait3A_193 = tpu.memref_slice %arg10[%dma_wait3A_192] : memref<2048xi32, #tpu.memory_space<vmem>> -> memref<128xi32, #tpu.memory_space<vmem>>
      %dma_wait3A_194 = arith.constant 0 : i32
      %dma_wait3A_195 = arith.constant 0 : i32
      %dma_wait3A_196 = tpu.memref_slice %arg4[%dma_wait3A_194, %dma_wait3A_195] : memref<261121x48xf32, #tpu.memory_space<hbm>> -> memref<261121x48xf32, #tpu.memory_space<hbm>>
      tpu.wait_indirect_dma semaphore(%arg13 : memref<!tpu.dma_semaphore, #tpu.memory_space<semaphore_mem>>) src(%dma_wait3A_196 : memref<261121x48xf32, #tpu.memory_space<hbm>>) dst(%dma_wait3A_191 : memref<128x48xf32, #tpu.memory_space<vmem>>)
      %dma_wait3A_197 = arith.constant 384 : i32
      %dma_wait3A_198 = arith.constant 0 : i32
      %dma_wait3A_199 = tpu.memref_slice %arg11[%dma_wait3A_197, %dma_wait3A_198] : memref<2048x48xf32, #tpu.memory_space<vmem>> -> memref<128x48xf32, #tpu.memory_space<vmem>>
      %dma_wait3A_200 = arith.constant 384 : i32
      %dma_wait3A_201 = tpu.memref_slice %arg10[%dma_wait3A_200] : memref<2048xi32, #tpu.memory_space<vmem>> -> memref<128xi32, #tpu.memory_space<vmem>>
      %dma_wait3A_202 = arith.constant 0 : i32
      %dma_wait3A_203 = arith.constant 0 : i32
      %dma_wait3A_204 = tpu.memref_slice %arg4[%dma_wait3A_202, %dma_wait3A_203] : memref<261121x48xf32, #tpu.memory_space<hbm>> -> memref<261121x48xf32, #tpu.memory_space<hbm>>
      tpu.wait_indirect_dma semaphore(%arg13 : memref<!tpu.dma_semaphore, #tpu.memory_space<semaphore_mem>>) src(%dma_wait3A_204 : memref<261121x48xf32, #tpu.memory_space<hbm>>) dst(%dma_wait3A_199 : memref<128x48xf32, #tpu.memory_space<vmem>>)
      %dma_wait3A_205 = arith.constant 512 : i32
      %dma_wait3A_206 = arith.constant 0 : i32
      %dma_wait3A_207 = tpu.memref_slice %arg11[%dma_wait3A_205, %dma_wait3A_206] : memref<2048x48xf32, #tpu.memory_space<vmem>> -> memref<128x48xf32, #tpu.memory_space<vmem>>
      %dma_wait3A_208 = arith.constant 512 : i32
      %dma_wait3A_209 = tpu.memref_slice %arg10[%dma_wait3A_208] : memref<2048xi32, #tpu.memory_space<vmem>> -> memref<128xi32, #tpu.memory_space<vmem>>
      %dma_wait3A_210 = arith.constant 0 : i32
      %dma_wait3A_211 = arith.constant 0 : i32
      %dma_wait3A_212 = tpu.memref_slice %arg4[%dma_wait3A_210, %dma_wait3A_211] : memref<261121x48xf32, #tpu.memory_space<hbm>> -> memref<261121x48xf32, #tpu.memory_space<hbm>>
      tpu.wait_indirect_dma semaphore(%arg13 : memref<!tpu.dma_semaphore, #tpu.memory_space<semaphore_mem>>) src(%dma_wait3A_212 : memref<261121x48xf32, #tpu.memory_space<hbm>>) dst(%dma_wait3A_207 : memref<128x48xf32, #tpu.memory_space<vmem>>)
      %dma_wait3A_213 = arith.constant 640 : i32
      %dma_wait3A_214 = arith.constant 0 : i32
      %dma_wait3A_215 = tpu.memref_slice %arg11[%dma_wait3A_213, %dma_wait3A_214] : memref<2048x48xf32, #tpu.memory_space<vmem>> -> memref<128x48xf32, #tpu.memory_space<vmem>>
      %dma_wait3A_216 = arith.constant 640 : i32
      %dma_wait3A_217 = tpu.memref_slice %arg10[%dma_wait3A_216] : memref<2048xi32, #tpu.memory_space<vmem>> -> memref<128xi32, #tpu.memory_space<vmem>>
      %dma_wait3A_218 = arith.constant 0 : i32
      %dma_wait3A_219 = arith.constant 0 : i32
      %dma_wait3A_220 = tpu.memref_slice %arg4[%dma_wait3A_218, %dma_wait3A_219] : memref<261121x48xf32, #tpu.memory_space<hbm>> -> memref<261121x48xf32, #tpu.memory_space<hbm>>
      tpu.wait_indirect_dma semaphore(%arg13 : memref<!tpu.dma_semaphore, #tpu.memory_space<semaphore_mem>>) src(%dma_wait3A_220 : memref<261121x48xf32, #tpu.memory_space<hbm>>) dst(%dma_wait3A_215 : memref<128x48xf32, #tpu.memory_space<vmem>>)
      %dma_wait3A_221 = arith.constant 768 : i32
      %dma_wait3A_222 = arith.constant 0 : i32
      %dma_wait3A_223 = tpu.memref_slice %arg11[%dma_wait3A_221, %dma_wait3A_222] : memref<2048x48xf32, #tpu.memory_space<vmem>> -> memref<128x48xf32, #tpu.memory_space<vmem>>
      %dma_wait3A_224 = arith.constant 768 : i32
      %dma_wait3A_225 = tpu.memref_slice %arg10[%dma_wait3A_224] : memref<2048xi32, #tpu.memory_space<vmem>> -> memref<128xi32, #tpu.memory_space<vmem>>
      %dma_wait3A_226 = arith.constant 0 : i32
      %dma_wait3A_227 = arith.constant 0 : i32
      %dma_wait3A_228 = tpu.memref_slice %arg4[%dma_wait3A_226, %dma_wait3A_227] : memref<261121x48xf32, #tpu.memory_space<hbm>> -> memref<261121x48xf32, #tpu.memory_space<hbm>>
      tpu.wait_indirect_dma semaphore(%arg13 : memref<!tpu.dma_semaphore, #tpu.memory_space<semaphore_mem>>) src(%dma_wait3A_228 : memref<261121x48xf32, #tpu.memory_space<hbm>>) dst(%dma_wait3A_223 : memref<128x48xf32, #tpu.memory_space<vmem>>)
      %dma_wait3A_229 = arith.constant 896 : i32
      %dma_wait3A_230 = arith.constant 0 : i32
      %dma_wait3A_231 = tpu.memref_slice %arg11[%dma_wait3A_229, %dma_wait3A_230] : memref<2048x48xf32, #tpu.memory_space<vmem>> -> memref<128x48xf32, #tpu.memory_space<vmem>>
      %dma_wait3A_232 = arith.constant 896 : i32
      %dma_wait3A_233 = tpu.memref_slice %arg10[%dma_wait3A_232] : memref<2048xi32, #tpu.memory_space<vmem>> -> memref<128xi32, #tpu.memory_space<vmem>>
      %dma_wait3A_234 = arith.constant 0 : i32
      %dma_wait3A_235 = arith.constant 0 : i32
      %dma_wait3A_236 = tpu.memref_slice %arg4[%dma_wait3A_234, %dma_wait3A_235] : memref<261121x48xf32, #tpu.memory_space<hbm>> -> memref<261121x48xf32, #tpu.memory_space<hbm>>
      tpu.wait_indirect_dma semaphore(%arg13 : memref<!tpu.dma_semaphore, #tpu.memory_space<semaphore_mem>>) src(%dma_wait3A_236 : memref<261121x48xf32, #tpu.memory_space<hbm>>) dst(%dma_wait3A_231 : memref<128x48xf32, #tpu.memory_space<vmem>>)
      %dma_wait3A_237 = arith.constant 1024 : i32
      %dma_wait3A_238 = arith.constant 0 : i32
      %dma_wait3A_239 = tpu.memref_slice %arg11[%dma_wait3A_237, %dma_wait3A_238] : memref<2048x48xf32, #tpu.memory_space<vmem>> -> memref<128x48xf32, #tpu.memory_space<vmem>>
      %dma_wait3A_240 = arith.constant 1024 : i32
      %dma_wait3A_241 = tpu.memref_slice %arg10[%dma_wait3A_240] : memref<2048xi32, #tpu.memory_space<vmem>> -> memref<128xi32, #tpu.memory_space<vmem>>
      %dma_wait3A_242 = arith.constant 0 : i32
      %dma_wait3A_243 = arith.constant 0 : i32
      %dma_wait3A_244 = tpu.memref_slice %arg4[%dma_wait3A_242, %dma_wait3A_243] : memref<261121x48xf32, #tpu.memory_space<hbm>> -> memref<261121x48xf32, #tpu.memory_space<hbm>>
      tpu.wait_indirect_dma semaphore(%arg13 : memref<!tpu.dma_semaphore, #tpu.memory_space<semaphore_mem>>) src(%dma_wait3A_244 : memref<261121x48xf32, #tpu.memory_space<hbm>>) dst(%dma_wait3A_239 : memref<128x48xf32, #tpu.memory_space<vmem>>)
      %dma_wait3A_245 = arith.constant 1152 : i32
      %dma_wait3A_246 = arith.constant 0 : i32
      %dma_wait3A_247 = tpu.memref_slice %arg11[%dma_wait3A_245, %dma_wait3A_246] : memref<2048x48xf32, #tpu.memory_space<vmem>> -> memref<128x48xf32, #tpu.memory_space<vmem>>
      %dma_wait3A_248 = arith.constant 1152 : i32
      %dma_wait3A_249 = tpu.memref_slice %arg10[%dma_wait3A_248] : memref<2048xi32, #tpu.memory_space<vmem>> -> memref<128xi32, #tpu.memory_space<vmem>>
      %dma_wait3A_250 = arith.constant 0 : i32
      %dma_wait3A_251 = arith.constant 0 : i32
      %dma_wait3A_252 = tpu.memref_slice %arg4[%dma_wait3A_250, %dma_wait3A_251] : memref<261121x48xf32, #tpu.memory_space<hbm>> -> memref<261121x48xf32, #tpu.memory_space<hbm>>
      tpu.wait_indirect_dma semaphore(%arg13 : memref<!tpu.dma_semaphore, #tpu.memory_space<semaphore_mem>>) src(%dma_wait3A_252 : memref<261121x48xf32, #tpu.memory_space<hbm>>) dst(%dma_wait3A_247 : memref<128x48xf32, #tpu.memory_space<vmem>>)
      %dma_wait3A_253 = arith.constant 1280 : i32
      %dma_wait3A_254 = arith.constant 0 : i32
      %dma_wait3A_255 = tpu.memref_slice %arg11[%dma_wait3A_253, %dma_wait3A_254] : memref<2048x48xf32, #tpu.memory_space<vmem>> -> memref<128x48xf32, #tpu.memory_space<vmem>>
      %dma_wait3A_256 = arith.constant 1280 : i32
      %dma_wait3A_257 = tpu.memref_slice %arg10[%dma_wait3A_256] : memref<2048xi32, #tpu.memory_space<vmem>> -> memref<128xi32, #tpu.memory_space<vmem>>
      %dma_wait3A_258 = arith.constant 0 : i32
      %dma_wait3A_259 = arith.constant 0 : i32
      %dma_wait3A_260 = tpu.memref_slice %arg4[%dma_wait3A_258, %dma_wait3A_259] : memref<261121x48xf32, #tpu.memory_space<hbm>> -> memref<261121x48xf32, #tpu.memory_space<hbm>>
      tpu.wait_indirect_dma semaphore(%arg13 : memref<!tpu.dma_semaphore, #tpu.memory_space<semaphore_mem>>) src(%dma_wait3A_260 : memref<261121x48xf32, #tpu.memory_space<hbm>>) dst(%dma_wait3A_255 : memref<128x48xf32, #tpu.memory_space<vmem>>)
      %dma_wait3A_261 = arith.constant 1408 : i32
      %dma_wait3A_262 = arith.constant 0 : i32
      %dma_wait3A_263 = tpu.memref_slice %arg11[%dma_wait3A_261, %dma_wait3A_262] : memref<2048x48xf32, #tpu.memory_space<vmem>> -> memref<128x48xf32, #tpu.memory_space<vmem>>
      %dma_wait3A_264 = arith.constant 1408 : i32
      %dma_wait3A_265 = tpu.memref_slice %arg10[%dma_wait3A_264] : memref<2048xi32, #tpu.memory_space<vmem>> -> memref<128xi32, #tpu.memory_space<vmem>>
      %dma_wait3A_266 = arith.constant 0 : i32
      %dma_wait3A_267 = arith.constant 0 : i32
      %dma_wait3A_268 = tpu.memref_slice %arg4[%dma_wait3A_266, %dma_wait3A_267] : memref<261121x48xf32, #tpu.memory_space<hbm>> -> memref<261121x48xf32, #tpu.memory_space<hbm>>
      tpu.wait_indirect_dma semaphore(%arg13 : memref<!tpu.dma_semaphore, #tpu.memory_space<semaphore_mem>>) src(%dma_wait3A_268 : memref<261121x48xf32, #tpu.memory_space<hbm>>) dst(%dma_wait3A_263 : memref<128x48xf32, #tpu.memory_space<vmem>>)
      %dma_wait3A_269 = arith.constant 1536 : i32
      %dma_wait3A_270 = arith.constant 0 : i32
      %dma_wait3A_271 = tpu.memref_slice %arg11[%dma_wait3A_269, %dma_wait3A_270] : memref<2048x48xf32, #tpu.memory_space<vmem>> -> memref<128x48xf32, #tpu.memory_space<vmem>>
      %dma_wait3A_272 = arith.constant 1536 : i32
      %dma_wait3A_273 = tpu.memref_slice %arg10[%dma_wait3A_272] : memref<2048xi32, #tpu.memory_space<vmem>> -> memref<128xi32, #tpu.memory_space<vmem>>
      %dma_wait3A_274 = arith.constant 0 : i32
      %dma_wait3A_275 = arith.constant 0 : i32
      %dma_wait3A_276 = tpu.memref_slice %arg4[%dma_wait3A_274, %dma_wait3A_275] : memref<261121x48xf32, #tpu.memory_space<hbm>> -> memref<261121x48xf32, #tpu.memory_space<hbm>>
      tpu.wait_indirect_dma semaphore(%arg13 : memref<!tpu.dma_semaphore, #tpu.memory_space<semaphore_mem>>) src(%dma_wait3A_276 : memref<261121x48xf32, #tpu.memory_space<hbm>>) dst(%dma_wait3A_271 : memref<128x48xf32, #tpu.memory_space<vmem>>)
      %dma_wait3A_277 = arith.constant 1664 : i32
      %dma_wait3A_278 = arith.constant 0 : i32
      %dma_wait3A_279 = tpu.memref_slice %arg11[%dma_wait3A_277, %dma_wait3A_278] : memref<2048x48xf32, #tpu.memory_space<vmem>> -> memref<128x48xf32, #tpu.memory_space<vmem>>
      %dma_wait3A_280 = arith.constant 1664 : i32
      %dma_wait3A_281 = tpu.memref_slice %arg10[%dma_wait3A_280] : memref<2048xi32, #tpu.memory_space<vmem>> -> memref<128xi32, #tpu.memory_space<vmem>>
      %dma_wait3A_282 = arith.constant 0 : i32
      %dma_wait3A_283 = arith.constant 0 : i32
      %dma_wait3A_284 = tpu.memref_slice %arg4[%dma_wait3A_282, %dma_wait3A_283] : memref<261121x48xf32, #tpu.memory_space<hbm>> -> memref<261121x48xf32, #tpu.memory_space<hbm>>
      tpu.wait_indirect_dma semaphore(%arg13 : memref<!tpu.dma_semaphore, #tpu.memory_space<semaphore_mem>>) src(%dma_wait3A_284 : memref<261121x48xf32, #tpu.memory_space<hbm>>) dst(%dma_wait3A_279 : memref<128x48xf32, #tpu.memory_space<vmem>>)
      %dma_wait3A_285 = arith.constant 1792 : i32
      %dma_wait3A_286 = arith.constant 0 : i32
      %dma_wait3A_287 = tpu.memref_slice %arg11[%dma_wait3A_285, %dma_wait3A_286] : memref<2048x48xf32, #tpu.memory_space<vmem>> -> memref<128x48xf32, #tpu.memory_space<vmem>>
      %dma_wait3A_288 = arith.constant 1792 : i32
      %dma_wait3A_289 = tpu.memref_slice %arg10[%dma_wait3A_288] : memref<2048xi32, #tpu.memory_space<vmem>> -> memref<128xi32, #tpu.memory_space<vmem>>
      %dma_wait3A_290 = arith.constant 0 : i32
      %dma_wait3A_291 = arith.constant 0 : i32
      %dma_wait3A_292 = tpu.memref_slice %arg4[%dma_wait3A_290, %dma_wait3A_291] : memref<261121x48xf32, #tpu.memory_space<hbm>> -> memref<261121x48xf32, #tpu.memory_space<hbm>>
      tpu.wait_indirect_dma semaphore(%arg13 : memref<!tpu.dma_semaphore, #tpu.memory_space<semaphore_mem>>) src(%dma_wait3A_292 : memref<261121x48xf32, #tpu.memory_space<hbm>>) dst(%dma_wait3A_287 : memref<128x48xf32, #tpu.memory_space<vmem>>)
      %dma_wait3A_293 = arith.constant 1920 : i32
      %dma_wait3A_294 = arith.constant 0 : i32
      %dma_wait3A_295 = tpu.memref_slice %arg11[%dma_wait3A_293, %dma_wait3A_294] : memref<2048x48xf32, #tpu.memory_space<vmem>> -> memref<128x48xf32, #tpu.memory_space<vmem>>
      %dma_wait3A_296 = arith.constant 1920 : i32
      %dma_wait3A_297 = tpu.memref_slice %arg10[%dma_wait3A_296] : memref<2048xi32, #tpu.memory_space<vmem>> -> memref<128xi32, #tpu.memory_space<vmem>>
      %dma_wait3A_298 = arith.constant 0 : i32
      %dma_wait3A_299 = arith.constant 0 : i32
      %dma_wait3A_300 = tpu.memref_slice %arg4[%dma_wait3A_298, %dma_wait3A_299] : memref<261121x48xf32, #tpu.memory_space<hbm>> -> memref<261121x48xf32, #tpu.memory_space<hbm>>
      tpu.wait_indirect_dma semaphore(%arg13 : memref<!tpu.dma_semaphore, #tpu.memory_space<semaphore_mem>>) src(%dma_wait3A_300 : memref<261121x48xf32, #tpu.memory_space<hbm>>) dst(%dma_wait3A_295 : memref<128x48xf32, #tpu.memory_space<vmem>>)
      %parallel_loop3A_301 = arith.constant 0 : i32
      %parallel_loop3A_302 = arith.constant 128 : i32
      %parallel_loop3A_303 = arith.constant 1 : i32
      scf.for %parallel_loop3A_305 = %parallel_loop3A_301 to %parallel_loop3A_302 step %parallel_loop3A_303  : i32 {
        %parallel_loop3A_306 = arith.constant 16 : i32
        %parallel_loop3A_307 = arith.muli %parallel_loop3A_305, %parallel_loop3A_306 : i32
        %parallel_loop3A_308 = vector.broadcast %parallel_loop3A_307 : i32 to vector<16xi32>
        %parallel_loop3A_309 = arith.addi %parallel_loop3A_308, %iota3A : vector<16xi32>
        %parallel_loop3A_310 = arith.constant 16 : i32
        %parallel_loop3A_311 = arith.muli %parallel_loop3A_305, %parallel_loop3A_310 : i32
        %parallel_loop3A_312 = arith.index_cast %parallel_loop3A_311 : i32 to index
        %parallel_loop3A_313 = tpu.vector_load %arg8[%parallel_loop3A_312] {strides = array<i32>} : memref<2048xf32, #tpu.memory_space<vmem>>, vector<16xf32>,
        %parallel_loop3A_314 = arith.constant 16 : i32
        %parallel_loop3A_315 = arith.muli %parallel_loop3A_305, %parallel_loop3A_314 : i32
        %parallel_loop3A_316 = arith.index_cast %parallel_loop3A_315 : i32 to index
        %parallel_loop3A_317 = tpu.vector_load %arg9[%parallel_loop3A_316] {strides = array<i32>} : memref<2048xf32, #tpu.memory_space<vmem>>, vector<16xf32>,
        %parallel_loop3A_318 = arith.constant 0.000000e+00 : f32
        %parallel_loop3A_319 = vector.broadcast %parallel_loop3A_318 : f32 to vector<16xf32>
        %parallel_loop3A_320 = arith.constant 0 : i32
        %parallel_loop3A_321 = vector.broadcast %parallel_loop3A_320 : i32 to vector<16xi32>
        %parallel_loop3A_322 = tpu.vector_load_idx %arg11[%parallel_loop3A_309, %parallel_loop3A_321] : memref<2048x48xf32, #tpu.memory_space<vmem>>[vector<16xi32>, vector<16xi32>], vector<16xf32>,
        %parallel_loop3A_323 = arith.constant 1 : i32
        %parallel_loop3A_324 = vector.broadcast %parallel_loop3A_323 : i32 to vector<16xi32>
        %parallel_loop3A_325 = tpu.vector_load_idx %arg11[%parallel_loop3A_309, %parallel_loop3A_324] : memref<2048x48xf32, #tpu.memory_space<vmem>>[vector<16xi32>, vector<16xi32>], vector<16xf32>,
        %parallel_loop3A_326 = arith.constant 2 : i32
        %parallel_loop3A_327 = vector.broadcast %parallel_loop3A_326 : i32 to vector<16xi32>
        %parallel_loop3A_328 = tpu.vector_load_idx %arg11[%parallel_loop3A_309, %parallel_loop3A_327] : memref<2048x48xf32, #tpu.memory_space<vmem>>[vector<16xi32>, vector<16xi32>], vector<16xf32>,
        %parallel_loop3A_329 = arith.mulf %parallel_loop3A_328, %parallel_loop3A_317 : vector<16xf32>
        %parallel_loop3A_330 = arith.addf %parallel_loop3A_329, %parallel_loop3A_325 : vector<16xf32>
        %parallel_loop3A_331 = arith.mulf %parallel_loop3A_330, %parallel_loop3A_317 : vector<16xf32>
        %parallel_loop3A_332 = arith.addf %parallel_loop3A_331, %parallel_loop3A_322 : vector<16xf32>
        %parallel_loop3A_333 = arith.constant 3 : i32
        %parallel_loop3A_334 = vector.broadcast %parallel_loop3A_333 : i32 to vector<16xi32>
        %parallel_loop3A_335 = tpu.vector_load_idx %arg11[%parallel_loop3A_309, %parallel_loop3A_334] : memref<2048x48xf32, #tpu.memory_space<vmem>>[vector<16xi32>, vector<16xi32>], vector<16xf32>,
        %parallel_loop3A_336 = arith.constant 4 : i32
        %parallel_loop3A_337 = vector.broadcast %parallel_loop3A_336 : i32 to vector<16xi32>
        %parallel_loop3A_338 = tpu.vector_load_idx %arg11[%parallel_loop3A_309, %parallel_loop3A_337] : memref<2048x48xf32, #tpu.memory_space<vmem>>[vector<16xi32>, vector<16xi32>], vector<16xf32>,
        %parallel_loop3A_339 = arith.constant 5 : i32
        %parallel_loop3A_340 = vector.broadcast %parallel_loop3A_339 : i32 to vector<16xi32>
        %parallel_loop3A_341 = tpu.vector_load_idx %arg11[%parallel_loop3A_309, %parallel_loop3A_340] : memref<2048x48xf32, #tpu.memory_space<vmem>>[vector<16xi32>, vector<16xi32>], vector<16xf32>,
        %parallel_loop3A_342 = arith.mulf %parallel_loop3A_341, %parallel_loop3A_317 : vector<16xf32>
        %parallel_loop3A_343 = arith.addf %parallel_loop3A_342, %parallel_loop3A_338 : vector<16xf32>
        %parallel_loop3A_344 = arith.mulf %parallel_loop3A_343, %parallel_loop3A_317 : vector<16xf32>
        %parallel_loop3A_345 = arith.addf %parallel_loop3A_344, %parallel_loop3A_335 : vector<16xf32>
        %parallel_loop3A_346 = arith.constant 6 : i32
        %parallel_loop3A_347 = vector.broadcast %parallel_loop3A_346 : i32 to vector<16xi32>
        %parallel_loop3A_348 = tpu.vector_load_idx %arg11[%parallel_loop3A_309, %parallel_loop3A_347] : memref<2048x48xf32, #tpu.memory_space<vmem>>[vector<16xi32>, vector<16xi32>], vector<16xf32>,
        %parallel_loop3A_349 = arith.constant 7 : i32
        %parallel_loop3A_350 = vector.broadcast %parallel_loop3A_349 : i32 to vector<16xi32>
        %parallel_loop3A_351 = tpu.vector_load_idx %arg11[%parallel_loop3A_309, %parallel_loop3A_350] : memref<2048x48xf32, #tpu.memory_space<vmem>>[vector<16xi32>, vector<16xi32>], vector<16xf32>,
        %parallel_loop3A_352 = arith.constant 8 : i32
        %parallel_loop3A_353 = vector.broadcast %parallel_loop3A_352 : i32 to vector<16xi32>
        %parallel_loop3A_354 = tpu.vector_load_idx %arg11[%parallel_loop3A_309, %parallel_loop3A_353] : memref<2048x48xf32, #tpu.memory_space<vmem>>[vector<16xi32>, vector<16xi32>], vector<16xf32>,
        %parallel_loop3A_355 = arith.mulf %parallel_loop3A_354, %parallel_loop3A_317 : vector<16xf32>
        %parallel_loop3A_356 = arith.addf %parallel_loop3A_355, %parallel_loop3A_351 : vector<16xf32>
        %parallel_loop3A_357 = arith.mulf %parallel_loop3A_356, %parallel_loop3A_317 : vector<16xf32>
        %parallel_loop3A_358 = arith.addf %parallel_loop3A_357, %parallel_loop3A_348 : vector<16xf32>
        %parallel_loop3A_359 = arith.mulf %parallel_loop3A_358, %parallel_loop3A_313 : vector<16xf32>
        %parallel_loop3A_360 = arith.addf %parallel_loop3A_359, %parallel_loop3A_345 : vector<16xf32>
        %parallel_loop3A_361 = arith.mulf %parallel_loop3A_360, %parallel_loop3A_313 : vector<16xf32>
        %parallel_loop3A_362 = arith.addf %parallel_loop3A_361, %parallel_loop3A_332 : vector<16xf32>
        %parallel_loop3A_363 = arith.constant 36 : i32
        %parallel_loop3A_364 = vector.broadcast %parallel_loop3A_363 : i32 to vector<16xi32>
        %parallel_loop3A_365 = tpu.vector_load_idx %arg11[%parallel_loop3A_309, %parallel_loop3A_364] : memref<2048x48xf32, #tpu.memory_space<vmem>>[vector<16xi32>, vector<16xi32>], vector<16xf32>,
        %parallel_loop3A_366 = arith.mulf %parallel_loop3A_362, %parallel_loop3A_362 : vector<16xf32>
        %parallel_loop3A_367 = arith.mulf %parallel_loop3A_366, %parallel_loop3A_365 : vector<16xf32>
        %parallel_loop3A_368 = arith.addf %parallel_loop3A_319, %parallel_loop3A_367 : vector<16xf32>
        %parallel_loop3A_369 = arith.constant 9 : i32
        %parallel_loop3A_370 = vector.broadcast %parallel_loop3A_369 : i32 to vector<16xi32>
        %parallel_loop3A_371 = tpu.vector_load_idx %arg11[%parallel_loop3A_309, %parallel_loop3A_370] : memref<2048x48xf32, #tpu.memory_space<vmem>>[vector<16xi32>, vector<16xi32>], vector<16xf32>,
        %parallel_loop3A_372 = arith.constant 10 : i32
        %parallel_loop3A_373 = vector.broadcast %parallel_loop3A_372 : i32 to vector<16xi32>
        %parallel_loop3A_374 = tpu.vector_load_idx %arg11[%parallel_loop3A_309, %parallel_loop3A_373] : memref<2048x48xf32, #tpu.memory_space<vmem>>[vector<16xi32>, vector<16xi32>], vector<16xf32>,
        %parallel_loop3A_375 = arith.constant 11 : i32
        %parallel_loop3A_376 = vector.broadcast %parallel_loop3A_375 : i32 to vector<16xi32>
        %parallel_loop3A_377 = tpu.vector_load_idx %arg11[%parallel_loop3A_309, %parallel_loop3A_376] : memref<2048x48xf32, #tpu.memory_space<vmem>>[vector<16xi32>, vector<16xi32>], vector<16xf32>,
        %parallel_loop3A_378 = arith.mulf %parallel_loop3A_377, %parallel_loop3A_317 : vector<16xf32>
        %parallel_loop3A_379 = arith.addf %parallel_loop3A_378, %parallel_loop3A_374 : vector<16xf32>
        %parallel_loop3A_380 = arith.mulf %parallel_loop3A_379, %parallel_loop3A_317 : vector<16xf32>
        %parallel_loop3A_381 = arith.addf %parallel_loop3A_380, %parallel_loop3A_371 : vector<16xf32>
        %parallel_loop3A_382 = arith.constant 12 : i32
        %parallel_loop3A_383 = vector.broadcast %parallel_loop3A_382 : i32 to vector<16xi32>
        %parallel_loop3A_384 = tpu.vector_load_idx %arg11[%parallel_loop3A_309, %parallel_loop3A_383] : memref<2048x48xf32, #tpu.memory_space<vmem>>[vector<16xi32>, vector<16xi32>], vector<16xf32>,
        %parallel_loop3A_385 = arith.constant 13 : i32
        %parallel_loop3A_386 = vector.broadcast %parallel_loop3A_385 : i32 to vector<16xi32>
        %parallel_loop3A_387 = tpu.vector_load_idx %arg11[%parallel_loop3A_309, %parallel_loop3A_386] : memref<2048x48xf32, #tpu.memory_space<vmem>>[vector<16xi32>, vector<16xi32>], vector<16xf32>,
        %parallel_loop3A_388 = arith.constant 14 : i32
        %parallel_loop3A_389 = vector.broadcast %parallel_loop3A_388 : i32 to vector<16xi32>
        %parallel_loop3A_390 = tpu.vector_load_idx %arg11[%parallel_loop3A_309, %parallel_loop3A_389] : memref<2048x48xf32, #tpu.memory_space<vmem>>[vector<16xi32>, vector<16xi32>], vector<16xf32>,
        %parallel_loop3A_391 = arith.mulf %parallel_loop3A_390, %parallel_loop3A_317 : vector<16xf32>
        %parallel_loop3A_392 = arith.addf %parallel_loop3A_391, %parallel_loop3A_387 : vector<16xf32>
        %parallel_loop3A_393 = arith.mulf %parallel_loop3A_392, %parallel_loop3A_317 : vector<16xf32>
        %parallel_loop3A_394 = arith.addf %parallel_loop3A_393, %parallel_loop3A_384 : vector<16xf32>
        %parallel_loop3A_395 = arith.constant 15 : i32
        %parallel_loop3A_396 = vector.broadcast %parallel_loop3A_395 : i32 to vector<16xi32>
        %parallel_loop3A_397 = tpu.vector_load_idx %arg11[%parallel_loop3A_309, %parallel_loop3A_396] : memref<2048x48xf32, #tpu.memory_space<vmem>>[vector<16xi32>, vector<16xi32>], vector<16xf32>,
        %parallel_loop3A_398 = arith.constant 16 : i32
        %parallel_loop3A_399 = vector.broadcast %parallel_loop3A_398 : i32 to vector<16xi32>
        %parallel_loop3A_400 = tpu.vector_load_idx %arg11[%parallel_loop3A_309, %parallel_loop3A_399] : memref<2048x48xf32, #tpu.memory_space<vmem>>[vector<16xi32>, vector<16xi32>], vector<16xf32>,
        %parallel_loop3A_401 = arith.constant 17 : i32
        %parallel_loop3A_402 = vector.broadcast %parallel_loop3A_401 : i32 to vector<16xi32>
        %parallel_loop3A_403 = tpu.vector_load_idx %arg11[%parallel_loop3A_309, %parallel_loop3A_402] : memref<2048x48xf32, #tpu.memory_space<vmem>>[vector<16xi32>, vector<16xi32>], vector<16xf32>,
        %parallel_loop3A_404 = arith.mulf %parallel_loop3A_403, %parallel_loop3A_317 : vector<16xf32>
        %parallel_loop3A_405 = arith.addf %parallel_loop3A_404, %parallel_loop3A_400 : vector<16xf32>
        %parallel_loop3A_406 = arith.mulf %parallel_loop3A_405, %parallel_loop3A_317 : vector<16xf32>
        %parallel_loop3A_407 = arith.addf %parallel_loop3A_406, %parallel_loop3A_397 : vector<16xf32>
        %parallel_loop3A_408 = arith.mulf %parallel_loop3A_407, %parallel_loop3A_313 : vector<16xf32>
        %parallel_loop3A_409 = arith.addf %parallel_loop3A_408, %parallel_loop3A_394 : vector<16xf32>
        %parallel_loop3A_410 = arith.mulf %parallel_loop3A_409, %parallel_loop3A_313 : vector<16xf32>
        %parallel_loop3A_411 = arith.addf %parallel_loop3A_410, %parallel_loop3A_381 : vector<16xf32>
        %parallel_loop3A_412 = arith.constant 37 : i32
        %parallel_loop3A_413 = vector.broadcast %parallel_loop3A_412 : i32 to vector<16xi32>
        %parallel_loop3A_414 = tpu.vector_load_idx %arg11[%parallel_loop3A_309, %parallel_loop3A_413] : memref<2048x48xf32, #tpu.memory_space<vmem>>[vector<16xi32>, vector<16xi32>], vector<16xf32>,
        %parallel_loop3A_415 = arith.mulf %parallel_loop3A_411, %parallel_loop3A_411 : vector<16xf32>
        %parallel_loop3A_416 = arith.mulf %parallel_loop3A_415, %parallel_loop3A_414 : vector<16xf32>
        %parallel_loop3A_417 = arith.addf %parallel_loop3A_368, %parallel_loop3A_416 : vector<16xf32>
        %parallel_loop3A_418 = arith.constant 18 : i32
        %parallel_loop3A_419 = vector.broadcast %parallel_loop3A_418 : i32 to vector<16xi32>
        %parallel_loop3A_420 = tpu.vector_load_idx %arg11[%parallel_loop3A_309, %parallel_loop3A_419] : memref<2048x48xf32, #tpu.memory_space<vmem>>[vector<16xi32>, vector<16xi32>], vector<16xf32>,
        %parallel_loop3A_421 = arith.constant 19 : i32
        %parallel_loop3A_422 = vector.broadcast %parallel_loop3A_421 : i32 to vector<16xi32>
        %parallel_loop3A_423 = tpu.vector_load_idx %arg11[%parallel_loop3A_309, %parallel_loop3A_422] : memref<2048x48xf32, #tpu.memory_space<vmem>>[vector<16xi32>, vector<16xi32>], vector<16xf32>,
        %parallel_loop3A_424 = arith.constant 20 : i32
        %parallel_loop3A_425 = vector.broadcast %parallel_loop3A_424 : i32 to vector<16xi32>
        %parallel_loop3A_426 = tpu.vector_load_idx %arg11[%parallel_loop3A_309, %parallel_loop3A_425] : memref<2048x48xf32, #tpu.memory_space<vmem>>[vector<16xi32>, vector<16xi32>], vector<16xf32>,
        %parallel_loop3A_427 = arith.mulf %parallel_loop3A_426, %parallel_loop3A_317 : vector<16xf32>
        %parallel_loop3A_428 = arith.addf %parallel_loop3A_427, %parallel_loop3A_423 : vector<16xf32>
        %parallel_loop3A_429 = arith.mulf %parallel_loop3A_428, %parallel_loop3A_317 : vector<16xf32>
        %parallel_loop3A_430 = arith.addf %parallel_loop3A_429, %parallel_loop3A_420 : vector<16xf32>
        %parallel_loop3A_431 = arith.constant 21 : i32
        %parallel_loop3A_432 = vector.broadcast %parallel_loop3A_431 : i32 to vector<16xi32>
        %parallel_loop3A_433 = tpu.vector_load_idx %arg11[%parallel_loop3A_309, %parallel_loop3A_432] : memref<2048x48xf32, #tpu.memory_space<vmem>>[vector<16xi32>, vector<16xi32>], vector<16xf32>,
        %parallel_loop3A_434 = arith.constant 22 : i32
        %parallel_loop3A_435 = vector.broadcast %parallel_loop3A_434 : i32 to vector<16xi32>
        %parallel_loop3A_436 = tpu.vector_load_idx %arg11[%parallel_loop3A_309, %parallel_loop3A_435] : memref<2048x48xf32, #tpu.memory_space<vmem>>[vector<16xi32>, vector<16xi32>], vector<16xf32>,
        %parallel_loop3A_437 = arith.constant 23 : i32
        %parallel_loop3A_438 = vector.broadcast %parallel_loop3A_437 : i32 to vector<16xi32>
        %parallel_loop3A_439 = tpu.vector_load_idx %arg11[%parallel_loop3A_309, %parallel_loop3A_438] : memref<2048x48xf32, #tpu.memory_space<vmem>>[vector<16xi32>, vector<16xi32>], vector<16xf32>,
        %parallel_loop3A_440 = arith.mulf %parallel_loop3A_439, %parallel_loop3A_317 : vector<16xf32>
        %parallel_loop3A_441 = arith.addf %parallel_loop3A_440, %parallel_loop3A_436 : vector<16xf32>
        %parallel_loop3A_442 = arith.mulf %parallel_loop3A_441, %parallel_loop3A_317 : vector<16xf32>
        %parallel_loop3A_443 = arith.addf %parallel_loop3A_442, %parallel_loop3A_433 : vector<16xf32>
        %parallel_loop3A_444 = arith.constant 24 : i32
        %parallel_loop3A_445 = vector.broadcast %parallel_loop3A_444 : i32 to vector<16xi32>
        %parallel_loop3A_446 = tpu.vector_load_idx %arg11[%parallel_loop3A_309, %parallel_loop3A_445] : memref<2048x48xf32, #tpu.memory_space<vmem>>[vector<16xi32>, vector<16xi32>], vector<16xf32>,
        %parallel_loop3A_447 = arith.constant 25 : i32
        %parallel_loop3A_448 = vector.broadcast %parallel_loop3A_447 : i32 to vector<16xi32>
        %parallel_loop3A_449 = tpu.vector_load_idx %arg11[%parallel_loop3A_309, %parallel_loop3A_448] : memref<2048x48xf32, #tpu.memory_space<vmem>>[vector<16xi32>, vector<16xi32>], vector<16xf32>,
        %parallel_loop3A_450 = arith.constant 26 : i32
        %parallel_loop3A_451 = vector.broadcast %parallel_loop3A_450 : i32 to vector<16xi32>
        %parallel_loop3A_452 = tpu.vector_load_idx %arg11[%parallel_loop3A_309, %parallel_loop3A_451] : memref<2048x48xf32, #tpu.memory_space<vmem>>[vector<16xi32>, vector<16xi32>], vector<16xf32>,
        %parallel_loop3A_453 = arith.mulf %parallel_loop3A_452, %parallel_loop3A_317 : vector<16xf32>
        %parallel_loop3A_454 = arith.addf %parallel_loop3A_453, %parallel_loop3A_449 : vector<16xf32>
        %parallel_loop3A_455 = arith.mulf %parallel_loop3A_454, %parallel_loop3A_317 : vector<16xf32>
        %parallel_loop3A_456 = arith.addf %parallel_loop3A_455, %parallel_loop3A_446 : vector<16xf32>
        %parallel_loop3A_457 = arith.mulf %parallel_loop3A_456, %parallel_loop3A_313 : vector<16xf32>
        %parallel_loop3A_458 = arith.addf %parallel_loop3A_457, %parallel_loop3A_443 : vector<16xf32>
        %parallel_loop3A_459 = arith.mulf %parallel_loop3A_458, %parallel_loop3A_313 : vector<16xf32>
        %parallel_loop3A_460 = arith.addf %parallel_loop3A_459, %parallel_loop3A_430 : vector<16xf32>
        %parallel_loop3A_461 = arith.constant 38 : i32
        %parallel_loop3A_462 = vector.broadcast %parallel_loop3A_461 : i32 to vector<16xi32>
        %parallel_loop3A_463 = tpu.vector_load_idx %arg11[%parallel_loop3A_309, %parallel_loop3A_462] : memref<2048x48xf32, #tpu.memory_space<vmem>>[vector<16xi32>, vector<16xi32>], vector<16xf32>,
        %parallel_loop3A_464 = arith.mulf %parallel_loop3A_460, %parallel_loop3A_460 : vector<16xf32>
        %parallel_loop3A_465 = arith.mulf %parallel_loop3A_464, %parallel_loop3A_463 : vector<16xf32>
        %parallel_loop3A_466 = arith.addf %parallel_loop3A_417, %parallel_loop3A_465 : vector<16xf32>
        %parallel_loop3A_467 = arith.constant 27 : i32
        %parallel_loop3A_468 = vector.broadcast %parallel_loop3A_467 : i32 to vector<16xi32>
        %parallel_loop3A_469 = tpu.vector_load_idx %arg11[%parallel_loop3A_309, %parallel_loop3A_468] : memref<2048x48xf32, #tpu.memory_space<vmem>>[vector<16xi32>, vector<16xi32>], vector<16xf32>,
        %parallel_loop3A_470 = arith.constant 28 : i32
        %parallel_loop3A_471 = vector.broadcast %parallel_loop3A_470 : i32 to vector<16xi32>
        %parallel_loop3A_472 = tpu.vector_load_idx %arg11[%parallel_loop3A_309, %parallel_loop3A_471] : memref<2048x48xf32, #tpu.memory_space<vmem>>[vector<16xi32>, vector<16xi32>], vector<16xf32>,
        %parallel_loop3A_473 = arith.constant 29 : i32
        %parallel_loop3A_474 = vector.broadcast %parallel_loop3A_473 : i32 to vector<16xi32>
        %parallel_loop3A_475 = tpu.vector_load_idx %arg11[%parallel_loop3A_309, %parallel_loop3A_474] : memref<2048x48xf32, #tpu.memory_space<vmem>>[vector<16xi32>, vector<16xi32>], vector<16xf32>,
        %parallel_loop3A_476 = arith.mulf %parallel_loop3A_475, %parallel_loop3A_317 : vector<16xf32>
        %parallel_loop3A_477 = arith.addf %parallel_loop3A_476, %parallel_loop3A_472 : vector<16xf32>
        %parallel_loop3A_478 = arith.mulf %parallel_loop3A_477, %parallel_loop3A_317 : vector<16xf32>
        %parallel_loop3A_479 = arith.addf %parallel_loop3A_478, %parallel_loop3A_469 : vector<16xf32>
        %parallel_loop3A_480 = arith.constant 30 : i32
        %parallel_loop3A_481 = vector.broadcast %parallel_loop3A_480 : i32 to vector<16xi32>
        %parallel_loop3A_482 = tpu.vector_load_idx %arg11[%parallel_loop3A_309, %parallel_loop3A_481] : memref<2048x48xf32, #tpu.memory_space<vmem>>[vector<16xi32>, vector<16xi32>], vector<16xf32>,
        %parallel_loop3A_483 = arith.constant 31 : i32
        %parallel_loop3A_484 = vector.broadcast %parallel_loop3A_483 : i32 to vector<16xi32>
        %parallel_loop3A_485 = tpu.vector_load_idx %arg11[%parallel_loop3A_309, %parallel_loop3A_484] : memref<2048x48xf32, #tpu.memory_space<vmem>>[vector<16xi32>, vector<16xi32>], vector<16xf32>,
        %parallel_loop3A_486 = arith.constant 32 : i32
        %parallel_loop3A_487 = vector.broadcast %parallel_loop3A_486 : i32 to vector<16xi32>
        %parallel_loop3A_488 = tpu.vector_load_idx %arg11[%parallel_loop3A_309, %parallel_loop3A_487] : memref<2048x48xf32, #tpu.memory_space<vmem>>[vector<16xi32>, vector<16xi32>], vector<16xf32>,
        %parallel_loop3A_489 = arith.mulf %parallel_loop3A_488, %parallel_loop3A_317 : vector<16xf32>
        %parallel_loop3A_490 = arith.addf %parallel_loop3A_489, %parallel_loop3A_485 : vector<16xf32>
        %parallel_loop3A_491 = arith.mulf %parallel_loop3A_490, %parallel_loop3A_317 : vector<16xf32>
        %parallel_loop3A_492 = arith.addf %parallel_loop3A_491, %parallel_loop3A_482 : vector<16xf32>
        %parallel_loop3A_493 = arith.constant 33 : i32
        %parallel_loop3A_494 = vector.broadcast %parallel_loop3A_493 : i32 to vector<16xi32>
        %parallel_loop3A_495 = tpu.vector_load_idx %arg11[%parallel_loop3A_309, %parallel_loop3A_494] : memref<2048x48xf32, #tpu.memory_space<vmem>>[vector<16xi32>, vector<16xi32>], vector<16xf32>,
        %parallel_loop3A_496 = arith.constant 34 : i32
        %parallel_loop3A_497 = vector.broadcast %parallel_loop3A_496 : i32 to vector<16xi32>
        %parallel_loop3A_498 = tpu.vector_load_idx %arg11[%parallel_loop3A_309, %parallel_loop3A_497] : memref<2048x48xf32, #tpu.memory_space<vmem>>[vector<16xi32>, vector<16xi32>], vector<16xf32>,
        %parallel_loop3A_499 = arith.constant 35 : i32
        %parallel_loop3A_500 = vector.broadcast %parallel_loop3A_499 : i32 to vector<16xi32>
        %parallel_loop3A_501 = tpu.vector_load_idx %arg11[%parallel_loop3A_309, %parallel_loop3A_500] : memref<2048x48xf32, #tpu.memory_space<vmem>>[vector<16xi32>, vector<16xi32>], vector<16xf32>,
        %parallel_loop3A_502 = arith.mulf %parallel_loop3A_501, %parallel_loop3A_317 : vector<16xf32>
        %parallel_loop3A_503 = arith.addf %parallel_loop3A_502, %parallel_loop3A_498 : vector<16xf32>
        %parallel_loop3A_504 = arith.mulf %parallel_loop3A_503, %parallel_loop3A_317 : vector<16xf32>
        %parallel_loop3A_505 = arith.addf %parallel_loop3A_504, %parallel_loop3A_495 : vector<16xf32>
        %parallel_loop3A_506 = arith.mulf %parallel_loop3A_505, %parallel_loop3A_313 : vector<16xf32>
        %parallel_loop3A_507 = arith.addf %parallel_loop3A_506, %parallel_loop3A_492 : vector<16xf32>
        %parallel_loop3A_508 = arith.mulf %parallel_loop3A_507, %parallel_loop3A_313 : vector<16xf32>
        %parallel_loop3A_509 = arith.addf %parallel_loop3A_508, %parallel_loop3A_479 : vector<16xf32>
        %parallel_loop3A_510 = arith.constant 39 : i32
        %parallel_loop3A_511 = vector.broadcast %parallel_loop3A_510 : i32 to vector<16xi32>
        %parallel_loop3A_512 = tpu.vector_load_idx %arg11[%parallel_loop3A_309, %parallel_loop3A_511] : memref<2048x48xf32, #tpu.memory_space<vmem>>[vector<16xi32>, vector<16xi32>], vector<16xf32>,
        %parallel_loop3A_513 = arith.mulf %parallel_loop3A_509, %parallel_loop3A_509 : vector<16xf32>
        %parallel_loop3A_514 = arith.mulf %parallel_loop3A_513, %parallel_loop3A_512 : vector<16xf32>
        %parallel_loop3A_515 = arith.addf %parallel_loop3A_466, %parallel_loop3A_514 : vector<16xf32>
        %parallel_loop3A_516 = arith.constant 9.99999935E-39 : f32
        %parallel_loop3A_517 = vector.broadcast %parallel_loop3A_516 : f32 to vector<16xf32>
        %parallel_loop3A_518 = arith.maximumf %parallel_loop3A_515, %parallel_loop3A_517 : vector<16xf32>
        %parallel_loop3A_519 = arith.constant 0x4B800000 : f32
        %parallel_loop3A_520 = vector.broadcast %parallel_loop3A_519 : f32 to vector<16xf32>
        %parallel_loop3A_521 = arith.mulf %parallel_loop3A_518, %parallel_loop3A_520 : vector<16xf32>
        %parallel_loop3A_522 = tpu.bitcast %parallel_loop3A_521 : vector<16xf32> -> vector<16xi32>
        %parallel_loop3A_523 = arith.constant 23 : i32
        %parallel_loop3A_524 = vector.broadcast %parallel_loop3A_523 : i32 to vector<16xi32>
        %parallel_loop3A_525 = arith.shrsi %parallel_loop3A_522, %parallel_loop3A_524 : vector<16xi32>
        %parallel_loop3A_526 = arith.constant 151 : i32
        %parallel_loop3A_527 = vector.broadcast %parallel_loop3A_526 : i32 to vector<16xi32>
        %parallel_loop3A_528 = arith.subi %parallel_loop3A_525, %parallel_loop3A_527 : vector<16xi32>
        %parallel_loop3A_529 = arith.constant 8388607 : i32
        %parallel_loop3A_530 = vector.broadcast %parallel_loop3A_529 : i32 to vector<16xi32>
        %parallel_loop3A_531 = arith.andi %parallel_loop3A_522, %parallel_loop3A_530 : vector<16xi32>
        %parallel_loop3A_532 = arith.constant 1065353216 : i32
        %parallel_loop3A_533 = vector.broadcast %parallel_loop3A_532 : i32 to vector<16xi32>
        %parallel_loop3A_534 = arith.ori %parallel_loop3A_531, %parallel_loop3A_533 : vector<16xi32>
        %parallel_loop3A_535 = tpu.bitcast %parallel_loop3A_534 : vector<16xi32> -> vector<16xf32>
        %parallel_loop3A_536 = arith.constant 1.500000e+00 : f32
        %parallel_loop3A_537 = vector.broadcast %parallel_loop3A_536 : f32 to vector<16xf32>
        %parallel_loop3A_538 = arith.cmpf ogt, %parallel_loop3A_535, %parallel_loop3A_537 : vector<16xf32>
        %parallel_loop3A_539 = arith.constant 5.000000e-01 : f32
        %parallel_loop3A_540 = vector.broadcast %parallel_loop3A_539 : f32 to vector<16xf32>
        %parallel_loop3A_541 = arith.mulf %parallel_loop3A_535, %parallel_loop3A_540 : vector<16xf32>
        %parallel_loop3A_542 = arith.select %parallel_loop3A_538, %parallel_loop3A_541, %parallel_loop3A_535 : vector<16xi1>, vector<16xf32>
        %parallel_loop3A_543 = arith.constant 1 : i32
        %parallel_loop3A_544 = vector.broadcast %parallel_loop3A_543 : i32 to vector<16xi32>
        %parallel_loop3A_545 = arith.addi %parallel_loop3A_528, %parallel_loop3A_544 : vector<16xi32>
        %parallel_loop3A_546 = arith.select %parallel_loop3A_538, %parallel_loop3A_545, %parallel_loop3A_528 : vector<16xi1>, vector<16xi32>
        %parallel_loop3A_547 = arith.constant 1.000000e+00 : f32
        %parallel_loop3A_548 = vector.broadcast %parallel_loop3A_547 : f32 to vector<16xf32>
        %parallel_loop3A_549 = arith.subf %parallel_loop3A_542, %parallel_loop3A_548 : vector<16xf32>
        %parallel_loop3A_550 = arith.constant 1.000000e+00 : f32
        %parallel_loop3A_551 = vector.broadcast %parallel_loop3A_550 : f32 to vector<16xf32>
        %parallel_loop3A_552 = arith.addf %parallel_loop3A_542, %parallel_loop3A_551 : vector<16xf32>
        %parallel_loop3A_553 = arith.divf %parallel_loop3A_549, %parallel_loop3A_552 : vector<16xf32>
        %parallel_loop3A_554 = arith.mulf %parallel_loop3A_553, %parallel_loop3A_553 : vector<16xf32>
        %parallel_loop3A_555 = arith.constant 0.142857149 : f32
        %parallel_loop3A_556 = vector.broadcast %parallel_loop3A_555 : f32 to vector<16xf32>
        %parallel_loop3A_557 = arith.mulf %parallel_loop3A_554, %parallel_loop3A_556 : vector<16xf32>
        %parallel_loop3A_558 = arith.constant 2.000000e-01 : f32
        %parallel_loop3A_559 = vector.broadcast %parallel_loop3A_558 : f32 to vector<16xf32>
        %parallel_loop3A_560 = arith.addf %parallel_loop3A_559, %parallel_loop3A_557 : vector<16xf32>
        %parallel_loop3A_561 = arith.mulf %parallel_loop3A_554, %parallel_loop3A_560 : vector<16xf32>
        %parallel_loop3A_562 = arith.constant 0.333333343 : f32
        %parallel_loop3A_563 = vector.broadcast %parallel_loop3A_562 : f32 to vector<16xf32>
        %parallel_loop3A_564 = arith.addf %parallel_loop3A_563, %parallel_loop3A_561 : vector<16xf32>
        %parallel_loop3A_565 = arith.mulf %parallel_loop3A_554, %parallel_loop3A_564 : vector<16xf32>
        %parallel_loop3A_566 = arith.constant 1.000000e+00 : f32
        %parallel_loop3A_567 = vector.broadcast %parallel_loop3A_566 : f32 to vector<16xf32>
        %parallel_loop3A_568 = arith.addf %parallel_loop3A_567, %parallel_loop3A_565 : vector<16xf32>
        %parallel_loop3A_569 = arith.sitofp %parallel_loop3A_546 : vector<16xi32> to vector<16xf32>
        %parallel_loop3A_570 = arith.constant 0.693147182 : f32
        %parallel_loop3A_571 = vector.broadcast %parallel_loop3A_570 : f32 to vector<16xf32>
        %parallel_loop3A_572 = arith.mulf %parallel_loop3A_569, %parallel_loop3A_571 : vector<16xf32>
        %parallel_loop3A_573 = arith.constant 2.000000e+00 : f32
        %parallel_loop3A_574 = vector.broadcast %parallel_loop3A_573 : f32 to vector<16xf32>
        %parallel_loop3A_575 = arith.mulf %parallel_loop3A_574, %parallel_loop3A_553 : vector<16xf32>
        %parallel_loop3A_576 = arith.mulf %parallel_loop3A_575, %parallel_loop3A_568 : vector<16xf32>
        %parallel_loop3A_577 = arith.addf %parallel_loop3A_572, %parallel_loop3A_576 : vector<16xf32>
        %parallel_loop3A_578 = arith.constant 16 : i32
        %parallel_loop3A_579 = arith.muli %parallel_loop3A_305, %parallel_loop3A_578 : i32
        %parallel_loop3A_580 = arith.index_cast %parallel_loop3A_579 : i32 to index
        %parallel_loop3A_581 = tpu.vector_load %arg12[%parallel_loop3A_580] {strides = array<i32>} : memref<2048xf32, #tpu.memory_space<vmem>>, vector<16xf32>,
        tpu.vector_store %arg12[%parallel_loop3A_580], %parallel_loop3A_577 {strides = array<i32>} : memref<2048xf32, #tpu.memory_space<vmem>>, vector<16xf32>,
      } {sc.loop_unroll_factor = 4 : i64, sc.parallel_access}
      "tpu.region"() ({
        %run_scoped3A = tpu.sem_alloc : memref<!tpu.dma_semaphore, #tpu.memory_space<semaphore_mem>>
        %dma_start3A_305 = tpu.memref_slice %arg5[%min3A_44] : memref<500000xf32, #tpu.memory_space<hbm>> -> memref<2048xf32, #tpu.memory_space<hbm>>
        %dma_start3A_306 = tpu.memref_slice %arg5[%min3A_44] : memref<500000xf32, #tpu.memory_space<hbm>> -> memref<2048xf32, #tpu.memory_space<hbm>>
        tpu.enqueue_dma source(%arg12 : memref<2048xf32, #tpu.memory_space<vmem>>) target(%dma_start3A_306 : memref<2048xf32, #tpu.memory_space<hbm>>) target_semaphore(%run_scoped3A : memref<!tpu.dma_semaphore, #tpu.memory_space<semaphore_mem>>)
        %dma_wait3A_307 = tpu.memref_slice %arg5[%min3A_44] : memref<500000xf32, #tpu.memory_space<hbm>> -> memref<2048xf32, #tpu.memory_space<hbm>>
        %dma_wait3A_308 = tpu.memref_slice %arg5[%min3A_44] : memref<500000xf32, #tpu.memory_space<hbm>> -> memref<2048xf32, #tpu.memory_space<hbm>>
        tpu.wait_dma2 semaphore(%run_scoped3A : memref<!tpu.dma_semaphore, #tpu.memory_space<semaphore_mem>>) src(%arg12 : memref<2048xf32, #tpu.memory_space<vmem>>) dst(%dma_wait3A_308 : memref<2048xf32, #tpu.memory_space<hbm>>)
        tpu.yield
      }) : () -> ()
      %while3A_304 = arith.constant 0 : i32
      scf.yield %while3A_304 : i32
    }
    return
  }
}

</mosaic_0001>

<sc_bundles>
// kernel: kernel.3.cloned.1.call-start
scs
__scs_entry_jumppad:
0x0: {  	(pc) =	sbr.rel $0x88, $3  }
0x1: {  	(tag) =	ssettag $0x0;
	lr =	simm.s32 $0x1  }
0x2: {  	[smem:$0x3F9C] =	sst lr;
	_ =	strace $0xD0000000  }
0x3: {  	_ = 	snop  }
0x4: {  	_ = 	snop  }
0x5: {  	_ = 	snop  }
0x6: {  	_ = 	snop  }
0x7: {  	_ = 	snop  }
__scs_overlays_trampoline_lowered:
0x8: {  	[smem:$0x3FAB] =	sst s0  }
0x9: {  	[smem:$0x3FAC] =	sst s1  }
0xa: {  	[smem:$0x3FAD] =	sst s2  }
0xb: {  	[smem:$0x3FAE] =	sst s3  }
0xc: {  	[smem:$0x3FAF] =	sst s4  }
0xd: {  	[smem:$0x3FB0] =	sst s5  }
0xe: {  	[smem:$0x3FB1] =	sst s6  }
0xf: {  	[smem:$0x3FB2] =	sst s7  }
0x10: {  	[smem:$0x3FB3] =	sst s8  }
0x11: {  	[smem:$0x3FB4] =	sst s9;
	s0 =	simm.s32 @!p0 $0x0  }
0x12: {  	s1 =	sld [smem:$0x3F9A];
	s0 =	simm.s32 @p0 $0x1  }
0x13: {  	[smem:$0x3FB5] =	sst s0;
	s0 =	simm.s32 @!p1 $0x0  }
0x14: {  	s2 =	sld [smem:$0x3F99];
	s0 =	simm.s32 @p1 $0x1  }
0x15: {  	[smem:$0x3FB6] =	sst s0;
	s0 =	simm.s32 @!p2 $0x0  }
0x16: {  	s3 =	sld [smem:$0x3FDB];
	s0 =	simm.s32 @p2 $0x1  }
0x17: {  	s4 =	simm.s32 $0x1BF5;
	[smem:$0x3FB8] =	sst s0  }
0x18: {  	s0 =	sld [smem:$0x3F9B];
	_ =	swait.ge [sflag:s4], $0x0  }
0x19: {  	s7 =	sld [smem:$0x3F9C]  }
0x1a: {  	s8 =	sadd.s32 $0xFFFFE003, lr  }
0x1b: {  	s9 =	sadd.s32 $0xFFFFFEF7, lr;
	s5 =	simm.s32 $0xFFFFFFFF;
	p2 =	slt.u32 s8, $0xFFFFF086  }
0x1c: {  	p1 =	slt.u32 s9, $0xF7A;
	s5 =	simm.s32 @!p2 $0x0  }
0x1d: {  	s5 =	simm.s32 @p1 $0x1;
	p0 =	seq.s32 s7, s2  }
0x1e: {  	s7 =	smul.u32 @!p0 $0xF7A, s2;
	p2 =	seq.s32 @!p0 s5, $0x0  }
0x1f: {  	s9 =	smul.u32 $0xF7A, s1;
	s8 =	simm.s32 @!p0 $0x1BF5;
	p2 =	por !p2, p0  }
0x20: {  	[sflag:s8] =	ssyncset.s32 @!p0 $0xFFFFF086;
	s6 =	sadd.s32 @!p0 s3, s7;
	s7 =	simm.s32 @!p0 $0x108  }
0x21: {  	s3 =	sadd.s32 s3, s9;
	s6 =	sadd.s32 @!p0 $0x88, s6;
	s7 =	simm.s32 @p2 $0x1082  }
0x22: {  	[simem:s7], [sflag:s8] =	dma.local @!p0 [hbm:s6], $0xF7A  }
0x23: {  	s9 =	sor.u32 $0xD0000000, s2;
	s6 =	simm.s32 $0x108;
	_ =	swait.ge @!p0 [sflag:s8], $0x0  }
0x24: {  	s3 =	sadd.s32 $0x88, s3;
	s6 =	simm.s32 @!p1 $0x1082;
	[sflag:s4] =	ssyncset.s32 $0xFFFFF086  }
0x25: {  	[simem:s6], [sflag:s4] =	dma.local [hbm:s3], $0xF7A  }
0x26: {  	[smem:$0x3F9C] =	sst s1;
	(tag) =	ssettag s2;
	_ =	strace s9  }
0x27: {  	s1 =	sld [smem:$0x3FAC]  }
0x28: {  	s2 =	sld [smem:$0x3FAD]  }
0x29: {  	s4 =	sld [smem:$0x3FAF]  }
0x2a: {  	p0 =	seq.s32 s5, $0x0;
	s5 =	sld [smem:$0x3FB0]  }
0x2b: {  	s6 =	sld [smem:$0x3FB1]  }
0x2c: {  	s7 =	sld [smem:$0x3FB2]  }
0x2d: {  	s3 =	simm.s32 $0x108;
	s8 =	sld [smem:$0x3FB3]  }
0x2e: {  	s3 =	simm.s32 @!p0 $0x1082;
	s9 =	sld [smem:$0x3FB4]  }
0x2f: {  	lr =	sadd.s32 s0, s3;
	s0 =	sld [smem:$0x3FAB]  }
0x30: {  	s3 =	sld [smem:$0x3FAE]  }
0x31: {  	[smem:$0x3FB7] =	sst s10  }
0x32: {  	s10 =	sld [smem:$0x3FB5];
	_ =	sdelay $0x3  }
0x33: {  	p0 =	seq.s32 s10, $0x1;
	s10 =	sld [smem:$0x3FB7];
	_ =	sdelay $0x3  }
0x34: {  	[smem:$0x3FB7] =	sst s10  }
0x35: {  	s10 =	sld [smem:$0x3FB6];
	_ =	sdelay $0x3  }
0x36: {  	p1 =	seq.s32 s10, $0x1;
	s10 =	sld [smem:$0x3FB7];
	_ =	sdelay $0x3  }
0x37: {  	[smem:$0x3FB7] =	sst s10  }
0x38: {  	s10 =	sld [smem:$0x3FB8]  }
0x39: {  	_ = 	snop;
	(pc) =	sbr.ind lr, $3  }
0x3a: {  	_ = 	snop  }
0x3b: {  	_ = 	snop  }
0x3c: {  	p2 =	seq.s32 s10, $0x1;
	s10 =	sld [smem:$0x3FB7]  }
0x3d: {  	_ =	shalt  }
0x3e: {  	_ =	shalt  }
0x3f: {  	_ =	shalt  }
0x40: {  	_ =	shalt  }
0x41: {  	_ =	shalt  }
0x42: {  	_ =	shalt  }
0x43: {  	_ =	shalt  }
0x44: {  	_ =	shalt  }
0x45: {  	_ =	shalt  }
0x46: {  	_ =	shalt  }
0x47: {  	_ =	shalt  }
0x48: {  	_ =	shalt  }
0x49: {  	_ =	shalt  }
0x4a: {  	_ =	shalt  }
0x4b: {  	_ =	shalt  }
0x4c: {  	_ =	shalt  }
0x4d: {  	_ =	shalt  }
0x4e: {  	_ =	shalt  }
0x4f: {  	_ =	shalt  }
0x50: {  	_ =	shalt  }
0x51: {  	_ =	shalt  }
0x52: {  	_ =	shalt  }
0x53: {  	_ =	shalt  }
0x54: {  	_ =	shalt  }
0x55: {  	_ =	shalt  }
0x56: {  	_ =	shalt  }
0x57: {  	_ =	shalt  }
0x58: {  	_ =	shalt  }
0x59: {  	_ =	shalt  }
0x5a: {  	_ =	shalt  }
0x5b: {  	_ =	shalt  }
0x5c: {  	_ =	shalt  }
0x5d: {  	_ =	shalt  }
0x5e: {  	_ =	shalt  }
0x5f: {  	_ =	shalt  }
0x60: {  	_ =	shalt  }
0x61: {  	_ =	shalt  }
0x62: {  	_ =	shalt  }
0x63: {  	_ =	shalt  }
0x64: {  	_ =	shalt  }
0x65: {  	_ =	shalt  }
0x66: {  	_ =	shalt  }
0x67: {  	_ =	shalt  }
0x68: {  	_ =	shalt  }
0x69: {  	_ =	shalt  }
0x6a: {  	_ =	shalt  }
0x6b: {  	_ =	shalt  }
0x6c: {  	_ =	shalt  }
0x6d: {  	_ =	shalt  }
0x6e: {  	_ =	shalt  }
0x6f: {  	_ =	shalt  }
0x70: {  	_ =	shalt  }
0x71: {  	_ =	shalt  }
0x72: {  	_ =	shalt  }
0x73: {  	_ =	shalt  }
0x74: {  	_ =	shalt  }
0x75: {  	_ =	shalt  }
0x76: {  	_ =	shalt  }
0x77: {  	_ =	shalt  }
0x78: {  	_ =	shalt  }
0x79: {  	_ =	shalt  }
0x7a: {  	_ =	shalt  }
0x7b: {  	_ =	shalt  }
0x7c: {  	_ =	shalt  }
0x7d: {  	_ =	shalt  }
0x7e: {  	_ =	shalt  }
0x7f: {  	_ =	shalt  }
0x80: {  	_ =	shalt  }
0x81: {  	_ =	shalt  }
0x82: {  	_ =	shalt  }
0x83: {  	_ =	shalt  }
0x84: {  	_ =	shalt  }
0x85: {  	_ =	shalt  }
0x86: {  	_ =	shalt  }
0x87: {  	_ =	shalt  }
.Lfunc_end0:
.L_simem_size_0:
called_computation.2_lowered:
.L_overlay_start_0:
0x88: {  	s2 =	sld [smem:$0x3FD9]  }
0x89: {  	s3 =	sld [smem:$0x3FFE];
	_ =	sdelay $0x1  }
0x8a: {  	s1 =	srdreg.scid  }
0x8b: {  	s0 =	sand.u32 $0x1, s1  }
0x8c: {  	s17 =	sshll.u32 s0, $0xA;
	s2 =	sadd.s32 s3, s2  }
0x8d: {  	s2 =	sadd.s32 s2, s17  }
0x8e: {  	[smem:$0x3FC3] =	sst s2  }
0x8f: {  	_ = 	snop  }
0x90: {  	s2 =	sld [smem:$0x3FD0];
	(tm) =	ssettm $0x1  }
0x91: {  	s18 =	sld [smem:$0x3FFB];
	_ =	sdelay $0x3  }
0x92: {  	_ =	strace s18  }
0x93: {  	s3 =	sld [smem:$0x3FFC];
	_ =	sdelay $0x3  }
0x94: {  	_ =	strace s3  }
0x95: {  	s3 =	sld [smem:$0x3FFD];
	_ =	sdelay $0x3  }
0x96: {  	_ =	strace s3  }
0x97: {  	_ =	strace $0x8FFFFFFF  }
0x98: {  	s19 =	sld [smem:$0x3FDB];
	_ =	sdelay $0x1  }
0x99: {  	s4 =	simm.s32 $_scs_section_size  }
0x9a: {  	s5 =	simm.s32 $_size__tile_overlayer_lowered;
	s6 =	simm.s32 $_tile_overlayer_lowered  }
0x9b: {  	s22 =	simm.s32 $0x1BFF;
	s21 =	sshll.u32 s6, $0x1;
	s3 =	sadd.s32 s4, s19  }
0x9c: {  	s7 =	simm.s32 $0x0;
	s20 =	sshll.u32 s5, $0x1;
	s5 =	sadd.s32 s21, s3  }
0x9d: {  	[timem:s7], [sflag:s22] =	dma.local [hbm:s5], s20  }
0x9e: {  	_ =	swait.ge [sflag:s22], s20  }
0x9f: {  	s4 =	ssub.s32 $0x0, s20;
	[sflag:s22] =	ssyncset.done $0x0  }
0xa0: {  	[sflag:s22] =	ssyncadd.s32 s4;
	_ =	sdelay $0x1  }
0xa1: {  	s23 =	simm.s32 $0x1B8B  }
0xa2: {  	_ =	swait.ge [sflag:s23], $0x1  }
0xa3: {  	[sflag:s23] =	ssyncset.done $0x0  }
0xa4: {  	s25 =	simm.s32 $0x1B8E;
	s24 =	sld [smem:$0x3FFE];
	[sflag:s23] =	ssyncadd.s32 $0xFFFFFFFF  }
0xa5: {  	s26 =	simm.s32 $execute0_lowered;
	[smem:$0x3FD2] =	sst s25  }
0xa6: {  	s5 =	sshll.u32 s26, $0x1;
	_ =	strace $0x8000004C;
	[dreg:$0x1] =	wrdreg $0xFFFFFFFF  }
0xa7: {  	s28 =	simm.s32 $_size_execute0_lowered;
	s3 =	sadd.s32 s3, s5;
	[dreg:$0x0] =	wrdreg $0x0  }
0xa8: {  	s5 =	sshll.u32 s28, $0x1;
	[dreg:$0x2] =	wrdreg s3  }
0xa9: {  	[dreg:$0x3] =	wrdreg s5  }
0xaa: {  	[dreg:$0x4] =	wrdreg $0xC0  }
0xab: {  	_ =	task [dreg:s7], $0x5FFFF  }
0xac: {  	[dreg:$0x1] =	wrdreg $0xFFFFFFFF  }
0xad: {  	[dreg:$0x0] =	wrdreg $0x60  }
0xae: {  	[dreg:$0x2] =	wrdreg s24  }
0xaf: {  	[dreg:$0x3] =	wrdreg s2  }
0xb0: {  	[dreg:$0x4] =	wrdreg $0x9  }
0xb1: {  	_ =	task.clear_ibuf [dreg:s7], $0x5FFFF;
	_ =	strace $0x9000004C  }
0xb2: {  	s29 =	simm.s32 $0x9;
	_ =	strace $0x8000004E  }
0xb3: {  	_ =	swait.ge [sflag:s29], $0x1  }
0xb4: {  	[sflag:s29] =	ssyncadd.s32 $0xFFFFFFFF  }
0xb5: {  	_ =	strace $0x9000004E  }
0xb6: {  	_ =	sfence  }
0xb7: {  	s30 =	sld [smem:$0x0];
	_ =	sdelay $0x2  }
0xb8: {  	s31 =	sshll.u32 s1, $0xD;
	s1 =	sshrl.u32 s1, $0x2  }
0xb9: {  	s3 =	sand.u32 $0x4000, s31;
	s1 =	sadd.s32 s1, s30  }
0xba: {  	s0 =	sor.u32 s3, s0;
	s1 =	sshll.u32 s1, $0x11  }
0xbb: {  	s0 =	sor.u32 s1, s0  }
0xbc: {  	s0 =	sadd.s32 $0x8F2B, s0  }
0xbd: {  	[sflag:s0] =	ssyncadd.remote.s32 $0x1  }
0xbe: {  	_ =	sfence.sel $0xFFFF  }
0xbf: {  	[dreg:$0x0] =	wrdreg $0xFFFFFFFF;
	(pc) =	sbr.abs _section_cstart, $3  }
0xc0: {  	[dreg:$0x1] =	wrdreg $0xFFFFFFFF  }
0xc1: {  	_ =	task.clear_ibuf [dreg:s7], $0x2FFFF;
	_ =	strace $0x9FFFFFFF  }
0xc2: {  	(tm) =	ssettm $0x7FFFFFFF  }
0xc3: {  	_ =	shalt  }
tec
execute0_lowered:
.L_overlay_start_1:
0x0: {  	(tag) =	ssettag $0x1  }
0x1: {  	s0 =	rddreg [dreg:$0x0];
	s3 =	simm.s32 $0x0  }
0x2: {  	s1 =	srdreg.scid;
	s2 =	stileid.u32;
	s10 =	simm.s32 $0x2  }
0x3: {  	s11 =	simm.s32 $0x1000;
	s12 =	simm.s32 $0x80;
	s14 =	simm.s32 $0x6800  }
0x4: {  	s16 =	simm.s32 $0x18800;
	s17 =	simm.s32 $0x6680;
	s18 =	simm.s32 $0x1A000  }
0x5: {  	s19 =	simm.s32 $0x6700;
	s20 =	simm.s32 $0x1B800;
	s21 =	simm.s32 $0x6780  }
0x6: {  	s22 =	simm.s32 $0x1D000;
	s23 =	simm.s32 $0x1;
	s24 =	simm.s32 $0x1E800  }
0x7: {  	[smem:$0x7FF] =	sst s3;
	s4 =	sadd.s32 $0x1400, s0;
	s1 =	sand.u32 $0x1, s1  }
0x8: {  	s2 =	sshll.u32 s2, $0x1;
	s5 =	sadd.s32 $0x7B600, s0;
	s30 =	ssub.s32 $0x2, s1  }
0x9: {  	v0 =	vlaneseq.u32;
	s6 =	sadd.s32 $0x7B800, s0;
	_ =	strace $0x8000004D;
	s31 =	sshrl.u32 s30, $0x1  }
0xa: {  	v3 =	vmul.u32 $0x8, v0;
	[dreg:$0x3] =	wrdreg s5;
	s1 =	sor.u32 s1, s2;
	s0 =	ssub.s32 s30, s31  }
0xb: {  	v42 =	vimm.s32 $0x7F8;
	s2 =	ssub.s32 $0x114, s1;
	s7 =	sshll.u32 s1, $0xB;
	s0 =	smax.u32 s0, $0x1  }
0xc: {  	v43 =	vimm.s32 $0x0;
	v44 =	vimm.s32 $0x7F9;
	v53 =	vimm.s32 $0xFFFFFF69;
	s1 =	simm.s32 $0x0;
	[tilespmem:$0x1FFF0] =	vst v3;
	s8 =	sshrl.u32 s2, $0x5;
	[dreg:$0x4] =	wrdreg s0  }
.LBB2_1:
0xd: {  	[dreg:$0x5] =	wrdreg s1  }
0xe: {  	s0 =	rddreg [dreg:$0x3]  }
0xf: {  	[tilespmem:s3], [sflag:$0x2] =	stream.linear.gather [hbm4b:s0+s3], $0x1000, $0x38;
	[tilespmem:$0x1F000] =	vst v63  }
0x10: {  	_ =	swait.ge [sflag:s10], $0x1000  }
0x11: {  	[sflag:s10] =	ssyncset.done $0x0  }
0x12: {  	s25 =	simm.s32 $0x0;
	[sflag:s10] =	ssyncadd.s32 $0xFFFFF000  }
.LBB2_2:
0x13: {  	s0 =	sshll.u32 s25, $0x10  }
0x14: {  	s26 =	sor.u32 s7, s0  }
0x15: {  	p0 =	slt.s32 s26, $0x79920  }
0x16: {  	s13 =	simm.s32 $0x20;
	s26 =	simm.s32 @!p0 $0x79920  }
0x17: {  	s5 =	simm.s32 $0x10;
	v0 =	vmov s13;
	s2 =	sand.u32 $0x1FFFF920, s26  }
0x18: {  	s15 =	simm.s32 $0x0;
	v1 =	vmov s5;
	v0 =	vshll.u32 v0, $0x3;
	s2 =	sadd.s32 s4, s2  }
0x19: {  	v1 =	vshll.u32 v1, $0x3;
	v0 =	vor.u32 v3, v0;
	[tilespmem:s11], [sflag:$0x2] =	stream.linear.gather [hbm4b:s2+s15], $0x4000, $0x38;
	[tilespmem:$0x1F000] =	vst v63  }
0x1a: {  	v2 =	vor.u32 v3, v1;
	_ =	swait.ge [sflag:s10], $0x4000  }
0x1b: {  	[sflag:s10] =	ssyncset.done $0x0  }
0x1c: {  	[sflag:s10] =	ssyncadd.s32 $0xFFFFC000  }
0x1d: {  	v4 =	vor.u32 $0x1, v2;
	v5 =	vld.idx.msk [tilespmem:v42+s3+$0x0], $0xffff  }
0x1e: {  	v1 =	vld.idx.msk [tilespmem:v0+s11+$0x0], $0xffff  }
0x1f: {  	s1 =	simm.s32 $0x30;
	v16 =	vld.idx.msk [tilespmem:v2+s11+$0x0], $0xffff  }
0x20: {  	v2 =	vmov s1  }
0x21: {  	v8 =	vld.idx.msk [tilespmem:v44+s3+$0x0], $0xffff;
	v0 =	vor.u32 $0x1, v0;
	v2 =	vshll.u32 v2, $0x3  }
0x22: {  	v6 =	vld.idx.msk [tilespmem:v4+s11+$0x0], $0xffff;
	v2 =	vor.u32 v3, v2  }
0x23: {  	v4 =	vor.u32 $0x1, v2;
	vm0 =	vlt.f32 v5, v1  }
0x24: {  	vm5 =	vlt.f32 v5, v16;
	v7 =	vsel vm0, $0x100, v43  }
0x25: {  	v10 =	vsel vm5, $0x100, v43;
	v9 =	vshll.u32 v7, $0x3  }
0x26: {  	v19 =	vld.idx.msk [tilespmem:v0+s11+$0x0], $0xffff;
	v0 =	vshll.u32 v10, $0x3;
	v9 =	vor.u32 $0x3F8, v9  }
0x27: {  	vm6 =	vlt.f32 v8, v6;
	v0 =	vor.u32 $0x3F8, v0  }
0x28: {  	v11 =	vsel vm6, $0x100, v43;
	v18 =	vld.idx.msk [tilespmem:v4+s11+$0x0], $0xffff  }
0x29: {  	v4 =	vshll.u32 v11, $0x3  }
0x2a: {  	v4 =	vor.u32 $0x3F9, v4  }
0x2b: {  	vm7 =	vlt.f32 v8, v19;
	v9 =	vld.idx.msk [tilespmem:v9+s3+$0x0], $0xffff  }
0x2c: {  	v12 =	vsel vm7, $0x100, v43;
	v13 =	vld.idx.msk [tilespmem:v0+s3+$0x0], $0xffff  }
0x2d: {  	v0 =	vshll.u32 v12, $0x3;
	vm8 =	vlt.f32 v8, v18  }
0x2e: {  	v14 =	vor.u32 $0x3F9, v0;
	v15 =	vsel vm8, $0x100, v43  }
0x2f: {  	v4 =	vld.idx.msk [tilespmem:v4+s3+$0x0], $0xffff;
	v17 =	vshll.u32 v15, $0x3  }
0x30: {  	v0 =	vld.idx.msk [tilespmem:v2+s11+$0x0], $0xffff;
	v2 =	vor.u32 $0x3F9, v17;
	vm9 =	vlt.f32 v9, v1;
	v9 =	vor.u32 $0x80, v7  }
0x31: {  	vm10 =	vlt.f32 v13, v16;
	v7 =	vsel vm9, v9, v7;
	v9 =	vor.u32 $0x80, v10  }
0x32: {  	v13 =	vshll.u32 v7, $0x3;
	v9 =	vsel vm10, v9, v10  }
0x33: {  	v14 =	vld.idx.msk [tilespmem:v14+s3+$0x0], $0xffff;
	v10 =	vor.u32 $0x1F8, v13;
	v17 =	vshll.u32 v9, $0x3  }
0x34: {  	vm11 =	vlt.f32 v4, v6;
	v13 =	vor.u32 $0x80, v11;
	v4 =	vor.u32 $0x1F8, v17  }
0x35: {  	vm12 =	vlt.f32 v5, v0;
	v2 =	vld.idx.msk [tilespmem:v2+s3+$0x0], $0xffff;
	v11 =	vsel vm11, v13, v11  }
0x36: {  	v17 =	vsel vm12, $0x100, v43;
	v13 =	vshll.u32 v11, $0x3  }
0x37: {  	v20 =	vshll.u32 v17, $0x3;
	v13 =	vor.u32 $0x1F9, v13  }
0x38: {  	v21 =	vor.u32 $0x80, v12;
	v20 =	vor.u32 $0x3F8, v20;
	vm13 =	vlt.f32 v14, v19;
	v10 =	vld.idx.msk [tilespmem:v10+s3+$0x0], $0xffff  }
0x39: {  	v12 =	vsel vm13, v21, v12;
	v4 =	vld.idx.msk [tilespmem:v4+s3+$0x0], $0xffff  }
0x3a: {  	v14 =	vor.u32 $0x80, v15;
	v21 =	vshll.u32 v12, $0x3;
	vm14 =	vlt.f32 v2, v18  }
0x3b: {  	v2 =	vor.u32 $0x1F9, v21;
	v14 =	vsel vm14, v14, v15  }
0x3c: {  	v15 =	vshll.u32 v14, $0x3;
	v13 =	vld.idx.msk [tilespmem:v13+s3+$0x0], $0xffff  }
0x3d: {  	v20 =	vld.idx.msk [tilespmem:v20+s3+$0x0], $0xffff;
	v15 =	vor.u32 $0x1F9, v15;
	vm15 =	vlt.f32 v10, v1;
	v10 =	vor.u32 $0x40, v7  }
0x3e: {  	v7 =	vsel vm15, v10, v7;
	vm4 =	vlt.f32 v4, v16;
	v4 =	vor.u32 $0x40, v9  }
0x3f: {  	v10 =	vshll.u32 v7, $0x3;
	v4 =	vsel vm4, v4, v9  }
0x40: {  	v2 =	vld.idx.msk [tilespmem:v2+s3+$0x0], $0xffff;
	v9 =	vor.u32 $0xF8, v10;
	v21 =	vshll.u32 v4, $0x3  }
0x41: {  	v10 =	vor.u32 $0x40, v11;
	vm5 =	vlt.f32 v13, v6;
	v13 =	vor.u32 $0xF8, v21  }
0x42: {  	vm6 =	vlt.f32 v20, v0;
	v15 =	vld.idx.msk [tilespmem:v15+s3+$0x0], $0xffff;
	v10 =	vsel vm5, v10, v11;
	v11 =	vor.u32 $0x80, v17  }
0x43: {  	v20 =	vshll.u32 v10, $0x3;
	v11 =	vsel vm6, v11, v17  }
0x44: {  	v17 =	vor.u32 $0xF9, v20;
	v20 =	vshll.u32 v11, $0x3  }
0x45: {  	v21 =	vor.u32 $0x40, v12;
	vm7 =	vlt.f32 v2, v19;
	v20 =	vor.u32 $0x1F8, v20;
	v9 =	vld.idx.msk [tilespmem:v9+s3+$0x0], $0xffff  }
0x46: {  	v2 =	vsel vm7, v21, v12;
	v12 =	vld.idx.msk [tilespmem:v13+s3+$0x0], $0xffff  }
0x47: {  	v21 =	vshll.u32 v2, $0x3;
	vm8 =	vlt.f32 v15, v18;
	v13 =	vor.u32 $0x40, v14  }
0x48: {  	v15 =	vor.u32 $0xF9, v21;
	v13 =	vsel vm8, v13, v14  }
0x49: {  	v14 =	vld.idx.msk [tilespmem:v17+s3+$0x0], $0xffff;
	v17 =	vshll.u32 v13, $0x3  }
0x4a: {  	v20 =	vld.idx.msk [tilespmem:v20+s3+$0x0], $0xffff;
	v17 =	vor.u32 $0xF9, v17;
	vm9 =	vlt.f32 v9, v1;
	v9 =	vor.u32 $0x20, v7  }
0x4b: {  	v7 =	vsel vm9, v9, v7;
	vm10 =	vlt.f32 v12, v16;
	v9 =	vor.u32 $0x20, v4  }
0x4c: {  	v12 =	vshll.u32 v7, $0x3;
	v4 =	vsel vm10, v9, v4  }
0x4d: {  	v15 =	vld.idx.msk [tilespmem:v15+s3+$0x0], $0xffff;
	v9 =	vadd.s32 $0x78, v12;
	v21 =	vshll.u32 v4, $0x3  }
0x4e: {  	v12 =	vor.u32 $0x20, v10;
	vm11 =	vlt.f32 v14, v6;
	v14 =	vadd.s32 $0x78, v21  }
0x4f: {  	v10 =	vsel vm11, v12, v10;
	v12 =	vor.u32 $0x40, v11;
	vm12 =	vlt.f32 v20, v0;
	v17 =	vld.idx.msk [tilespmem:v17+s3+$0x0], $0xffff  }
0x50: {  	v20 =	vshll.u32 v10, $0x3;
	v11 =	vsel vm12, v12, v11  }
0x51: {  	v12 =	vadd.s32 $0x79, v20;
	v20 =	vshll.u32 v11, $0x3  }
0x52: {  	v21 =	vor.u32 $0x20, v2;
	vm13 =	vlt.f32 v15, v19;
	v20 =	vor.u32 $0xF8, v20;
	v9 =	vld.idx.msk [tilespmem:v9+s3+$0x0], $0xffff  }
0x53: {  	v2 =	vsel vm13, v21, v2;
	v14 =	vld.idx.msk [tilespmem:v14+s3+$0x0], $0xffff  }
0x54: {  	v15 =	vor.u32 $0x20, v13;
	v21 =	vshll.u32 v2, $0x3;
	vm14 =	vlt.f32 v17, v18  }
0x55: {  	v17 =	vadd.s32 $0x79, v21;
	v13 =	vsel vm14, v15, v13  }
0x56: {  	v12 =	vld.idx.msk [tilespmem:v12+s3+$0x0], $0xffff;
	v15 =	vshll.u32 v13, $0x3  }
0x57: {  	v20 =	vld.idx.msk [tilespmem:v20+s3+$0x0], $0xffff;
	v15 =	vadd.s32 $0x79, v15;
	vm15 =	vlt.f32 v9, v1;
	v9 =	vadd.s32 $0x10, v7  }
0x58: {  	v7 =	vsel vm15, v9, v7;
	vm4 =	vlt.f32 v14, v16;
	v9 =	vadd.s32 $0x10, v4  }
0x59: {  	v14 =	vshll.u32 v7, $0x3;
	v4 =	vsel vm4, v9, v4  }
0x5a: {  	v9 =	vadd.s32 $0x38, v14;
	v14 =	vld.idx.msk [tilespmem:v17+s3+$0x0], $0xffff;
	v17 =	vshll.u32 v4, $0x3  }
0x5b: {  	vm5 =	vlt.f32 v12, v6;
	v12 =	vadd.s32 $0x10, v10;
	v17 =	vadd.s32 $0x38, v17  }
0x5c: {  	v10 =	vsel vm5, v12, v10;
	v12 =	vor.u32 $0x20, v11;
	vm6 =	vlt.f32 v20, v0;
	v15 =	vld.idx.msk [tilespmem:v15+s3+$0x0], $0xffff  }
0x5d: {  	v20 =	vshll.u32 v10, $0x3;
	v11 =	vsel vm6, v12, v11  }
0x5e: {  	v12 =	vadd.s32 $0x39, v20;
	v20 =	vshll.u32 v11, $0x3  }
0x5f: {  	v20 =	vadd.s32 $0x78, v20;
	v9 =	vld.idx.msk [tilespmem:v9+s3+$0x0], $0xffff  }
0x60: {  	v21 =	vadd.s32 $0x10, v2;
	vm7 =	vlt.f32 v14, v19;
	v14 =	vld.idx.msk [tilespmem:v17+s3+$0x0], $0xffff  }
0x61: {  	v2 =	vsel vm7, v21, v2;
	v17 =	vadd.s32 $0x10, v13;
	vm8 =	vlt.f32 v15, v18  }
0x62: {  	v21 =	vshll.u32 v2, $0x3;
	v13 =	vsel vm8, v17, v13  }
0x63: {  	v15 =	vadd.s32 $0x39, v21;
	v12 =	vld.idx.msk [tilespmem:v12+s3+$0x0], $0xffff;
	v17 =	vshll.u32 v13, $0x3  }
0x64: {  	v20 =	vld.idx.msk [tilespmem:v20+s3+$0x0], $0xffff;
	v17 =	vadd.s32 $0x39, v17;
	vm9 =	vlt.f32 v9, v1;
	v9 =	vadd.s32 $0x8, v7  }
0x65: {  	v7 =	vsel vm9, v9, v7;
	vm10 =	vlt.f32 v14, v16;
	v9 =	vadd.s32 $0x8, v4  }
0x66: {  	v14 =	vshll.u32 v7, $0x3;
	v4 =	vsel vm10, v9, v4  }
0x67: {  	v9 =	vadd.s32 $0x18, v14;
	v21 =	vshll.u32 v4, $0x3  }
0x68: {  	v14 =	vld.idx.msk [tilespmem:v15+s3+$0x0], $0xffff;
	v15 =	vadd.s32 $0x8, v10;
	vm11 =	vlt.f32 v12, v6;
	v12 =	vadd.s32 $0x18, v21  }
0x69: {  	v10 =	vsel vm11, v15, v10;
	v15 =	vadd.s32 $0x10, v11;
	vm12 =	vlt.f32 v20, v0;
	v17 =	vld.idx.msk [tilespmem:v17+s3+$0x0], $0xffff  }
0x6a: {  	v20 =	vshll.u32 v10, $0x3;
	v11 =	vsel vm12, v15, v11  }
0x6b: {  	v15 =	vadd.s32 $0x19, v20;
	v20 =	vshll.u32 v11, $0x3  }
0x6c: {  	v20 =	vadd.s32 $0x38, v20;
	v9 =	vld.idx.msk [tilespmem:v9+s3+$0x0], $0xffff  }
0x6d: {  	v21 =	vadd.s32 $0x8, v2;
	vm13 =	vlt.f32 v14, v19;
	v12 =	vld.idx.msk [tilespmem:v12+s3+$0x0], $0xffff  }
0x6e: {  	v14 =	vadd.s32 $0x8, v13;
	v2 =	vsel vm13, v21, v2;
	vm14 =	vlt.f32 v17, v18  }
0x6f: {  	v21 =	vshll.u32 v2, $0x3;
	v13 =	vsel vm14, v14, v13  }
0x70: {  	v17 =	vadd.s32 $0x19, v21;
	v14 =	vld.idx.msk [tilespmem:v15+s3+$0x0], $0xffff;
	v15 =	vshll.u32 v13, $0x3  }
0x71: {  	v20 =	vld.idx.msk [tilespmem:v20+s3+$0x0], $0xffff;
	v15 =	vadd.s32 $0x19, v15;
	vm15 =	vlt.f32 v9, v1;
	v9 =	vadd.s32 $0x4, v7  }
0x72: {  	v7 =	vsel vm15, v9, v7;
	vm4 =	vlt.f32 v12, v16;
	v9 =	vadd.s32 $0x4, v4  }
0x73: {  	v12 =	vshll.u32 v7, $0x3;
	v4 =	vsel vm4, v9, v4  }
0x74: {  	v9 =	vadd.s32 $0x8, v12;
	v21 =	vshll.u32 v4, $0x3  }
0x75: {  	v12 =	vld.idx.msk [tilespmem:v17+s3+$0x0], $0xffff;
	v17 =	vadd.s32 $0x4, v10;
	vm5 =	vlt.f32 v14, v6;
	v14 =	vadd.s32 $0x8, v21  }
0x76: {  	v10 =	vsel vm5, v17, v10;
	v17 =	vadd.s32 $0x8, v11;
	vm6 =	vlt.f32 v20, v0  }
0x77: {  	v15 =	vld.idx.msk [tilespmem:v15+s3+$0x0], $0xffff;
	v20 =	vshll.u32 v10, $0x3;
	v11 =	vsel vm6, v17, v11  }
0x78: {  	v17 =	vadd.s32 $0x9, v20;
	v20 =	vshll.u32 v11, $0x3  }
0x79: {  	v20 =	vadd.s32 $0x18, v20;
	v9 =	vld.idx.msk [tilespmem:v9+s3+$0x0], $0xffff  }
0x7a: {  	v21 =	vadd.s32 $0x4, v2;
	vm7 =	vlt.f32 v12, v19  }
0x7b: {  	v2 =	vsel vm7, v21, v2;
	v12 =	vld.idx.msk [tilespmem:v14+s3+$0x0], $0xffff  }
0x7c: {  	v21 =	vadd.s32 $0x4, v13;
	vm8 =	vlt.f32 v15, v18;
	v14 =	vshll.u32 v2, $0x3  }
0x7d: {  	v13 =	vsel vm8, v21, v13;
	v14 =	vadd.s32 $0x9, v14;
	v15 =	vld.idx.msk [tilespmem:v17+s3+$0x0], $0xffff  }
0x7e: {  	v17 =	vld.idx.msk [tilespmem:v20+s3+$0x0], $0xffff;
	v20 =	vshll.u32 v13, $0x3;
	vm9 =	vlt.f32 v9, v1;
	v9 =	vadd.s32 $0x2, v7  }
0x7f: {  	v20 =	vadd.s32 $0x9, v20;
	v7 =	vsel vm9, v9, v7  }
0x80: {  	v9 =	vadd.s32 $0x2, v4;
	vm10 =	vlt.f32 v12, v16;
	v12 =	vshll.u32 v7, $0x3  }
0x81: {  	v4 =	vsel vm10, v9, v4  }
0x82: {  	v9 =	vadd.s32 $0x2, v10;
	v21 =	vshll.u32 v4, $0x3;
	vm11 =	vlt.f32 v15, v6  }
0x83: {  	v14 =	vld.idx.msk [tilespmem:v14+s3+$0x0], $0xffff;
	v9 =	vsel vm11, v9, v10  }
0x84: {  	v10 =	vadd.s32 $0x4, v11;
	vm12 =	vlt.f32 v17, v0;
	v15 =	vshll.u32 v9, $0x3;
	v17 =	vld.idx.msk [tilespmem:v20+s3+$0x0], $0xffff  }
0x85: {  	v10 =	vsel vm12, v10, v11;
	v11 =	vld.idx.msk [tilespmem:v12+s3+$0x0], $0xffff;
	v12 =	vor.u32 $0x1, v15  }
0x86: {  	v15 =	vshll.u32 v10, $0x3  }
0x87: {  	v23 =	vmov s15;
	v15 =	vadd.s32 $0x8, v15;
	v21 =	vld.idx.msk [tilespmem:v21+s3+$0x0], $0xffff  }
0x88: {  	v23 =	vshll.u32 v23, $0x3;
	v22 =	vadd.s32 $0x2, v2;
	vm13 =	vlt.f32 v14, v19  }
0x89: {  	v20 =	vadd.s32 $0x2, v10;
	v22 =	vsel vm13, v22, v2;
	v2 =	vor.u32 v3, v23  }
0x8a: {  	v14 =	vadd.s32 $0x2, v13;
	v23 =	vshll.u32 v22, $0x3;
	vm1 =	vlt.f32 v17, v18;
	v12 =	vld.idx.msk [tilespmem:v12+s3+$0x0], $0xffff  }
0x8b: {  	v23 =	vor.u32 $0x1, v23;
	vm14 =	vlt.f32 v11, v1;
	v11 =	vor.u32 $0x1, v2  }
0x8c: {  	v13 =	vsel vm1, v14, v13;
	v24 =	vsel vm14, $0x1, v43;
	vm15 =	vlt.f32 v21, v16;
	v15 =	vld.idx.msk [tilespmem:v15+s3+$0x0], $0xffff  }
0x8d: {  	v17 =	vshll.u32 v13, $0x3;
	v7 =	vadd.s32 v24, v7;
	v14 =	vsel vm15, $0x1, v43  }
0x8e: {  	v21 =	vor.u32 $0x1, v17;
	v2 =	vld.idx.msk [tilespmem:v2+s11+$0x0], $0xffff;
	v7 =	vmax.u32 v7, $0x1;
	v4 =	vadd.s32 v14, v4  }
0x8f: {  	v7 =	vmin.u32 v7, $0x1FF;
	v4 =	vmax.u32 v4, $0x1;
	vm4 =	vlt.f32 v12, v6  }
0x90: {  	v12 =	vadd.s32 $0xFFFFFFFF, v7;
	v7 =	vld.idx.msk [tilespmem:v11+s11+$0x0], $0xffff;
	v4 =	vmin.u32 v4, $0x1FF;
	v11 =	vsel vm4, $0x1, v43  }
0x91: {  	s9 =	simm.s32 $0x60;
	v14 =	vshll.u32 v12, $0x3;
	v4 =	vadd.s32 $0xFFFFFFFF, v4;
	vm5 =	vlt.f32 v15, v0  }
0x92: {  	s5 =	simm.s32 $0x50;
	v15 =	vmov s9;
	v12 =	vmul.u32 $0x1FF, v12;
	v17 =	vadd.s32 v11, v9  }
0x93: {  	v9 =	vld.idx.msk [tilespmem:v23+s3+$0x0], $0xffff;
	v11 =	vmov s5;
	v23 =	vsel vm5, v20, v10;
	vm6 =	vlt.f32 v5, v2  }
0x94: {  	v10 =	vshll.u32 v11, $0x3;
	v11 =	vshll.u32 v15, $0x3;
	v15 =	vshll.u32 v23, $0x3  }
0x95: {  	s13 =	simm.s32 $0x70;
	v25 =	vsel vm6, $0x100, v43;
	v17 =	vmax.u32 v17, $0x1;
	v11 =	vor.u32 v3, v11  }
0x96: {  	v21 =	vld.idx.msk [tilespmem:v21+s3+$0x0], $0xffff;
	v20 =	vor.u32 v3, v10;
	v10 =	vmov s13;
	vm7 =	vlt.f32 v8, v7  }
0x97: {  	v5 =	vshll.u32 v10, $0x3;
	v8 =	vshll.u32 v25, $0x3;
	v26 =	vsel vm7, $0x100, v43  }
0x98: {  	v24 =	vld.idx.msk [tilespmem:v14+s3+$0x0], $0xffff;
	vm8 =	vlt.f32 v9, v19;
	v9 =	vor.u32 $0x3F8, v8;
	v8 =	vshll.u32 v26, $0x3  }
0x99: {  	v14 =	vld.idx.msk [tilespmem:v42+s3+$0x0], $0xffff;
	v29 =	vor.u32 v3, v5;
	v28 =	vsel vm8, $0x1, v43;
	v5 =	vor.u32 $0x3F9, v8  }
0x9a: {  	v30 =	vor.u32 $0x80, v25;
	v17 =	vmin.u32 v17, $0x1FF;
	v10 =	vld.idx.msk [tilespmem:v11+s11+$0x0], $0xffff;
	v22 =	vadd.s32 v28, v22  }
0x9b: {  	v27 =	vor.u32 $0x1, v20;
	vm9 =	vlt.f32 v21, v18;
	v8 =	vld.idx.msk [tilespmem:v20+s11+$0x0], $0xffff;
	v20 =	vmax.u32 v22, $0x1  }
0x9c: {  	v21 =	vsel vm9, $0x1, v43;
	v11 =	vor.u32 $0x1, v11;
	v22 =	vld.idx.msk [tilespmem:v15+s3+$0x0], $0xffff;
	v20 =	vmin.u32 v20, $0x1FF  }
0x9d: {  	v28 =	vor.u32 $0x1, v29;
	v1 =	vsub.f32 v1, v24;
	v20 =	vadd.s32 $0xFFFFFFFF, v20;
	v24 =	vld.idx.msk [tilespmem:v9+s3+$0x0], $0xffff  }
0x9e: {  	v9 =	vadd.s32 v21, v13;
	v21 =	vshll.u32 v20, $0x3;
	v31 =	vld.idx.msk [tilespmem:v5+s3+$0x0], $0xffff;
	v5 =	vadd.s32 v20, v12  }
0x9f: {  	v15 =	vld.idx.msk [tilespmem:v44+s3+$0x0], $0xffff;
	v9 =	vmax.u32 v9, $0x1;
	vm10 =	vlt.f32 v14, v10;
	v21 =	vor.u32 $0x1, v21  }
0xa0: {  	v13 =	vld.idx.msk [tilespmem:v27+s11+$0x0], $0xffff;
	v12 =	vmin.u32 v9, $0x1FF;
	vm11 =	vlt.f32 v14, v8;
	v27 =	vsel vm10, $0x100, v43  }
0xa1: {  	v20 =	vadd.s32 $0xFFFFFFFF, v12;
	v32 =	vsel vm11, $0x100, v43;
	vm12 =	vlt.f32 v22, v0  }
0xa2: {  	v9 =	vld.idx.msk [tilespmem:v11+s11+$0x0], $0xffff;
	v11 =	vshll.u32 v27, $0x3;
	v12 =	vshll.u32 v20, $0x3;
	v33 =	vshll.u32 v32, $0x3  }
0xa3: {  	v36 =	vsel vm12, $0x1, v43;
	v60 =	vor.u32 $0x80, v27;
	v34 =	vor.u32 $0x3F8, v11  }
0xa4: {  	vm13 =	vlt.f32 v24, v2;
	v22 =	vor.u32 $0x3F8, v33;
	v24 =	vor.u32 $0x1, v12  }
0xa5: {  	v12 =	vld.idx.msk [tilespmem:v28+s11+$0x0], $0xffff;
	v28 =	vor.u32 $0x80, v26;
	vm2 =	vlt.f32 v15, v13;
	v23 =	vadd.s32 v36, v23  }
0xa6: {  	v11 =	vld.idx.msk [tilespmem:v29+s11+$0x0], $0xffff;
	v25 =	vsel vm13, v30, v25;
	vm14 =	vlt.f32 v31, v7;
	v29 =	vsel vm2, $0x100, v43  }
0xa7: {  	v23 =	vmax.u32 v23, $0x1;
	v26 =	vsel vm14, v28, v26;
	v28 =	vshll.u32 v25, $0x3  }
0xa8: {  	v21 =	vld.idx.msk [tilespmem:v21+s3+$0x0], $0xffff;
	vm15 =	vlt.f32 v15, v9;
	v31 =	vshll.u32 v29, $0x3;
	v28 =	vor.u32 $0x1F8, v28  }
0xa9: {  	v40 =	vor.u32 $0x80, v29;
	v30 =	vsel vm15, $0x100, v43;
	v31 =	vor.u32 $0x3F9, v31  }
0xaa: {  	v23 =	vmin.u32 v23, $0x1FF;
	v58 =	vshll.u32 v26, $0x3;
	v35 =	vshll.u32 v30, $0x3;
	v57 =	vld.idx.msk [tilespmem:v34+s3+$0x0], $0xffff  }
0xab: {  	v23 =	vadd.s32 $0xFFFFFFFF, v23;
	v62 =	vor.u32 $0x80, v30;
	v35 =	vor.u32 $0x3F9, v35;
	v22 =	vld.idx.msk [tilespmem:v22+s3+$0x0], $0xffff  }
0xac: {  	v34 =	vor.u32 $0x1F9, v58;
	vm4 =	vlt.f32 v15, v12;
	vm5 =	vlt.f32 v14, v11;
	v24 =	vld.idx.msk [tilespmem:v24+s3+$0x0], $0xffff  }
0xad: {  	v37 =	vsel vm4, $0x100, v43;
	v19 =	vsub.f32 v19, v21;
	v21 =	vsel vm5, $0x100, v43;
	v28 =	vld.idx.msk [tilespmem:v28+s3+$0x0], $0xffff  }
0xae: {  	v38 =	vshll.u32 v37, $0x3;
	v59 =	vshll.u32 v21, $0x3;
	v39 =	vor.u32 $0x80, v21;
	v31 =	vld.idx.msk [tilespmem:v31+s3+$0x0], $0xffff  }
0xaf: {  	v38 =	vor.u32 $0x3F9, v38;
	v36 =	vor.u32 $0x3F8, v59;
	vm6 =	vlt.f32 v57, v10  }
0xb0: {  	v61 =	vld.idx.msk [tilespmem:v35+s3+$0x0], $0xffff;
	vm7 =	vlt.f32 v22, v8;
	v22 =	vor.u32 $0x80, v32;
	v27 =	vsel vm6, v60, v27  }
0xb1: {  	v34 =	vld.idx.msk [tilespmem:v34+s3+$0x0], $0xffff;
	v18 =	vsub.f32 v18, v24;
	v24 =	vor.u32 $0x40, v25;
	v63 =	vshll.u32 v27, $0x3  }
0xb2: {  	v22 =	vsel vm7, v22, v32;
	v51 =	vor.u32 $0x40, v27;
	v32 =	vor.u32 $0x1F8, v63  }
0xb3: {  	vm8 =	vlt.f32 v28, v2;
	v28 =	vshll.u32 v22, $0x3;
	vm9 =	vlt.f32 v31, v13  }
0xb4: {  	v38 =	vld.idx.msk [tilespmem:v38+s3+$0x0], $0xffff;
	v28 =	vor.u32 $0x1F8, v28;
	v24 =	vsel vm8, v24, v25;
	v25 =	vor.u32 $0x80, v37  }
0xb5: {  	v36 =	vld.idx.msk [tilespmem:v36+s3+$0x0], $0xffff;
	v29 =	vsel vm9, v40, v29;
	v40 =	vor.u32 $0x40, v26;
	v31 =	vshll.u32 v24, $0x3  }
0xb6: {  	vm10 =	vlt.f32 v61, v9;
	v41 =	vshll.u32 v29, $0x3;
	vm11 =	vlt.f32 v34, v7  }
0xb7: {  	v52 =	vor.u32 $0x40, v29;
	v31 =	vor.u32 $0xF8, v31;
	v30 =	vsel vm10, v62, v30  }
0xb8: {  	v35 =	vor.u32 $0x1F9, v41;
	v26 =	vsel vm11, v40, v26;
	v45 =	vshll.u32 v30, $0x3  }
0xb9: {  	v57 =	vor.u32 $0x20, v24;
	v47 =	vshll.u32 v26, $0x3;
	v32 =	vld.idx.msk [tilespmem:v32+s3+$0x0], $0xffff;
	v46 =	vor.u32 $0x1F9, v45  }
0xba: {  	v54 =	vor.u32 $0x40, v30;
	vm12 =	vlt.f32 v38, v12;
	v28 =	vld.idx.msk [tilespmem:v28+s3+$0x0], $0xffff;
	vm13 =	vlt.f32 v36, v11  }
0xbb: {  	v61 =	vor.u32 $0x20, v26;
	v25 =	vsel vm12, v25, v37;
	v21 =	vsel vm13, v39, v21  }
0xbc: {  	v34 =	vor.u32 $0xF9, v47;
	v48 =	vshll.u32 v25, $0x3;
	v49 =	vshll.u32 v21, $0x3;
	v31 =	vld.idx.msk [tilespmem:v31+s3+$0x0], $0xffff  }
0xbd: {  	v59 =	vor.u32 $0x40, v25;
	v36 =	vor.u32 $0x1F9, v48;
	v50 =	vld.idx.msk [tilespmem:v35+s3+$0x0], $0xffff;
	v37 =	vor.u32 $0x1F8, v49  }
0xbe: {  	vm14 =	vlt.f32 v32, v10;
	v33 =	vld.idx.msk [tilespmem:v46+s3+$0x0], $0xffff;
	v46 =	vshll.u32 v23, $0x3;
	v23 =	vmul.u32 $0x1FF, v23  }
0xbf: {  	v27 =	vsel vm14, v51, v27;
	vm15 =	vlt.f32 v28, v8;
	v28 =	vor.u32 $0x40, v22  }
0xc0: {  	v55 =	vshll.u32 v27, $0x3;
	v22 =	vsel vm15, v28, v22;
	v48 =	vor.u32 $0x20, v27  }
0xc1: {  	v28 =	vld.idx.msk [tilespmem:v34+s3+$0x0], $0xffff;
	v56 =	vor.u32 $0xF8, v55;
	v58 =	vshll.u32 v22, $0x3;
	vm4 =	vlt.f32 v31, v2  }
0xc2: {  	vm5 =	vlt.f32 v50, v13;
	v40 =	vor.u32 $0xF8, v58;
	v24 =	vsel vm4, v57, v24  }
0xc3: {  	v31 =	vor.u32 $0x40, v21;
	v36 =	vld.idx.msk [tilespmem:v36+s3+$0x0], $0xffff;
	v29 =	vsel vm5, v52, v29;
	v60 =	vshll.u32 v24, $0x3  }
0xc4: {  	v37 =	vld.idx.msk [tilespmem:v37+s3+$0x0], $0xffff;
	vm6 =	vlt.f32 v33, v9;
	v62 =	vshll.u32 v29, $0x3;
	v32 =	vadd.s32 $0x78, v60  }
0xc5: {  	v50 =	vor.u32 $0x20, v22;
	v30 =	vsel vm6, v54, v30;
	v35 =	vor.u32 $0xF9, v62  }
0xc6: {  	v49 =	vor.u32 $0x20, v29;
	vm7 =	vlt.f32 v28, v7;
	v28 =	vshll.u32 v30, $0x3;
	v34 =	vld.idx.msk [tilespmem:v56+s3+$0x0], $0xffff  }
0xc7: {  	v51 =	vor.u32 $0x20, v30;
	v26 =	vsel vm7, v61, v26;
	v28 =	vor.u32 $0xF9, v28;
	v63 =	vld.idx.msk [tilespmem:v40+s3+$0x0], $0xffff  }
0xc8: {  	vm8 =	vlt.f32 v36, v12;
	v56 =	vadd.s32 $0x10, v24;
	v41 =	vshll.u32 v26, $0x3  }
0xc9: {  	vm9 =	vlt.f32 v37, v11;
	v25 =	vsel vm8, v59, v25;
	v36 =	vadd.s32 $0x79, v41;
	v32 =	vld.idx.msk [tilespmem:v32+s3+$0x0], $0xffff  }
0xca: {  	v21 =	vsel vm9, v31, v21;
	v31 =	vshll.u32 v25, $0x3;
	v59 =	vor.u32 $0x20, v25;
	v47 =	vld.idx.msk [tilespmem:v35+s3+$0x0], $0xffff  }
0xcb: {  	v45 =	vshll.u32 v21, $0x3;
	v31 =	vor.u32 $0xF9, v31;
	vm10 =	vlt.f32 v34, v10  }
0xcc: {  	v37 =	vor.u32 $0xF8, v45;
	v28 =	vld.idx.msk [tilespmem:v28+s3+$0x0], $0xffff;
	v27 =	vsel vm10, v48, v27;
	vm11 =	vlt.f32 v63, v8  }
0xcd: {  	v58 =	vor.u32 $0x20, v21;
	v52 =	vshll.u32 v27, $0x3;
	v22 =	vsel vm11, v50, v22  }
0xce: {  	v54 =	vld.idx.msk [tilespmem:v36+s3+$0x0], $0xffff;
	v45 =	vadd.s32 $0x10, v27;
	v55 =	vadd.s32 $0x78, v52;
	vm12 =	vlt.f32 v32, v2  }
0xcf: {  	v57 =	vshll.u32 v22, $0x3;
	vm13 =	vlt.f32 v47, v13;
	v47 =	vadd.s32 $0x10, v22  }
0xd0: {  	v31 =	vld.idx.msk [tilespmem:v31+s3+$0x0], $0xffff;
	v24 =	vsel vm12, v56, v24;
	v32 =	vadd.s32 $0x78, v57;
	v29 =	vsel vm13, v49, v29  }
0xd1: {  	v37 =	vld.idx.msk [tilespmem:v37+s3+$0x0], $0xffff;
	v60 =	vshll.u32 v24, $0x3;
	vm14 =	vlt.f32 v28, v9;
	v28 =	vadd.s32 $0x10, v26  }
0xd2: {  	v61 =	vshll.u32 v29, $0x3;
	v50 =	vadd.s32 $0x8, v24;
	v39 =	vadd.s32 $0x38, v60  }
0xd3: {  	v38 =	vld.idx.msk [tilespmem:v46+s3+$0x0], $0xffff;
	v30 =	vsel vm14, v51, v30;
	v35 =	vadd.s32 $0x79, v61;
	vm15 =	vlt.f32 v54, v7  }
0xd4: {  	v62 =	vshll.u32 v30, $0x3;
	v46 =	vadd.s32 $0x10, v30;
	v36 =	vld.idx.msk [tilespmem:v55+s3+$0x0], $0xffff;
	v28 =	vsel vm15, v28, v26  }
0xd5: {  	v33 =	vadd.s32 $0x79, v62;
	vm4 =	vlt.f32 v31, v12;
	v55 =	vadd.s32 $0x10, v29;
	v32 =	vld.idx.msk [tilespmem:v32+s3+$0x0], $0xffff  }
0xd6: {  	v26 =	vshll.u32 v28, $0x3;
	vm5 =	vlt.f32 v37, v11;
	v25 =	vsel vm4, v59, v25  }
0xd7: {  	v31 =	vadd.s32 $0x39, v26;
	v21 =	vsel vm5, v58, v21;
	v34 =	vshll.u32 v25, $0x3;
	v63 =	vld.idx.msk [tilespmem:v39+s3+$0x0], $0xffff  }
0xd8: {  	v26 =	vsub.f32 v0, v38;
	v0 =	vshll.u32 v21, $0x3;
	v34 =	vadd.s32 $0x79, v34;
	v35 =	vld.idx.msk [tilespmem:v35+s3+$0x0], $0xffff  }
0xd9: {  	v56 =	vadd.s32 $0x8, v28;
	v0 =	vadd.s32 $0x78, v0;
	vm6 =	vlt.f32 v36, v10  }
0xda: {  	v54 =	vadd.s32 $0x10, v25;
	v33 =	vld.idx.msk [tilespmem:v33+s3+$0x0], $0xffff;
	v27 =	vsel vm6, v45, v27;
	vm7 =	vlt.f32 v32, v8  }
0xdb: {  	v40 =	vadd.s32 $0x10, v21;
	v48 =	vshll.u32 v27, $0x3;
	v22 =	vsel vm7, v47, v22  }
0xdc: {  	v31 =	vld.idx.msk [tilespmem:v31+s3+$0x0], $0xffff;
	v49 =	vadd.s32 $0x38, v48;
	v51 =	vshll.u32 v22, $0x3;
	vm8 =	vlt.f32 v63, v2  }
0xdd: {  	v34 =	vld.idx.msk [tilespmem:v34+s3+$0x0], $0xffff;
	vm9 =	vlt.f32 v35, v13;
	v52 =	vadd.s32 $0x38, v51;
	v24 =	vsel vm8, v50, v24  }
0xde: {  	v60 =	vadd.s32 $0x8, v27;
	v0 =	vld.idx.msk [tilespmem:v0+s3+$0x0], $0xffff;
	v29 =	vsel vm9, v55, v29;
	v57 =	vshll.u32 v24, $0x3  }
0xdf: {  	vm10 =	vlt.f32 v33, v9;
	v35 =	vshll.u32 v29, $0x3;
	v33 =	vadd.s32 $0x18, v57  }
0xe0: {  	v63 =	vadd.s32 $0x4, v24;
	v30 =	vsel vm10, v46, v30;
	v35 =	vadd.s32 $0x39, v35  }
0xe1: {  	v45 =	vadd.s32 $0x8, v29;
	v36 =	vshll.u32 v30, $0x3;
	vm11 =	vlt.f32 v31, v7;
	v32 =	vld.idx.msk [tilespmem:v49+s3+$0x0], $0xffff  }
0xe2: {  	v36 =	vadd.s32 $0x39, v36;
	vm12 =	vlt.f32 v34, v12;
	v28 =	vsel vm11, v56, v28;
	v31 =	vld.idx.msk [tilespmem:v52+s3+$0x0], $0xffff  }
0xe3: {  	vm13 =	vlt.f32 v0, v11;
	v0 =	vsel vm12, v54, v25;
	v25 =	vshll.u32 v28, $0x3  }
0xe4: {  	v21 =	vsel vm13, v40, v21;
	v58 =	vshll.u32 v0, $0x3;
	v25 =	vadd.s32 $0x19, v25;
	v33 =	vld.idx.msk [tilespmem:v33+s3+$0x0], $0xffff  }
0xe5: {  	v61 =	vadd.s32 $0x8, v30;
	v59 =	vshll.u32 v21, $0x3;
	v34 =	vadd.s32 $0x39, v58;
	v35 =	vld.idx.msk [tilespmem:v35+s3+$0x0], $0xffff  }
0xe6: {  	v49 =	vadd.s32 $0x4, v28;
	v37 =	vadd.s32 $0x38, v59;
	vm14 =	vlt.f32 v32, v10  }
0xe7: {  	v32 =	vsel vm14, v60, v27;
	v27 =	vld.idx.msk [tilespmem:v36+s3+$0x0], $0xffff;
	vm15 =	vlt.f32 v31, v8;
	v31 =	vadd.s32 $0x8, v22  }
0xe8: {  	v48 =	vadd.s32 $0x8, v0;
	v62 =	vshll.u32 v32, $0x3;
	v22 =	vsel vm15, v31, v22  }
0xe9: {  	v47 =	vadd.s32 $0x8, v21;
	v25 =	vld.idx.msk [tilespmem:v25+s3+$0x0], $0xffff;
	v31 =	vadd.s32 $0x18, v62;
	v46 =	vshll.u32 v22, $0x3  }
0xea: {  	vm4 =	vlt.f32 v33, v2;
	v34 =	vld.idx.msk [tilespmem:v34+s3+$0x0], $0xffff;
	vm5 =	vlt.f32 v35, v13;
	v59 =	vadd.s32 $0x4, v22  }
0xeb: {  	v40 =	vadd.s32 $0x18, v46;
	v24 =	vsel vm4, v63, v24;
	v29 =	vsel vm5, v45, v29  }
0xec: {  	v37 =	vld.idx.msk [tilespmem:v37+s3+$0x0], $0xffff;
	v50 =	vshll.u32 v29, $0x3;
	vm6 =	vlt.f32 v27, v9;
	v27 =	vshll.u32 v24, $0x3  }
0xed: {  	v58 =	vadd.s32 $0x2, v24;
	v62 =	vadd.s32 $0x4, v29;
	v27 =	vadd.s32 $0x8, v27  }
0xee: {  	v36 =	vadd.s32 $0x19, v50;
	v30 =	vsel vm6, v61, v30;
	vm7 =	vlt.f32 v25, v7  }
0xef: {  	v31 =	vld.idx.msk [tilespmem:v31+s3+$0x0], $0xffff;
	v51 =	vshll.u32 v30, $0x3;
	vm8 =	vlt.f32 v34, v12;
	v28 =	vsel vm7, v49, v28  }
0xf0: {  	v61 =	vadd.s32 $0x4, v30;
	v25 =	vadd.s32 $0x19, v51;
	v52 =	vld.idx.msk [tilespmem:v40+s3+$0x0], $0xffff;
	v54 =	vshll.u32 v28, $0x3  }
0xf1: {  	vm9 =	vlt.f32 v37, v11;
	v0 =	vsel vm8, v48, v0;
	v34 =	vadd.s32 $0x9, v54  }
0xf2: {  	v21 =	vsel vm9, v47, v21;
	v55 =	vshll.u32 v0, $0x3;
	v47 =	vadd.s32 $0x4, v0;
	v57 =	vld.idx.msk [tilespmem:v27+s3+$0x0], $0xffff  }
0xf3: {  	v56 =	vshll.u32 v21, $0x3;
	v33 =	vadd.s32 $0x19, v55;
	v27 =	vadd.s32 v20, v23;
	v20 =	vld.idx.msk [tilespmem:v36+s3+$0x0], $0xffff  }
0xf4: {  	v23 =	vadd.s32 $0x18, v56;
	vm10 =	vlt.f32 v31, v10;
	v31 =	vadd.s32 $0x4, v32  }
0xf5: {  	v45 =	vadd.s32 $0x4, v21;
	v31 =	vsel vm10, v31, v32;
	v25 =	vld.idx.msk [tilespmem:v25+s3+$0x0], $0xffff;
	vm11 =	vlt.f32 v52, v8  }
0xf6: {  	v60 =	vshll.u32 v31, $0x3;
	v22 =	vsel vm11, v59, v22;
	v34 =	vld.idx.msk [tilespmem:v34+s3+$0x0], $0xffff;
	v59 =	vshll.u32 v4, $0x3  }
0xf7: {  	v36 =	vadd.s32 $0x8, v60;
	v63 =	vshll.u32 v22, $0x3;
	v55 =	vadd.s32 $0x2, v22  }
0xf8: {  	v33 =	vld.idx.msk [tilespmem:v33+s3+$0x0], $0xffff;
	v39 =	vadd.s32 $0x8, v63;
	vm12 =	vlt.f32 v57, v2;
	vm13 =	vlt.f32 v20, v13  }
0xf9: {  	v23 =	vld.idx.msk [tilespmem:v23+s3+$0x0], $0xffff;
	v20 =	vadd.s32 $0x2, v28;
	v24 =	vsel vm12, v58, v24;
	v29 =	vsel vm13, v62, v29  }
0xfa: {  	vm14 =	vlt.f32 v25, v9;
	v25 =	vshll.u32 v24, $0x3;
	v46 =	vshll.u32 v29, $0x3  }
0xfb: {  	v30 =	vsel vm14, v61, v30;
	v32 =	vadd.s32 $0x9, v46;
	vm15 =	vlt.f32 v34, v7;
	v34 =	vld.idx.msk [tilespmem:v59+s3+$0x0], $0xffff  }
0xfc: {  	v57 =	vadd.s32 $0x2, v29;
	v36 =	vld.idx.msk [tilespmem:v36+s3+$0x0], $0xffff;
	v48 =	vshll.u32 v30, $0x3;
	v28 =	vsel vm15, v20, v28  }
0xfd: {  	vm4 =	vlt.f32 v33, v12;
	v49 =	vadd.s32 $0x9, v48;
	v50 =	vld.idx.msk [tilespmem:v39+s3+$0x0], $0xffff;
	v20 =	vshll.u32 v28, $0x3  }
0xfe: {  	vm5 =	vlt.f32 v23, v11;
	v35 =	vsel vm4, v47, v0;
	v23 =	vor.u32 $0x1, v20  }
0xff: {  	v0 =	vsel vm5, v45, v21;
	v21 =	vshll.u32 v35, $0x3;
	v60 =	vadd.s32 $0x2, v35;
	v25 =	vld.idx.msk [tilespmem:v25+s3+$0x0], $0xffff  }
0x100: {  	v51 =	vshll.u32 v0, $0x3;
	v20 =	vadd.s32 $0x2, v0;
	v52 =	vadd.s32 $0x9, v21;
	v32 =	vld.idx.msk [tilespmem:v32+s3+$0x0], $0xffff  }
0x101: {  	v21 =	vadd.s32 $0x2, v31;
	v54 =	vadd.s32 $0x8, v51;
	vm6 =	vlt.f32 v36, v10  }
0x102: {  	v16 =	vsub.f32 v16, v34;
	v31 =	vsel vm6, v21, v31;
	vm7 =	vlt.f32 v50, v8  }
0x103: {  	v21 =	vmul.u32 $0x1FF, v4;
	v56 =	vshll.u32 v31, $0x3;
	v37 =	vsel vm7, v55, v22;
	v23 =	vld.idx.msk [tilespmem:v23+s3+$0x0], $0xffff  }
0x104: {  	v22 =	vadd.s32 $0xFFFFFFFF, v17;
	v17 =	vld.idx.msk [tilespmem:v49+s3+$0x0], $0xffff;
	v58 =	vshll.u32 v37, $0x3;
	vm8 =	vlt.f32 v25, v2  }
0x105: {  	v4 =	vshll.u32 v22, $0x3;
	v38 =	vld.idx.msk [tilespmem:v52+s3+$0x0], $0xffff;
	v25 =	vsel vm8, $0x1, v43;
	vm9 =	vlt.f32 v32, v13  }
0x106: {  	v41 =	vor.u32 $0x1, v4;
	v24 =	vadd.s32 v25, v24;
	v39 =	vsel vm9, v57, v29  }
0x107: {  	v25 =	vadd.s32 $0x2, v30;
	v24 =	vmax.u32 v24, $0x1;
	v29 =	vshll.u32 v39, $0x3  }
0x108: {  	v24 =	vmin.u32 v24, $0x1FF;
	v29 =	vor.u32 $0x1, v29;
	vm10 =	vlt.f32 v23, v7  }
0x109: {  	s15 =	simm.s32 $0x40;
	v33 =	vld.idx.msk [tilespmem:v56+s3+$0x0], $0xffff;
	vm11 =	vlt.f32 v17, v9;
	v4 =	vadd.s32 $0xFFFFFFFF, v24;
	v23 =	vsel vm10, $0x1, v43  }
0x10a: {  	v40 =	vld.idx.msk [tilespmem:v58+s3+$0x0], $0xffff;
	vm14 =	vlt.f32 v38, v12;
	v24 =	vadd.s32 v23, v28;
	v23 =	vmov s15  }
0x10b: {  	v17 =	vshll.u32 v4, $0x3;
	v4 =	vmul.u32 $0x1FF, v4;
	v28 =	vshll.u32 v23, $0x3  }
0x10c: {  	v23 =	vsel vm11, v25, v30;
	v24 =	vmax.u32 v24, $0x1;
	v30 =	vor.u32 v3, v28  }
0x10d: {  	s28 =	simm.s32 $0x5020;
	v25 =	vshll.u32 v23, $0x3;
	v24 =	vmin.u32 v24, $0x1FF;
	v61 =	vor.u32 $0x1, v30  }
0x10e: {  	s0 =	simm.s32 $0x5820;
	[tilespmem:s28+$0x0] =	vst v1;
	v24 =	vadd.s32 $0xFFFFFFFF, v24;
	v1 =	vld.idx.msk [tilespmem:v29+s3+$0x0], $0xffff;
	v28 =	vor.u32 $0x1, v25;
	vm13 =	vlt.f32 v33, v10  }
0x10f: {  	[tilespmem:s0+$0x0] =	vst v19;
	vm12 =	vlt.f32 v40, v8;
	v25 =	vshll.u32 v24, $0x3;
	v19 =	vsel vm13, $0x1, v43  }
0x110: {  	s5 =	simm.s32 $0x6020;
	v62 =	vor.u32 $0x1, v25;
	v63 =	vld.idx.msk [tilespmem:v17+s3+$0x0], $0xffff;
	v17 =	vadd.s32 v19, v31;
	v25 =	vsel vm14, v60, v35  }
0x111: {  	[tilespmem:s5+$0x0] =	vst v5;
	v31 =	vld.idx.msk [tilespmem:v54+s3+$0x0], $0xffff;
	v5 =	vsel vm12, $0x1, v43;
	v17 =	vmax.u32 v17, $0x1;
	v19 =	vshll.u32 v25, $0x3  }
0x112: {  	[tilespmem:s28+$0x10] =	vst v26;
	v5 =	vadd.s32 v5, v37;
	v26 =	vld.idx.msk [tilespmem:v30+s11+$0x0], $0xffff;
	v17 =	vmin.u32 v17, $0x1FF;
	v30 =	vor.u32 $0x1, v19  }
0x113: {  	[tilespmem:s0+$0x10] =	vst v18;
	v29 =	vld.idx.msk [tilespmem:v41+s3+$0x0], $0xffff;
	v18 =	vmax.u32 v5, $0x1;
	vm15 =	vlt.f32 v1, v13;
	v5 =	vadd.s32 $0xFFFFFFFF, v17  }
0x114: {  	s31 =	simm.s32 $0x4;
	s30 =	simm.s32 $0x5060;
	[tilespmem:s5+$0x10] =	vst v27;
	v1 =	vld.idx.msk [tilespmem:v61+s11+$0x0], $0xffff;
	v18 =	vmin.u32 v18, $0x1FF;
	v17 =	vsel vm15, $0x1, v43;
	v19 =	vshll.u32 v5, $0x3  }
0x115: {  	s29 =	simm.s32 $0x5860;
	s2 =	simm.s32 $0x6060;
	s9 =	simm.s32 $0x80;
	[tilespmem:s28+$0xFFFFFFF0] =	vst v16;
	v16 =	vadd.s32 $0xFFFFFFFF, v18;
	v27 =	vld.idx.msk [tilespmem:v62+s3+$0x0], $0xffff;
	v17 =	vadd.s32 v17, v39;
	v2 =	vsub.f32 v2, v63  }
.LBB2_3:
0x116: {  	s1 =	sadd.s32 $0x10, s9;
	s13 =	sadd.s32 $0x20, s9;
	s15 =	sadd.s32 $0x30, s9;
	v28 =	vld.idx.msk [tilespmem:v28+s3+$0x0], $0xffff;
	vm0 =	vlt.f32 v31, v11;
	v24 =	vadd.s32 v24, v4;
	v21 =	vadd.s32 v22, v21  }
0x117: {  	s31 =	sadd.s32 $0x4, s31;
	v18 =	vmovc v26;
	v22 =	vmov s1;
	v31 =	vmov s13;
	v4 =	vsel vm0, v20, v0;
	[tilespmem:s28+$0xFFFFFFE0] =	vst v2;
	s28 =	smov.u32 s30  }
0x118: {  	p0 =	slt.u32 s31, $0x7C;
	v0 =	vshll.u32 v22, $0x3;
	v2 =	vshll.u32 v31, $0x3;
	v20 =	vshll.u32 v4, $0x3  }
0x119: {  	v22 =	vmov s15;
	v0 =	vor.u32 v3, v0;
	v2 =	vor.u32 v3, v2;
	v26 =	vld.idx.msk [tilespmem:v19+s3+$0x0], $0xffff  }
0x11a: {  	vm0 =	vlt.f32 v14, v18;
	vm1 =	vlt.f32 v15, v1;
	v19 =	vshll.u32 v22, $0x3;
	v15 =	vld.idx.msk [tilespmem:v30+s3+$0x0], $0xffff  }
0x11b: {  	v29 =	vsub.f32 v6, v29;
	v6 =	vmovc v13;
	v22 =	vsel vm0, $0x100, v43;
	v30 =	vsel vm1, $0x100, v43  }
0x11c: {  	v13 =	vor.u32 $0x1, v0;
	v31 =	vshll.u32 v22, $0x3;
	vm0 =	vlt.f32 v28, v9;
	v14 =	vld.idx.msk [tilespmem:v42+s3+$0x0], $0xffff  }
0x11d: {  	v28 =	vor.u32 $0x1, v2;
	v31 =	vor.u32 $0x3F8, v31;
	v32 =	vshll.u32 v30, $0x3;
	v20 =	vld.idx.msk [tilespmem:v20+s3+$0x0], $0xffff;
	[tilespmem:s0+$0xFFFFFFF0] =	vst v29  }
0x11e: {  	v32 =	vor.u32 $0x3F9, v32;
	v33 =	vsel vm0, $0x1, v43;
	v29 =	vor.u32 v3, v19;
	v2 =	vld.idx.msk [tilespmem:v2+s11+$0x0], $0xffff;
	[tilespmem:s5+$0xFFFFFFF0] =	vst v21  }
0x11f: {  	v21 =	vor.u32 $0x1, v29;
	v19 =	vld.idx.msk [tilespmem:v0+s11+$0x0], $0xffff;
	v0 =	vadd.s32 v33, v23;
	v23 =	vsub.f32 v7, v27;
	v7 =	vmovc v1  }
0x120: {  	v26 =	vsub.f32 v10, v26;
	vm0 =	vlt.f32 v15, v12;
	v0 =	vmax.u32 v0, $0x1  }
0x121: {  	v1 =	vmul.u32 $0x1FF, v5;
	v5 =	vsel vm0, $0x1, v43;
	v15 =	vld.idx.msk [tilespmem:v44+s3+$0x0], $0xffff;
	v0 =	vmin.u32 v0, $0x1FF;
	[tilespmem:s0+$0xFFFFFFE0] =	vst v23;
	s0 =	smov.u32 s29  }
0x122: {  	v27 =	vor.u32 $0x80, v22;
	v5 =	vadd.s32 v5, v25;
	v23 =	vld.idx.msk [tilespmem:v31+s3+$0x0], $0xffff;
	v0 =	vadd.s32 $0xFFFFFFFF, v0;
	[tilespmem:s5+$0xFFFFFFE0] =	vst v24;
	s5 =	smov.u32 s2  }
0x123: {  	v24 =	vld.idx.msk [tilespmem:v32+s3+$0x0], $0xffff;
	v31 =	vshll.u32 v0, $0x3;
	v25 =	vadd.s32 v0, v1;
	v0 =	vmax.u32 v5, $0x1  }
0x124: {  	vm0 =	vlt.f32 v14, v2;
	v10 =	vmovc v2;
	v13 =	vld.idx.msk [tilespmem:v13+s11+$0x0], $0xffff;
	v5 =	vor.u32 $0x1, v31;
	v0 =	vmin.u32 v0, $0x1FF  }
0x125: {  	vm1 =	vlt.f32 v14, v19;
	v2 =	vld.idx.msk [tilespmem:v28+s11+$0x0], $0xffff;
	v28 =	vsel vm0, $0x100, v43;
	v0 =	vadd.s32 $0xFFFFFFFF, v0  }
0x126: {  	v31 =	vsel vm1, $0x100, v43;
	v1 =	vshll.u32 v28, $0x3;
	v32 =	vshll.u32 v0, $0x3  }
0x127: {  	vm0 =	vlt.f32 v20, v11;
	v33 =	vshll.u32 v31, $0x3;
	v34 =	vor.u32 $0x3F8, v1;
	v1 =	vld.idx.msk [tilespmem:v29+s11+$0x0], $0xffff  }
0x128: {  	v20 =	vor.u32 $0x3F8, v33;
	vm1 =	vlt.f32 v23, v18;
	v23 =	vor.u32 $0x1, v32;
	v21 =	vld.idx.msk [tilespmem:v21+s11+$0x0], $0xffff  }
0x129: {  	v22 =	vsel vm1, v27, v22;
	vm1 =	vlt.f32 v24, v7;
	v24 =	vor.u32 $0x80, v30;
	v5 =	vld.idx.msk [tilespmem:v5+s3+$0x0], $0xffff  }
0x12a: {  	vm2 =	vlt.f32 v15, v13;
	v24 =	vsel vm1, v24, v30;
	v27 =	vshll.u32 v22, $0x3;
	[tilespmem:s30+$0x0] =	vst v26  }
0x12b: {  	v26 =	vsel vm2, $0x100, v43;
	vm1 =	vlt.f32 v15, v2;
	v27 =	vor.u32 $0x1F8, v27  }
0x12c: {  	v33 =	vshll.u32 v24, $0x3;
	v29 =	vshll.u32 v26, $0x3;
	v30 =	vsel vm1, $0x100, v43;
	v32 =	vld.idx.msk [tilespmem:v34+s3+$0x0], $0xffff  }
0x12d: {  	v33 =	vor.u32 $0x1F9, v33;
	v29 =	vor.u32 $0x3F9, v29;
	v34 =	vshll.u32 v30, $0x3;
	v23 =	vld.idx.msk [tilespmem:v23+s3+$0x0], $0xffff  }
0x12e: {  	v35 =	vsel vm0, $0x1, v43;
	v34 =	vor.u32 $0x3F9, v34;
	vm1 =	vlt.f32 v15, v21;
	v20 =	vld.idx.msk [tilespmem:v20+s3+$0x0], $0xffff  }
0x12f: {  	vm0 =	vlt.f32 v14, v1;
	v36 =	vsel vm1, $0x100, v43;
	v5 =	vsub.f32 v9, v5;
	v9 =	vmovc v2  }
0x130: {  	v4 =	vadd.s32 v35, v4;
	v37 =	vsel vm0, $0x100, v43;
	v2 =	vshll.u32 v36, $0x3;
	v27 =	vld.idx.msk [tilespmem:v27+s3+$0x0], $0xffff  }
0x131: {  	v35 =	vshll.u32 v37, $0x3;
	v38 =	vor.u32 $0x80, v37;
	v2 =	vor.u32 $0x3F9, v2;
	[tilespmem:s29+$0x0] =	vst v5  }
0x132: {  	vm0 =	vlt.f32 v32, v10;
	v32 =	vor.u32 $0x3F8, v35;
	v5 =	vld.idx.msk [tilespmem:v29+s3+$0x0], $0xffff;
	v29 =	vor.u32 $0x80, v28;
	[tilespmem:s2+$0x0] =	vst v25  }
0x133: {  	v25 =	vor.u32 $0x80, v26;
	v28 =	vsel vm0, v29, v28;
	v29 =	vld.idx.msk [tilespmem:v34+s3+$0x0], $0xffff;
	v34 =	vor.u32 $0x80, v30  }
0x134: {  	vm0 =	vlt.f32 v20, v19;
	v20 =	vor.u32 $0x80, v31;
	v35 =	vshll.u32 v28, $0x3;
	v33 =	vld.idx.msk [tilespmem:v33+s3+$0x0], $0xffff  }
0x135: {  	v20 =	vsel vm0, v20, v31;
	v31 =	vor.u32 $0x1F8, v35;
	v35 =	vor.u32 $0x40, v22  }
0x136: {  	v39 =	vshll.u32 v20, $0x3;
	vm0 =	vlt.f32 v27, v18;
	v40 =	vld.idx.msk [tilespmem:v2+s3+$0x0], $0xffff;
	v2 =	vsub.f32 v12, v23;
	v12 =	vmovc v21  }
0x137: {  	v27 =	vor.u32 $0x80, v36;
	v21 =	vor.u32 $0x1F8, v39;
	v22 =	vsel vm0, v35, v22;
	v23 =	vld.idx.msk [tilespmem:v32+s3+$0x0], $0xffff  }
0x138: {  	vm0 =	vlt.f32 v5, v13;
	v5 =	vor.u32 $0x40, v24;
	v32 =	vshll.u32 v22, $0x3  }
0x139: {  	v25 =	vsel vm0, v25, v26;
	vm0 =	vlt.f32 v29, v9;
	v26 =	vor.u32 $0xF8, v32  }
0x13a: {  	v29 =	vshll.u32 v25, $0x3;
	v30 =	vsel vm0, v34, v30;
	vm0 =	vlt.f32 v33, v7;
	v31 =	vld.idx.msk [tilespmem:v31+s3+$0x0], $0xffff  }
0x13b: {  	v29 =	vor.u32 $0x1F9, v29;
	v32 =	vshll.u32 v30, $0x3;
	v5 =	vsel vm0, v5, v24  }
0x13c: {  	v24 =	vor.u32 $0x1F9, v32;
	vm0 =	vlt.f32 v40, v12;
	v32 =	vshll.u32 v5, $0x3;
	v21 =	vld.idx.msk [tilespmem:v21+s3+$0x0], $0xffff  }
0x13d: {  	vm1 =	vlt.f32 v23, v1;
	v23 =	vsel vm0, v27, v36;
	v27 =	vor.u32 $0xF9, v32  }
0x13e: {  	v4 =	vmax.u32 v4, $0x1;
	v32 =	vsel vm1, v38, v37;
	v33 =	vshll.u32 v23, $0x3;
	v26 =	vld.idx.msk [tilespmem:v26+s3+$0x0], $0xffff  }
0x13f: {  	v4 =	vmin.u32 v4, $0x1FF;
	v34 =	vshll.u32 v32, $0x3;
	v33 =	vor.u32 $0x1F9, v33  }
0x140: {  	vm0 =	vlt.f32 v31, v10;
	v31 =	vor.u32 $0x40, v28;
	v34 =	vor.u32 $0x1F8, v34;
	v29 =	vld.idx.msk [tilespmem:v29+s3+$0x0], $0xffff  }
0x141: {  	v35 =	vor.u32 $0x40, v25;
	v28 =	vsel vm0, v31, v28;
	v31 =	vor.u32 $0x40, v30;
	v24 =	vld.idx.msk [tilespmem:v24+s3+$0x0], $0xffff  }
0x142: {  	vm0 =	vlt.f32 v21, v19;
	v21 =	vor.u32 $0x40, v20;
	v36 =	vshll.u32 v28, $0x3;
	v27 =	vld.idx.msk [tilespmem:v27+s3+$0x0], $0xffff  }
0x143: {  	v20 =	vsel vm0, v21, v20;
	v21 =	vor.u32 $0xF8, v36;
	v36 =	vor.u32 $0x20, v22  }
0x144: {  	v38 =	vor.u32 $0x40, v32;
	v37 =	vshll.u32 v20, $0x3;
	vm0 =	vlt.f32 v26, v18;
	v33 =	vld.idx.msk [tilespmem:v33+s3+$0x0], $0xffff  }
0x145: {  	v26 =	vor.u32 $0xF8, v37;
	v37 =	vor.u32 $0x40, v23;
	v22 =	vsel vm0, v36, v22;
	v34 =	vld.idx.msk [tilespmem:v34+s3+$0x0], $0xffff  }
0x146: {  	vm0 =	vlt.f32 v29, v13;
	v29 =	vor.u32 $0x20, v5;
	v36 =	vshll.u32 v22, $0x3  }
0x147: {  	v25 =	vsel vm0, v35, v25;
	vm0 =	vlt.f32 v24, v9;
	v24 =	vadd.s32 $0x78, v36  }
0x148: {  	v35 =	vshll.u32 v25, $0x3;
	v30 =	vsel vm0, v31, v30;
	vm0 =	vlt.f32 v27, v7;
	v21 =	vld.idx.msk [tilespmem:v21+s3+$0x0], $0xffff  }
0x149: {  	v27 =	vor.u32 $0xF9, v35;
	v31 =	vshll.u32 v30, $0x3;
	v5 =	vsel vm0, v29, v5  }
0x14a: {  	v29 =	vor.u32 $0xF9, v31;
	vm0 =	vlt.f32 v33, v12;
	v31 =	vshll.u32 v5, $0x3;
	v26 =	vld.idx.msk [tilespmem:v26+s3+$0x0], $0xffff  }
0x14b: {  	vm1 =	vlt.f32 v34, v1;
	v23 =	vsel vm0, v37, v23;
	v31 =	vadd.s32 $0x79, v31  }
0x14c: {  	v4 =	vadd.s32 $0xFFFFFFFF, v4;
	v32 =	vsel vm1, v38, v32;
	v33 =	vshll.u32 v23, $0x3;
	v24 =	vld.idx.msk [tilespmem:v24+s3+$0x0], $0xffff  }
0x14d: {  	v35 =	vshll.u32 v4, $0x3;
	v34 =	vshll.u32 v32, $0x3;
	v33 =	vor.u32 $0xF9, v33  }
0x14e: {  	vm0 =	vlt.f32 v21, v10;
	v21 =	vor.u32 $0x20, v28;
	v34 =	vor.u32 $0xF8, v34;
	v27 =	vld.idx.msk [tilespmem:v27+s3+$0x0], $0xffff  }
0x14f: {  	v36 =	vor.u32 $0x20, v25;
	v21 =	vsel vm0, v21, v28;
	v28 =	vld.idx.msk [tilespmem:v29+s3+$0x0], $0xffff;
	v29 =	vor.u32 $0x20, v30  }
0x150: {  	vm0 =	vlt.f32 v26, v19;
	v26 =	vor.u32 $0x20, v20;
	v37 =	vshll.u32 v21, $0x3;
	v31 =	vld.idx.msk [tilespmem:v31+s3+$0x0], $0xffff  }
0x151: {  	v20 =	vsel vm0, v26, v20;
	v26 =	vadd.s32 $0x78, v37;
	v37 =	vadd.s32 $0x10, v22  }
0x152: {  	v39 =	vor.u32 $0x20, v32;
	v38 =	vshll.u32 v20, $0x3;
	vm0 =	vlt.f32 v24, v18;
	v33 =	vld.idx.msk [tilespmem:v33+s3+$0x0], $0xffff  }
0x153: {  	v24 =	vadd.s32 $0x78, v38;
	v38 =	vor.u32 $0x20, v23;
	v22 =	vsel vm0, v37, v22;
	v34 =	vld.idx.msk [tilespmem:v34+s3+$0x0], $0xffff  }
0x154: {  	vm0 =	vlt.f32 v27, v13;
	v27 =	vadd.s32 $0x10, v5;
	v37 =	vshll.u32 v22, $0x3;
	v35 =	vld.idx.msk [tilespmem:v35+s3+$0x0], $0xffff  }
0x155: {  	v25 =	vsel vm0, v36, v25;
	vm0 =	vlt.f32 v28, v9;
	v28 =	vadd.s32 $0x38, v37  }
0x156: {  	v36 =	vshll.u32 v25, $0x3;
	v29 =	vsel vm0, v29, v30;
	vm0 =	vlt.f32 v31, v7;
	v26 =	vld.idx.msk [tilespmem:v26+s3+$0x0], $0xffff  }
0x157: {  	v30 =	vadd.s32 $0x79, v36;
	v31 =	vshll.u32 v29, $0x3;
	v5 =	vsel vm0, v27, v5  }
0x158: {  	v27 =	vadd.s32 $0x79, v31;
	vm0 =	vlt.f32 v33, v12;
	v31 =	vshll.u32 v5, $0x3;
	v24 =	vld.idx.msk [tilespmem:v24+s3+$0x0], $0xffff  }
0x159: {  	vm1 =	vlt.f32 v34, v1;
	v23 =	vsel vm0, v38, v23;
	v31 =	vadd.s32 $0x39, v31  }
0x15a: {  	v32 =	vsel vm1, v39, v32;
	v33 =	vshll.u32 v23, $0x3;
	v34 =	vsub.f32 v11, v35;
	v11 =	vmovc v1;
	v28 =	vld.idx.msk [tilespmem:v28+s3+$0x0], $0xffff  }
0x15b: {  	v4 =	vmul.u32 $0x1FF, v4;
	v1 =	vshll.u32 v32, $0x3;
	v33 =	vadd.s32 $0x79, v33  }
0x15c: {  	vm0 =	vlt.f32 v26, v10;
	v26 =	vadd.s32 $0x10, v21;
	v1 =	vadd.s32 $0x78, v1;
	v30 =	vld.idx.msk [tilespmem:v30+s3+$0x0], $0xffff;
	[tilespmem:s30+$0x10] =	vst v34  }
0x15d: {  	v0 =	vadd.s32 v0, v4;
	v21 =	vsel vm0, v26, v21;
	v26 =	vld.idx.msk [tilespmem:v27+s3+$0x0], $0xffff;
	v27 =	vadd.s32 $0x10, v29;
	[tilespmem:s29+$0x10] =	vst v2  }
0x15e: {  	vm0 =	vlt.f32 v24, v19;
	v2 =	vadd.s32 $0x10, v20;
	v4 =	vshll.u32 v21, $0x3;
	v24 =	vld.idx.msk [tilespmem:v31+s3+$0x0], $0xffff;
	[tilespmem:s2+$0x10] =	vst v0  }
0x15f: {  	v0 =	vsel vm0, v2, v20;
	v2 =	vadd.s32 $0x38, v4;
	v4 =	vadd.s32 $0x8, v22  }
0x160: {  	v31 =	vadd.s32 $0x10, v32;
	v20 =	vshll.u32 v0, $0x3;
	vm0 =	vlt.f32 v28, v18;
	v33 =	vld.idx.msk [tilespmem:v33+s3+$0x0], $0xffff  }
0x161: {  	v28 =	vadd.s32 $0x10, v23;
	v20 =	vadd.s32 $0x38, v20;
	v4 =	vsel vm0, v4, v22;
	v1 =	vld.idx.msk [tilespmem:v1+s3+$0x0], $0xffff  }
0x162: {  	v22 =	vadd.s32 $0x10, v25;
	vm0 =	vlt.f32 v30, v13;
	v30 =	vadd.s32 $0x8, v5  }
0x163: {  	v22 =	vsel vm0, v22, v25;
	vm0 =	vlt.f32 v26, v9;
	v25 =	vshll.u32 v4, $0x3  }
0x164: {  	v26 =	vshll.u32 v22, $0x3;
	v27 =	vsel vm0, v27, v29;
	v25 =	vadd.s32 $0x18, v25;
	v2 =	vld.idx.msk [tilespmem:v2+s3+$0x0], $0xffff  }
0x165: {  	vm0 =	vlt.f32 v24, v7;
	v26 =	vadd.s32 $0x39, v26;
	v29 =	vshll.u32 v27, $0x3  }
0x166: {  	v5 =	vsel vm0, v30, v5;
	v24 =	vadd.s32 $0x39, v29;
	vm1 =	vlt.f32 v33, v12;
	v20 =	vld.idx.msk [tilespmem:v20+s3+$0x0], $0xffff  }
0x167: {  	vm0 =	vlt.f32 v1, v11;
	v1 =	vsel vm1, v28, v23;
	v23 =	vshll.u32 v5, $0x3  }
0x168: {  	v28 =	vsel vm0, v31, v32;
	v29 =	vshll.u32 v1, $0x3;
	v23 =	vadd.s32 $0x19, v23  }
0x169: {  	v30 =	vshll.u32 v28, $0x3;
	v29 =	vadd.s32 $0x39, v29;
	v25 =	vld.idx.msk [tilespmem:v25+s3+$0x0], $0xffff  }
0x16a: {  	vm0 =	vlt.f32 v2, v10;
	v2 =	vadd.s32 $0x8, v21;
	v30 =	vadd.s32 $0x38, v30;
	v26 =	vld.idx.msk [tilespmem:v26+s3+$0x0], $0xffff  }
0x16b: {  	v2 =	vsel vm0, v2, v21;
	v21 =	vld.idx.msk [tilespmem:v24+s3+$0x0], $0xffff;
	v24 =	vadd.s32 $0x8, v27  }
0x16c: {  	vm0 =	vlt.f32 v20, v19;
	v20 =	vadd.s32 $0x8, v0;
	v31 =	vshll.u32 v2, $0x3  }
0x16d: {  	v0 =	vsel vm0, v20, v0;
	v20 =	vadd.s32 $0x18, v31;
	v31 =	vadd.s32 $0x4, v4;
	v23 =	vld.idx.msk [tilespmem:v23+s3+$0x0], $0xffff  }
0x16e: {  	v32 =	vadd.s32 $0x8, v22;
	v34 =	vadd.s32 $0x8, v28;
	v33 =	vshll.u32 v0, $0x3;
	v29 =	vld.idx.msk [tilespmem:v29+s3+$0x0], $0xffff  }
0x16f: {  	v35 =	vadd.s32 $0x8, v1;
	v33 =	vadd.s32 $0x18, v33;
	vm0 =	vlt.f32 v25, v18;
	v30 =	vld.idx.msk [tilespmem:v30+s3+$0x0], $0xffff  }
0x170: {  	v25 =	vadd.s32 $0x4, v5;
	vm1 =	vlt.f32 v26, v13;
	v4 =	vsel vm0, v31, v4  }
0x171: {  	v22 =	vsel vm1, v32, v22;
	vm0 =	vlt.f32 v21, v9;
	v21 =	vshll.u32 v4, $0x3  }
0x172: {  	v26 =	vshll.u32 v22, $0x3;
	v24 =	vsel vm0, v24, v27;
	v21 =	vadd.s32 $0x8, v21;
	v20 =	vld.idx.msk [tilespmem:v20+s3+$0x0], $0xffff  }
0x173: {  	v26 =	vadd.s32 $0x19, v26;
	v27 =	vshll.u32 v24, $0x3;
	vm0 =	vlt.f32 v23, v7  }
0x174: {  	v27 =	vadd.s32 $0x19, v27;
	vm1 =	vlt.f32 v29, v12;
	v5 =	vsel vm0, v25, v5;
	v23 =	vld.idx.msk [tilespmem:v33+s3+$0x0], $0xffff  }
0x175: {  	vm0 =	vlt.f32 v30, v11;
	v1 =	vsel vm1, v35, v1;
	v25 =	vshll.u32 v5, $0x3  }
0x176: {  	v28 =	vsel vm0, v34, v28;
	v29 =	vshll.u32 v1, $0x3;
	v25 =	vadd.s32 $0x9, v25  }
0x177: {  	v30 =	vshll.u32 v28, $0x3;
	v29 =	vadd.s32 $0x19, v29;
	v21 =	vld.idx.msk [tilespmem:v21+s3+$0x0], $0xffff  }
0x178: {  	vm0 =	vlt.f32 v20, v10;
	v20 =	vadd.s32 $0x4, v2;
	v30 =	vadd.s32 $0x18, v30;
	v26 =	vld.idx.msk [tilespmem:v26+s3+$0x0], $0xffff  }
0x179: {  	v2 =	vsel vm0, v20, v2;
	v20 =	vld.idx.msk [tilespmem:v27+s3+$0x0], $0xffff;
	v27 =	vadd.s32 $0x2, v4  }
0x17a: {  	vm0 =	vlt.f32 v23, v19;
	v23 =	vadd.s32 $0x4, v0;
	v31 =	vshll.u32 v2, $0x3  }
0x17b: {  	v23 =	vsel vm0, v23, v0;
	v0 =	vadd.s32 $0x4, v24;
	v31 =	vadd.s32 $0x8, v31;
	v25 =	vld.idx.msk [tilespmem:v25+s3+$0x0], $0xffff  }
0x17c: {  	v32 =	vadd.s32 $0x4, v22;
	v33 =	vshll.u32 v23, $0x3;
	v29 =	vld.idx.msk [tilespmem:v29+s3+$0x0], $0xffff  }
0x17d: {  	v34 =	vadd.s32 $0x4, v28;
	v33 =	vadd.s32 $0x8, v33;
	vm0 =	vlt.f32 v21, v18;
	v30 =	vld.idx.msk [tilespmem:v30+s3+$0x0], $0xffff  }
0x17e: {  	v21 =	vadd.s32 $0x2, v5;
	vm1 =	vlt.f32 v26, v13;
	v4 =	vsel vm0, v27, v4  }
0x17f: {  	v26 =	vsel vm1, v32, v22;
	vm0 =	vlt.f32 v20, v9;
	v20 =	vshll.u32 v4, $0x3  }
0x180: {  	v22 =	vshll.u32 v26, $0x3;
	v24 =	vsel vm0, v0, v24;
	v0 =	vadd.s32 $0x4, v1;
	v27 =	vld.idx.msk [tilespmem:v31+s3+$0x0], $0xffff  }
0x181: {  	v22 =	vadd.s32 $0x9, v22;
	v31 =	vshll.u32 v24, $0x3;
	vm0 =	vlt.f32 v25, v7  }
0x182: {  	v31 =	vadd.s32 $0x9, v31;
	vm1 =	vlt.f32 v29, v12;
	v5 =	vsel vm0, v21, v5;
	v25 =	vld.idx.msk [tilespmem:v33+s3+$0x0], $0xffff  }
0x183: {  	vm0 =	vlt.f32 v30, v11;
	v1 =	vsel vm1, v0, v1;
	v21 =	vshll.u32 v5, $0x3  }
0x184: {  	v0 =	vsel vm0, v34, v28;
	v28 =	vshll.u32 v1, $0x3;
	v30 =	vor.u32 $0x1, v21;
	v29 =	vld.idx.msk [tilespmem:v20+s3+$0x0], $0xffff  }
0x185: {  	v21 =	vshll.u32 v0, $0x3;
	v20 =	vadd.s32 $0x2, v0;
	v28 =	vadd.s32 $0x9, v28  }
0x186: {  	vm0 =	vlt.f32 v27, v10;
	v27 =	vadd.s32 $0x8, v21;
	v32 =	vld.idx.msk [tilespmem:v22+s3+$0x0], $0xffff;
	v22 =	vadd.s32 $0x2, v2  }
0x187: {  	v33 =	vadd.s32 $0x2, v23;
	v21 =	vmul.u32 $0x1FF, v16;
	v2 =	vsel vm0, v22, v2  }
0x188: {  	v17 =	vmax.u32 v17, $0x1;
	vm0 =	vlt.f32 v25, v19;
	v25 =	vshll.u32 v2, $0x3  }
0x189: {  	v17 =	vmin.u32 v17, $0x1FF;
	v33 =	vsel vm0, v33, v23;
	v23 =	vadd.s32 $0x2, v26;
	v30 =	vld.idx.msk [tilespmem:v30+s3+$0x0], $0xffff  }
0x18a: {  	v22 =	vadd.s32 $0xFFFFFFFF, v17;
	v34 =	vshll.u32 v33, $0x3;
	vm0 =	vlt.f32 v29, v18  }
0x18b: {  	v16 =	vshll.u32 v16, $0x3;
	v29 =	vsel vm0, $0x1, v43;
	v17 =	vld.idx.msk [tilespmem:v31+s3+$0x0], $0xffff;
	v31 =	vshll.u32 v22, $0x3  }
0x18c: {  	vm0 =	vlt.f32 v32, v13;
	v32 =	vadd.s32 $0x2, v1;
	v4 =	vadd.s32 v29, v4  }
0x18d: {  	v35 =	vsel vm0, v23, v26;
	v23 =	vadd.s32 $0x2, v24;
	v4 =	vmax.u32 v4, $0x1;
	v26 =	vld.idx.msk [tilespmem:v28+s3+$0x0], $0xffff  }
0x18e: {  	v29 =	vor.u32 $0x1, v31;
	v28 =	vshll.u32 v35, $0x3;
	v4 =	vmin.u32 v4, $0x1FF;
	v25 =	vld.idx.msk [tilespmem:v25+s3+$0x0], $0xffff  }
0x18f: {  	v28 =	vor.u32 $0x1, v28;
	vm0 =	vlt.f32 v30, v7;
	v4 =	vadd.s32 $0xFFFFFFFF, v4;
	v31 =	vld.idx.msk [tilespmem:v34+s3+$0x0], $0xffff  }
0x190: {  	v30 =	vsel vm0, $0x1, v43;
	v34 =	vshll.u32 v4, $0x3;
	v4 =	vmul.u32 $0x1FF, v4;
	v16 =	vld.idx.msk [tilespmem:v16+s3+$0x0], $0xffff  }
0x191: {  	v36 =	vmov s9;
	vm0 =	vlt.f32 v17, v9;
	v5 =	vadd.s32 v30, v5  }
0x192: {  	v17 =	vshll.u32 v36, $0x3;
	v23 =	vsel vm0, v23, v24;
	v5 =	vmax.u32 v5, $0x1  }
0x193: {  	v17 =	vor.u32 v3, v17;
	v24 =	vshll.u32 v23, $0x3;
	v5 =	vmin.u32 v5, $0x1FF  }
0x194: {  	v36 =	vor.u32 $0x1, v17;
	v37 =	vld.idx.msk [tilespmem:v28+s3+$0x0], $0xffff;
	v28 =	vor.u32 $0x1, v24;
	v24 =	vadd.s32 $0xFFFFFFFF, v5  }
0x195: {  	vm1 =	vlt.f32 v25, v10;
	vm0 =	vlt.f32 v31, v19;
	v5 =	vshll.u32 v24, $0x3  }
0x196: {  	v25 =	vsel vm1, $0x1, v43;
	vm1 =	vlt.f32 v26, v12;
	v34 =	vld.idx.msk [tilespmem:v34+s3+$0x0], $0xffff;
	v38 =	vor.u32 $0x1, v5  }
0x197: {  	v2 =	vadd.s32 v25, v2;
	v25 =	vsel vm1, v32, v1;
	v16 =	vsub.f32 v8, v16;
	v31 =	vld.idx.msk [tilespmem:v27+s3+$0x0], $0xffff  }
.Ltmp0:
0x198: {  	v1 =	vsel vm0, $0x1, v43;
	v8 =	vmovc v19;
	v2 =	vmax.u32 v2, $0x1;
	v5 =	vshll.u32 v25, $0x3;
	v26 =	vld.idx.msk [tilespmem:v17+s11+$0x0], $0xffff;
	(pc) =	sbr.rel @p0 .LBB2_3-.Ltmp0, $4  }
0x199: {  	v2 =	vmin.u32 v2, $0x1FF;
	v30 =	vor.u32 $0x1, v5;
	v17 =	vadd.s32 v1, v33;
	v29 =	vld.idx.msk [tilespmem:v29+s3+$0x0], $0xffff  }
0x19a: {  	v5 =	vadd.s32 $0xFFFFFFFF, v2;
	vm0 =	vlt.f32 v37, v13;
	v17 =	vmax.u32 v17, $0x1;
	v1 =	vld.idx.msk [tilespmem:v36+s11+$0x0], $0xffff;
	[tilespmem:s30+$0xFFFFFFF0] =	vst v16  }
0x19b: {  	s2 =	sadd.s32 $0x40, s2;
	v19 =	vshll.u32 v5, $0x3;
	v2 =	vsel vm0, $0x1, v43;
	v16 =	vmin.u32 v17, $0x1FF;
	v27 =	vld.idx.msk [tilespmem:v38+s3+$0x0], $0xffff  }
0x19c: {  	s9 =	sadd.s32 $0x40, s9;
	s29 =	sadd.s32 $0x40, s29;
	s30 =	sadd.s32 $0x40, s30;
	v17 =	vadd.s32 v2, v35;
	v16 =	vadd.s32 $0xFFFFFFFF, v16;
	v2 =	vsub.f32 v18, v34  }
0x19d: {  	_ = 	snop  }
0x19e: {  	vm0 =	vlt.f32 v14, v26  }
0x19f: {  	v14 =	vsel vm0, $0x100, v43;
	vm1 =	vlt.f32 v15, v1  }
0x1a0: {  	v18 =	vshll.u32 v14, $0x3;
	v15 =	vsel vm1, $0x100, v43  }
0x1a1: {  	v18 =	vor.u32 $0x3F8, v18;
	v32 =	vshll.u32 v15, $0x3  }
0x1a2: {  	v32 =	vor.u32 $0x3F9, v32;
	_ =	sdelay $0x3  }
0x1a3: {  	v18 =	vld.idx.msk [tilespmem:v18+s3+$0x0], $0xffff  }
0x1a4: {  	v32 =	vld.idx.msk [tilespmem:v32+s3+$0x0], $0xffff;
	_ =	sdelay $0x3  }
0x1a5: {  	v33 =	vor.u32 $0x80, v14;
	vm9 =	vlt.f32 v18, v26  }
0x1a6: {  	v18 =	vor.u32 $0x80, v15;
	v14 =	vsel vm9, v33, v14;
	vm10 =	vlt.f32 v32, v1  }
0x1a7: {  	v15 =	vsel vm10, v18, v15;
	v18 =	vshll.u32 v14, $0x3  }
0x1a8: {  	v18 =	vor.u32 $0x1F8, v18;
	v58 =	vshll.u32 v15, $0x3  }
0x1a9: {  	v32 =	vor.u32 $0x1F9, v58;
	_ =	sdelay $0x3  }
0x1aa: {  	v18 =	vld.idx.msk [tilespmem:v18+s3+$0x0], $0xffff  }
0x1ab: {  	v32 =	vld.idx.msk [tilespmem:v32+s3+$0x0], $0xffff;
	_ =	sdelay $0x3  }
0x1ac: {  	v33 =	vor.u32 $0x40, v14;
	vm11 =	vlt.f32 v18, v26  }
0x1ad: {  	v18 =	vor.u32 $0x40, v15;
	v14 =	vsel vm11, v33, v14;
	vm12 =	vlt.f32 v32, v1  }
0x1ae: {  	v59 =	vshll.u32 v14, $0x3;
	v15 =	vsel vm12, v18, v15  }
0x1af: {  	v18 =	vor.u32 $0xF8, v59;
	v60 =	vshll.u32 v15, $0x3  }
0x1b0: {  	v32 =	vor.u32 $0xF9, v60;
	_ =	sdelay $0x3  }
0x1b1: {  	v18 =	vld.idx.msk [tilespmem:v18+s3+$0x0], $0xffff  }
0x1b2: {  	v32 =	vld.idx.msk [tilespmem:v32+s3+$0x0], $0xffff;
	_ =	sdelay $0x3  }
0x1b3: {  	v33 =	vor.u32 $0x20, v14;
	vm13 =	vlt.f32 v18, v26  }
0x1b4: {  	v18 =	vor.u32 $0x20, v15;
	v14 =	vsel vm13, v33, v14;
	vm14 =	vlt.f32 v32, v1  }
0x1b5: {  	v61 =	vshll.u32 v14, $0x3;
	v15 =	vsel vm14, v18, v15  }
0x1b6: {  	v18 =	vadd.s32 $0x78, v61;
	v62 =	vshll.u32 v15, $0x3  }
0x1b7: {  	v32 =	vadd.s32 $0x79, v62;
	_ =	sdelay $0x3  }
0x1b8: {  	v18 =	vld.idx.msk [tilespmem:v18+s3+$0x0], $0xffff  }
0x1b9: {  	v32 =	vld.idx.msk [tilespmem:v32+s3+$0x0], $0xffff;
	_ =	sdelay $0x3  }
0x1ba: {  	v33 =	vadd.s32 $0x10, v14;
	vm15 =	vlt.f32 v18, v26  }
0x1bb: {  	v18 =	vadd.s32 $0x10, v15;
	v14 =	vsel vm15, v33, v14;
	vm4 =	vlt.f32 v32, v1  }
0x1bc: {  	v63 =	vshll.u32 v14, $0x3;
	v15 =	vsel vm4, v18, v15  }
0x1bd: {  	v18 =	vadd.s32 $0x38, v63;
	v36 =	vshll.u32 v15, $0x3  }
0x1be: {  	v32 =	vadd.s32 $0x39, v36;
	_ =	sdelay $0x3  }
0x1bf: {  	v18 =	vld.idx.msk [tilespmem:v18+s3+$0x0], $0xffff  }
0x1c0: {  	v32 =	vld.idx.msk [tilespmem:v32+s3+$0x0], $0xffff;
	_ =	sdelay $0x3  }
0x1c1: {  	v33 =	vadd.s32 $0x8, v14;
	vm5 =	vlt.f32 v18, v26  }
0x1c2: {  	v18 =	vadd.s32 $0x8, v15;
	v14 =	vsel vm5, v33, v14;
	vm6 =	vlt.f32 v32, v1  }
0x1c3: {  	v37 =	vshll.u32 v14, $0x3;
	v15 =	vsel vm6, v18, v15  }
0x1c4: {  	v18 =	vadd.s32 $0x18, v37;
	v38 =	vshll.u32 v15, $0x3  }
0x1c5: {  	v32 =	vadd.s32 $0x19, v38;
	_ =	sdelay $0x3  }
0x1c6: {  	v18 =	vld.idx.msk [tilespmem:v18+s3+$0x0], $0xffff  }
0x1c7: {  	v32 =	vld.idx.msk [tilespmem:v32+s3+$0x0], $0xffff;
	_ =	sdelay $0x3  }
0x1c8: {  	v33 =	vadd.s32 $0x4, v14;
	vm7 =	vlt.f32 v18, v26  }
0x1c9: {  	v18 =	vadd.s32 $0x4, v15;
	v14 =	vsel vm7, v33, v14;
	vm8 =	vlt.f32 v32, v1  }
0x1ca: {  	v39 =	vshll.u32 v14, $0x3;
	v15 =	vsel vm8, v18, v15  }
0x1cb: {  	v18 =	vadd.s32 $0x8, v39;
	v40 =	vshll.u32 v15, $0x3  }
0x1cc: {  	v32 =	vadd.s32 $0x9, v40;
	_ =	sdelay $0x3  }
0x1cd: {  	vm9 =	vlt.f32 v31, v11;
	v18 =	vld.idx.msk [tilespmem:v18+s3+$0x0], $0xffff  }
0x1ce: {  	v0 =	vsel vm9, v20, v0;
	v41 =	vld.idx.msk [tilespmem:v32+s3+$0x0], $0xffff  }
0x1cf: {  	v42 =	vshll.u32 v0, $0x3;
	_ =	sdelay $0x2  }
0x1d0: {  	v28 =	vld.idx.msk [tilespmem:v28+s3+$0x0], $0xffff;
	v44 =	vadd.s32 $0x2, v14  }
0x1d1: {  	v45 =	vadd.s32 $0x2, v15;
	vm10 =	vlt.f32 v18, v26;
	vm11 =	vlt.f32 v41, v1  }
0x1d2: {  	v46 =	vld.idx.msk [tilespmem:v42+s3+$0x0], $0xffff;
	v14 =	vsel vm10, v44, v14;
	v15 =	vsel vm11, v45, v15  }
0x1d3: {  	v18 =	vld.idx.msk [tilespmem:v30+s3+$0x0], $0xffff;
	v47 =	vshll.u32 v14, $0x3;
	v30 =	vshll.u32 v15, $0x3  }
0x1d4: {  	v48 =	vor.u32 $0x1, v30  }
0x1d5: {  	v21 =	vadd.s32 v22, v21;
	v17 =	vmax.u32 v17, $0x1;
	vm12 =	vlt.f32 v28, v9  }
0x1d6: {  	v6 =	vsub.f32 v6, v29;
	v17 =	vmin.u32 v17, $0x1FF;
	v49 =	vsel vm12, $0x1, v43  }
0x1d7: {  	v17 =	vadd.s32 $0xFFFFFFFF, v17;
	v22 =	vadd.s32 v49, v23;
	vm14 =	vlt.f32 v46, v11  }
0x1d8: {  	v52 =	vsel vm14, $0x1, v43;
	vm13 =	vlt.f32 v18, v12;
	v18 =	vmax.u32 v22, $0x1;
	v51 =	vld.idx.msk [tilespmem:v47+s3+$0x0], $0xffff  }
0x1d9: {  	v0 =	vadd.s32 v52, v0;
	v50 =	vsel vm13, $0x1, v43;
	v18 =	vmin.u32 v18, $0x1FF;
	v54 =	vld.idx.msk [tilespmem:v48+s3+$0x0], $0xffff  }
0x1da: {  	v0 =	vmax.u32 v0, $0x1;
	v22 =	vadd.s32 v50, v25;
	v18 =	vadd.s32 $0xFFFFFFFF, v18  }
0x1db: {  	v0 =	vmin.u32 v0, $0x1FF;
	v22 =	vmax.u32 v22, $0x1;
	v55 =	vshll.u32 v18, $0x3  }
0x1dc: {  	v0 =	vadd.s32 $0xFFFFFFFF, v0;
	v22 =	vmin.u32 v22, $0x1FF;
	v25 =	vor.u32 $0x1, v55  }
0x1dd: {  	v58 =	vshll.u32 v0, $0x3;
	v22 =	vadd.s32 $0xFFFFFFFF, v22;
	vm15 =	vlt.f32 v51, v26  }
0x1de: {  	v56 =	vshll.u32 v22, $0x3;
	v59 =	vsel vm15, $0x1, v43;
	vm4 =	vlt.f32 v54, v1  }
0x1df: {  	v57 =	vor.u32 $0x1, v56;
	v14 =	vadd.s32 v59, v14;
	v23 =	vsel vm4, $0x1, v43  }
0x1e0: {  	v19 =	vld.idx.msk [tilespmem:v19+s3+$0x0], $0xffff;
	[tilespmem:s28+$0xFFFFFFE0] =	vst v2;
	v2 =	vshll.u32 v17, $0x3;
	v14 =	vmax.u32 v14, $0x1;
	v15 =	vadd.s32 v23, v15  }
0x1e1: {  	v61 =	vshll.u32 v16, $0x3;
	v60 =	vld.idx.msk [tilespmem:v25+s3+$0x0], $0xffff;
	v14 =	vmin.u32 v14, $0x1FF;
	v15 =	vmax.u32 v15, $0x1  }
0x1e2: {  	v2 =	vor.u32 $0x1, v2;
	v14 =	vadd.s32 $0xFFFFFFFF, v14;
	v15 =	vmin.u32 v15, $0x1FF  }
0x1e3: {  	[tilespmem:s0+$0xFFFFFFF0] =	vst v6;
	v6 =	vsub.f32 v7, v27;
	v7 =	vld.idx.msk [tilespmem:v58+s3+$0x0], $0xffff;
	v62 =	vshll.u32 v14, $0x3;
	v15 =	vadd.s32 $0xFFFFFFFF, v15  }
0x1e4: {  	[tilespmem:s5+$0xFFFFFFF0] =	vst v21;
	v20 =	vld.idx.msk [tilespmem:v57+s3+$0x0], $0xffff;
	v63 =	vshll.u32 v15, $0x3  }
0x1e5: {  	v4 =	vadd.s32 v24, v4;
	v10 =	vsub.f32 v10, v19;
	[tilespmem:s0+$0xFFFFFFE0] =	vst v6;
	v6 =	vor.u32 $0x1, v63  }
0x1e6: {  	v5 =	vmul.u32 $0x1FF, v5;
	[tilespmem:s5+$0xFFFFFFE0] =	vst v4;
	v24 =	vld.idx.msk [tilespmem:v61+s3+$0x0], $0xffff;
	v4 =	vsub.f32 v9, v60  }
0x1e7: {  	v2 =	vld.idx.msk [tilespmem:v2+s3+$0x0], $0xffff;
	[tilespmem:s30+$0x0] =	vst v10  }
0x1e8: {  	v5 =	vadd.s32 v18, v5;
	[tilespmem:s29+$0x0] =	vst v4;
	v4 =	vsub.f32 v11, v7;
	v25 =	vld.idx.msk [tilespmem:v62+s3+$0x0], $0xffff  }
0x1e9: {  	v0 =	vmul.u32 $0x1FF, v0;
	[tilespmem:s2+$0x0] =	vst v5;
	v5 =	vsub.f32 v12, v20  }
0x1ea: {  	[tilespmem:s30+$0x10] =	vst v4;
	v4 =	vld.idx.msk [tilespmem:v6+s3+$0x0], $0xffff  }
0x1eb: {  	v0 =	vadd.s32 v22, v0;
	[tilespmem:s29+$0x10] =	vst v5;
	v5 =	vsub.f32 v8, v24  }
0x1ec: {  	v2 =	vsub.f32 v13, v2;
	[tilespmem:s2+$0x10] =	vst v0  }
0x1ed: {  	v6 =	vmul.u32 $0x1FF, v16;
	[tilespmem:s30+$0xFFFFFFF0] =	vst v5;
	v0 =	vsub.f32 v26, v25  }
0x1ee: {  	[tilespmem:s29+$0xFFFFFFF0] =	vst v2  }
0x1ef: {  	v5 =	vadd.s32 v17, v6;
	[tilespmem:s30+$0xFFFFFFE0] =	vst v0;
	v0 =	vmul.u32 $0x1FF, v14;
	v1 =	vsub.f32 v1, v4  }
0x1f0: {  	[tilespmem:s2+$0xFFFFFFF0] =	vst v5  }
0x1f1: {  	v0 =	vadd.s32 v15, v0;
	[tilespmem:s29+$0xFFFFFFE0] =	vst v1  }
0x1f2: {  	s5 =	simm.s32 $0x6000;
	[tilespmem:s2+$0xFFFFFFE0] =	vst v0  }
0x1f3: {  	[tilespmem:s14], [sflag:$0x1] =	stream.indirect.gather [hbm4b:s6+s12], $0x30, s5, s12, $0xb8;
	[tilespmem:$0x1F000] =	vst v63  }
0x1f4: {  	s9 =	simm.s32 $0x6080;
	s1 =	simm.s32 $0x8000  }
0x1f5: {  	[tilespmem:s1], [sflag:$0x1] =	stream.indirect.gather [hbm4b:s6+s12], $0x30, s9, s12, $0xb8;
	[tilespmem:$0x1F000] =	vst v63  }
0x1f6: {  	s13 =	simm.s32 $0x6100;
	s15 =	simm.s32 $0x9800  }
0x1f7: {  	[tilespmem:s15], [sflag:$0x1] =	stream.indirect.gather [hbm4b:s6+s12], $0x30, s13, s12, $0xb8;
	[tilespmem:$0x1F000] =	vst v63  }
0x1f8: {  	s2 =	simm.s32 $0xB000;
	s1 =	simm.s32 $0x6180  }
0x1f9: {  	[tilespmem:s2], [sflag:$0x1] =	stream.indirect.gather [hbm4b:s6+s12], $0x30, s1, s12, $0xb8;
	[tilespmem:$0x1F000] =	vst v63  }
0x1fa: {  	s5 =	simm.s32 $0x6200;
	s9 =	simm.s32 $0xC800  }
0x1fb: {  	[tilespmem:s9], [sflag:$0x1] =	stream.indirect.gather [hbm4b:s6+s12], $0x30, s5, s12, $0xb8;
	[tilespmem:$0x1F000] =	vst v63  }
0x1fc: {  	s13 =	simm.s32 $0x6280;
	s15 =	simm.s32 $0xE000  }
0x1fd: {  	[tilespmem:s15], [sflag:$0x1] =	stream.indirect.gather [hbm4b:s6+s12], $0x30, s13, s12, $0xb8;
	[tilespmem:$0x1F000] =	vst v63  }
0x1fe: {  	s1 =	simm.s32 $0x6300;
	s2 =	simm.s32 $0xF800  }
0x1ff: {  	[tilespmem:s2], [sflag:$0x1] =	stream.indirect.gather [hbm4b:s6+s12], $0x30, s1, s12, $0xb8;
	[tilespmem:$0x1F000] =	vst v63  }
0x200: {  	s5 =	simm.s32 $0x6380;
	s9 =	simm.s32 $0x11000  }
0x201: {  	[tilespmem:s9], [sflag:$0x1] =	stream.indirect.gather [hbm4b:s6+s12], $0x30, s5, s12, $0xb8;
	[tilespmem:$0x1F000] =	vst v63  }
0x202: {  	s13 =	simm.s32 $0x6400;
	s15 =	simm.s32 $0x12800  }
0x203: {  	[tilespmem:s15], [sflag:$0x1] =	stream.indirect.gather [hbm4b:s6+s12], $0x30, s13, s12, $0xb8;
	[tilespmem:$0x1F000] =	vst v63  }
0x204: {  	s1 =	simm.s32 $0x6480;
	s2 =	simm.s32 $0x14000  }
0x205: {  	[tilespmem:s2], [sflag:$0x1] =	stream.indirect.gather [hbm4b:s6+s12], $0x30, s1, s12, $0xb8;
	[tilespmem:$0x1F000] =	vst v63  }
0x206: {  	s5 =	simm.s32 $0x6500;
	s9 =	simm.s32 $0x15800  }
0x207: {  	[tilespmem:s9], [sflag:$0x1] =	stream.indirect.gather [hbm4b:s6+s12], $0x30, s5, s12, $0xb8;
	[tilespmem:$0x1F000] =	vst v63  }
0x208: {  	s13 =	simm.s32 $0x6580;
	s15 =	simm.s32 $0x17000  }
0x209: {  	[tilespmem:s15], [sflag:$0x1] =	stream.indirect.gather [hbm4b:s6+s12], $0x30, s13, s12, $0xb8;
	[tilespmem:$0x1F000] =	vst v63  }
0x20a: {  	s1 =	simm.s32 $0x6600  }
0x20b: {  	[tilespmem:s16], [sflag:$0x1] =	stream.indirect.gather [hbm4b:s6+s12], $0x30, s1, s12, $0xb8;
	[tilespmem:$0x1F000] =	vst v63  }
0x20c: {  	_ = 	snop  }
0x20d: {  	[tilespmem:s18], [sflag:$0x1] =	stream.indirect.gather [hbm4b:s6+s12], $0x30, s17, s12, $0xb8;
	[tilespmem:$0x1F000] =	vst v63  }
0x20e: {  	_ = 	snop  }
0x20f: {  	[tilespmem:s20], [sflag:$0x1] =	stream.indirect.gather [hbm4b:s6+s12], $0x30, s19, s12, $0xb8;
	[tilespmem:$0x1F000] =	vst v63  }
0x210: {  	_ = 	snop  }
0x211: {  	[tilespmem:s22], [sflag:$0x1] =	stream.indirect.gather [hbm4b:s6+s12], $0x30, s21, s12, $0xb8;
	[tilespmem:$0x1F000] =	vst v63  }
0x212: {  	_ =	swait.ge [sflag:s23], $0x1800  }
0x213: {  	[sflag:s23] =	ssyncset.done $0x0  }
0x214: {  	[sflag:s23] =	ssyncadd.s32 $0xFFFFE800  }
0x215: {  	_ =	swait.ge [sflag:s23], $0x1800  }
0x216: {  	[sflag:s23] =	ssyncset.done $0x0  }
0x217: {  	[sflag:s23] =	ssyncadd.s32 $0xFFFFE800  }
0x218: {  	_ =	swait.ge [sflag:s23], $0x1800  }
0x219: {  	[sflag:s23] =	ssyncset.done $0x0  }
0x21a: {  	[sflag:s23] =	ssyncadd.s32 $0xFFFFE800  }
0x21b: {  	_ =	swait.ge [sflag:s23], $0x1800  }
0x21c: {  	[sflag:s23] =	ssyncset.done $0x0  }
0x21d: {  	[sflag:s23] =	ssyncadd.s32 $0xFFFFE800  }
0x21e: {  	_ =	swait.ge [sflag:s23], $0x1800  }
0x21f: {  	[sflag:s23] =	ssyncset.done $0x0  }
0x220: {  	[sflag:s23] =	ssyncadd.s32 $0xFFFFE800  }
0x221: {  	_ =	swait.ge [sflag:s23], $0x1800  }
0x222: {  	[sflag:s23] =	ssyncset.done $0x0  }
0x223: {  	[sflag:s23] =	ssyncadd.s32 $0xFFFFE800  }
0x224: {  	_ =	swait.ge [sflag:s23], $0x1800  }
0x225: {  	[sflag:s23] =	ssyncset.done $0x0  }
0x226: {  	[sflag:s23] =	ssyncadd.s32 $0xFFFFE800  }
0x227: {  	_ =	swait.ge [sflag:s23], $0x1800  }
0x228: {  	[sflag:s23] =	ssyncset.done $0x0  }
0x229: {  	[sflag:s23] =	ssyncadd.s32 $0xFFFFE800  }
0x22a: {  	_ =	swait.ge [sflag:s23], $0x1800  }
0x22b: {  	[sflag:s23] =	ssyncset.done $0x0  }
0x22c: {  	[sflag:s23] =	ssyncadd.s32 $0xFFFFE800  }
0x22d: {  	_ =	swait.ge [sflag:s23], $0x1800  }
0x22e: {  	[sflag:s23] =	ssyncset.done $0x0  }
0x22f: {  	[sflag:s23] =	ssyncadd.s32 $0xFFFFE800  }
0x230: {  	_ =	swait.ge [sflag:s23], $0x1800  }
0x231: {  	[sflag:s23] =	ssyncset.done $0x0  }
0x232: {  	[sflag:s23] =	ssyncadd.s32 $0xFFFFE800  }
0x233: {  	_ =	swait.ge [sflag:s23], $0x1800  }
0x234: {  	[sflag:s23] =	ssyncset.done $0x0  }
0x235: {  	[sflag:s23] =	ssyncadd.s32 $0xFFFFE800  }
0x236: {  	_ =	swait.ge [sflag:s23], $0x1800  }
0x237: {  	[sflag:s23] =	ssyncset.done $0x0  }
0x238: {  	[sflag:s23] =	ssyncadd.s32 $0xFFFFE800  }
0x239: {  	s2 =	simm.s32 $0x30;
	_ =	swait.ge [sflag:s23], $0x1800  }
0x23a: {  	v1 =	vlaneseq.u32;
	v0 =	vmov s2;
	[sflag:s23] =	ssyncset.done $0x0  }
0x23b: {  	v43 =	vmul.u32 $0x30, v1;
	v0 =	vmul.u32 $0x30, v0;
	[sflag:s23] =	ssyncadd.s32 $0xFFFFE800  }
0x23c: {  	_ =	swait.ge [sflag:s23], $0x1800  }
0x23d: {  	v1 =	vbroadcast v0, $0x0;
	v0 =	vadd.s32 $0x1C, v43;
	[sflag:s23] =	ssyncset.done $0x0  }
0x23e: {  	v2 =	vadd.s32 $0x13, v43;
	[tilespmem:$0x1FF10] =	vst v0;
	[sflag:s23] =	ssyncadd.s32 $0xFFFFE800  }
0x23f: {  	v3 =	vadd.s32 $0x1D, v43;
	v26 =	vor.u32 $0xA, v43;
	v12 =	vadd.s32 $0x1F, v43;
	_ =	swait.ge [sflag:s23], $0x1800  }
0x240: {  	v63 =	vor.u32 $0x1, v43;
	v59 =	vor.u32 $0xB, v43;
	v5 =	vadd.s32 v0, v1;
	[tilespmem:$0x1FEB0] =	vst v2  }
0x241: {  	v58 =	vadd.s32 $0x16, v43;
	v61 =	vadd.s32 $0x20, v43;
	s9 =	simm.s32 $0x10;
	v6 =	vadd.s32 v2, v1;
	[sflag:s23] =	ssyncset.done $0x0;
	[tilespmem:$0x1FEF0] =	vst v3  }
0x242: {  	s13 =	simm.s32 $0x20;
	s15 =	simm.s32 $0x5020;
	v7 =	vadd.s32 v3, v1;
	v0 =	vmov s9;
	[tilespmem:$0x1FE40] =	vst v26;
	v3 =	vadd.s32 $0x14, v43;
	[sflag:s23] =	ssyncadd.s32 $0xFFFFE800  }
0x243: {  	s1 =	simm.s32 $0x5820;
	v9 =	vadd.s32 v26, v1;
	v8 =	vmul.u32 $0x30, v0;
	v2 =	vmov s13;
	v0 =	vld [tilespmem:s15+$0x10];
	[tilespmem:$0x1FE90] =	vst v3  }
0x244: {  	v32 =	vor.u32 $0x2, v43;
	v27 =	vmul.u32 $0x30, v2;
	v28 =	vadd.s32 v3, v1;
	v2 =	vld [tilespmem:s1+$0x10];
	[tilespmem:$0x1FE80] =	vst v12  }
0x245: {  	v33 =	vor.u32 $0xD, v43;
	v34 =	vadd.s32 $0x17, v43;
	v12 =	vadd.s32 v12, v1;
	v5 =	vld.idx.msk [tilespmem:v5+s14+$0x0], $0xffff  }
0x246: {  	v36 =	vadd.s32 $0x23, v43;
	v47 =	vbroadcast v8, $0x0;
	v8 =	vadd.s32 v63, v1;
	v6 =	vld.idx.msk [tilespmem:v6+s14+$0x0], $0xffff  }
0x247: {  	v50 =	vadd.s32 $0x27, v43;
	v38 =	vor.u32 $0xE, v43;
	v13 =	vadd.s32 v59, v1;
	v7 =	vld.idx.msk [tilespmem:v7+s14+$0x0], $0xffff  }
0x248: {  	v49 =	vor.u32 $0x8, v43;
	v51 =	vadd.s32 $0x24, v43;
	v29 =	vadd.s32 v58, v1;
	v9 =	vld.idx.msk [tilespmem:v9+s14+$0x0], $0xffff  }
0x249: {  	v42 =	vor.u32 $0x5, v43;
	v14 =	vadd.s32 v61, v1;
	v3 =	vadd.s32 $0x15, v43;
	v11 =	vld.idx.msk [tilespmem:v28+s14+$0x0], $0xffff  }
0x24a: {  	v62 =	vor.u32 $0x3, v43;
	v45 =	vor.u32 $0x7, v43;
	v16 =	vadd.s32 v32, v1;
	v12 =	vld.idx.msk [tilespmem:v12+s14+$0x0], $0xffff;
	[tilespmem:$0x1FEA0] =	vst v3  }
0x24b: {  	v44 =	vadd.s32 $0x11, v43;
	v52 =	vadd.s32 $0x22, v43;
	v19 =	vadd.s32 v34, v1;
	v8 =	vld.idx.msk [tilespmem:v8+s14+$0x0], $0xffff  }
0x24c: {  	s5 =	simm.s32 $0x0;
	v37 =	vadd.s32 v36, v1;
	v18 =	vadd.s32 v3, v1;
	v3 =	vadd.s32 $0x25, v43;
	v13 =	vld.idx.msk [tilespmem:v13+s14+$0x0], $0xffff;
	[tilespmem:$0x1FC90] =	vst v50  }
0x24d: {  	v40 =	vor.u32 $0x4, v43;
	v4 =	vmov s5;
	v56 =	vadd.s32 v38, v1;
	v10 =	vld.idx.msk [tilespmem:v29+s14+$0x0], $0xffff;
	[tilespmem:$0x1FF60] =	vst v3  }
0x24e: {  	v39 =	vadd.s32 $0x1A, v43;
	v4 =	vmul.u32 $0x30, v4;
	v57 =	vadd.s32 v49, v1;
	v14 =	vld.idx.msk [tilespmem:v14+s14+$0x0], $0xffff;
	[tilespmem:$0x1FF40] =	vst v51  }
0x24f: {  	v41 =	vadd.s32 $0x10, v43;
	v35 =	vadd.s32 $0x19, v43;
	v60 =	vadd.s32 v42, v1;
	v16 =	vld.idx.msk [tilespmem:v16+s14+$0x0], $0xffff  }
0x250: {  	v46 =	vbroadcast v4, $0x0;
	v15 =	vadd.s32 v43, v1;
	v55 =	vadd.s32 v44, v1;
	v19 =	vld.idx.msk [tilespmem:v19+s14+$0x0], $0xffff  }
0x251: {  	v17 =	vadd.s32 v33, v1;
	v28 =	vadd.s32 v39, v1;
	v7 =	vmul.f32 v7, v2;
	v20 =	vld.idx.msk [tilespmem:v37+s14+$0x0], $0xffff  }
0x252: {  	v24 =	vadd.s32 v62, v1;
	v25 =	vadd.s32 v45, v1;
	v11 =	vmul.f32 v11, v2;
	v21 =	vld.idx.msk [tilespmem:v56+s14+$0x0], $0xffff  }
0x253: {  	v4 =	vadd.s32 v43, v47;
	v48 =	vbroadcast v27, $0x0;
	v5 =	vadd.f32 v7, v5;
	v22 =	vld.idx.msk [tilespmem:v57+s14+$0x0], $0xffff  }
0x254: {  	v37 =	vor.u32 $0x6, v43;
	v56 =	vadd.s32 v40, v1;
	v23 =	vld.idx.msk [tilespmem:v60+s14+$0x0], $0xffff;
	v6 =	vadd.f32 v11, v6  }
0x255: {  	v57 =	vadd.s32 v41, v1;
	v60 =	vadd.s32 v35, v1;
	v26 =	vld.idx.msk [tilespmem:v55+s14+$0x0], $0xffff;
	v13 =	vmul.f32 v13, v2  }
0x256: {  	v55 =	vor.u32 $0xF, v43;
	v7 =	vadd.s32 v37, v1;
	v11 =	vld.idx.msk [tilespmem:v28+s14+$0x0], $0xffff;
	v6 =	vmul.f32 v6, v2  }
0x257: {  	v17 =	vld.idx.msk [tilespmem:v17+s14+$0x0], $0xffff;
	v9 =	vadd.f32 v13, v9;
	v14 =	vmul.f32 v14, v2;
	v16 =	vmul.f32 v16, v2  }
0x258: {  	v25 =	vld.idx.msk [tilespmem:v25+s14+$0x0], $0xffff;
	v13 =	vadd.s32 v52, v1;
	v22 =	vmul.f32 v22, v2;
	v19 =	vmul.f32 v19, v2  }
0x259: {  	v27 =	vld.idx.msk [tilespmem:v56+s14+$0x0], $0xffff;
	v56 =	vor.u32 $0xC, v43;
	v23 =	vmul.f32 v23, v2;
	v21 =	vmul.f32 v21, v2  }
0x25a: {  	v28 =	vld.idx.msk [tilespmem:v57+s14+$0x0], $0xffff;
	v20 =	vmul.f32 v20, v2;
	v57 =	vor.u32 $0x9, v43;
	v12 =	vadd.f32 v14, v12  }
0x25b: {  	v14 =	vld.idx.msk [tilespmem:v60+s14+$0x0], $0xffff;
	v60 =	vadd.s32 $0x18, v43;
	v11 =	vmul.f32 v11, v2;
	v30 =	vadd.s32 v57, v1  }
0x25c: {  	v7 =	vld.idx.msk [tilespmem:v7+s14+$0x0], $0xffff;
	v9 =	vmul.f32 v9, v2;
	v8 =	vadd.f32 v16, v8;
	v16 =	vadd.s32 v55, v1  }
0x25d: {  	v22 =	vadd.f32 v22, v25;
	v25 =	vadd.s32 v56, v1;
	v10 =	vadd.f32 v19, v10;
	[tilespmem:$0x1FE60] =	vst v60  }
0x25e: {  	v19 =	vmul.f32 v26, v2;
	v31 =	vadd.s32 v60, v1;
	v17 =	vadd.f32 v21, v17;
	v24 =	vld.idx.msk [tilespmem:v24+s14+$0x0], $0xffff  }
0x25f: {  	v60 =	vadd.s32 $0x21, v43;
	v15 =	vld.idx.msk [tilespmem:v15+s14+$0x0], $0xffff;
	v12 =	vmul.f32 v12, v2;
	v54 =	vmul.f32 v22, v2  }
0x260: {  	v13 =	vld.idx.msk [tilespmem:v13+s14+$0x0], $0xffff;
	v22 =	vadd.s32 v60, v1;
	v8 =	vmul.f32 v8, v2;
	v23 =	vadd.f32 v23, v27  }
0x261: {  	v29 =	vadd.s32 $0x1E, v43;
	v17 =	vmul.f32 v17, v2;
	v19 =	vadd.f32 v19, v28;
	v16 =	vld.idx.msk [tilespmem:v16+s14+$0x0], $0xffff;
	[tilespmem:$0x1FF00] =	vst v57  }
0x262: {  	v11 =	vadd.f32 v11, v14;
	v7 =	vadd.f32 v54, v7;
	v23 =	vmul.f32 v23, v2;
	v14 =	vld.idx.msk [tilespmem:v25+s14+$0x0], $0xffff  }
0x263: {  	v10 =	vmul.f32 v10, v2;
	v54 =	vadd.s32 v29, v1;
	v19 =	vmul.f32 v19, v2  }
0x264: {  	v57 =	vadd.s32 $0x12, v43;
	v18 =	vld.idx.msk [tilespmem:v18+s14+$0x0], $0xffff;
	v7 =	vmul.f32 v7, v0;
	v23 =	vadd.f32 v23, v24  }
0x265: {  	[tilespmem:$0x1FF20] =	vst v29;
	v8 =	vadd.f32 v8, v15;
	v15 =	vadd.s32 v57, v1;
	v25 =	vadd.s32 v51, v1  }
0x266: {  	v13 =	vadd.f32 v20, v13;
	v31 =	vld.idx.msk [tilespmem:v31+s14+$0x0], $0xffff;
	[tilespmem:$0x1FF30] =	vst v57;
	v7 =	vadd.f32 v7, v23  }
0x267: {  	v16 =	vadd.f32 v19, v16;
	v19 =	vld.idx.msk [tilespmem:v22+s14+$0x0], $0xffff;
	v14 =	vadd.f32 v17, v14;
	v17 =	vadd.s32 $0x1B, v43  }
0x268: {  	v27 =	vadd.s32 $0x26, v43;
	v11 =	vmul.f32 v11, v2;
	[tilespmem:$0x1FF50] =	vst v17;
	v17 =	vadd.s32 v17, v1  }
0x269: {  	v28 =	vadd.s32 v49, v47;
	v13 =	vmul.f32 v13, v2;
	v7 =	vmul.f32 v7, v0;
	v20 =	vld.idx.msk [tilespmem:v30+s14+$0x0], $0xffff  }
0x26a: {  	v10 =	vadd.f32 v10, v18;
	v16 =	vmul.f32 v16, v0;
	v26 =	vld.idx.msk [tilespmem:v54+s14+$0x0], $0xffff;
	[tilespmem:$0x1FF70] =	vst v27  }
0x26b: {  	v18 =	vadd.s32 v3, v1;
	v11 =	vadd.f32 v11, v31;
	v7 =	vadd.f32 v7, v8;
	v15 =	vld.idx.msk [tilespmem:v15+s14+$0x0], $0xffff  }
0x26c: {  	v2 =	vmul.f32 v5, v2;
	v14 =	vadd.f32 v16, v14;
	v13 =	vadd.f32 v13, v19;
	v19 =	vld.idx.msk [tilespmem:v25+s14+$0x0], $0xffff  }
0x26d: {  	v16 =	vadd.s32 v27, v1;
	v11 =	vmul.f32 v11, v0;
	v17 =	vld.idx.msk [tilespmem:v17+s14+$0x0], $0xffff;
	[tilespmem:$0x1FD30] =	vst v49  }
0x26e: {  	v31 =	vadd.s32 v44, v47;
	v1 =	vadd.s32 v50, v1;
	v7 =	vmul.f32 v7, v7;
	v3 =	vld.idx.msk [tilespmem:v4+s14+$0x0], $0xffff  }
0x26f: {  	v8 =	vmul.f32 v14, v0;
	v10 =	vadd.f32 v11, v10;
	v13 =	vmul.f32 v13, v0  }
0x270: {  	v9 =	vadd.f32 v9, v20;
	v12 =	vadd.f32 v12, v26;
	v14 =	vld.idx.msk [tilespmem:v18+s14+$0x0], $0xffff;
	v18 =	vadd.s32 v49, v48  }
0x271: {  	v4 =	vadd.s32 v45, v47;
	v6 =	vadd.f32 v6, v15;
	v15 =	vor.u32 v49, v46  }
0x272: {  	v30 =	vmul.f32 v10, v0;
	v29 =	vld.idx.msk [tilespmem:v16+s14+$0x0], $0xffff;
	v12 =	vadd.f32 v13, v12;
	v13 =	vadd.s32 v42, v47  }
0x273: {  	v1 =	vld.idx.msk [tilespmem:v1+s14+$0x0], $0xffff;
	v49 =	vadd.s32 v45, v48;
	v8 =	vadd.f32 v8, v9;
	[tilespmem:$0x1FC30] =	vst v3  }
0x274: {  	v7 =	vmul.f32 v7, v19;
	v2 =	vadd.f32 v2, v17;
	v16 =	vld.idx.msk [tilespmem:v28+s14+$0x0], $0xffff;
	[tilespmem:$0x1FD20] =	vst v42  }
0x275: {  	v8 =	vmul.f32 v8, v8;
	v17 =	vadd.s32 v42, v48;
	v18 =	vld.idx.msk [tilespmem:v18+s14+$0x0], $0xffff;
	[tilespmem:$0x1FD40] =	vst v45  }
0x276: {  	v6 =	vadd.f32 v30, v6;
	v0 =	vmul.f32 v12, v0;
	v12 =	vld.idx.msk [tilespmem:v15+s14+$0x0], $0xffff;
	[tilespmem:$0x1FD50] =	vst v44  }
0x277: {  	v7 =	vadd.f32 $0.0e+00, v7;
	v8 =	vmul.f32 v8, v14;
	v14 =	vadd.s32 v44, v48;
	v13 =	vld.idx.msk [tilespmem:v13+s14+$0x0], $0xffff  }
0x278: {  	v0 =	vadd.f32 v0, v2;
	v2 =	vmul.f32 v6, v6;
	v6 =	vor.u32 v42, v46;
	v15 =	vld.idx.msk [tilespmem:v4+s14+$0x0], $0xffff  }
0x279: {  	v4 =	vadd.f32 v8, v7;
	v7 =	vor.u32 v45, v46;
	v8 =	vld.idx.msk [tilespmem:v31+s14+$0x0], $0xffff  }
0x27a: {  	v50 =	vor.u32 v44, v46;
	v2 =	vmul.f32 v2, v29;
	v0 =	vmul.f32 v0, v0;
	v11 =	vld.idx.msk [tilespmem:v17+s14+$0x0], $0xffff  }
0x27b: {  	v17 =	vadd.s32 v40, v47;
	v9 =	vld.idx.msk [tilespmem:v49+s14+$0x0], $0xffff  }
0x27c: {  	v0 =	vmul.f32 v0, v1;
	v1 =	vadd.s32 v38, v47;
	v2 =	vadd.f32 v2, v4;
	v14 =	vld.idx.msk [tilespmem:v14+s14+$0x0], $0xffff  }
0x27d: {  	v4 =	vadd.s32 v41, v47;
	v6 =	vld.idx.msk [tilespmem:v6+s14+$0x0], $0xffff  }
0x27e: {  	v19 =	vadd.s32 v39, v47;
	v0 =	vadd.f32 v0, v2;
	v7 =	vld.idx.msk [tilespmem:v7+s14+$0x0], $0xffff;
	[tilespmem:$0x1FD60] =	vst v40  }
0x27f: {  	v51 =	vadd.s32 v40, v48;
	v10 =	vld.idx.msk [tilespmem:v50+s14+$0x0], $0xffff;
	[tilespmem:$0x1FD00] =	vst v38  }
0x280: {  	v54 =	vadd.s32 v38, v48;
	v0 =	vmax.f32 v0, $9.999999350e-39;
	v17 =	vld.idx.msk [tilespmem:v17+s14+$0x0], $0xffff;
	[tilespmem:$0x1FD70] =	vst v41  }
0x281: {  	v57 =	vadd.s32 v41, v48;
	v29 =	vmul.f32 $1.677721600e+07, v0;
	v23 =	vld.idx.msk [tilespmem:v1+s14+$0x0], $0xffff  }
0x282: {  	v0 =	vadd.s32 v39, v48;
	v24 =	vld.idx.msk [tilespmem:v4+s14+$0x0], $0xffff;
	[tilespmem:$0x1FD10] =	vst v39  }
0x283: {  	v42 =	vor.u32 v38, v46;
	v19 =	vld.idx.msk [tilespmem:v19+s14+$0x0], $0xffff;
	v4 =	vand.u32 $0x7FFFFF, v29  }
0x284: {  	v1 =	vor.u32 v40, v46;
	v20 =	vld.idx.msk [tilespmem:v51+s14+$0x0], $0xffff;
	v4 =	vor.u32 $0x3F800000, v4  }
0x285: {  	v44 =	vor.u32 v41, v46;
	v21 =	vld.idx.msk [tilespmem:v54+s14+$0x0], $0xffff;
	v45 =	vmul.f32 $5.000000000e-01, v4  }
0x286: {  	v22 =	vld.idx.msk [tilespmem:v57+s14+$0x0], $0xffff;
	vm5 =	vgt.f32 v4, $1.500000000e+00  }
0x287: {  	v31 =	vld.idx.msk [tilespmem:v0+s14+$0x0], $0xffff;
	v0 =	vadd.s32 v32, v47;
	v27 =	vsel vm5, v45, v4  }
0x288: {  	v25 =	vld.idx.msk [tilespmem:v42+s14+$0x0], $0xffff;
	v4 =	vadd.f32 $1.000000000e+00, v27  }
0x289: {  	v30 =	vld.idx.msk [tilespmem:v1+s14+$0x0], $0xffff;
	v1 =	vadd.s32 v37, v47  }
0x28a: {  	v26 =	vld.idx.msk [tilespmem:v44+s14+$0x0], $0xffff;
	(erf) = vrcp.f32 v4  }
0x28b: {  	v49 =	vor.u32 v39, v46;
	v4 =	vld [tilespmem:s1+$0xFFFFFFF0]  }
0x28c: {  	v54 =	vadd.s32 v33, v47;
	v44 =	vld.idx.msk [tilespmem:v0+s14+$0x0], $0xffff  }
0x28d: {  	v3 =	vmov v34;
	v34 =	vadd.s32 v34, v47;
	v0 =	vld [tilespmem:s1+$0xFFFFFFE0]  }
0x28e: {  	v2 =	vmov v35;
	v35 =	vadd.s32 v35, v47;
	v51 =	vmov v33;
	v33 =	vld.idx.msk [tilespmem:v1+s14+$0x0], $0xffff  }
0x28f: {  	v50 =	vmovc v32;
	v39 =	vmovc v37;
	v40 =	vadd.s32 v3, v48;
	v42 =	vmov v36;
	v36 =	vadd.s32 v36, v47;
	v1 =	vld [tilespmem:s1+$0x0]  }
0x290: {  	v28 =	vld.idx.msk [tilespmem:v49+s14+$0x0], $0xffff;
	v57 =	vadd.s32 v39, v48;
	v37 =	vadd.s32 v50, v48;
	[tilespmem:$0x1FCA0] =	vst v50  }
0x291: {  	v5 =	vadd.s32 v51, v48;
	v45 =	vmov v50;
	v50 =	vor.u32 v2, v46;
	v32 =	vld.idx.msk [tilespmem:v54+s14+$0x0], $0xffff;
	[tilespmem:$0x1FD90] =	vst v39  }
0x292: {  	v27 =	vadd.f32 $-1.000000000e+00, v27;
	v34 =	vld.idx.msk [tilespmem:v34+s14+$0x0], $0xffff;
	[tilespmem:$0x1FCD0] =	vst v51;
	v16 =	vmul.f32 v16, v4;
	v8 =	vmul.f32 v8, v4  }
0x293: {  	v54 =	vmov v51;
	v35 =	vld.idx.msk [tilespmem:v35+s14+$0x0], $0xffff;
	[tilespmem:$0x1FCE0] =	vst v3;
	v12 =	vmul.f32 v12, v0;
	v10 =	vmul.f32 v10, v0;
	v51 =	vpop (erf)  }
0x294: {  	v18 =	vmul.f32 v18, v1;
	v49 =	vmul.f32 v51, v27;
	v27 =	vld.idx.msk [tilespmem:v36+s14+$0x0], $0xffff;
	[tilespmem:$0x1FD80] =	vst v2  }
0x295: {  	v15 =	vadd.f32 v16, v15;
	v36 =	vadd.s32 v2, v48;
	v16 =	vld.idx.msk [tilespmem:v37+s14+$0x0], $0xffff;
	[tilespmem:$0x1FCF0] =	vst v42  }
0x296: {  	v7 =	vadd.f32 v12, v7;
	v9 =	vadd.f32 v18, v9;
	v51 =	vor.u32 v39, v46;
	v18 =	vld.idx.msk [tilespmem:v57+s14+$0x0], $0xffff  }
0x297: {  	v12 =	vmul.f32 v13, v4;
	v57 =	vor.u32 v45, v46;
	v41 =	vmul.f32 v49, v49;
	v13 =	vld.idx.msk [tilespmem:v5+s14+$0x0], $0xffff  }
0x298: {  	v6 =	vmul.f32 v6, v0;
	v11 =	vmul.f32 v11, v1;
	v37 =	vadd.s32 v42, v48;
	v40 =	vld.idx.msk [tilespmem:v40+s14+$0x0], $0xffff  }
0x299: {  	v10 =	vadd.f32 v10, v26;
	v5 =	vor.u32 v54, v46;
	v26 =	vld.idx.msk [tilespmem:v50+s14+$0x0], $0xffff;
	v45 =	vmul.f32 $1.428571490e-01, v41  }
0x29a: {  	v8 =	vadd.f32 v8, v24;
	v12 =	vadd.f32 v12, v17;
	v17 =	vld.idx.msk [tilespmem:v36+s14+$0x0], $0xffff;
	v36 =	vor.u32 v3, v46  }
0x29b: {  	v14 =	vmul.f32 v14, v1;
	v39 =	vld.idx.msk [tilespmem:v51+s14+$0x0], $0xffff;
	v54 =	vadd.f32 $2.000000030e-01, v45;
	v45 =	vadd.s32 v63, v47  }
0x29c: {  	v30 =	vadd.f32 v6, v30;
	v11 =	vadd.f32 v11, v20;
	v20 =	vld.idx.msk [tilespmem:v57+s14+$0x0], $0xffff;
	v57 =	vor.u32 v42, v46  }
0x29d: {  	v15 =	vmul.f32 v15, v4;
	v37 =	vld.idx.msk [tilespmem:v37+s14+$0x0], $0xffff;
	v42 =	vadd.s32 v62, v47;
	v24 =	vmul.f32 v54, v41  }
0x29e: {  	v14 =	vadd.f32 v14, v22;
	v7 =	vmul.f32 v7, v0;
	v22 =	vld.idx.msk [tilespmem:v5+s14+$0x0], $0xffff;
	v54 =	vadd.s32 v59, v47  }
0x29f: {  	v15 =	vadd.f32 v15, v33;
	v50 =	vadd.s32 v55, v47;
	v6 =	vadd.f32 $3.333333430e-01, v24;
	v24 =	vld.idx.msk [tilespmem:v36+s14+$0x0], $0xffff  }
0x2a0: {  	v51 =	vadd.s32 v61, v47;
	v39 =	vadd.f32 v7, v39;
	v7 =	vmul.f32 v19, v4;
	v33 =	vld.idx.msk [tilespmem:v45+s14+$0x0], $0xffff  }
0x2a1: {  	v36 =	vadd.s32 v52, v47;
	v45 =	vmul.f32 v23, v4;
	v38 =	vld.idx.msk [tilespmem:v57+s14+$0x0], $0xffff;
	v57 =	vadd.s32 v58, v47  }
0x2a2: {  	v6 =	vmul.f32 v6, v41;
	v23 =	vld.idx.msk [tilespmem:v42+s14+$0x0], $0xffff;
	v35 =	vadd.f32 v7, v35;
	v7 =	vmul.f32 v25, v0  }
0x2a3: {  	v42 =	vadd.s32 v62, v48;
	v41 =	vadd.s32 v63, v48;
	v19 =	vld.idx.msk [tilespmem:v54+s14+$0x0], $0xffff;
	v54 =	vmul.f32 v21, v1  }
0x2a4: {  	v32 =	vadd.f32 v45, v32;
	v21 =	vld.idx.msk [tilespmem:v50+s14+$0x0], $0xffff;
	v22 =	vadd.f32 v7, v22;
	v7 =	vmul.f32 v28, v0  }
0x2a5: {  	v50 =	vadd.s32 v55, v48;
	[tilespmem:$0x1FDA0] =	vst v55;
	v13 =	vadd.f32 v54, v13;
	v54 =	vmul.f32 v12, v4  }
0x2a6: {  	v45 =	vadd.s32 v58, v48;
	v26 =	vadd.f32 v7, v26;
	v25 =	vld.idx.msk [tilespmem:v57+s14+$0x0], $0xffff;
	[tilespmem:$0x1FDE0] =	vst v63  }
0x2a7: {  	v7 =	vmul.f32 v8, v4;
	v57 =	vmul.f32 v31, v1;
	v23 =	vadd.f32 v54, v23;
	v5 =	vld.idx.msk [tilespmem:v51+s14+$0x0], $0xffff  }
0x2a8: {  	v54 =	vor.u32 v55, v46;
	v28 =	vld.idx.msk [tilespmem:v42+s14+$0x0], $0xffff;
	v42 =	vadd.s32 v52, v48;
	[tilespmem:$0x1FE30] =	vst v52  }
0x2a9: {  	v21 =	vadd.f32 v7, v21;
	v7 =	vmul.f32 v44, v4;
	v12 =	vld.idx.msk [tilespmem:v36+s14+$0x0], $0xffff;
	v36 =	vor.u32 v63, v46  }
0x2aa: {  	v2 =	vshra.s32 v29, $0x17;
	v17 =	vadd.f32 v57, v17;
	v8 =	vld.idx.msk [tilespmem:v50+s14+$0x0], $0xffff;
	v50 =	vor.u32 v62, v46;
	[tilespmem:$0x1FDF0] =	vst v62  }
0x2ab: {  	v57 =	vmul.f32 v11, v1;
	v11 =	vld.idx.msk [tilespmem:v41+s14+$0x0], $0xffff;
	v33 =	vadd.f32 v7, v33;
	v7 =	vsel vm5, $0xFFFFFF6A, v53  }
0x2ac: {  	v55 =	vor.u32 v58, v46;
	v63 =	vmov v58;
	v45 =	vld.idx.msk [tilespmem:v45+s14+$0x0], $0xffff;
	[tilespmem:$0x1FE10] =	vst v58;
	v2 =	vadd.s32 v2, v7  }
0x2ad: {  	v28 =	vadd.f32 v57, v28;
	v57 =	vmul.f32 v14, v1;
	v14 =	vmul.f32 v34, v4;
	v58 =	vld.idx.msk [tilespmem:v42+s14+$0x0], $0xffff  }
0x2ae: {  	v36 =	vld.idx.msk [tilespmem:v36+s14+$0x0], $0xffff;
	[tilespmem:$0x1FC40] =	vst v2  }
0x2af: {  	v14 =	vadd.f32 v14, v25;
	v25 =	vld.idx.msk [tilespmem:v50+s14+$0x0], $0xffff  }
0x2b0: {  	v42 =	vadd.f32 v57, v8;
	v8 =	vmul.f32 v16, v1;
	v16 =	vld.idx.msk [tilespmem:v54+s14+$0x0], $0xffff  }
0x2b1: {  	v29 =	vmul.f32 v40, v1;
	v40 =	vld.idx.msk [tilespmem:v55+s14+$0x0], $0xffff  }
0x2b2: {  	v7 =	vmul.f32 v27, v4;
	v54 =	vld [tilespmem:$0x1FE40]  }
0x2b3: {  	v57 =	vld [tilespmem:$0x1FE60]  }
0x2b4: {  	v30 =	vmul.f32 v30, v0;
	v27 =	vadd.s32 v59, v48;
	v12 =	vadd.f32 v7, v12;
	v7 =	vld [tilespmem:s15+$0xFFFFFFE0]  }
0x2b5: {  	v9 =	vmul.f32 v9, v1;
	v37 =	vmul.f32 v37, v1;
	v41 =	vor.u32 v52, v46;
	v50 =	vld [tilespmem:s15+$0xFFFFFFF0]  }
0x2b6: {  	v10 =	vmul.f32 v10, v0;
	v44 =	vadd.s32 v56, v47;
	v11 =	vadd.f32 v8, v11;
	v8 =	vld [tilespmem:s15+$0x0]  }
0x2b7: {  	v18 =	vadd.f32 v9, v18;
	v9 =	vadd.f32 v37, v58;
	v58 =	vld [tilespmem:$0x1FE80];
	v51 =	vadd.s32 v54, v47  }
0x2b8: {  	v3 =	vmovc v61;
	v61 =	vadd.s32 v61, v48;
	v2 =	vld [tilespmem:$0x1FE90];
	v31 =	vadd.f32 v29, v45;
	v45 =	vadd.s32 v57, v47  }
0x2b9: {  	v24 =	vmul.f32 v24, v0;
	v52 =	vadd.s32 v56, v48;
	v27 =	vld.idx.msk [tilespmem:v27+s14+$0x0], $0xffff;
	[tilespmem:$0x1FE50] =	vst v56  }
0x2ba: {  	v38 =	vmul.f32 v38, v0;
	v25 =	vadd.f32 v30, v25;
	v30 =	vld.idx.msk [tilespmem:v41+s14+$0x0], $0xffff;
	v10 =	vadd.f32 v10, v16  }
0x2bb: {  	v34 =	vld.idx.msk [tilespmem:v44+s14+$0x0], $0xffff;
	v16 =	vadd.f32 v24, v40;
	v15 =	vmul.f32 v15, v50;
	v55 =	vadd.s32 v54, v48  }
0x2bc: {  	v39 =	vmul.f32 v39, v7;
	v18 =	vmul.f32 v18, v8;
	v40 =	vadd.s32 v58, v47;
	v24 =	vld.idx.msk [tilespmem:v51+s14+$0x0], $0xffff  }
0x2bd: {  	v15 =	vadd.f32 v15, v23;
	v37 =	vld.idx.msk [tilespmem:v45+s14+$0x0], $0xffff;
	v51 =	vor.u32 v59, v46;
	[tilespmem:$0x1FE00] =	vst v59  }
0x2be: {  	v23 =	vadd.f32 v39, v25;
	v45 =	vmov v59;
	v59 =	vor.u32 v54, v46;
	v25 =	vld.idx.msk [tilespmem:v52+s14+$0x0], $0xffff  }
0x2bf: {  	v44 =	vadd.s32 v57, v48;
	v18 =	vadd.f32 v18, v28;
	v28 =	vadd.f32 v38, v30;
	v30 =	vld.idx.msk [tilespmem:v61+s14+$0x0], $0xffff  }
0x2c0: {  	v32 =	vmul.f32 v32, v4;
	v19 =	vmul.f32 v19, v4;
	v61 =	vadd.s32 v2, v47;
	v41 =	vld.idx.msk [tilespmem:v55+s14+$0x0], $0xffff  }
0x2c1: {  	v38 =	vld.idx.msk [tilespmem:v40+s14+$0x0], $0xffff  }
0x2c2: {  	v13 =	vmul.f32 v13, v1;
	v19 =	vadd.f32 v19, v24;
	v24 =	vadd.f32 v32, v34;
	v32 =	vld.idx.msk [tilespmem:v51+s14+$0x0], $0xffff  }
0x2c3: {  	v20 =	vmul.f32 v20, v0;
	v40 =	vadd.s32 v58, v48;
	v59 =	vld.idx.msk [tilespmem:v59+s14+$0x0], $0xffff  }
0x2c4: {  	v34 =	vor.u32 v56, v46;
	v13 =	vadd.f32 v13, v25;
	v25 =	vld.idx.msk [tilespmem:v44+s14+$0x0], $0xffff  }
0x2c5: {  	v20 =	vadd.f32 v20, v36;
	v36 =	vld.idx.msk [tilespmem:v61+s14+$0x0], $0xffff  }
0x2c6: {  	v61 =	vld [tilespmem:$0x1FEA0]  }
0x2c7: {  	v21 =	vmul.f32 v21, v50;
	v44 =	vld [tilespmem:$0x1FEB0]  }
0x2c8: {  	v35 =	vmul.f32 v35, v4;
	v40 =	vld.idx.msk [tilespmem:v40+s14+$0x0], $0xffff  }
0x2c9: {  	v22 =	vmul.f32 v22, v0;
	v52 =	vor.u32 v58, v46;
	v21 =	vadd.f32 v21, v24;
	v24 =	vld.idx.msk [tilespmem:v34+s14+$0x0], $0xffff  }
0x2ca: {  	v53 =	vmov v3;
	v57 =	vor.u32 v57, v46;
	v34 =	vor.u32 v3, v46;
	[tilespmem:$0x1FE20] =	vst v3;
	v3 =	vld [tilespmem:$0x1FC30]  }
0x2cb: {  	v26 =	vmul.f32 v26, v0;
	v55 =	vmul.f32 v5, v4;
	v56 =	vadd.s32 v61, v47  }
0x2cc: {  	v6 =	vadd.f32 $1.000000000e+00, v6;
	v33 =	vmul.f32 v33, v4;
	v42 =	vmul.f32 v42, v8  }
0x2cd: {  	v35 =	vadd.f32 v35, v37;
	v29 =	vadd.f32 v55, v38;
	v55 =	vadd.s32 v60, v47  }
0x2ce: {  	v13 =	vadd.f32 v42, v13;
	v37 =	vadd.s32 v44, v47;
	v51 =	vmul.f32 v36, v4;
	v36 =	vld.idx.msk [tilespmem:v52+s14+$0x0], $0xffff  }
0x2cf: {  	v42 =	vadd.s32 v43, v48;
	v32 =	vmul.f32 v32, v0;
	v5 =	vadd.f32 v33, v3;
	v33 =	vld.idx.msk [tilespmem:v57+s14+$0x0], $0xffff  }
0x2d0: {  	v17 =	vmul.f32 v17, v1;
	v10 =	vmul.f32 v10, v7;
	v39 =	vld.idx.msk [tilespmem:v56+s14+$0x0], $0xffff;
	v56 =	vadd.s32 v2, v48  }
0x2d1: {  	v30 =	vmul.f32 v30, v1;
	v52 =	vadd.s32 v44, v48;
	v32 =	vadd.f32 v32, v59;
	v59 =	vld.idx.msk [tilespmem:v34+s14+$0x0], $0xffff  }
0x2d2: {  	v17 =	vadd.f32 v17, v25;
	v22 =	vadd.f32 v22, v24;
	v34 =	vld.idx.msk [tilespmem:v55+s14+$0x0], $0xffff;
	v55 =	vadd.s32 v61, v48  }
0x2d3: {  	v30 =	vadd.f32 v30, v40;
	v40 =	vadd.f32 v49, v49;
	v25 =	vld.idx.msk [tilespmem:v37+s14+$0x0], $0xffff  }
0x2d4: {  	v10 =	vadd.f32 v10, v22;
	v22 =	vadd.f32 v26, v33;
	v26 =	vld.idx.msk [tilespmem:v42+s14+$0x0], $0xffff;
	v33 =	vor.u32 v2, v46  }
0x2d5: {  	v12 =	vmul.f32 v12, v4;
	v11 =	vmul.f32 v11, v1;
	v38 =	vld.idx.msk [tilespmem:v56+s14+$0x0], $0xffff;
	v56 =	vadd.s32 v60, v48  }
0x2d6: {  	v57 =	vmov v2;
	v37 =	vld.idx.msk [tilespmem:v52+s14+$0x0], $0xffff;
	v42 =	vor.u32 v43, v46;
	v2 =	vmul.f32 v6, v40  }
0x2d7: {  	v24 =	vmul.f32 v59, v0;
	v59 =	vor.u32 v44, v46;
	v12 =	vadd.f32 v12, v34;
	v34 =	vld.idx.msk [tilespmem:v55+s14+$0x0], $0xffff  }
0x2d8: {  	v15 =	vmul.f32 v15, v50;
	v55 =	vld [tilespmem:$0x1FEF0];
	[tilespmem:$0x1FC50] =	vst v2  }
0x2d9: {  	v6 =	vadd.f32 v11, v26;
	v11 =	vld.idx.msk [tilespmem:v33+s14+$0x0], $0xffff  }
0x2da: {  	v5 =	vadd.f32 v15, v5;
	v15 =	vmul.f32 v18, v8;
	v26 =	vld.idx.msk [tilespmem:v56+s14+$0x0], $0xffff  }
0x2db: {  	v18 =	vmul.f32 v38, v1;
	v38 =	vld.idx.msk [tilespmem:v42+s14+$0x0], $0xffff;
	[tilespmem:$0x1FEC0] =	vst v60  }
0x2dc: {  	v6 =	vadd.f32 v15, v6;
	v15 =	vld.idx.msk [tilespmem:v59+s14+$0x0], $0xffff  }
0x2dd: {  	v59 =	vld [tilespmem:$0x1FF00]  }
0x2de: {  	v14 =	vmul.f32 v14, v4  }
0x2df: {  	v24 =	vadd.f32 v24, v36;
	v36 =	vor.u32 v61, v46;
	v2 =	vld [tilespmem:$0x1FF10]  }
0x2e0: {  	v52 =	vmov v61;
	v14 =	vadd.f32 v14, v39;
	v39 =	vor.u32 v60, v46;
	v61 =	vld [tilespmem:$0x1FF20]  }
0x2e1: {  	v33 =	vadd.s32 v55, v47  }
0x2e2: {  	v31 =	vmul.f32 v31, v1;
	v49 =	vadd.s32 v59, v47  }
0x2e3: {  	v9 =	vmul.f32 v9, v1  }
0x2e4: {  	v25 =	vadd.f32 v51, v25;
	v31 =	vadd.f32 v31, v34;
	v34 =	vld.idx.msk [tilespmem:v36+s14+$0x0], $0xffff;
	v51 =	vadd.s32 v2, v47  }
0x2e5: {  	v27 =	vmul.f32 v27, v1;
	v36 =	vadd.s32 v61, v47;
	v42 =	vld.idx.msk [tilespmem:v39+s14+$0x0], $0xffff;
	v11 =	vmul.f32 v11, v0  }
0x2e6: {  	v20 =	vmul.f32 v20, v0;
	v16 =	vmul.f32 v16, v0;
	v33 =	vld.idx.msk [tilespmem:v33+s14+$0x0], $0xffff;
	v56 =	vadd.s32 v59, v48  }
0x2e7: {  	v23 =	vmul.f32 v23, v7;
	v11 =	vadd.f32 v11, v15;
	v15 =	vld.idx.msk [tilespmem:v49+s14+$0x0], $0xffff;
	v49 =	vadd.s32 v55, v48  }
0x2e8: {  	v28 =	vmul.f32 v28, v0;
	v22 =	vmul.f32 v22, v7;
	v18 =	vadd.f32 v18, v37  }
0x2e9: {  	v37 =	vadd.s32 v61, v48;
	v20 =	vadd.f32 v20, v38;
	v16 =	vadd.f32 v16, v34;
	v34 =	vld.idx.msk [tilespmem:v51+s14+$0x0], $0xffff  }
0x2ea: {  	v27 =	vadd.f32 v27, v41;
	v19 =	vmul.f32 v19, v4;
	v9 =	vadd.f32 v9, v26;
	v36 =	vld.idx.msk [tilespmem:v36+s14+$0x0], $0xffff  }
0x2eb: {  	v51 =	vadd.s32 v2, v48;
	v20 =	vadd.f32 v23, v20;
	v16 =	vadd.f32 v22, v16;
	v23 =	vld.idx.msk [tilespmem:v56+s14+$0x0], $0xffff  }
0x2ec: {  	v22 =	vadd.f32 v28, v42;
	v56 =	vor.u32 v59, v46;
	v42 =	vld.idx.msk [tilespmem:v49+s14+$0x0], $0xffff;
	v49 =	vmul.f32 v33, v4  }
0x2ed: {  	v26 =	vor.u32 v55, v46;
	v15 =	vadd.f32 v19, v15;
	v19 =	vmul.f32 v29, v4  }
0x2ee: {  	v17 =	vmul.f32 v17, v8;
	v29 =	vadd.f32 v49, v34;
	v34 =	vld.idx.msk [tilespmem:v37+s14+$0x0], $0xffff  }
0x2ef: {  	v27 =	vmul.f32 v27, v1;
	v19 =	vadd.f32 v19, v36;
	v36 =	vld [tilespmem:$0x1FF30]  }
0x2f0: {  	v12 =	vmul.f32 v12, v50;
	v17 =	vadd.f32 v17, v31;
	v31 =	vld.idx.msk [tilespmem:v51+s14+$0x0], $0xffff;
	v51 =	vor.u32 v2, v46  }
0x2f1: {  	v41 =	vmul.f32 v30, v1;
	v25 =	vmul.f32 v25, v4;
	v39 =	vmov v55;
	v55 =	vld.idx.msk [tilespmem:v56+s14+$0x0], $0xffff  }
0x2f2: {  	v56 =	vor.u32 v61, v46;
	v29 =	vmul.f32 v29, v4;
	v4 =	vadd.f32 v12, v19;
	v12 =	vld.idx.msk [tilespmem:v26+s14+$0x0], $0xffff  }
0x2f3: {  	v13 =	vmul.f32 v13, v8;
	v28 =	vadd.f32 v41, v34;
	v41 =	vld [tilespmem:$0x1FF40]  }
0x2f4: {  	v40 =	vadd.f32 v27, v23;
	v37 =	vld [tilespmem:$0x1FF50];
	v19 =	vmul.f32 v42, v1;
	v38 =	vadd.s32 v36, v47  }
0x2f5: {  	v49 =	vld.idx.msk [tilespmem:v51+s14+$0x0], $0xffff;
	v51 =	vadd.s32 v36, v48  }
0x2f6: {  	v13 =	vadd.f32 v13, v40;
	v19 =	vadd.f32 v19, v31;
	v40 =	vor.u32 v36, v46  }
0x2f7: {  	v18 =	vmul.f32 v18, v1;
	v42 =	vmul.f32 v32, v0;
	v27 =	vld.idx.msk [tilespmem:v56+s14+$0x0], $0xffff  }
0x2f8: {  	v34 =	vld [tilespmem:$0x1FF60];
	v1 =	vmul.f32 v19, v1;
	v12 =	vmul.f32 v12, v0;
	v19 =	vadd.s32 v41, v47  }
0x2f9: {  	v21 =	vmul.f32 v21, v50;
	v23 =	vadd.f32 v42, v55;
	v42 =	vadd.s32 v37, v47;
	v26 =	vld.idx.msk [tilespmem:v38+s14+$0x0], $0xffff  }
0x2fa: {  	v35 =	vmul.f32 v35, v50;
	v12 =	vadd.f32 v12, v49;
	v49 =	vld.idx.msk [tilespmem:v51+s14+$0x0], $0xffff;
	v51 =	vadd.s32 v41, v48  }
0x2fb: {  	v24 =	vmul.f32 v24, v0;
	v15 =	vadd.f32 v21, v15;
	v56 =	vadd.s32 v37, v48;
	v21 =	vld.idx.msk [tilespmem:v40+s14+$0x0], $0xffff  }
0x2fc: {  	v14 =	vadd.f32 v35, v14;
	v11 =	vmul.f32 v11, v0;
	v38 =	vor.u32 v41, v46  }
0x2fd: {  	v24 =	vadd.f32 v24, v27;
	v0 =	vmul.f32 v12, v0;
	v12 =	vmul.f32 v22, v7;
	v19 =	vld.idx.msk [tilespmem:v19+s14+$0x0], $0xffff  }
0x2fe: {  	v14 =	vmul.f32 v14, v50;
	v40 =	vor.u32 v37, v46;
	v25 =	vadd.f32 v25, v26;
	v26 =	vld.idx.msk [tilespmem:v42+s14+$0x0], $0xffff  }
0x2ff: {  	v33 =	vmov v41;
	v41 =	vadd.s32 v34, v47;
	v12 =	vadd.f32 v12, v24;
	v24 =	vld.idx.msk [tilespmem:v51+s14+$0x0], $0xffff  }
0x300: {  	v11 =	vadd.f32 v11, v21;
	v21 =	vld.idx.msk [tilespmem:v56+s14+$0x0], $0xffff  }
0x301: {  	v14 =	vadd.f32 v14, v25;
	v25 =	vmul.f32 v4, v50;
	v4 =	vmul.f32 v5, v5;
	v5 =	vld.idx.msk [tilespmem:v38+s14+$0x0], $0xffff  }
0x302: {  	v9 =	vmul.f32 v9, v8;
	v42 =	vadd.s32 v34, v48;
	v56 =	vld [tilespmem:$0x1FF70]  }
0x303: {  	s2 =	simm.s32 $0x70;
	v10 =	vmul.f32 v10, v7;
	v18 =	vadd.f32 v18, v49;
	v49 =	vor.u32 v34, v46;
	v22 =	vld.idx.msk [tilespmem:v40+s14+$0x0], $0xffff  }
0x304: {  	v17 =	vmul.f32 v17, v8;
	v9 =	vadd.f32 v9, v28;
	v38 =	vmov s2;
	v28 =	vld.idx.msk [tilespmem:v41+s14+$0x0], $0xffff  }
0x305: {  	v6 =	vmul.f32 v6, v6;
	v35 =	vld [tilespmem:$0x1FC90];
	v19 =	vmul.f32 v4, v19;
	v4 =	vmul.u32 $0x30, v38  }
0x306: {  	v16 =	vmul.f32 v16, v7;
	v13 =	vmul.f32 v13, v13;
	v3 =	vld [tilespmem:$0x1FD90]  }
0x307: {  	v10 =	vadd.f32 v10, v23;
	v17 =	vadd.f32 v17, v18;
	v18 =	vld.idx.msk [tilespmem:v42+s14+$0x0], $0xffff;
	v4 =	vbroadcast v4, $0x0  }
0x308: {  	v8 =	vmul.f32 v9, v8;
	v7 =	vmul.f32 v12, v7;
	v9 =	vld.idx.msk [tilespmem:v49+s14+$0x0], $0xffff;
	v51 =	vadd.s32 v56, v47  }
0x309: {  	v55 =	vadd.s32 v56, v48;
	v0 =	vadd.f32 v0, v22;
	v32 =	vadd.s32 v58, v4;
	v58 =	vld [tilespmem:$0x1FCD0]  }
0x30a: {  	v11 =	vadd.f32 v16, v11;
	v40 =	vor.u32 v56, v46;
	v38 =	vadd.s32 v62, v4;
	v62 =	vld [tilespmem:$0x1FCF0]  }
0x30b: {  	v41 =	vadd.s32 v35, v47;
	v42 =	vadd.s32 v35, v48;
	v0 =	vadd.f32 v7, v0;
	v7 =	vld [tilespmem:$0x1FD20]  }
0x30c: {  	v13 =	vmul.f32 v13, v18;
	v18 =	vadd.f32 $0.0e+00, v19;
	v19 =	vadd.s32 v57, v4;
	v57 =	vld [tilespmem:$0x1FCE0]  }
0x30d: {  	v24 =	vmul.f32 v6, v24;
	v6 =	vmul.f32 v20, v20;
	v16 =	vor.u32 v35, v46;
	v27 =	vld.idx.msk [tilespmem:v51+s14+$0x0], $0xffff  }
0x30e: {  	v46 =	vld.idx.msk [tilespmem:v55+s14+$0x0], $0xffff  }
0x30f: {  	v10 =	vmul.f32 v10, v10;
	v5 =	vmul.f32 v6, v5;
	v20 =	vld.idx.msk [tilespmem:v40+s14+$0x0], $0xffff  }
0x310: {  	v47 =	vadd.s32 v2, v4;
	v49 =	vld.idx.msk [tilespmem:v41+s14+$0x0], $0xffff  }
0x311: {  	v48 =	vadd.s32 v43, v4;
	v5 =	vadd.f32 $0.0e+00, v5;
	v9 =	vmul.f32 v10, v9;
	v22 =	vld.idx.msk [tilespmem:v42+s14+$0x0], $0xffff  }
0x312: {  	s2 =	simm.s32 $0x5860;
	v50 =	vadd.s32 v44, v4;
	v16 =	vld.idx.msk [tilespmem:v16+s14+$0x0], $0xffff  }
0x313: {  	v12 =	vadd.f32 v29, v26;
	v6 =	vadd.s32 v52, v4;
	v5 =	vadd.f32 v9, v5;
	v9 =	vld [tilespmem:s2+$0x10]  }
0x314: {  	v41 =	vadd.s32 v45, v4;
	v45 =	vld [tilespmem:$0x1FD40]  }
0x315: {  	v1 =	vadd.f32 v1, v21;
	v12 =	vadd.f32 v25, v12;
	v25 =	vld.idx.msk [tilespmem:v47+s14+$0x0], $0xffff  }
0x316: {  	v2 =	vld.idx.msk [tilespmem:v48+s14+$0x0], $0xffff  }
0x317: {  	v1 =	vadd.f32 v8, v1;
	v8 =	vmul.f32 v14, v14;
	v14 =	vld.idx.msk [tilespmem:v50+s14+$0x0], $0xffff  }
0x318: {  	v51 =	vadd.s32 v39, v4;
	v39 =	vld.idx.msk [tilespmem:v6+s14+$0x0], $0xffff  }
0x319: {  	v55 =	vadd.s32 v54, v4;
	v6 =	vld [tilespmem:$0x1FDE0]  }
0x31a: {  	v42 =	vadd.s32 v63, v4;
	v26 =	vld.idx.msk [tilespmem:v38+s14+$0x0], $0xffff  }
0x31b: {  	v47 =	vld [tilespmem:$0x1FCA0]  }
0x31c: {  	v15 =	vmul.f32 v15, v15;
	v38 =	vld [tilespmem:$0x1FD30]  }
0x31d: {  	v23 =	vld.idx.msk [tilespmem:v51+s14+$0x0], $0xffff  }
0x31e: {  	v15 =	vmul.f32 v15, v28;
	v40 =	vmul.f32 v12, v12;
	v12 =	vld.idx.msk [tilespmem:v55+s14+$0x0], $0xffff  }
0x31f: {  	v11 =	vmul.f32 v11, v11;
	v48 =	vadd.s32 v53, v4;
	v21 =	vld.idx.msk [tilespmem:v42+s14+$0x0], $0xffff  }
0x320: {  	v15 =	vadd.f32 v15, v18;
	v8 =	vmul.f32 v8, v27;
	v42 =	vld [tilespmem:$0x1FD00]  }
0x321: {  	v10 =	vmul.f32 v40, v49;
	v11 =	vmul.f32 v11, v20;
	v20 =	vadd.s32 v45, v4;
	v40 =	vld [tilespmem:$0x1FD10]  }
0x322: {  	v51 =	vmul.f32 v1, v1;
	v8 =	vadd.f32 v8, v15;
	v15 =	vmul.f32 v17, v17;
	v17 =	vld.idx.msk [tilespmem:v19+s14+$0x0], $0xffff  }
0x323: {  	v24 =	vadd.f32 $0.0e+00, v24;
	v19 =	vld.idx.msk [tilespmem:v32+s14+$0x0], $0xffff  }
0x324: {  	v18 =	vadd.s32 v6, v4;
	v54 =	vmul.f32 v51, v22;
	v22 =	vld.idx.msk [tilespmem:v48+s14+$0x0], $0xffff  }
0x325: {  	v13 =	vadd.f32 v13, v24;
	v49 =	vadd.s32 v47, v4;
	v6 =	vld [tilespmem:$0x1FE50];
	v15 =	vmul.f32 v15, v46  }
0x326: {  	v53 =	vadd.s32 v62, v4;
	v20 =	vld.idx.msk [tilespmem:v20+s14+$0x0], $0xffff  }
0x327: {  	v0 =	vmul.f32 v0, v0;
	v13 =	vadd.f32 v15, v13;
	v15 =	vld.idx.msk [tilespmem:v41+s14+$0x0], $0xffff  }
0x328: {  	v8 =	vadd.f32 v10, v8;
	v41 =	vld [tilespmem:$0x1FD70]  }
0x329: {  	v50 =	vadd.s32 v58, v4;
	v0 =	vmul.f32 v0, v16;
	v5 =	vadd.f32 v11, v5;
	v18 =	vld.idx.msk [tilespmem:v18+s14+$0x0], $0xffff  }
0x32a: {  	v24 =	vadd.s32 v38, v4;
	v1 =	vmax.f32 v8, $9.999999350e-39;
	v16 =	vld.idx.msk [tilespmem:v49+s14+$0x0], $0xffff  }
0x32b: {  	v8 =	vadd.s32 v57, v4;
	v46 =	vmul.f32 $1.677721600e+07, v1;
	v49 =	vadd.f32 v0, v5;
	v5 =	vld.idx.msk [tilespmem:v53+s14+$0x0], $0xffff  }
0x32c: {  	v1 =	vld [tilespmem:$0x1FD80]  }
0x32d: {  	v27 =	vadd.s32 v7, v4;
	v11 =	vadd.f32 v54, v13;
	v54 =	vld [tilespmem:$0x1FD60];
	v55 =	vand.u32 $0x7FFFFF, v46  }
0x32e: {  	v30 =	vadd.s32 v42, v4;
	v13 =	vld.idx.msk [tilespmem:v50+s14+$0x0], $0xffff;
	v10 =	vor.u32 $0x3F800000, v55  }
0x32f: {  	v23 =	vmul.f32 v23, v9;
	v50 =	vld.idx.msk [tilespmem:v24+s14+$0x0], $0xffff;
	v63 =	vmul.f32 $5.000000000e-01, v10  }
0x330: {  	v51 =	vadd.s32 v40, v4;
	v17 =	vmul.f32 v17, v9;
	v8 =	vld.idx.msk [tilespmem:v8+s14+$0x0], $0xffff;
	vm6 =	vgt.f32 v10, $1.500000000e+00  }
0x331: {  	v22 =	vmul.f32 v22, v9;
	v15 =	vmul.f32 v15, v9;
	v53 =	vsel vm6, v63, v10;
	v63 =	vld [tilespmem:$0x1FD50]  }
0x332: {  	v16 =	vmul.f32 v16, v9;
	v0 =	vadd.s32 v54, v4;
	v10 =	vadd.f32 v23, v25;
	v25 =	vld.idx.msk [tilespmem:v27+s14+$0x0], $0xffff  }
0x333: {  	v12 =	vadd.f32 v15, v12;
	v15 =	vadd.f32 v17, v14;
	v14 =	vld.idx.msk [tilespmem:v30+s14+$0x0], $0xffff;
	v17 =	vadd.s32 v1, v4  }
0x334: {  	v28 =	vadd.s32 v41, v4;
	v23 =	vmul.f32 v50, v9;
	v50 =	vld [tilespmem:$0x1FDA0]  }
0x335: {  	v16 =	vadd.f32 v16, v18;
	v18 =	vadd.f32 v22, v19;
	v22 =	vld.idx.msk [tilespmem:v51+s14+$0x0], $0xffff  }
0x336: {  	v51 =	vld [tilespmem:$0x1FE30];
	v8 =	vmul.f32 v8, v9;
	v55 =	vadd.s32 v63, v4  }
0x337: {  	v11 =	vmax.f32 v11, $9.999999350e-39;
	v19 =	vadd.s32 v3, v4;
	v0 =	vld.idx.msk [tilespmem:v0+s14+$0x0], $0xffff  }
0x338: {  	v48 =	vmul.f32 $1.677721600e+07, v11;
	v21 =	vadd.f32 v8, v21;
	v8 =	vld.idx.msk [tilespmem:v17+s14+$0x0], $0xffff  }
0x339: {  	v30 =	vadd.s32 v59, v4;
	v20 =	vadd.f32 v23, v20;
	v23 =	vld.idx.msk [tilespmem:v28+s14+$0x0], $0xffff;
	v28 =	vadd.s32 v6, v4  }
0x33a: {  	v59 =	vadd.s32 v36, v4;
	v6 =	vld [tilespmem:$0x1FE60];
	v25 =	vmul.f32 v25, v9;
	v17 =	vand.u32 $0x7FFFFF, v48  }
0x33b: {  	v14 =	vmul.f32 v14, v9;
	v22 =	vmul.f32 v22, v9;
	v11 =	vld.idx.msk [tilespmem:v55+s14+$0x0], $0xffff;
	v55 =	vadd.s32 v50, v4  }
0x33c: {  	s5 =	simm.s32 $0x50;
	v25 =	vadd.f32 v25, v0;
	v0 =	vor.u32 $0x3F800000, v17;
	v17 =	vld.idx.msk [tilespmem:v19+s14+$0x0], $0xffff;
	v19 =	vadd.s32 v60, v4  }
0x33d: {  	v22 =	vadd.f32 v22, v8;
	v8 =	vmov s5;
	v60 =	vadd.s32 v37, v4  }
0x33e: {  	v32 =	vadd.s32 v51, v4;
	v13 =	vadd.f32 v14, v13;
	v14 =	vld.idx.msk [tilespmem:v28+s14+$0x0], $0xffff;
	v8 =	vmul.u32 $0x30, v8  }
0x33f: {  	v29 =	vadd.s32 v6, v4;
	v28 =	vld.idx.msk [tilespmem:v59+s14+$0x0], $0xffff  }
0x340: {  	s15 =	simm.s32 $0x5060;
	v37 =	vadd.s32 v34, v4;
	v6 =	vbroadcast v8, $0x0;
	v27 =	vld.idx.msk [tilespmem:v55+s14+$0x0], $0xffff;
	v55 =	vmul.f32 $5.000000000e-01, v0  }
0x341: {  	v34 =	vadd.s32 v35, v4;
	v35 =	vld [tilespmem:s15+$0x10];
	vm7 =	vgt.f32 v0, $1.500000000e+00  }
0x342: {  	v55 =	vsel vm7, v55, v0;
	v0 =	vmul.f32 v20, v9;
	v20 =	vld.idx.msk [tilespmem:v60+s14+$0x0], $0xffff;
	v60 =	vadd.s32 v43, v6  }
0x343: {  	v24 =	vld.idx.msk [tilespmem:v32+s14+$0x0], $0xffff  }
0x344: {  	v32 =	vadd.s32 v61, v4;
	v11 =	vmul.f32 v11, v9;
	v19 =	vld.idx.msk [tilespmem:v19+s14+$0x0], $0xffff  }
0x345: {  	v36 =	vadd.s32 v33, v4;
	v16 =	vmul.f32 v16, v9;
	v8 =	vadd.s32 v56, v4;
	v33 =	vld.idx.msk [tilespmem:v37+s14+$0x0], $0xffff  }
0x346: {  	s9 =	simm.s32 $0x40;
	v11 =	vadd.f32 v11, v23;
	v23 =	vld.idx.msk [tilespmem:v29+s14+$0x0], $0xffff  }
0x347: {  	s13 =	simm.s32 $0x60;
	v5 =	vmul.f32 v5, v9;
	v16 =	vadd.f32 v16, v2;
	v61 =	vmov s9;
	v2 =	vld.idx.msk [tilespmem:v60+s14+$0x0], $0xffff  }
0x348: {  	v59 =	vmov s13;
	v29 =	vld.idx.msk [tilespmem:v30+s14+$0x0], $0xffff;
	v30 =	vmul.u32 $0x30, v61;
	v61 =	vadd.s32 v44, v6  }
0x349: {  	v4 =	vmul.f32 v25, v9;
	v32 =	vld.idx.msk [tilespmem:v32+s14+$0x0], $0xffff;
	v24 =	vadd.f32 v5, v24;
	v5 =	vmul.u32 $0x30, v59  }
0x34a: {  	v37 =	vld.idx.msk [tilespmem:v8+s14+$0x0], $0xffff;
	v11 =	vmul.f32 v11, v9  }
0x34b: {  	v26 =	vadd.f32 v4, v26;
	v5 =	vbroadcast v5, $0x0;
	v4 =	vbroadcast v30, $0x0;
	v30 =	vld.idx.msk [tilespmem:v36+s14+$0x0], $0xffff  }
0x34c: {  	v17 =	vadd.f32 v0, v17;
	v0 =	vmov v38;
	v11 =	vadd.f32 v11, v27;
	v27 =	vld.idx.msk [tilespmem:v34+s14+$0x0], $0xffff;
	[tilespmem:$0x1FC60] =	vst v2  }
0x34d: {  	v59 =	vadd.s32 v0, v5;
	v60 =	vor.u32 v0, v4;
	v0 =	vld.idx.msk [tilespmem:v61+s14+$0x0], $0xffff  }
0x34e: {  	v56 =	vadd.s32 v52, v6;
	_ =	sdelay $0x3  }
0x34f: {  	v44 =	vadd.s32 v38, v6;
	[tilespmem:$0x1FC80] =	vst v0  }
0x350: {  	v21 =	vmul.f32 v21, v9;
	v0 =	vld.idx.msk [tilespmem:v56+s14+$0x0], $0xffff  }
0x351: {  	v15 =	vmul.f32 v15, v9;
	v13 =	vmul.f32 v13, v9  }
0x352: {  	v18 =	vmul.f32 v18, v9;
	v21 =	vadd.f32 v21, v39;
	v22 =	vmul.f32 v22, v9  }
0x353: {  	v13 =	vadd.f32 v13, v14;
	v24 =	vmul.f32 v24, v9;
	v61 =	vadd.s32 v7, v6  }
0x354: {  	v15 =	vadd.f32 v15, v28;
	v17 =	vmul.f32 v17, v35;
	v14 =	vld.idx.msk [tilespmem:v44+s14+$0x0], $0xffff;
	v44 =	vadd.s32 v45, v6  }
0x355: {  	v52 =	vadd.s32 v63, v6;
	v24 =	vadd.f32 v24, v19;
	v11 =	vmul.f32 v11, v35;
	[tilespmem:$0x1FC70] =	vst v0;
	v0 =	vld [tilespmem:$0x1FC40]  }
0x356: {  	v39 =	vadd.s32 v54, v5;
	v18 =	vadd.f32 v18, v32;
	v17 =	vadd.f32 v17, v26;
	v8 =	vld.idx.msk [tilespmem:v59+s14+$0x0], $0xffff  }
0x357: {  	v24 =	vmul.f32 v24, v35;
	v56 =	vadd.s32 v7, v5;
	v59 =	vadd.f32 v11, v13;
	v11 =	vld.idx.msk [tilespmem:v60+s14+$0x0], $0xffff  }
0x358: {  	v22 =	vadd.f32 v22, v23;
	v17 =	vmul.f32 v17, v35;
	v13 =	vmul.f32 v12, v9;
	v12 =	vld.idx.msk [tilespmem:v61+s14+$0x0], $0xffff  }
0x359: {  	v24 =	vadd.f32 v24, v18;
	v60 =	vadd.s32 v45, v5;
	v61 =	vadd.s32 v63, v5;
	v19 =	vld.idx.msk [tilespmem:v44+s14+$0x0], $0xffff  }
0x35a: {  	v44 =	vadd.f32 v17, v16;
	v16 =	vld.idx.msk [tilespmem:v52+s14+$0x0], $0xffff;
	v29 =	vadd.f32 v13, v29;
	v13 =	vmul.f32 v22, v35  }
0x35b: {  	v38 =	vadd.s32 v40, v6;
	v24 =	vmul.f32 v24, v35;
	v45 =	vor.u32 v45, v4;
	v28 =	vld.idx.msk [tilespmem:v39+s14+$0x0], $0xffff  }
0x35c: {  	v52 =	vor.u32 v63, v4;
	v9 =	vmul.f32 v10, v9;
	v21 =	vadd.f32 v13, v21;
	v13 =	vld.idx.msk [tilespmem:v56+s14+$0x0], $0xffff  }
0x35d: {  	v63 =	vadd.s32 v41, v6;
	v22 =	vor.u32 v7, v4;
	v2 =	vcvt.s32.f32 v0;
	v0 =	vld [tilespmem:$0x1FC50]  }
0x35e: {  	v39 =	vmax.f32 v49, $9.999999350e-39;
	v49 =	vadd.s32 v3, v6;
	v56 =	vmul.f32 v59, v35;
	v25 =	vld.idx.msk [tilespmem:v60+s14+$0x0], $0xffff  }
0x35f: {  	v20 =	vadd.f32 v9, v20;
	v34 =	vmul.f32 v44, v44;
	v17 =	vld.idx.msk [tilespmem:v61+s14+$0x0], $0xffff;
	v60 =	vadd.s32 v42, v6  }
0x360: {  	v44 =	vadd.s32 v42, v5;
	v23 =	vld.idx.msk [tilespmem:v45+s14+$0x0], $0xffff;
	v61 =	vadd.f32 v56, v29;
	v21 =	vmul.f32 v21, v35  }
0x361: {  	v59 =	vadd.s32 v54, v6;
	v9 =	vmul.f32 v34, v30;
	v24 =	vadd.f32 v24, v20;
	v29 =	vld.idx.msk [tilespmem:v52+s14+$0x0], $0xffff  }
0x362: {  	v45 =	vadd.f32 $1.000000000e+00, v53;
	v18 =	vld.idx.msk [tilespmem:v22+s14+$0x0], $0xffff;
	v26 =	vmul.f32 v61, v61;
	v21 =	vadd.f32 v21, v15  }
0x363: {  	v52 =	vadd.s32 v41, v5;
	v56 =	vadd.f32 $0.0e+00, v9;
	v24 =	vmul.f32 v24, v24;
	v22 =	vld.idx.msk [tilespmem:v63+s14+$0x0], $0xffff  }
0x364: {  	v63 =	vor.u32 v42, v4;
	v15 =	vld.idx.msk [tilespmem:v60+s14+$0x0], $0xffff;
	v26 =	vmul.f32 v26, v33;
	v60 =	vmul.f32 v21, v21  }
0x365: {  	v9 =	vld.idx.msk [tilespmem:v38+s14+$0x0], $0xffff;
	v35 =	vadd.s32 v47, v6;
	v2 =	vmul.f32 $6.931471820e-01, v2;
	v42 =	vor.u32 v41, v4  }
0x366: {  	v30 =	vld.idx.msk [tilespmem:v59+s14+$0x0], $0xffff;
	v59 =	vadd.s32 v40, v5;
	v26 =	vadd.f32 v26, v56;
	v10 =	vmul.f32 v60, v37  }
0x367: {  	(erf) = vrcp.f32 v45;
	v20 =	vld.idx.msk [tilespmem:v44+s14+$0x0], $0xffff;
	v61 =	vor.u32 v54, v4;
	v33 =	vmul.f32 $1.677721600e+07, v39  }
0x368: {  	v44 =	vor.u32 v40, v4;
	v24 =	vmul.f32 v24, v27;
	v34 =	vld.idx.msk [tilespmem:v52+s14+$0x0], $0xffff;
	v10 =	vadd.f32 v10, v26  }
0x369: {  	v0 =	vadd.f32 v0, v2;
	v52 =	vadd.s32 v58, v6;
	v45 =	vand.u32 $0x7FFFFF, v33;
	v31 =	vld.idx.msk [tilespmem:v63+s14+$0x0], $0xffff  }
0x36a: {  	v32 =	vld.idx.msk [tilespmem:v42+s14+$0x0], $0xffff;
	v60 =	vadd.f32 $1.000000000e+00, v55;
	v27 =	vor.u32 $0x3F800000, v45;
	v24 =	vadd.f32 v24, v10  }
0x36b: {  	v63 =	vadd.s32 v1, v6;
	v33 =	vshra.s32 v33, $0x17;
	v26 =	vld.idx.msk [tilespmem:v59+s14+$0x0], $0xffff;
	v59 =	vmul.f32 $5.000000000e-01, v27  }
0x36c: {  	v21 =	vld.idx.msk [tilespmem:v61+s14+$0x0], $0xffff;
	v61 =	vadd.s32 v57, v6;
	vm2 =	vgt.f32 v27, $1.500000000e+00;
	v2 =	vmax.f32 v24, $9.999999350e-39  }
0x36d: {  	v36 =	vld.idx.msk [tilespmem:v44+s14+$0x0], $0xffff;
	[tilespmem:$0x1FFC0] =	vst v0;
	v56 =	vsel vm2, v59, v27;
	v45 =	vmul.f32 $1.677721600e+07, v2;
	v2 =	vimm.s32 $0xFFFFFF69  }
0x36e: {  	(erf) = vrcp.f32 v60;
	v10 =	vld.idx.msk [tilespmem:v35+s14+$0x0], $0xffff;
	v27 =	vadd.f32 $1.000000000e+00, v56;
	v2 =	vsel vm2, $0xFFFFFF6A, v2  }
0x36f: {  	v24 =	vld.idx.msk [tilespmem:v49+s14+$0x0], $0xffff;
	v49 =	vadd.s32 v62, v6;
	v0 =	vadd.s32 v33, v2;
	v2 =	vimm.s32 $0xFFFFFF69  }
0x370: {  	v44 =	vmov v1;
	v1 =	vshra.s32 v46, $0x17;
	v37 =	vld.idx.msk [tilespmem:v52+s14+$0x0], $0xffff;
	[tilespmem:$0x1FF90] =	vst v0;
	v2 =	vsel vm6, $0xFFFFFF6A, v2  }
0x371: {  	(erf) = vrcp.f32 v27;
	v27 =	vld.idx.msk [tilespmem:v61+s14+$0x0], $0xffff;
	v0 =	vadd.s32 v1, v2  }
0x372: {  	v38 =	vadd.s32 v3, v5;
	v33 =	vld.idx.msk [tilespmem:v63+s14+$0x0], $0xffff;
	[tilespmem:$0x1FDC0] =	vst v0  }
0x373: {  	v39 =	vadd.s32 v47, v5;
	v59 =	vand.u32 $0x7FFFFF, v45;
	v1 =	vimm.s32 $0xFFFFFF69;
	v52 =	vld [tilespmem:s2+$0xFFFFFFF0]  }
0x374: {  	v60 =	vshra.s32 v48, $0x17;
	v2 =	vor.u32 $0x3F800000, v59;
	v63 =	vsel vm7, $0xFFFFFF6A, v1;
	v35 =	vld.idx.msk [tilespmem:v49+s14+$0x0], $0xffff  }
0x375: {  	v53 =	vadd.f32 $-1.000000000e+00, v53;
	v46 =	vmovc v57;
	v61 =	vmul.f32 $5.000000000e-01, v2;
	v1 =	vld [tilespmem:s2+$0xFFFFFFE0];
	v0 =	vmovc v3;
	v3 =	vadd.s32 v60, v63  }
0x376: {  	vm8 =	vgt.f32 v2, $1.500000000e+00;
	v49 =	vadd.s32 v57, v5;
	v57 =	vadd.f32 $-1.000000000e+00, v55;
	v55 =	vpop (erf);
	v63 =	vld [tilespmem:$0x1FDE0];
	[tilespmem:$0x1FF80] =	vst v3  }
0x377: {  	v42 =	vadd.s32 v58, v5;
	v40 =	vsel vm8, v61, v2;
	v7 =	vmul.f32 v55, v53;
	v2 =	vld [tilespmem:s2+$0x0]  }
0x378: {  	v41 =	vadd.s32 v44, v5;
	v59 =	vpop (erf);
	v39 =	vld.idx.msk [tilespmem:v39+s14+$0x0], $0xffff  }
0x379: {  	v48 =	vadd.s32 v62, v5;
	v38 =	vld.idx.msk [tilespmem:v38+s14+$0x0], $0xffff;
	[tilespmem:$0x1FCB0] =	vst v7;
	v7 =	vmul.f32 v59, v57  }
0x37a: {  	v55 =	vor.u32 v46, v4;
	v46 =	vor.u32 v44, v4;
	v44 =	vld [tilespmem:$0x1FE20]  }
0x37b: {  	v3 =	vld [tilespmem:$0x1FDF0];
	[tilespmem:$0x1FCC0] =	vst v7  }
0x37c: {  	v54 =	vadd.f32 $1.000000000e+00, v40;
	v42 =	vld.idx.msk [tilespmem:v42+s14+$0x0], $0xffff  }
0x37d: {  	v47 =	vor.u32 v47, v4;
	v41 =	vld.idx.msk [tilespmem:v41+s14+$0x0], $0xffff  }
0x37e: {  	v53 =	vor.u32 v0, v4;
	(erf) = vrcp.f32 v54;
	v54 =	vor.u32 v58, v4;
	v58 =	vld.idx.msk [tilespmem:v48+s14+$0x0], $0xffff  }
0x37f: {  	v14 =	vmul.f32 v14, v52;
	v61 =	vld.idx.msk [tilespmem:v55+s14+$0x0], $0xffff  }
0x380: {  	v11 =	vmul.f32 v11, v1;
	v59 =	vld [tilespmem:s15+$0xFFFFFFF0]  }
0x381: {  	v16 =	vmul.f32 v16, v52;
	v14 =	vadd.f32 v14, v19;
	v19 =	vld.idx.msk [tilespmem:v49+s14+$0x0], $0xffff  }
0x382: {  	v11 =	vadd.f32 v11, v23;
	v23 =	vld.idx.msk [tilespmem:v47+s14+$0x0], $0xffff;
	v47 =	vor.u32 v62, v4  }
0x383: {  	v12 =	vmul.f32 v12, v52;
	v16 =	vadd.f32 v16, v22;
	v22 =	vld.idx.msk [tilespmem:v53+s14+$0x0], $0xffff;
	v48 =	vadd.s32 v3, v6  }
0x384: {  	v0 =	vmul.f32 v8, v2;
	v13 =	vmul.f32 v13, v2;
	v8 =	vld [tilespmem:$0x1FE00]  }
0x385: {  	v12 =	vadd.f32 v12, v30;
	v30 =	vadd.s32 v63, v6;
	v49 =	vld.idx.msk [tilespmem:v54+s14+$0x0], $0xffff  }
0x386: {  	v54 =	vadd.s32 v50, v6;
	v13 =	vadd.f32 v13, v28;
	v28 =	vld.idx.msk [tilespmem:v46+s14+$0x0], $0xffff  }
0x387: {  	v0 =	vadd.f32 v0, v25;
	v46 =	vadd.s32 v44, v6;
	v25 =	vld.idx.msk [tilespmem:v47+s14+$0x0], $0xffff  }
0x388: {  	v18 =	vmul.f32 v18, v1;
	v14 =	vmul.f32 v14, v52;
	v57 =	vld.idx.msk [tilespmem:v48+s14+$0x0], $0xffff;
	v48 =	vadd.s32 v51, v6  }
0x389: {  	v11 =	vmul.f32 v11, v1;
	v47 =	vld [tilespmem:$0x1FE10];
	v7 =	vmul.f32 v0, v2;
	v53 =	vadd.s32 v8, v6  }
0x38a: {  	v29 =	vmul.f32 v29, v1;
	v9 =	vmul.f32 v9, v52;
	v14 =	vadd.f32 v14, v24;
	v30 =	vld.idx.msk [tilespmem:v30+s14+$0x0], $0xffff  }
0x38b: {  	v11 =	vadd.f32 v11, v22;
	v24 =	vadd.f32 v7, v38;
	v7 =	vadd.s32 v3, v5;
	v22 =	vld.idx.msk [tilespmem:v54+s14+$0x0], $0xffff  }
0x38c: {  	v18 =	vadd.f32 v18, v21;
	v21 =	vadd.f32 v29, v32;
	v54 =	vadd.s32 v50, v5;
	v32 =	vld.idx.msk [tilespmem:v46+s14+$0x0], $0xffff  }
0x38d: {  	v60 =	vadd.s32 v51, v5;
	v40 =	vadd.f32 $-1.000000000e+00, v40;
	v33 =	vadd.f32 v9, v33;
	v9 =	vld.idx.msk [tilespmem:v48+s14+$0x0], $0xffff  }
0x38e: {  	v15 =	vmul.f32 v15, v52;
	v62 =	vor.u32 v63, v4;
	v26 =	vmul.f32 v26, v2;
	v38 =	vld.idx.msk [tilespmem:v53+s14+$0x0], $0xffff  }
0x38f: {  	v20 =	vmul.f32 v20, v2;
	v53 =	vadd.s32 v63, v5;
	v63 =	vor.u32 v3, v4;
	v3 =	vld [tilespmem:$0x1FE50]  }
0x390: {  	v31 =	vmul.f32 v31, v1;
	v26 =	vadd.f32 v26, v41;
	v0 =	vpop (erf);
	v55 =	vadd.s32 v47, v6;
	v41 =	vld.idx.msk [tilespmem:v7+s14+$0x0], $0xffff  }
0x391: {  	v15 =	vadd.f32 v15, v37;
	v20 =	vadd.f32 v20, v42;
	v46 =	vpop (erf);
	v42 =	vadd.s32 v47, v5;
	v37 =	vld.idx.msk [tilespmem:v54+s14+$0x0], $0xffff  }
0x392: {  	v54 =	vmul.f32 v46, v40;
	v40 =	vld.idx.msk [tilespmem:v60+s14+$0x0], $0xffff  }
0x393: {  	v17 =	vmul.f32 v17, v2;
	v16 =	vmul.f32 v16, v52;
	v31 =	vadd.f32 v31, v49;
	v60 =	vld [tilespmem:s15+$0x0]  }
0x394: {  	v49 =	vmovc v44;
	v46 =	vor.u32 v47, v4;
	v47 =	vmul.f32 v39, v2;
	v39 =	vadd.s32 v44, v5;
	v44 =	vld [tilespmem:$0x1FE60]  }
0x395: {  	v29 =	vld.idx.msk [tilespmem:v55+s14+$0x0], $0xffff  }
0x396: {  	v17 =	vadd.f32 v17, v34;
	v16 =	vadd.f32 v16, v22;
	v22 =	vld.idx.msk [tilespmem:v42+s14+$0x0], $0xffff  }
0x397: {  	v13 =	vmul.f32 v13, v2;
	v55 =	vadd.s32 v8, v5;
	v34 =	vld.idx.msk [tilespmem:v53+s14+$0x0], $0xffff  }
0x398: {  	v17 =	vmul.f32 v17, v2;
	v50 =	vor.u32 v50, v4;
	v53 =	vld [tilespmem:$0x1FE40]  }
0x399: {  	v13 =	vadd.f32 v13, v41;
	v41 =	vld.idx.msk [tilespmem:v62+s14+$0x0], $0xffff  }
0x39a: {  	v36 =	vmul.f32 v36, v1;
	v27 =	vmul.f32 v27, v52;
	v17 =	vadd.f32 v17, v37;
	v37 =	vld.idx.msk [tilespmem:v63+s14+$0x0], $0xffff  }
0x39b: {  	v35 =	vmul.f32 v35, v52;
	v48 =	vmul.f32 v19, v2;
	v19 =	vor.u32 v51, v4;
	v63 =	vld [tilespmem:$0x1FE80]  }
0x39c: {  	v28 =	vadd.f32 v36, v28;
	v36 =	vld.idx.msk [tilespmem:v55+s14+$0x0], $0xffff  }
0x39d: {  	v27 =	vadd.f32 v27, v29;
	v29 =	vadd.f32 v35, v9;
	v35 =	vld.idx.msk [tilespmem:v50+s14+$0x0], $0xffff  }
0x39e: {  	v23 =	vmul.f32 v23, v1;
	v50 =	vmul.f32 v58, v2;
	v58 =	vld [tilespmem:s15+$0xFFFFFFE0];
	v55 =	vadd.s32 v3, v6  }
0x39f: {  	v10 =	vmul.f32 v10, v52;
	v12 =	vmul.f32 v12, v52;
	v7 =	vld [tilespmem:$0x1FC60];
	v51 =	vadd.s32 v53, v6  }
0x3a0: {  	v18 =	vmul.f32 v18, v1;
	v19 =	vld.idx.msk [tilespmem:v19+s14+$0x0], $0xffff;
	v9 =	vadd.f32 v23, v41;
	v23 =	vadd.s32 v44, v6  }
0x3a1: {  	v14 =	vmul.f32 v14, v59;
	v12 =	vadd.f32 v12, v57;
	v42 =	vld.idx.msk [tilespmem:v46+s14+$0x0], $0xffff;
	v46 =	vadd.s32 v63, v6  }
0x3a2: {  	v22 =	vadd.f32 v48, v22;
	v48 =	vadd.s32 v53, v5;
	v18 =	vadd.f32 v18, v37;
	v37 =	vld.idx.msk [tilespmem:v39+s14+$0x0], $0xffff  }
0x3a3: {  	v10 =	vadd.f32 v10, v30;
	v12 =	vadd.f32 v14, v12;
	v11 =	vmul.f32 v11, v58;
	v14 =	vld.idx.msk [tilespmem:v55+s14+$0x0], $0xffff  }
0x3a4: {  	v30 =	vadd.f32 v47, v34;
	v34 =	vadd.f32 v50, v40;
	v50 =	vld.idx.msk [tilespmem:v51+s14+$0x0], $0xffff;
	v51 =	vadd.s32 v3, v5  }
0x3a5: {  	v11 =	vadd.f32 v11, v18;
	v18 =	vmul.f32 v24, v60;
	v23 =	vld.idx.msk [tilespmem:v23+s14+$0x0], $0xffff  }
0x3a6: {  	v15 =	vmul.f32 v15, v52;
	v47 =	vmul.f32 v61, v1;
	v61 =	vadd.s32 v44, v5;
	v39 =	vld.idx.msk [tilespmem:v46+s14+$0x0], $0xffff  }
0x3a7: {  	v25 =	vmul.f32 v25, v1;
	v46 =	vadd.s32 v63, v5;
	v13 =	vadd.f32 v18, v13;
	v18 =	vld.idx.msk [tilespmem:v48+s14+$0x0], $0xffff  }
0x3a8: {  	v38 =	vmul.f32 v38, v52;
	v57 =	vor.u32 v3, v4;
	v55 =	vor.u32 v8, v4;
	v48 =	vld [tilespmem:$0x1FE90]  }
0x3a9: {  	v40 =	vadd.f32 v47, v42;
	v14 =	vadd.f32 v15, v14;
	v15 =	vmul.f32 v33, v52;
	v47 =	vld.idx.msk [tilespmem:v51+s14+$0x0], $0xffff  }
0x3aa: {  	v19 =	vadd.f32 v25, v19;
	v25 =	vadd.f32 v38, v50;
	v50 =	vld [tilespmem:$0x1FEC0]  }
0x3ab: {  	v16 =	vmul.f32 v16, v59;
	v15 =	vadd.f32 v15, v23;
	v23 =	vld.idx.msk [tilespmem:v61+s14+$0x0], $0xffff;
	v61 =	vor.u32 v44, v4  }
0x3ac: {  	v20 =	vmul.f32 v20, v2;
	v62 =	vld.idx.msk [tilespmem:v46+s14+$0x0], $0xffff;
	v46 =	vor.u32 v63, v4  }
0x3ad: {  	v26 =	vmul.f32 v26, v2;
	v17 =	vmul.f32 v17, v60;
	v33 =	vld.idx.msk [tilespmem:v55+s14+$0x0], $0xffff;
	v14 =	vadd.f32 v16, v14  }
0x3ae: {  	v16 =	vmul.f32 v37, v2;
	v37 =	vld.idx.msk [tilespmem:v57+s14+$0x0], $0xffff;
	v51 =	vadd.s32 v48, v6;
	v20 =	vadd.f32 v20, v47  }
0x3af: {  	v55 =	vor.u32 v53, v4;
	v44 =	vld [tilespmem:$0x1FEB0]  }
0x3b0: {  	v47 =	vadd.s32 v50, v6;
	v17 =	vadd.f32 v17, v20;
	v20 =	vadd.f32 v26, v23;
	v23 =	vld.idx.msk [tilespmem:v61+s14+$0x0], $0xffff  }
0x3b1: {  	v21 =	vmul.f32 v21, v1;
	v61 =	vld.idx.msk [tilespmem:v46+s14+$0x0], $0xffff  }
0x3b2: {  	v46 =	vld [tilespmem:$0x1FEA0]  }
0x3b3: {  	v10 =	vmul.f32 v10, v52;
	v21 =	vadd.f32 v21, v35;
	v35 =	vld.idx.msk [tilespmem:v51+s14+$0x0], $0xffff  }
0x3b4: {  	v31 =	vmul.f32 v31, v1;
	v51 =	vld.idx.msk [tilespmem:v55+s14+$0x0], $0xffff;
	v55 =	vadd.s32 v43, v5  }
0x3b5: {  	v8 =	vadd.f32 v10, v7;
	v24 =	vor.u32 v49, v4;
	v10 =	vadd.f32 v16, v62;
	v62 =	vld.idx.msk [tilespmem:v47+s14+$0x0], $0xffff  }
0x3b6: {  	v21 =	vmul.f32 v21, v58  }
0x3b7: {  	v16 =	vmul.f32 v33, v1;
	v31 =	vadd.f32 v31, v37;
	v26 =	vadd.s32 v48, v5  }
0x3b8: {  	v29 =	vmul.f32 v29, v52;
	v3 =	vmov v63;
	v63 =	vadd.s32 v44, v5  }
0x3b9: {  	v21 =	vadd.f32 v21, v31;
	v16 =	vadd.f32 v16, v51;
	v51 =	vld.idx.msk [tilespmem:v55+s14+$0x0], $0xffff;
	v55 =	vadd.s32 v46, v5  }
0x3ba: {  	v24 =	vld.idx.msk [tilespmem:v24+s14+$0x0], $0xffff;
	v31 =	vor.u32 v48, v4;
	v29 =	vadd.f32 v29, v62;
	v62 =	vadd.f32 $-1.000000000e+00, v56  }
0x3bb: {  	v28 =	vmul.f32 v28, v1  }
0x3bc: {  	v26 =	vld.idx.msk [tilespmem:v26+s14+$0x0], $0xffff;
	v56 =	vmul.f32 v0, v62  }
0x3bd: {  	v23 =	vadd.f32 v28, v23;
	v28 =	vld.idx.msk [tilespmem:v63+s14+$0x0], $0xffff  }
0x3be: {  	v33 =	vld.idx.msk [tilespmem:v55+s14+$0x0], $0xffff;
	[tilespmem:$0x1FDB0] =	vst v56  }
0x3bf: {  	v24 =	vmul.f32 v24, v1;
	v0 =	vld.idx.msk [tilespmem:v31+s14+$0x0], $0xffff  }
0x3c0: {  	v12 =	vmul.f32 v12, v59  }
0x3c1: {  	v37 =	vmul.f32 v54, v54;
	v24 =	vadd.f32 v24, v61;
	v61 =	vadd.s32 v50, v5  }
0x3c2: {  	v22 =	vmul.f32 v22, v2;
	v30 =	vmul.f32 v30, v2  }
0x3c3: {  	v57 =	vmovc v48;
	v48 =	vmul.f32 $1.428571490e-01, v37;
	v47 =	vor.u32 v44, v4;
	v62 =	vor.u32 v50, v4  }
0x3c4: {  	v30 =	vadd.f32 v30, v51;
	v51 =	vor.u32 v46, v4;
	v50 =	vmul.f32 v0, v1;
	v0 =	vld [tilespmem:$0x1FF20]  }
0x3c5: {  	v41 =	vld [tilespmem:$0x1FF10];
	v8 =	vadd.f32 v12, v8;
	v26 =	vmul.f32 v26, v2;
	v55 =	vadd.f32 $2.000000030e-01, v48  }
0x3c6: {  	v13 =	vmul.f32 v13, v60;
	v20 =	vmul.f32 v20, v60;
	v63 =	vor.u32 v43, v4;
	v61 =	vld.idx.msk [tilespmem:v61+s14+$0x0], $0xffff  }
0x3c7: {  	v12 =	vadd.f32 v26, v28;
	v26 =	vmul.f32 v55, v37;
	v55 =	vld [tilespmem:$0x1FF00];
	v22 =	vadd.f32 v22, v33  }
0x3c8: {  	v13 =	vadd.f32 v13, v30;
	v30 =	vld.idx.msk [tilespmem:v47+s14+$0x0], $0xffff  }
0x3c9: {  	v20 =	vadd.f32 v20, v22;
	v22 =	vld.idx.msk [tilespmem:v51+s14+$0x0], $0xffff;
	v51 =	vadd.s32 v0, v6  }
0x3ca: {  	v7 =	vld [tilespmem:$0x1FC70]  }
0x3cb: {  	v34 =	vmul.f32 v34, v2;
	v31 =	vld.idx.msk [tilespmem:v63+s14+$0x0], $0xffff;
	v26 =	vadd.f32 $3.333333430e-01, v26  }
0x3cc: {  	v32 =	vmul.f32 v32, v52;
	v33 =	vld.idx.msk [tilespmem:v62+s14+$0x0], $0xffff;
	v62 =	vadd.s32 v55, v5  }
0x3cd: {  	v42 =	vmul.f32 v26, v37;
	v28 =	vadd.f32 v34, v61;
	v61 =	vmul.f32 v40, v1;
	v40 =	vld [tilespmem:$0x1FF30]  }
0x3ce: {  	v63 =	vadd.s32 v55, v6;
	v26 =	vadd.f32 v50, v30;
	v50 =	vmul.f32 v25, v52;
	v25 =	vld.idx.msk [tilespmem:v51+s14+$0x0], $0xffff  }
0x3cf: {  	v32 =	vadd.f32 v32, v39  }
0x3d0: {  	v27 =	vmul.f32 v27, v52;
	v47 =	vld [tilespmem:$0x1FEF0]  }
0x3d1: {  	v48 =	vadd.s32 v41, v6;
	v51 =	vld.idx.msk [tilespmem:v62+s14+$0x0], $0xffff;
	v62 =	vmul.f32 v32, v52  }
0x3d2: {  	v19 =	vmul.f32 v19, v1;
	v9 =	vmul.f32 v9, v1;
	v27 =	vadd.f32 v27, v7  }
0x3d3: {  	v15 =	vmul.f32 v15, v59;
	v63 =	vld.idx.msk [tilespmem:v63+s14+$0x0], $0xffff;
	v25 =	vadd.f32 v62, v25;
	v62 =	vadd.s32 v40, v6  }
0x3d4: {  	v36 =	vmul.f32 v36, v2;
	v11 =	vmul.f32 v11, v58  }
0x3d5: {  	v8 =	vmul.f32 v8, v8;
	v7 =	vld [tilespmem:$0x1FC80];
	v15 =	vadd.f32 v15, v27;
	v27 =	vadd.s32 v47, v6  }
0x3d6: {  	v18 =	vadd.f32 v36, v18;
	v9 =	vadd.f32 v9, v31;
	v34 =	vld.idx.msk [tilespmem:v48+s14+$0x0], $0xffff;
	v48 =	vor.u32 v47, v4  }
0x3d7: {  	v39 =	vld [tilespmem:$0x1FF40];
	v14 =	vmul.f32 v14, v59;
	v22 =	vadd.f32 v61, v22;
	v61 =	vadd.s32 v0, v5  }
0x3d8: {  	v9 =	vadd.f32 v11, v9;
	v11 =	vadd.f32 v50, v63;
	v50 =	vor.u32 v41, v4;
	v30 =	vld.idx.msk [tilespmem:v62+s14+$0x0], $0xffff  }
0x3d9: {  	v18 =	vmul.f32 v18, v2;
	v35 =	vmul.f32 v35, v52;
	v31 =	vadd.s32 v47, v5;
	v62 =	vld [tilespmem:$0x1FF50]  }
0x3da: {  	v36 =	vadd.s32 v41, v5;
	v15 =	vmul.f32 v15, v59;
	v23 =	vmul.f32 v23, v58;
	v27 =	vld.idx.msk [tilespmem:v27+s14+$0x0], $0xffff  }
0x3db: {  	v7 =	vadd.f32 v35, v7;
	v35 =	vld.idx.msk [tilespmem:v48+s14+$0x0], $0xffff;
	v48 =	vimm.s32 $0xFFFFFF69;
	v32 =	vor.u32 v55, v4  }
0x3dc: {  	v22 =	vadd.f32 v23, v22;
	v23 =	vld.idx.msk [tilespmem:v61+s14+$0x0], $0xffff;
	v18 =	vadd.f32 v18, v51;
	v51 =	vor.u32 v0, v4  }
0x3dd: {  	v10 =	vmul.f32 v10, v2;
	v38 =	vsel vm8, $0xFFFFFF6A, v48;
	v48 =	vld.idx.msk [tilespmem:v50+s14+$0x0], $0xffff;
	v50 =	vor.u32 v40, v4  }
0x3de: {  	v17 =	vmul.f32 v17, v60;
	v31 =	vld.idx.msk [tilespmem:v31+s14+$0x0], $0xffff;
	v63 =	vshra.s32 v45, $0x17;
	v45 =	vmovc v41;
	v41 =	vadd.s32 v62, v6  }
0x3df: {  	v24 =	vmul.f32 v24, v1;
	v16 =	vmul.f32 v16, v1;
	v11 =	vadd.f32 v14, v11;
	v14 =	vld.idx.msk [tilespmem:v36+s14+$0x0], $0xffff  }
0x3e0: {  	v29 =	vmul.f32 v29, v59;
	v61 =	vmul.f32 v35, v1;
	v32 =	vld.idx.msk [tilespmem:v32+s14+$0x0], $0xffff  }
0x3e1: {  	v28 =	vmul.f32 v28, v60;
	v10 =	vadd.f32 v10, v23;
	v17 =	vadd.f32 v17, v18;
	v18 =	vld.idx.msk [tilespmem:v51+s14+$0x0], $0xffff  }
0x3e2: {  	v27 =	vmul.f32 v27, v52;
	v25 =	vadd.f32 v29, v25;
	v29 =	vadd.f32 v61, v48;
	v48 =	vld.idx.msk [tilespmem:v50+s14+$0x0], $0xffff  }
0x3e3: {  	v12 =	vmul.f32 v12, v2;
	v19 =	vadd.f32 v19, v33;
	v10 =	vadd.f32 v28, v10;
	v28 =	vld.idx.msk [tilespmem:v41+s14+$0x0], $0xffff  }
0x3e4: {  	v31 =	vmul.f32 v31, v2;
	v27 =	vadd.f32 v27, v34;
	v34 =	vadd.s32 v40, v5;
	v41 =	vld [tilespmem:$0x1FF60]  }
0x3e5: {  	v26 =	vmul.f32 v26, v1;
	v19 =	vmul.f32 v19, v58;
	v23 =	vadd.s32 v39, v6  }
0x3e6: {  	v14 =	vadd.f32 v31, v14;
	v18 =	vadd.f32 v24, v18;
	v61 =	vor.u32 v62, v4  }
0x3e7: {  	v37 =	vadd.s32 v63, v38;
	v16 =	vadd.f32 v16, v32;
	v51 =	vor.u32 v39, v4  }
0x3e8: {  	v2 =	vmul.f32 v14, v2;
	v14 =	vadd.f32 v19, v18;
	v19 =	vadd.f32 v26, v48;
	v48 =	vld [tilespmem:$0x1FF70]  }
0x3e9: {  	v32 =	vld.idx.msk [tilespmem:v34+s14+$0x0], $0xffff;
	v50 =	vadd.s32 v62, v5;
	v38 =	vmov v62;
	v62 =	vadd.s32 v41, v6  }
0x3ea: {  	v21 =	vmul.f32 v21, v58;
	v7 =	vmul.f32 v7, v52;
	v33 =	vadd.s32 v39, v5;
	v23 =	vld.idx.msk [tilespmem:v23+s14+$0x0], $0xffff  }
0x3eb: {  	v13 =	vmul.f32 v13, v13;
	v20 =	vmul.f32 v20, v60;
	v24 =	vld.idx.msk [tilespmem:v61+s14+$0x0], $0xffff  }
0x3ec: {  	v9 =	vmul.f32 v9, v9;
	v16 =	vadd.f32 v21, v16;
	v7 =	vadd.f32 v7, v30;
	v21 =	vld.idx.msk [tilespmem:v51+s14+$0x0], $0xffff  }
0x3ed: {  	v10 =	vmul.f32 v10, v60;
	v1 =	vmul.f32 v29, v1;
	v51 =	vld [tilespmem:$0x1FC90];
	v60 =	vadd.s32 v48, v6  }
0x3ee: {  	v7 =	vadd.f32 v15, v7;
	v15 =	vmul.f32 v25, v59;
	v59 =	vld.idx.msk [tilespmem:v62+s14+$0x0], $0xffff;
	v62 =	vadd.s32 v48, v5  }
0x3ef: {  	v22 =	vmul.f32 v22, v58;
	v27 =	vmul.f32 v27, v52;
	v18 =	vld.idx.msk [tilespmem:v33+s14+$0x0], $0xffff;
	v36 =	vadd.s32 v41, v5  }
0x3f0: {  	v14 =	vmul.f32 v14, v58;
	v35 =	vld.idx.msk [tilespmem:v50+s14+$0x0], $0xffff;
	v52 =	vor.u32 v41, v4;
	v1 =	vadd.f32 v1, v24  }
0x3f1: {  	v11 =	vmul.f32 v11, v11;
	v12 =	vadd.f32 v12, v32;
	v8 =	vmul.f32 v8, v23  }
0x3f2: {  	v17 =	vmul.f32 v17, v17;
	v1 =	vadd.f32 v14, v1;
	v14 =	vmul.f32 v16, v16;
	v16 =	vld.idx.msk [tilespmem:v60+s14+$0x0], $0xffff  }
0x3f3: {  	v63 =	vmovc v0;
	v12 =	vadd.f32 v20, v12;
	v8 =	vadd.f32 $0.0e+00, v8;
	v7 =	vmul.f32 v7, v7;
	v26 =	vld.idx.msk [tilespmem:v62+s14+$0x0], $0xffff  }
0x3f4: {  	v0 =	vadd.s32 v51, v6;
	v13 =	vmul.f32 v13, v18;
	v27 =	vadd.f32 v27, v28;
	v61 =	vld.idx.msk [tilespmem:v36+s14+$0x0], $0xffff  }
0x3f5: {  	v2 =	vadd.f32 v2, v35;
	v24 =	vor.u32 v48, v4;
	v4 =	vor.u32 v51, v4;
	v18 =	vld.idx.msk [tilespmem:v52+s14+$0x0], $0xffff  }
0x3f6: {  	v12 =	vmul.f32 v12, v12;
	v13 =	vadd.f32 $0.0e+00, v13;
	v15 =	vadd.f32 v15, v27  }
0x3f7: {  	s5 =	simm.s32 $0xB0;
	v2 =	vadd.f32 v10, v2;
	v27 =	vcvt.s32.f32 v37;
	v5 =	vadd.s32 v51, v5  }
0x3f8: {  	v7 =	vmul.f32 v7, v16;
	v10 =	vmul.f32 v12, v26;
	v12 =	vmov s5  }
0x3f9: {  	v0 =	vld.idx.msk [tilespmem:v0+s14+$0x0], $0xffff;
	v16 =	vmul.f32 v2, v2;
	v17 =	vmul.f32 v17, v61;
	v12 =	vmul.u32 $0x30, v12  }
0x3fa: {  	v6 =	vadd.f32 $1.000000000e+00, v42;
	v4 =	vld.idx.msk [tilespmem:v4+s14+$0x0], $0xffff;
	v11 =	vmul.f32 v11, v59;
	v14 =	vmul.f32 v14, v18  }
0x3fb: {  	v18 =	vld.idx.msk [tilespmem:v24+s14+$0x0], $0xffff;
	v13 =	vadd.f32 v17, v13;
	v17 =	vadd.f32 v54, v54;
	v2 =	vbroadcast v12, $0x0  }
0x3fc: {  	v9 =	vmul.f32 v9, v21;
	v15 =	vmul.f32 v15, v15;
	v5 =	vld.idx.msk [tilespmem:v5+s14+$0x0], $0xffff;
	v8 =	vadd.f32 v11, v8  }
0x3fd: {  	v11 =	vmul.f32 $6.931471820e-01, v27;
	v6 =	vmul.f32 v6, v17;
	v32 =	vadd.s32 v3, v2;
	v3 =	vld [tilespmem:$0x1FDE0]  }
0x3fe: {  	v19 =	vadd.f32 v22, v19;
	v22 =	vmul.f32 v56, v56;
	v9 =	vadd.f32 $0.0e+00, v9;
	v59 =	vld [tilespmem:$0x1FCC0]  }
0x3ff: {  	v56 =	vld [tilespmem:$0x1FCE0];
	v1 =	vmul.f32 v1, v1;
	v0 =	vmul.f32 v15, v0;
	v6 =	vadd.f32 v6, v11  }
0x400: {  	v58 =	vld [tilespmem:$0x1FCF0];
	v9 =	vadd.f32 v14, v9;
	v14 =	vmul.f32 v19, v19;
	v7 =	vadd.f32 v7, v8  }
0x401: {  	v60 =	vld [tilespmem:$0x1FD00];
	v1 =	vmul.f32 v1, v4;
	[tilespmem:$0x1FFD0] =	vst v6;
	v6 =	vadd.s32 v47, v2  }
0x402: {  	v14 =	vmul.f32 v14, v18;
	v0 =	vadd.f32 v0, v7;
	v17 =	vadd.s32 v3, v2;
	v3 =	vld [tilespmem:$0x1FDF0]  }
0x403: {  	v52 =	vld [tilespmem:$0x1FCA0];
	v5 =	vmul.f32 v16, v5;
	v24 =	vmul.f32 v59, v59;
	v8 =	vadd.f32 v10, v13  }
0x404: {  	v9 =	vadd.f32 v14, v9;
	v0 =	vmax.f32 v0, $9.999999350e-39;
	v29 =	vadd.s32 v46, v2;
	v46 =	vld [tilespmem:$0x1FCB0]  }
0x405: {  	v5 =	vadd.f32 v5, v8;
	v4 =	vadd.s32 v43, v2;
	v30 =	vadd.s32 v53, v2;
	v53 =	vld [tilespmem:$0x1FCD0]  }
0x406: {  	v1 =	vadd.f32 v1, v9;
	v0 =	vmul.f32 $1.677721600e+07, v0;
	v7 =	vadd.s32 v44, v2;
	v18 =	vld.idx.msk [tilespmem:v6+s14+$0x0], $0xffff  }
0x407: {  	v36 =	vadd.s32 v49, v2;
	v49 =	vmul.f32 $1.428571490e-01, v24;
	v6 =	vadd.s32 v3, v2;
	v3 =	vld [tilespmem:$0x1FE00]  }
0x408: {  	v28 =	vadd.s32 v45, v2;
	v44 =	vld [tilespmem:$0x1FD10];
	v1 =	vmax.f32 v1, $9.999999350e-39;
	v31 =	vand.u32 $0x7FFFFF, v0  }
0x409: {  	v14 =	vmul.f32 $1.677721600e+07, v1;
	v1 =	vor.u32 $0x3F800000, v31;
	v27 =	vadd.f32 $2.000000030e-01, v49;
	v49 =	vld [tilespmem:$0x1FD40]  }
0x40a: {  	v54 =	vmul.f32 $1.428571490e-01, v22;
	v5 =	vmax.f32 v5, $9.999999350e-39;
	v16 =	vmul.f32 $5.000000000e-01, v1;
	v8 =	vld.idx.msk [tilespmem:v4+s14+$0x0], $0xffff  }
0x40b: {  	v13 =	vadd.s32 v57, v2;
	v5 =	vmul.f32 $1.677721600e+07, v5;
	vm9 =	vgt.f32 v1, $1.500000000e+00;
	v15 =	vld.idx.msk [tilespmem:v7+s14+$0x0], $0xffff  }
0x40c: {  	v62 =	vsel vm9, v16, v1;
	v16 =	vadd.s32 v3, v2;
	v3 =	vld [tilespmem:$0x1FE10]  }
0x40d: {  	v7 =	vand.u32 $0x7FFFFF, v5;
	v4 =	vld.idx.msk [tilespmem:v29+s14+$0x0], $0xffff;
	v29 =	vadd.f32 $2.000000030e-01, v54  }
0x40e: {  	v19 =	vand.u32 $0x7FFFFF, v14;
	v45 =	vmul.f32 v27, v24;
	v12 =	vld.idx.msk [tilespmem:v28+s14+$0x0], $0xffff;
	v33 =	vor.u32 $0x3F800000, v7  }
0x40f: {  	v11 =	vld.idx.msk [tilespmem:v30+s14+$0x0], $0xffff;
	v35 =	vor.u32 $0x3F800000, v19;
	v1 =	vmul.f32 $5.000000000e-01, v33;
	v54 =	vmul.f32 v29, v22  }
0x410: {  	v13 =	vld.idx.msk [tilespmem:v13+s14+$0x0], $0xffff;
	vm11 =	vgt.f32 v35, $1.500000000e+00;
	v37 =	vmul.f32 $5.000000000e-01, v35;
	vm10 =	vgt.f32 v33, $1.500000000e+00  }
0x411: {  	v27 =	vadd.f32 $3.333333430e-01, v54;
	v54 =	vld [tilespmem:$0x1FD60];
	v34 =	vadd.s32 v3, v2;
	v3 =	vsel vm10, v1, v33  }
0x412: {  	v1 =	vsel vm11, v37, v35;
	[tilespmem:$0x1FE70] =	vst v3;
	v37 =	vadd.f32 $1.000000000e+00, v3;
	v3 =	vld [tilespmem:$0x1FD90]  }
0x413: {  	v19 =	vld.idx.msk [tilespmem:v32+s14+$0x0], $0xffff  }
0x414: {  	v42 =	vadd.s32 v52, v2;
	v57 =	vadd.f32 $1.000000000e+00, v62;
	v45 =	vadd.f32 $3.333333430e-01, v45;
	v17 =	vld.idx.msk [tilespmem:v17+s14+$0x0], $0xffff  }
0x415: {  	v10 =	vld.idx.msk [tilespmem:v6+s14+$0x0], $0xffff  }
0x416: {  	(erf) = vrcp.f32 v57;
	v57 =	vadd.f32 $1.000000000e+00, v1;
	[tilespmem:$0x1FED0] =	vst v1;
	v1 =	vmul.f32 v45, v24;
	v45 =	vld [tilespmem:$0x1FD70]  }
0x417: {  	v25 =	vadd.s32 v53, v2;
	v6 =	vmul.f32 v46, v46;
	v16 =	vld.idx.msk [tilespmem:v16+s14+$0x0], $0xffff  }
0x418: {  	v9 =	vadd.s32 v56, v2;
	v21 =	vld.idx.msk [tilespmem:v36+s14+$0x0], $0xffff  }
0x419: {  	v50 =	vadd.s32 v58, v2;
	v23 =	vld.idx.msk [tilespmem:v42+s14+$0x0], $0xffff;
	v47 =	vmul.f32 $1.428571490e-01, v6  }
0x41a: {  	v42 =	vld [tilespmem:$0x1FD30]  }
0x41b: {  	v26 =	vadd.f32 $2.000000030e-01, v47;
	v47 =	vld [tilespmem:$0x1FD20]  }
0x41c: {  	v25 =	vld.idx.msk [tilespmem:v25+s14+$0x0], $0xffff  }
0x41d: {  	v33 =	vadd.s32 v44, v2;
	v30 =	vld.idx.msk [tilespmem:v9+s14+$0x0], $0xffff  }
0x41e: {  	v36 =	vadd.s32 v60, v2;
	v28 =	vld.idx.msk [tilespmem:v50+s14+$0x0], $0xffff  }
0x41f: {  	s28 =	simm.s32 $0x58A0;
	v50 =	vld [tilespmem:$0x1FD50];
	v29 =	vadd.s32 v42, v2  }
0x420: {  	v9 =	vld [tilespmem:s28+$0x10];
	v32 =	vadd.s32 v47, v2  }
0x421: {  	v61 =	vadd.s32 v49, v2;
	v20 =	vld.idx.msk [tilespmem:v34+s14+$0x0], $0xffff  }
0x422: {  	(erf) = vrcp.f32 v37;
	v33 =	vld.idx.msk [tilespmem:v33+s14+$0x0], $0xffff  }
0x423: {  	v0 =	vshra.s32 v0, $0x17;
	(erf) = vrcp.f32 v57;
	v31 =	vld.idx.msk [tilespmem:v36+s14+$0x0], $0xffff;
	[tilespmem:$0x1FDD0] =	vst v1  }
0x424: {  	v57 =	vmul.f32 v27, v22;
	v26 =	vmul.f32 v26, v6;
	v1 =	vimm.s32 $0xFFFFFF69;
	v27 =	vld.idx.msk [tilespmem:v29+s14+$0x0], $0xffff  }
0x425: {  	v14 =	vshra.s32 v14, $0x17;
	v34 =	vsel vm9, $0xFFFFFF6A, v1;
	v1 =	vimm.s32 $0xFFFFFF69;
	v22 =	vld.idx.msk [tilespmem:v32+s14+$0x0], $0xffff  }
0x426: {  	v26 =	vadd.f32 $3.333333430e-01, v26;
	v0 =	vadd.s32 v0, v34;
	v32 =	vld.idx.msk [tilespmem:v61+s14+$0x0], $0xffff;
	v61 =	vsel vm11, $0xFFFFFF6A, v1  }
0x427: {  	v37 =	vadd.s32 v50, v2;
	[tilespmem:$0x1FFA0] =	vst v0;
	v0 =	vld [tilespmem:$0x1FE30];
	v1 =	vadd.s32 v14, v61  }
0x428: {  	v6 =	vmul.f32 v26, v6;
	v26 =	vadd.s32 v54, v2;
	[tilespmem:$0x1FFE0] =	vst v1;
	v1 =	vimm.s32 $0xFFFFFF69  }
0x429: {  	v24 =	vadd.s32 v45, v2;
	v35 =	vsel vm10, $0xFFFFFF6A, v1;
	v1 =	vld [tilespmem:$0x1FE50]  }
0x42a: {  	v61 =	vld [tilespmem:$0x1FDA0]  }
0x42b: {  	v63 =	vadd.s32 v63, v2;
	v7 =	vld [tilespmem:$0x1FD80];
	v36 =	vadd.s32 v3, v2;
	v23 =	vmul.f32 v23, v9  }
0x42c: {  	v5 =	vshra.s32 v5, $0x17;
	v18 =	vmul.f32 v18, v9;
	v14 =	vld.idx.msk [tilespmem:v37+s14+$0x0], $0xffff;
	v0 =	vadd.s32 v0, v2  }
0x42d: {  	v17 =	vadd.f32 v23, v17;
	v23 =	vadd.s32 v40, v2;
	v40 =	vadd.s32 v41, v2;
	v26 =	vld.idx.msk [tilespmem:v26+s14+$0x0], $0xffff  }
0x42e: {  	v16 =	vmul.f32 v16, v9;
	v24 =	vld.idx.msk [tilespmem:v24+s14+$0x0], $0xffff;
	v37 =	vadd.s32 v1, v2;
	v1 =	vadd.s32 v5, v35  }
0x42f: {  	v13 =	vmul.f32 v13, v9;
	v21 =	vmul.f32 v21, v9;
	v34 =	vadd.s32 v61, v2;
	[tilespmem:$0x1FFB0] =	vst v1;
	v1 =	vld [tilespmem:$0x1FE60]  }
0x430: {  	v12 =	vadd.f32 v18, v12;
	v11 =	vadd.f32 v16, v11;
	v22 =	vmul.f32 v22, v9;
	v16 =	vld.idx.msk [tilespmem:v36+s14+$0x0], $0xffff  }
0x431: {  	v30 =	vmul.f32 v30, v9;
	v13 =	vadd.f32 v13, v15;
	v19 =	vadd.f32 v21, v19;
	v35 =	vld.idx.msk [tilespmem:v0+s14+$0x0], $0xffff  }
0x432: {  	s29 =	simm.s32 $0x50A0;
	v17 =	vmul.f32 v17, v9;
	v22 =	vadd.f32 v22, v26;
	v0 =	vadd.s32 v55, v2;
	v26 =	vld.idx.msk [tilespmem:v40+s14+$0x0], $0xffff  }
0x433: {  	v20 =	vadd.f32 v30, v20;
	v31 =	vmul.f32 v31, v9;
	v14 =	vmul.f32 v14, v9;
	v40 =	vld [tilespmem:s29+$0x10]  }
0x434: {  	s13 =	simm.s32 $0xA0;
	v29 =	vadd.s32 v7, v2;
	v8 =	vadd.f32 v17, v8;
	v15 =	vmul.f32 v27, v9;
	v27 =	vld.idx.msk [tilespmem:v34+s14+$0x0], $0xffff  }
0x435: {  	v25 =	vadd.f32 v31, v25;
	v55 =	vmov s13;
	v14 =	vadd.f32 v14, v24;
	v21 =	vld.idx.msk [tilespmem:v37+s14+$0x0], $0xffff  }
0x436: {  	s15 =	simm.s32 $0x80;
	v36 =	vadd.s32 v38, v2;
	v37 =	vmul.u32 $0x30, v55;
	v5 =	vadd.s32 v1, v2;
	v1 =	vld [tilespmem:$0x1FEC0]  }
0x437: {  	v38 =	vadd.s32 v39, v2;
	v14 =	vmul.f32 v14, v9;
	v39 =	vld.idx.msk [tilespmem:v0+s14+$0x0], $0xffff;
	v0 =	vmov s15  }
0x438: {  	v25 =	vmul.f32 v25, v9;
	v30 =	vld.idx.msk [tilespmem:v63+s14+$0x0], $0xffff;
	v63 =	vmul.u32 $0x30, v0;
	v0 =	vbroadcast v37, $0x0  }
0x439: {  	v15 =	vadd.f32 v15, v32;
	v18 =	vld.idx.msk [tilespmem:v29+s14+$0x0], $0xffff;
	v34 =	vadd.s32 v48, v2;
	v14 =	vadd.f32 v14, v27  }
0x43a: {  	s9 =	simm.s32 $0x90;
	v23 =	vld.idx.msk [tilespmem:v23+s14+$0x0], $0xffff;
	v22 =	vmul.f32 v22, v9;
	v55 =	vadd.s32 v51, v2;
	v31 =	vadd.s32 v42, v0  }
0x43b: {  	v17 =	vadd.f32 v25, v21;
	v14 =	vmul.f32 v14, v40;
	v32 =	vld.idx.msk [tilespmem:v5+s14+$0x0], $0xffff;
	v5 =	vmov s9  }
0x43c: {  	v36 =	vld.idx.msk [tilespmem:v36+s14+$0x0], $0xffff;
	v29 =	vadd.s32 v1, v2;
	v2 =	vbroadcast v63, $0x0;
	v5 =	vmul.u32 $0x30, v5  }
0x43d: {  	v11 =	vmul.f32 v11, v9;
	v10 =	vadd.f32 v22, v10;
	v38 =	vld.idx.msk [tilespmem:v38+s14+$0x0], $0xffff;
	v14 =	vadd.f32 v14, v17  }
0x43e: {  	v63 =	vmul.f32 v33, v9;
	v33 =	vld.idx.msk [tilespmem:v34+s14+$0x0], $0xffff;
	v34 =	vor.u32 v42, v2;
	v5 =	vbroadcast v5, $0x0  }
0x43f: {  	v11 =	vadd.f32 v11, v39;
	v14 =	vmul.f32 v14, v40;
	v22 =	vld.idx.msk [tilespmem:v31+s14+$0x0], $0xffff;
	v31 =	vadd.s32 v47, v0  }
0x440: {  	v28 =	vmul.f32 v28, v9;
	v15 =	vmul.f32 v15, v9;
	v24 =	vld.idx.msk [tilespmem:v55+s14+$0x0], $0xffff;
	v41 =	vadd.s32 v42, v5  }
0x441: {  	v20 =	vmul.f32 v20, v9;
	v48 =	vmovc v51;
	v1 =	vld [tilespmem:$0x1FDB0];
	v51 =	vadd.s32 v47, v5;
	v11 =	vadd.f32 v14, v11  }
0x442: {  	v19 =	vmul.f32 v19, v9;
	v15 =	vadd.f32 v15, v16;
	v29 =	vld.idx.msk [tilespmem:v29+s14+$0x0], $0xffff;
	v55 =	vadd.s32 v49, v5  }
0x443: {  	v18 =	vadd.f32 v63, v18;
	v63 =	vadd.s32 v50, v5;
	v34 =	vld.idx.msk [tilespmem:v34+s14+$0x0], $0xffff;
	v11 =	vmul.f32 v11, v11  }
0x444: {  	v16 =	vadd.f32 v28, v35;
	v15 =	vmul.f32 v15, v40;
	v39 =	vadd.s32 v3, v5;
	v31 =	vld.idx.msk [tilespmem:v31+s14+$0x0], $0xffff  }
0x445: {  	v13 =	vmul.f32 v13, v9;
	v11 =	vmul.f32 v11, v26;
	v26 =	vadd.s32 v53, v5;
	v28 =	vld.idx.msk [tilespmem:v41+s14+$0x0], $0xffff  }
0x446: {  	v16 =	vmul.f32 v16, v9;
	v10 =	vadd.f32 v15, v10;
	v41 =	vadd.s32 v49, v0;
	v27 =	vld.idx.msk [tilespmem:v51+s14+$0x0], $0xffff  }
0x447: {  	v15 =	vmul.f32 v18, v9;
	v9 =	vmul.f32 v12, v9;
	v51 =	vadd.s32 v50, v0;
	v21 =	vld.idx.msk [tilespmem:v55+s14+$0x0], $0xffff  }
0x448: {  	v55 =	vor.u32 v47, v2;
	v18 =	vld.idx.msk [tilespmem:v63+s14+$0x0], $0xffff  }
0x449: {  	v9 =	vadd.f32 v9, v36;
	v63 =	vor.u32 v49, v2;
	v36 =	vld.idx.msk [tilespmem:v39+s14+$0x0], $0xffff  }
0x44a: {  	v47 =	vor.u32 v50, v2;
	v26 =	vld.idx.msk [tilespmem:v26+s14+$0x0], $0xffff  }
0x44b: {  	v15 =	vadd.f32 v15, v32;
	v49 =	vadd.s32 v54, v5;
	v32 =	vld.idx.msk [tilespmem:v41+s14+$0x0], $0xffff  }
0x44c: {  	v4 =	vadd.f32 v20, v4;
	v50 =	vadd.s32 v60, v5;
	v20 =	vld.idx.msk [tilespmem:v51+s14+$0x0], $0xffff  }
0x44d: {  	v17 =	vld.idx.msk [tilespmem:v55+s14+$0x0], $0xffff;
	v51 =	vadd.s32 v45, v5  }
0x44e: {  	v10 =	vmul.f32 v10, v40;
	v35 =	vld.idx.msk [tilespmem:v63+s14+$0x0], $0xffff;
	v55 =	vadd.s32 v44, v5  }
0x44f: {  	v15 =	vmul.f32 v15, v40;
	v37 =	vld.idx.msk [tilespmem:v47+s14+$0x0], $0xffff;
	v63 =	vadd.s32 v54, v0  }
0x450: {  	v8 =	vadd.f32 v10, v8;
	v10 =	vld.idx.msk [tilespmem:v49+s14+$0x0], $0xffff;
	v47 =	vadd.s32 v60, v0  }
0x451: {  	v4 =	vadd.f32 v15, v4;
	v15 =	vld.idx.msk [tilespmem:v50+s14+$0x0], $0xffff;
	v49 =	vadd.s32 v45, v0  }
0x452: {  	v50 =	vadd.s32 v44, v0;
	v25 =	vld.idx.msk [tilespmem:v51+s14+$0x0], $0xffff  }
0x453: {  	v60 =	vor.u32 v60, v2;
	v12 =	vld.idx.msk [tilespmem:v55+s14+$0x0], $0xffff  }
0x454: {  	v19 =	vadd.f32 v19, v30;
	v16 =	vadd.f32 v16, v29;
	v14 =	vld.idx.msk [tilespmem:v63+s14+$0x0], $0xffff  }
0x455: {  	v13 =	vadd.f32 v13, v23;
	v4 =	vmul.f32 v4, v40;
	v45 =	vor.u32 v45, v2;
	v30 =	vld.idx.msk [tilespmem:v47+s14+$0x0], $0xffff  }
0x456: {  	v8 =	vmul.f32 v8, v8;
	v16 =	vmul.f32 v16, v40;
	v51 =	vor.u32 v54, v2;
	v29 =	vld.idx.msk [tilespmem:v49+s14+$0x0], $0xffff  }
0x457: {  	v4 =	vadd.f32 v4, v13;
	v63 =	vadd.f32 v46, v46;
	v46 =	vor.u32 v44, v2;
	v13 =	vld.idx.msk [tilespmem:v50+s14+$0x0], $0xffff  }
0x458: {  	v16 =	vadd.f32 v16, v19;
	v47 =	vadd.s32 v52, v5;
	v23 =	vld.idx.msk [tilespmem:v60+s14+$0x0], $0xffff  }
0x459: {  	v8 =	vmul.f32 v8, v38;
	v54 =	vadd.f32 v1, v1;
	v1 =	vld [tilespmem:$0x1FDC0]  }
0x45a: {  	v4 =	vmul.f32 v4, v4;
	v16 =	vmul.f32 v16, v40;
	v38 =	vld.idx.msk [tilespmem:v45+s14+$0x0], $0xffff  }
0x45b: {  	v6 =	vadd.f32 $1.000000000e+00, v6;
	v8 =	vadd.f32 $0.0e+00, v8;
	v19 =	vld.idx.msk [tilespmem:v51+s14+$0x0], $0xffff  }
0x45c: {  	v9 =	vadd.f32 v16, v9;
	v51 =	vadd.f32 $1.000000000e+00, v57;
	v57 =	vmul.f32 v4, v33;
	v33 =	vld.idx.msk [tilespmem:v46+s14+$0x0], $0xffff  }
0x45d: {  	v6 =	vmul.f32 v6, v63;
	v63 =	vadd.f32 $-1.000000000e+00, v62;
	v62 =	vadd.s32 v52, v0;
	v16 =	vld.idx.msk [tilespmem:v47+s14+$0x0], $0xffff  }
0x45e: {  	v8 =	vadd.f32 v11, v8;
	v40 =	vadd.s32 v56, v5;
	v60 =	vcvt.s32.f32 v1;
	v1 =	vld [tilespmem:$0x1FDD0]  }
0x45f: {  	v42 =	vadd.s32 v7, v5;
	v9 =	vmul.f32 v9, v9;
	v47 =	vmov v7;
	v7 =	vld [tilespmem:s28+$0xFFFFFFE0]  }
0x460: {  	v11 =	vadd.f32 v57, v8;
	v57 =	vld [tilespmem:s28+$0xFFFFFFF0]  }
0x461: {  	v9 =	vmul.f32 v9, v24;
	v4 =	vmov v58;
	v8 =	vld [tilespmem:s28+$0x0];
	v46 =	vmul.f32 $6.931471820e-01, v60  }
0x462: {  	v58 =	vadd.s32 v58, v5;
	v51 =	vmul.f32 v51, v54;
	v54 =	vadd.s32 v56, v0;
	v24 =	vld.idx.msk [tilespmem:v62+s14+$0x0], $0xffff  }
0x463: {  	v62 =	vadd.s32 v47, v0;
	v60 =	vpop (erf);
	v50 =	vadd.f32 v6, v46;
	v6 =	vadd.f32 v9, v11;
	v11 =	vld.idx.msk [tilespmem:v40+s14+$0x0], $0xffff  }
0x464: {  	v45 =	vmovc v53;
	v55 =	vmul.f32 v60, v63;
	v63 =	vadd.s32 v3, v0;
	v60 =	vor.u32 v3, v2;
	v3 =	vld [tilespmem:$0x1FE00]  }
0x465: {  	v41 =	vadd.f32 v59, v59;
	v9 =	vadd.s32 v45, v0;
	v44 =	vadd.f32 $1.000000000e+00, v1;
	v1 =	vld [tilespmem:$0x1FE10]  }
0x466: {  	v46 =	vmul.f32 v28, v57;
	v28 =	vld.idx.msk [tilespmem:v42+s14+$0x0], $0xffff  }
0x467: {  	v17 =	vmul.f32 v17, v7;
	v53 =	vmul.f32 v44, v41;
	v41 =	vld.idx.msk [tilespmem:v58+s14+$0x0], $0xffff  }
0x468: {  	v40 =	vld.idx.msk [tilespmem:v54+s14+$0x0], $0xffff  }
0x469: {  	v17 =	vadd.f32 v17, v19;
	v19 =	vld.idx.msk [tilespmem:v62+s14+$0x0], $0xffff  }
0x46a: {  	v27 =	vmul.f32 v27, v57;
	v44 =	vor.u32 v52, v2;
	v54 =	vor.u32 v56, v2;
	v9 =	vld.idx.msk [tilespmem:v9+s14+$0x0], $0xffff  }
0x46b: {  	v56 =	vor.u32 v47, v2;
	v21 =	vadd.f32 v46, v21;
	v46 =	vor.u32 v45, v2;
	v45 =	vld [tilespmem:$0x1FDF0]  }
0x46c: {  	v10 =	vadd.f32 v27, v10;
	v27 =	vld.idx.msk [tilespmem:v63+s14+$0x0], $0xffff  }
0x46d: {  	v63 =	vadd.s32 v4, v0;
	v52 =	vld.idx.msk [tilespmem:v60+s14+$0x0], $0xffff  }
0x46e: {  	v22 =	vmul.f32 v22, v8;
	v20 =	vmul.f32 v20, v8;
	v60 =	vor.u32 v4, v2;
	v4 =	vld [tilespmem:$0x1FDE0]  }
0x46f: {  	v34 =	vmul.f32 v34, v7;
	v39 =	vld.idx.msk [tilespmem:v44+s14+$0x0], $0xffff  }
0x470: {  	v59 =	vmul.f32 v37, v7;
	v22 =	vadd.f32 v22, v32;
	v20 =	vadd.f32 v20, v29;
	v29 =	vld.idx.msk [tilespmem:v56+s14+$0x0], $0xffff  }
0x471: {  	v34 =	vadd.f32 v34, v35;
	v58 =	vadd.s32 v1, v5;
	v44 =	vld [tilespmem:$0x1FE30]  }
0x472: {  	v32 =	vadd.f32 v59, v38;
	v22 =	vmul.f32 v22, v8;
	v59 =	vadd.s32 v45, v0;
	v35 =	vld.idx.msk [tilespmem:v63+s14+$0x0], $0xffff  }
0x473: {  	v18 =	vmul.f32 v18, v57;
	v15 =	vmul.f32 v15, v57;
	v62 =	vadd.s32 v4, v5;
	v63 =	vld.idx.msk [tilespmem:v46+s14+$0x0], $0xffff  }
0x474: {  	v13 =	vmul.f32 v13, v8;
	v34 =	vmul.f32 v34, v7;
	v22 =	vadd.f32 v22, v27;
	v27 =	vld.idx.msk [tilespmem:v54+s14+$0x0], $0xffff  }
0x475: {  	v12 =	vmul.f32 v12, v57;
	v18 =	vadd.f32 v18, v25;
	v47 =	vadd.s32 v45, v5;
	v37 =	vld.idx.msk [tilespmem:v60+s14+$0x0], $0xffff  }
0x476: {  	v19 =	vadd.f32 v13, v19;
	v25 =	vadd.f32 v34, v52;
	v52 =	vadd.s32 v3, v5;
	v13 =	vld.idx.msk [tilespmem:v58+s14+$0x0], $0xffff  }
0x477: {  	v15 =	vadd.f32 v15, v26;
	v26 =	vadd.f32 v12, v28;
	v54 =	vadd.s32 v61, v5;
	v28 =	vld.idx.msk [tilespmem:v59+s14+$0x0], $0xffff  }
0x478: {  	v23 =	vmul.f32 v23, v7;
	v30 =	vmul.f32 v30, v8;
	v46 =	vadd.s32 v61, v0;
	v12 =	vld.idx.msk [tilespmem:v62+s14+$0x0], $0xffff  }
0x479: {  	v6 =	vmax.f32 v6, $9.999999350e-39;
	v31 =	vmul.f32 v31, v8;
	v62 =	vld [tilespmem:$0x1FE20]  }
0x47a: {  	v30 =	vadd.f32 v30, v9;
	v60 =	vadd.s32 v44, v5;
	v9 =	vadd.f32 v23, v63;
	v23 =	vld.idx.msk [tilespmem:v47+s14+$0x0], $0xffff  }
0x47b: {  	v14 =	vadd.f32 v31, v14;
	v21 =	vmul.f32 v21, v57;
	v31 =	vld.idx.msk [tilespmem:v52+s14+$0x0], $0xffff;
	v52 =	vadd.s32 v4, v0  }
0x47c: {  	v47 =	vmul.f32 $1.677721600e+07, v6;
	v6 =	vmul.f32 v33, v7;
	v33 =	vld.idx.msk [tilespmem:v54+s14+$0x0], $0xffff;
	v54 =	vmov v61  }
0x47d: {  	v16 =	vmul.f32 v16, v57;
	v34 =	vld.idx.msk [tilespmem:v46+s14+$0x0], $0xffff;
	v56 =	vor.u32 v54, v2  }
0x47e: {  	v10 =	vmul.f32 v10, v57;
	v21 =	vadd.f32 v21, v36;
	v54 =	vld [tilespmem:$0x1FE40];
	v36 =	vadd.s32 v62, v5  }
0x47f: {  	v11 =	vmul.f32 v11, v57;
	v46 =	vor.u32 v45, v2;
	v63 =	vand.u32 $0x7FFFFF, v47;
	v38 =	vld.idx.msk [tilespmem:v60+s14+$0x0], $0xffff  }
0x480: {  	v58 =	vadd.s32 v1, v0;
	v23 =	vadd.f32 v10, v23;
	v10 =	vor.u32 $0x3F800000, v63;
	v52 =	vld.idx.msk [tilespmem:v52+s14+$0x0], $0xffff  }
0x481: {  	v45 =	vmovc v3;
	v63 =	vadd.f32 v16, v12;
	v12 =	vmul.f32 v20, v8;
	v20 =	vadd.s32 v3, v0;
	v3 =	vld [tilespmem:$0x1FE50]  }
0x482: {  	v59 =	vor.u32 v4, v2;
	v4 =	vadd.f32 v11, v13;
	v13 =	vld.idx.msk [tilespmem:v56+s14+$0x0], $0xffff  }
0x483: {  	v6 =	vadd.f32 v6, v29;
	v60 =	vmul.f32 $5.000000000e-01, v10;
	v29 =	vld.idx.msk [tilespmem:v36+s14+$0x0], $0xffff;
	v36 =	vadd.s32 v44, v0  }
0x484: {  	vm12 =	vgt.f32 v10, $1.500000000e+00;
	v34 =	vadd.f32 v12, v34;
	v12 =	vld.idx.msk [tilespmem:v46+s14+$0x0], $0xffff  }
0x485: {  	v60 =	vsel vm12, v60, v10;
	v10 =	vld.idx.msk [tilespmem:v58+s14+$0x0], $0xffff;
	v58 =	vmul.f32 v41, v57  }
0x486: {  	v14 =	vmul.f32 v14, v8;
	v41 =	vor.u32 v1, v2;
	v1 =	vld [tilespmem:$0x1FE60]  }
0x487: {  	v17 =	vmul.f32 v17, v7;
	v38 =	vadd.f32 v58, v38;
	v58 =	vld [tilespmem:s29+$0xFFFFFFE0]  }
0x488: {  	v28 =	vadd.f32 v14, v28;
	v14 =	vld.idx.msk [tilespmem:v36+s14+$0x0], $0xffff  }
0x489: {  	v61 =	vmul.f32 v40, v8;
	v17 =	vadd.f32 v17, v12;
	v12 =	vld [tilespmem:$0x1FE70]  }
0x48a: {  	v46 =	vmul.f32 v35, v8;
	v35 =	vor.u32 v44, v2;
	v16 =	vadd.f32 $1.000000000e+00, v60;
	v36 =	vld.idx.msk [tilespmem:v59+s14+$0x0], $0xffff  }
0x48b: {  	v24 =	vmul.f32 v24, v8;
	v18 =	vmul.f32 v18, v57;
	v40 =	vadd.s32 v54, v5;
	v59 =	vld [tilespmem:s29+$0xFFFFFFF0]  }
0x48c: {  	v32 =	vmul.f32 v32, v7;
	(erf) = vrcp.f32 v16;
	v16 =	vadd.f32 v61, v10;
	v61 =	vld [tilespmem:s29+$0x0]  }
0x48d: {  	v39 =	vmul.f32 v39, v7;
	v42 =	vadd.s32 v54, v0;
	v11 =	vadd.f32 v46, v14;
	v46 =	vld [tilespmem:$0x1FE80]  }
0x48e: {  	v18 =	vadd.f32 v18, v33;
	v24 =	vadd.f32 v24, v52;
	v33 =	vadd.s32 v3, v5;
	v14 =	vld.idx.msk [tilespmem:v41+s14+$0x0], $0xffff  }
0x48f: {  	v32 =	vadd.f32 v32, v13;
	v35 =	vld.idx.msk [tilespmem:v35+s14+$0x0], $0xffff;
	v52 =	vadd.s32 v1, v5;
	v13 =	vmul.f32 v25, v58  }
0x490: {  	v25 =	vld.idx.msk [tilespmem:v40+s14+$0x0], $0xffff;
	v40 =	vadd.s32 v3, v0;
	v12 =	vadd.f32 $-1.000000000e+00, v12;
	v21 =	vmul.f32 v21, v59  }
0x491: {  	v27 =	vmul.f32 v27, v7;
	v31 =	vmul.f32 v31, v57;
	v44 =	vpop (erf);
	v10 =	vadd.f32 v39, v36;
	v39 =	vld.idx.msk [tilespmem:v20+s14+$0x0], $0xffff  }
0x492: {  	v20 =	vmul.f32 v44, v12;
	v41 =	vld.idx.msk [tilespmem:v42+s14+$0x0], $0xffff;
	v21 =	vadd.f32 v21, v23;
	v56 =	vadd.s32 v46, v5  }
0x493: {  	v23 =	vld.idx.msk [tilespmem:v33+s14+$0x0], $0xffff;
	v12 =	vadd.f32 v27, v14;
	v14 =	vadd.f32 v13, v17;
	v13 =	vmul.f32 v22, v61  }
0x494: {  	v17 =	vld.idx.msk [tilespmem:v52+s14+$0x0], $0xffff;
	v22 =	vadd.s32 v43, v5  }
0x495: {  	v27 =	vor.u32 v45, v2;
	v28 =	vadd.f32 v13, v28;
	v13 =	vadd.f32 v31, v25;
	v25 =	vld.idx.msk [tilespmem:v40+s14+$0x0], $0xffff  }
0x496: {  	v31 =	vadd.f32 $-1.000000000e+00, v60;
	v40 =	vor.u32 v54, v2;
	v60 =	vor.u32 v3, v2;
	v3 =	vld [tilespmem:$0x1FE90]  }
0x497: {  	v26 =	vmul.f32 v26, v57;
	v52 =	vmul.f32 v37, v7;
	v54 =	vld [tilespmem:$0x1FEA0]  }
0x498: {  	v30 =	vmul.f32 v30, v8;
	v44 =	vmov v62;
	v33 =	vld.idx.msk [tilespmem:v56+s14+$0x0], $0xffff;
	v56 =	vadd.s32 v62, v0  }
0x499: {  	v42 =	vadd.s32 v1, v0;
	v62 =	vmul.f32 v15, v57;
	v15 =	vadd.f32 v52, v35;
	v22 =	vld.idx.msk [tilespmem:v22+s14+$0x0], $0xffff  }
0x49a: {  	v52 =	vadd.s32 v46, v0;
	v26 =	vadd.f32 v26, v17;
	v17 =	vadd.f32 v30, v25;
	v25 =	vld.idx.msk [tilespmem:v27+s14+$0x0], $0xffff  }
0x49b: {  	v40 =	vld.idx.msk [tilespmem:v40+s14+$0x0], $0xffff  }
0x49c: {  	v29 =	vmul.f32 v29, v57;
	v23 =	vadd.f32 v62, v23;
	v62 =	vld [tilespmem:$0x1FEB0]  }
0x49d: {  	v45 =	vmov v46;
	v27 =	vadd.s32 v3, v5;
	v30 =	vmul.f32 v34, v61;
	v36 =	vld.idx.msk [tilespmem:v56+s14+$0x0], $0xffff  }
0x49e: {  	v46 =	vmul.f32 v63, v57;
	v35 =	vadd.s32 v54, v5;
	v29 =	vadd.f32 v29, v33;
	v33 =	vld.idx.msk [tilespmem:v42+s14+$0x0], $0xffff  }
0x49f: {  	v17 =	vadd.f32 v30, v17;
	v30 =	vadd.s32 v3, v0;
	v34 =	vld.idx.msk [tilespmem:v52+s14+$0x0], $0xffff  }
0x4a0: {  	v22 =	vadd.f32 v46, v22;
	v46 =	vor.u32 v45, v2;
	v45 =	vld [tilespmem:$0x1FEC0]  }
0x4a1: {  	v19 =	vmul.f32 v19, v8;
	v52 =	vld.idx.msk [tilespmem:v60+s14+$0x0], $0xffff  }
0x4a2: {  	v37 =	vpop (erf);
	v42 =	vadd.s32 v62, v5;
	v27 =	vld.idx.msk [tilespmem:v27+s14+$0x0], $0xffff  }
0x4a3: {  	v56 =	vpop (erf);
	v35 =	vld.idx.msk [tilespmem:v35+s14+$0x0], $0xffff;
	v19 =	vadd.f32 v19, v33;
	v33 =	vor.u32 v1, v2  }
0x4a4: {  	v39 =	vmul.f32 v39, v8;
	v31 =	vmul.f32 v56, v31;
	v56 =	vor.u32 v44, v2;
	v30 =	vld.idx.msk [tilespmem:v30+s14+$0x0], $0xffff  }
0x4a5: {  	v36 =	vmul.f32 v36, v8;
	v60 =	vadd.s32 v45, v5;
	v1 =	vld [tilespmem:$0x1FED0]  }
0x4a6: {  	v39 =	vadd.f32 v39, v41;
	v41 =	vmul.f32 v31, v31;
	v46 =	vld.idx.msk [tilespmem:v46+s14+$0x0], $0xffff  }
0x4a7: {  	v18 =	vmul.f32 v18, v59;
	v34 =	vadd.f32 v36, v34;
	v36 =	vld.idx.msk [tilespmem:v42+s14+$0x0], $0xffff;
	v42 =	vadd.s32 v43, v0  }
0x4a8: {  	v9 =	vmul.f32 v9, v7;
	v63 =	vadd.s32 v62, v0;
	v44 =	vmul.f32 $1.428571490e-01, v41;
	v33 =	vld.idx.msk [tilespmem:v33+s14+$0x0], $0xffff  }
0x4a9: {  	v18 =	vadd.f32 v18, v23;
	v25 =	vmul.f32 v25, v7;
	v23 =	vld.idx.msk [tilespmem:v56+s14+$0x0], $0xffff;
	v56 =	vadd.s32 v54, v0  }
0x4aa: {  	v6 =	vmul.f32 v6, v7;
	v9 =	vadd.f32 v9, v52;
	v52 =	vadd.f32 $2.000000030e-01, v44;
	v60 =	vld.idx.msk [tilespmem:v60+s14+$0x0], $0xffff  }
0x4ab: {  	v25 =	vadd.f32 v25, v40;
	v40 =	vadd.f32 $-1.000000000e+00, v1;
	v1 =	vmul.f32 v4, v57;
	v4 =	vld [tilespmem:$0x1FEF0]  }
0x4ac: {  	v44 =	vmul.f32 v52, v41;
	v52 =	vld.idx.msk [tilespmem:v42+s14+$0x0], $0xffff  }
0x4ad: {  	v33 =	vadd.f32 v6, v33;
	v6 =	vmul.f32 v24, v8;
	v24 =	vld.idx.msk [tilespmem:v63+s14+$0x0], $0xffff;
	[tilespmem:$0x1FEE0] =	vst v43  }
0x4ae: {  	v27 =	vmul.f32 v27, v57;
	v1 =	vadd.f32 v1, v35;
	v35 =	vadd.f32 $3.333333430e-01, v44;
	v44 =	vld.idx.msk [tilespmem:v56+s14+$0x0], $0xffff  }
0x4af: {  	v38 =	vmul.f32 v38, v57;
	v32 =	vmul.f32 v32, v58  }
0x4b0: {  	v16 =	vmul.f32 v16, v8;
	v27 =	vadd.f32 v27, v36;
	v36 =	vor.u32 v3, v2  }
0x4b1: {  	v11 =	vmul.f32 v11, v8;
	v10 =	vmul.f32 v10, v7;
	v42 =	vor.u32 v43, v2;
	v3 =	vld [tilespmem:$0x1FF00]  }
0x4b2: {  	v63 =	vmul.f32 v35, v41;
	v35 =	vadd.f32 v38, v60;
	v60 =	vor.u32 v45, v2  }
0x4b3: {  	v28 =	vmul.f32 v28, v61;
	v56 =	vadd.s32 v4, v5;
	v16 =	vadd.f32 v16, v44;
	v44 =	vld [tilespmem:$0x1FF20]  }
0x4b4: {  	v54 =	vor.u32 v54, v2;
	v19 =	vmul.f32 v19, v61;
	v43 =	vld [tilespmem:$0x1FF10];
	v6 =	vadd.f32 v6, v52  }
0x4b5: {  	v30 =	vmul.f32 v30, v8;
	v37 =	vmul.f32 v37, v40;
	v40 =	vadd.s32 v45, v0;
	v36 =	vld.idx.msk [tilespmem:v36+s14+$0x0], $0xffff  }
0x4b6: {  	v52 =	vor.u32 v62, v2;
	v62 =	vadd.s32 v3, v5;
	v28 =	vadd.f32 v28, v6;
	v6 =	vld.idx.msk [tilespmem:v42+s14+$0x0], $0xffff  }
0x4b7: {  	v26 =	vmul.f32 v26, v59;
	v24 =	vadd.f32 v30, v24;
	v30 =	vld.idx.msk [tilespmem:v60+s14+$0x0], $0xffff;
	v60 =	vadd.s32 v3, v0  }
0x4b8: {  	v23 =	vmul.f32 v23, v7;
	v16 =	vadd.f32 v19, v16;
	v19 =	vld.idx.msk [tilespmem:v56+s14+$0x0], $0xffff;
	v56 =	vadd.s32 v44, v5  }
0x4b9: {  	v21 =	vmul.f32 v21, v59;
	v1 =	vadd.f32 v26, v1;
	v26 =	vld.idx.msk [tilespmem:v54+s14+$0x0], $0xffff;
	v54 =	vadd.s32 v4, v0  }
0x4ba: {  	v12 =	vmul.f32 v12, v7;
	v14 =	vmul.f32 v14, v58;
	v23 =	vadd.f32 v23, v46;
	v46 =	vld.idx.msk [tilespmem:v40+s14+$0x0], $0xffff  }
0x4bb: {  	v13 =	vmul.f32 v13, v57;
	v15 =	vmul.f32 v15, v7;
	v38 =	vld.idx.msk [tilespmem:v62+s14+$0x0], $0xffff;
	v62 =	vadd.s32 v43, v0  }
0x4bc: {  	v10 =	vadd.f32 v10, v6;
	v6 =	vmul.f32 v36, v7;
	v36 =	vld.idx.msk [tilespmem:v60+s14+$0x0], $0xffff;
	v60 =	vor.u32 v3, v2  }
0x4bd: {  	v18 =	vmul.f32 v18, v59;
	v21 =	vadd.f32 v21, v22;
	v22 =	vld.idx.msk [tilespmem:v56+s14+$0x0], $0xffff;
	v56 =	vadd.s32 v44, v0  }
0x4be: {  	v17 =	vmul.f32 v17, v61;
	v9 =	vadd.f32 v32, v9;
	v10 =	vadd.f32 v14, v10;
	v14 =	vld.idx.msk [tilespmem:v54+s14+$0x0], $0xffff  }
0x4bf: {  	v12 =	vadd.f32 v12, v26;
	v32 =	vld.idx.msk [tilespmem:v52+s14+$0x0], $0xffff;
	v52 =	vadd.s32 v43, v5;
	v54 =	vmul.f32 v33, v58  }
0x4c0: {  	v49 =	vimm.s32 $0xFFFFFF69;
	v29 =	vmul.f32 v29, v57;
	v21 =	vmul.f32 v21, v21;
	v62 =	vld.idx.msk [tilespmem:v62+s14+$0x0], $0xffff  }
0x4c1: {  	v25 =	vmul.f32 v25, v7;
	v9 =	vmul.f32 v9, v58;
	v12 =	vadd.f32 v54, v12;
	v54 =	vld.idx.msk [tilespmem:v60+s14+$0x0], $0xffff  }
0x4c2: {  	v27 =	vmul.f32 v27, v57;
	v23 =	vmul.f32 v23, v7;
	v33 =	vld.idx.msk [tilespmem:v56+s14+$0x0], $0xffff;
	v56 =	vor.u32 v44, v2  }
0x4c3: {  	v1 =	vmul.f32 v1, v59;
	v11 =	vadd.f32 v11, v46;
	v14 =	vmul.f32 v14, v8  }
0x4c4: {  	v45 =	vor.u32 v4, v2;
	v46 =	vmul.f32 v39, v8;
	v24 =	vmul.f32 v24, v8;
	v42 =	vld.idx.msk [tilespmem:v52+s14+$0x0], $0xffff  }
0x4c5: {  	v11 =	vmul.f32 v11, v61;
	v15 =	vadd.f32 v15, v30;
	v14 =	vadd.f32 v14, v62;
	v62 =	vld [tilespmem:$0x1FF30]  }
0x4c6: {  	v32 =	vadd.f32 v6, v32;
	v6 =	vshra.s32 v47, $0x17;
	v52 =	vsel vm12, $0xFFFFFF6A, v49  }
0x4c7: {  	v13 =	vadd.f32 v13, v38;
	v47 =	vor.u32 v43, v2;
	v25 =	vadd.f32 v25, v54;
	v54 =	vld.idx.msk [tilespmem:v56+s14+$0x0], $0xffff  }
0x4c8: {  	v16 =	vmul.f32 v16, v61;
	v6 =	vadd.s32 v6, v52;
	v19 =	vmul.f32 v19, v57;
	v56 =	vld [tilespmem:$0x1FF40]  }
0x4c9: {  	v3 =	vld [tilespmem:$0x1FF60];
	v52 =	vmul.f32 v35, v59;
	v13 =	vadd.f32 v18, v13;
	v22 =	vadd.f32 v29, v22  }
0x4ca: {  	v18 =	vadd.f32 v46, v36;
	v60 =	vld.idx.msk [tilespmem:v45+s14+$0x0], $0xffff;
	v19 =	vadd.f32 v19, v42;
	v44 =	vadd.s32 v62, v5  }
0x4cb: {  	v22 =	vadd.f32 v52, v22;
	v46 =	vadd.s32 v62, v0;
	v52 =	vor.u32 v62, v2;
	v62 =	vld [tilespmem:$0x1FF50]  }
0x4cc: {  	v15 =	vmul.f32 v15, v58;
	v43 =	vmul.f32 v28, v28;
	v47 =	vld.idx.msk [tilespmem:v47+s14+$0x0], $0xffff  }
0x4cd: {  	v10 =	vmul.f32 v10, v10;
	v19 =	vmul.f32 v19, v57;
	v57 =	vadd.s32 v56, v5  }
0x4ce: {  	v6 =	vcvt.s32.f32 v6;
	v45 =	vmul.f32 v34, v8;
	v38 =	vadd.s32 v3, v0  }
0x4cf: {  	v39 =	vor.u32 v3, v2;
	v8 =	vmul.f32 v14, v8;
	v14 =	vmul.f32 v60, v7;
	v60 =	vld.idx.msk [tilespmem:v44+s14+$0x0], $0xffff  }
0x4d0: {  	v12 =	vmul.f32 v12, v58;
	v17 =	vadd.f32 v17, v18;
	v44 =	vadd.s32 v62, v5;
	v34 =	vld.idx.msk [tilespmem:v46+s14+$0x0], $0xffff  }
0x4d1: {  	v14 =	vadd.f32 v14, v47;
	v18 =	vadd.f32 v45, v33;
	v46 =	vld.idx.msk [tilespmem:v52+s14+$0x0], $0xffff;
	v47 =	vadd.s32 v62, v0  }
0x4d2: {  	v13 =	vmul.f32 v13, v13;
	v9 =	vadd.f32 v9, v25;
	v45 =	vadd.s32 v56, v0;
	v52 =	vld.idx.msk [tilespmem:v57+s14+$0x0], $0xffff  }
0x4d3: {  	v11 =	vadd.f32 v11, v18;
	v18 =	vor.u32 v56, v2;
	v57 =	vadd.s32 v3, v5;
	v3 =	vld [tilespmem:$0x1FF70]  }
0x4d4: {  	v6 =	vmul.f32 $6.931471820e-01, v6;
	v23 =	vadd.f32 v23, v54;
	v54 =	vor.u32 v62, v2  }
0x4d5: {  	v17 =	vmul.f32 v17, v17;
	v9 =	vmul.f32 v9, v9;
	v29 =	vld.idx.msk [tilespmem:v44+s14+$0x0], $0xffff  }
0x4d6: {  	v22 =	vmul.f32 v22, v59;
	v56 =	vmul.f32 v32, v7;
	v36 =	vld.idx.msk [tilespmem:v47+s14+$0x0], $0xffff  }
0x4d7: {  	v7 =	vmul.f32 v14, v7;
	v26 =	vadd.f32 v27, v60;
	v14 =	vadd.f32 v15, v23;
	v60 =	vld.idx.msk [tilespmem:v45+s14+$0x0], $0xffff  }
0x4d8: {  	v15 =	vadd.f32 v24, v34;
	v62 =	vadd.f32 v56, v46;
	v18 =	vld.idx.msk [tilespmem:v18+s14+$0x0], $0xffff;
	v41 =	vadd.s32 v3, v5  }
0x4d9: {  	v11 =	vmul.f32 v11, v61;
	v1 =	vadd.f32 v1, v26;
	v40 =	vld.idx.msk [tilespmem:v54+s14+$0x0], $0xffff;
	v42 =	vadd.s32 v3, v0  }
0x4da: {  	v15 =	vadd.f32 v16, v15;
	v12 =	vadd.f32 v12, v62;
	v16 =	vld.idx.msk [tilespmem:v57+s14+$0x0], $0xffff;
	v45 =	vor.u32 v3, v2  }
0x4db: {  	v46 =	vld.idx.msk [tilespmem:v39+s14+$0x0], $0xffff;
	v14 =	vmul.f32 v14, v58;
	v1 =	vmul.f32 v1, v1;
	v5 =	vadd.s32 v48, v5  }
0x4dc: {  	v44 =	vld.idx.msk [tilespmem:v38+s14+$0x0], $0xffff;
	v15 =	vmul.f32 v15, v15;
	v8 =	vadd.f32 v8, v36;
	v2 =	vor.u32 v48, v2  }
0x4dd: {  	v12 =	vmul.f32 v12, v12;
	v19 =	vadd.f32 v19, v29;
	v0 =	vadd.s32 v48, v0;
	v47 =	vld.idx.msk [tilespmem:v41+s14+$0x0], $0xffff  }
0x4de: {  	v8 =	vadd.f32 v11, v8;
	v21 =	vmul.f32 v21, v52;
	v10 =	vmul.f32 v10, v18;
	v18 =	vld.idx.msk [tilespmem:v42+s14+$0x0], $0xffff  }
0x4df: {  	v7 =	vadd.f32 v7, v40;
	v13 =	vmul.f32 v13, v16;
	v16 =	vadd.f32 v22, v19;
	v19 =	vld.idx.msk [tilespmem:v45+s14+$0x0], $0xffff  }
0x4e0: {  	v56 =	vadd.f32 v31, v31;
	v9 =	vmul.f32 v9, v46;
	v23 =	vmul.f32 v43, v60;
	v5 =	vld.idx.msk [tilespmem:v5+s14+$0x0], $0xffff  }
0x4e1: {  	v8 =	vmul.f32 v8, v8;
	v7 =	vadd.f32 v14, v7;
	v52 =	vadd.f32 $0.0e+00, v21;
	v2 =	vld.idx.msk [tilespmem:v2+s14+$0x0], $0xffff  }
0x4e2: {  	v14 =	vmul.f32 v17, v44;
	v17 =	vadd.f32 $0.0e+00, v23;
	v10 =	vadd.f32 $0.0e+00, v10;
	v0 =	vld.idx.msk [tilespmem:v0+s14+$0x0], $0xffff  }
0x4e3: {  	v7 =	vmul.f32 v7, v7;
	v11 =	vadd.f32 v13, v52;
	v13 =	vmul.f32 v16, v16  }
0x4e4: {  	v14 =	vadd.f32 v14, v17;
	v1 =	vmul.f32 v1, v47;
	v54 =	vmul.f32 v15, v18  }
0x4e5: {  	v9 =	vadd.f32 v9, v10;
	v12 =	vmul.f32 v12, v19;
	v5 =	vmul.f32 v13, v5  }
0x4e6: {  	v2 =	vmul.f32 v7, v2;
	v7 =	vmul.f32 v55, v55;
	v1 =	vadd.f32 v1, v11  }
0x4e7: {  	v57 =	vmul.f32 v37, v37;
	v0 =	vmul.f32 v8, v0;
	v10 =	vadd.f32 v54, v14  }
0x4e8: {  	v8 =	vadd.f32 v12, v9;
	v59 =	vmul.f32 $1.428571490e-01, v7;
	v1 =	vadd.f32 v5, v1  }
0x4e9: {  	v15 =	vmul.f32 $1.428571490e-01, v57;
	v5 =	vadd.f32 $1.000000000e+00, v63;
	v0 =	vadd.f32 v0, v10  }
0x4ea: {  	v2 =	vadd.f32 v2, v8;
	v11 =	vadd.f32 $2.000000030e-01, v59;
	v1 =	vmax.f32 v1, $9.999999350e-39  }
0x4eb: {  	v15 =	vadd.f32 $2.000000030e-01, v15;
	v5 =	vmul.f32 v5, v56;
	v1 =	vmul.f32 $1.677721600e+07, v1  }
0x4ec: {  	v0 =	vmax.f32 v0, $9.999999350e-39;
	v2 =	vmax.f32 v2, $9.999999350e-39;
	v11 =	vmul.f32 v11, v7  }
0x4ed: {  	v0 =	vmul.f32 $1.677721600e+07, v0;
	v2 =	vmul.f32 $1.677721600e+07, v2;
	v58 =	vand.u32 $0x7FFFFF, v1  }
0x4ee: {  	v6 =	vadd.f32 v5, v6;
	v11 =	vadd.f32 $3.333333430e-01, v11;
	v10 =	vor.u32 $0x3F800000, v58  }
0x4ef: {  	v12 =	vand.u32 $0x7FFFFF, v0;
	v60 =	vand.u32 $0x7FFFFF, v2;
	v5 =	vmul.f32 $5.000000000e-01, v10  }
0x4f0: {  	v2 =	vshra.s32 v2, $0x17;
	v12 =	vor.u32 $0x3F800000, v12;
	vm13 =	vgt.f32 v10, $1.500000000e+00  }
0x4f1: {  	v3 =	vld [tilespmem:$0x1FF80];
	v13 =	vmul.f32 $5.000000000e-01, v12;
	v5 =	vsel vm13, v5, v10;
	v10 =	vor.u32 $0x3F800000, v60  }
0x4f2: {  	v7 =	vmul.f32 v11, v7;
	vm14 =	vgt.f32 v12, $1.500000000e+00;
	vm15 =	vgt.f32 v10, $1.500000000e+00  }
0x4f3: {  	v12 =	vsel vm14, v13, v12;
	v13 =	vmul.f32 $5.000000000e-01, v10;
	v62 =	vsel vm15, $0xFFFFFF6A, v49  }
0x4f4: {  	v7 =	vadd.f32 $1.000000000e+00, v7;
	v11 =	vadd.s32 v2, v62;
	v2 =	vadd.f32 v55, v55  }
0x4f5: {  	v15 =	vmul.f32 v15, v57;
	v10 =	vsel vm15, v13, v10  }
0x4f6: {  	v13 =	vadd.f32 $1.000000000e+00, v5;
	v2 =	vmul.f32 v7, v2;
	v7 =	vcvt.s32.f32 v3;
	v3 =	vld [tilespmem:$0x1FFA0]  }
0x4f7: {  	v8 =	vmul.f32 v20, v20  }
0x4f8: {  	(erf) = vrcp.f32 v13;
	v13 =	vadd.f32 $3.333333430e-01, v15  }
0x4f9: {  	v14 =	vmul.f32 $1.428571490e-01, v8  }
0x4fa: {  	v1 =	vshra.s32 v1, $0x17;
	v9 =	vmul.f32 v13, v57;
	v13 =	vsel vm13, $0xFFFFFF6A, v49  }
0x4fb: {  	v14 =	vadd.f32 $2.000000030e-01, v14;
	v1 =	vadd.s32 v1, v13;
	v13 =	vcvt.s32.f32 v3;
	v3 =	vld [tilespmem:$0x1FFB0];
	_ =	sdelay $0x1  }
0x4fc: {  	v14 =	vmul.f32 v14, v8;
	_ =	sdelay $0x1  }
0x4fd: {  	v14 =	vadd.f32 $3.333333430e-01, v14  }
0x4fe: {  	v16 =	vadd.f32 $1.000000000e+00, v12;
	v15 =	vcvt.s32.f32 v3;
	v3 =	vld [tilespmem:$0x1FFC0]  }
0x4ff: {  	v8 =	vmul.f32 v14, v8;
	v14 =	vadd.f32 v37, v37;
	v9 =	vadd.f32 $1.000000000e+00, v9  }
0x500: {  	v0 =	vshra.s32 v0, $0x17;
	v63 =	vsel vm14, $0xFFFFFF6A, v49  }
0x501: {  	(erf) = vrcp.f32 v16;
	v16 =	vmul.f32 v9, v14;
	v9 =	vadd.s32 v0, v63;
	v0 =	vld [tilespmem:$0x1FF90]  }
0x502: {  	s0 =	simm.s32 $0x1E820  }
0x503: {  	[tilespmem:s0+$0x10] =	vst v3  }
0x504: {  	v3 =	vld [tilespmem:$0x1FFD0];
	_ =	sdelay $0x1  }
0x505: {  	v0 =	vcvt.s32.f32 v0;
	_ =	sdelay $0x1  }
0x506: {  	s30 =	simm.s32 $0x1E860;
	v0 =	vmul.f32 $6.931471820e-01, v0  }
0x507: {  	v8 =	vadd.f32 $1.000000000e+00, v8;
	[tilespmem:s30+$0x10] =	vst v3  }
0x508: {  	v61 =	vadd.f32 $1.000000000e+00, v10;
	v4 =	vadd.f32 v51, v0;
	v0 =	vld [tilespmem:$0x1FFE0]  }
0x509: {  	v7 =	vmul.f32 $6.931471820e-01, v7;
	v14 =	vadd.f32 v20, v20  }
0x50a: {  	v5 =	vadd.f32 $-1.000000000e+00, v5;
	(erf) = vrcp.f32 v61  }
0x50b: {  	v7 =	vadd.f32 v53, v7;
	v13 =	vmul.f32 $6.931471820e-01, v13;
	v14 =	vmul.f32 v8, v14;
	v8 =	vpop (erf)  }
0x50c: {  	v17 =	vmul.f32 v8, v5;
	v8 =	vcvt.s32.f32 v1  }
0x50d: {  	s31 =	simm.s32 $0x1E8A0;
	v5 =	vadd.f32 v2, v13;
	v2 =	vcvt.s32.f32 v9;
	[tilespmem:s0+$0xFFFFFFF0] =	vst v50;
	v0 =	vcvt.s32.f32 v0  }
0x50e: {  	v1 =	vadd.f32 $-1.000000000e+00, v10;
	v13 =	vmul.f32 $6.931471820e-01, v15;
	v15 =	vcvt.s32.f32 v11;
	[tilespmem:s31+$0x10] =	vst v6  }
0x50f: {  	s2 =	simm.s32 $0x8;
	s5 =	simm.s32 $0xC0;
	v6 =	vadd.f32 $-1.000000000e+00, v12;
	v12 =	vmul.f32 $6.931471820e-01, v8;
	[tilespmem:s0+$0x0] =	vst v7;
	v7 =	vpop (erf);
	v0 =	vmul.f32 $6.931471820e-01, v0  }
.LBB2_5:
0x510: {  	_ =	sdelay $0x5  }
0x511: {  	v9 =	vmul.f32 $6.931471820e-01, v2;
	v2 =	vpop (erf)  }
0x512: {  	s1 =	sadd.s32 $0x10, s5;
	[tilespmem:s0+$0xFFFFFFE0] =	vst v4;
	v3 =	vmov v0;
	v1 =	vmul.f32 v2, v1  }
0x513: {  	v4 =	vmov s1;
	[tilespmem:$0x1FC00] =	vst v3;
	v3 =	vld [tilespmem:$0x1FEE0]  }
0x514: {  	s9 =	sadd.s32 $0x20, s5;
	v0 =	vmul.u32 $0x30, v4;
	[tilespmem:$0x1FB90] =	vst v1;
	v1 =	vld [tilespmem:$0x1FF10]  }
0x515: {  	v10 =	vmul.f32 v7, v6;
	v6 =	vmov s9  }
0x516: {  	v4 =	vmul.u32 $0x30, v6;
	v58 =	vbroadcast v0, $0x0;
	v0 =	vadd.f32 v17, v17;
	_ =	sdelay $0x1  }
0x517: {  	v59 =	vbroadcast v4, $0x0;
	[tilespmem:$0x1FBC0] =	vst v0;
	v0 =	vadd.s32 v3, v58  }
0x518: {  	[tilespmem:$0x1F8E0] =	vst v0;
	v0 =	vadd.s32 v1, v58  }
0x519: {  	s13 =	sadd.s32 $0x30, s5;
	[tilespmem:$0x1FB60] =	vst v0;
	v0 =	vadd.s32 v3, v59  }
0x51a: {  	v7 =	vmov s13;
	[tilespmem:$0x1FB00] =	vst v0;
	v0 =	vld [tilespmem:$0x1FEB0]  }
0x51b: {  	v8 =	vmov s5;
	[tilespmem:s30+$0xFFFFFFF0] =	vst v5;
	v5 =	vmul.u32 $0x30, v7  }
0x51c: {  	v6 =	vmul.u32 $0x30, v8  }
0x51d: {  	[tilespmem:$0x1FBF0] =	vst v9;
	v9 =	vbroadcast v5, $0x0  }
0x51e: {  	v57 =	vbroadcast v6, $0x0  }
0x51f: {  	v2 =	vadd.s32 v1, v9;
	v1 =	vadd.s32 v0, v58;
	v6 =	vadd.s32 v0, v9;
	v0 =	vld [tilespmem:$0x1FEA0];
	_ =	sdelay $0x4  }
0x520: {  	[tilespmem:$0x1F8F0] =	vst v1;
	v1 =	vadd.s32 v0, v58  }
0x521: {  	[tilespmem:$0x1F900] =	vst v1;
	v1 =	vld [tilespmem:$0x1FEF0];
	_ =	sdelay $0x4  }
0x522: {  	v11 =	vadd.s32 v1, v9;
	v1 =	vld [tilespmem:$0x1FE40];
	_ =	sdelay $0x4  }
0x523: {  	[tilespmem:$0x1FC20] =	vst v12;
	v12 =	vadd.s32 v1, v9;
	v1 =	vld [tilespmem:$0x1FE90]  }
0x524: {  	v53 =	vld [tilespmem:$0x1FDF0]  }
0x525: {  	v61 =	vld [tilespmem:$0x1FE20]  }
0x526: {  	v47 =	vld [tilespmem:$0x1FCA0]  }
0x527: {  	v49 =	vld [tilespmem:$0x1FCD0]  }
0x528: {  	[tilespmem:$0x1FBE0] =	vst v14;
	v14 =	vadd.s32 v1, v9;
	v1 =	vld [tilespmem:$0x1FE80]  }
0x529: {  	v52 =	vld [tilespmem:$0x1FCE0]  }
0x52a: {  	v45 =	vld [tilespmem:$0x1FD00]  }
0x52b: {  	v44 =	vld [tilespmem:$0x1FD10]  }
0x52c: {  	[tilespmem:$0x1FBB0] =	vst v15;
	v15 =	vld.idx.msk [tilespmem:v6+s14+$0x0], $0xffff  }
0x52d: {  	v6 =	vadd.s32 v1, v9;
	v1 =	vld [tilespmem:$0x1FDE0]  }
0x52e: {  	v51 =	vld [tilespmem:$0x1FD20]  }
0x52f: {  	v50 =	vld [tilespmem:$0x1FD30]  }
0x530: {  	v54 =	vld [tilespmem:$0x1FD40]  }
0x531: {  	v60 =	vld [tilespmem:$0x1FD50];
	v56 =	vadd.s32 v53, v9  }
0x532: {  	[tilespmem:$0x1FC10] =	vst v16;
	v16 =	vadd.s32 v1, v9;
	v1 =	vld [tilespmem:$0x1FE00]  }
0x533: {  	v32 =	vld [tilespmem:$0x1FD70];
	v19 =	vadd.s32 v61, v9  }
0x534: {  	v46 =	vld [tilespmem:$0x1FE30];
	v21 =	vadd.s32 v49, v9  }
0x535: {  	v7 =	vld [tilespmem:$0x1FD80];
	v22 =	vadd.s32 v52, v9  }
0x536: {  	[tilespmem:$0x1FBA0] =	vst v10;
	v10 =	vld.idx.msk [tilespmem:v56+s14+$0x0], $0xffff  }
0x537: {  	[tilespmem:$0x1FB80] =	vst v17;
	v17 =	vadd.s32 v1, v9;
	v1 =	vld [tilespmem:$0x1FE10]  }
0x538: {  	v24 =	vadd.s32 v45, v9;
	v19 =	vld.idx.msk [tilespmem:v19+s14+$0x0], $0xffff  }
0x539: {  	v21 =	vld.idx.msk [tilespmem:v21+s14+$0x0], $0xffff  }
0x53a: {  	v26 =	vadd.s32 v44, v9;
	v22 =	vld.idx.msk [tilespmem:v22+s14+$0x0], $0xffff  }
0x53b: {  	v20 =	vld.idx.msk [tilespmem:v6+s14+$0x0], $0xffff;
	v6 =	vadd.s32 v47, v9  }
0x53c: {  	v18 =	vadd.s32 v1, v9;
	v1 =	vld [tilespmem:$0x1FC90]  }
0x53d: {  	v27 =	vadd.s32 v51, v9;
	v24 =	vld.idx.msk [tilespmem:v24+s14+$0x0], $0xffff  }
0x53e: {  	v28 =	vadd.s32 v50, v9;
	v56 =	vld [tilespmem:$0x1FD60]  }
0x53f: {  	v29 =	vadd.s32 v54, v9;
	v26 =	vld.idx.msk [tilespmem:v26+s14+$0x0], $0xffff  }
0x540: {  	v4 =	vadd.s32 v3, v9;
	v25 =	vld.idx.msk [tilespmem:v6+s14+$0x0], $0xffff  }
0x541: {  	v6 =	vadd.s32 v1, v9;
	v1 =	vld [tilespmem:$0x1FF60]  }
0x542: {  	v27 =	vld.idx.msk [tilespmem:v27+s14+$0x0], $0xffff;
	v55 =	vadd.s32 v0, v9  }
0x543: {  	v28 =	vld.idx.msk [tilespmem:v28+s14+$0x0], $0xffff  }
0x544: {  	v30 =	vadd.s32 v60, v9;
	v29 =	vld.idx.msk [tilespmem:v29+s14+$0x0], $0xffff  }
0x545: {  	v37 =	vadd.s32 v32, v9;
	v3 =	vld.idx.msk [tilespmem:v4+s14+$0x0], $0xffff  }
0x546: {  	v31 =	vadd.s32 v1, v9;
	v1 =	vld [tilespmem:$0x1FF70]  }
0x547: {  	v39 =	vadd.s32 v7, v9;
	v4 =	vld.idx.msk [tilespmem:v55+s14+$0x0], $0xffff  }
0x548: {  	v55 =	vld [tilespmem:$0x1FCF0]  }
0x549: {  	v30 =	vld.idx.msk [tilespmem:v30+s14+$0x0], $0xffff  }
0x54a: {  	v37 =	vld.idx.msk [tilespmem:v37+s14+$0x0], $0xffff  }
0x54b: {  	v48 =	vadd.s32 v1, v9;
	v1 =	vld [tilespmem:$0x1FF40]  }
0x54c: {  	v39 =	vld.idx.msk [tilespmem:v39+s14+$0x0], $0xffff  }
0x54d: {  	[tilespmem:$0x1FBD0] =	vst v13;
	v13 =	vld.idx.msk [tilespmem:v2+s14+$0x0], $0xffff;
	v23 =	vadd.s32 v55, v9  }
0x54e: {  	s28 =	sadd.s32 $0x40, s28;
	v2 =	vld [tilespmem:$0x1FD90]  }
0x54f: {  	v0 =	vld [tilespmem:s28+$0x10]  }
0x550: {  	v34 =	vadd.s32 v1, v9;
	v1 =	vld [tilespmem:$0x1FF50]  }
0x551: {  	v11 =	vld.idx.msk [tilespmem:v11+s14+$0x0], $0xffff  }
0x552: {  	v23 =	vld.idx.msk [tilespmem:v23+s14+$0x0], $0xffff  }
0x553: {  	v42 =	vadd.s32 v2, v9;
	v14 =	vld.idx.msk [tilespmem:v14+s14+$0x0], $0xffff  }
0x554: {  	v33 =	vadd.s32 v56, v9;
	v17 =	vld.idx.msk [tilespmem:v17+s14+$0x0], $0xffff  }
0x555: {  	v19 =	vmul.f32 v19, v0;
	v22 =	vmul.f32 v22, v0;
	v35 =	vadd.s32 v1, v9;
	v1 =	vld [tilespmem:$0x1FF00]  }
0x556: {  	v24 =	vmul.f32 v24, v0;
	v11 =	vmul.f32 v11, v0;
	v16 =	vld.idx.msk [tilespmem:v16+s14+$0x0], $0xffff  }
0x557: {  	v63 =	vadd.s32 v46, v9;
	v26 =	vmul.f32 v26, v0;
	v28 =	vmul.f32 v28, v0;
	v12 =	vld.idx.msk [tilespmem:v12+s14+$0x0], $0xffff  }
0x558: {  	v21 =	vadd.f32 v24, v21;
	v11 =	vadd.f32 v11, v13;
	v13 =	vld.idx.msk [tilespmem:v42+s14+$0x0], $0xffff;
	v42 =	vmul.f32 v30, v0  }
0x559: {  	v33 =	vld.idx.msk [tilespmem:v33+s14+$0x0], $0xffff;
	v26 =	vadd.f32 v26, v39;
	v14 =	vmul.f32 v14, v0;
	v25 =	vmul.f32 v25, v0  }
0x55a: {  	v30 =	vadd.f32 v42, v37;
	v17 =	vmul.f32 v17, v0;
	v36 =	vadd.s32 v1, v9;
	v1 =	vld [tilespmem:$0x1FF30]  }
0x55b: {  	v21 =	vmul.f32 v21, v0;
	v14 =	vadd.f32 v14, v15;
	v15 =	vadd.f32 v25, v16;
	v18 =	vld.idx.msk [tilespmem:v18+s14+$0x0], $0xffff  }
0x55c: {  	v16 =	vmul.f32 v27, v0;
	v12 =	vadd.f32 v17, v12;
	v17 =	vadd.f32 v19, v20;
	v19 =	vld.idx.msk [tilespmem:v63+s14+$0x0], $0xffff  }
0x55d: {  	v26 =	vmul.f32 v26, v0;
	v23 =	vmul.f32 v23, v0  }
0x55e: {  	v11 =	vmul.f32 v11, v0;
	v24 =	vmul.f32 v30, v0;
	v16 =	vadd.f32 v16, v33  }
0x55f: {  	v14 =	vmul.f32 v14, v0;
	v63 =	vadd.f32 v28, v29;
	v38 =	vadd.s32 v1, v9;
	v1 =	vld [tilespmem:$0x1FF20]  }
0x560: {  	v15 =	vmul.f32 v15, v0;
	v16 =	vmul.f32 v16, v0  }
0x561: {  	v20 =	vmul.f32 v63, v0;
	v18 =	vadd.f32 v22, v18;
	v19 =	vadd.f32 v23, v19  }
0x562: {  	s29 =	sadd.s32 $0x40, s29;
	v12 =	vmul.f32 v12, v0;
	v17 =	vmul.f32 v17, v0  }
0x563: {  	v18 =	vmul.f32 v18, v0;
	v19 =	vmul.f32 v19, v0;
	v0 =	vld [tilespmem:s29+$0xFFFFFFF0]  }
0x564: {  	v40 =	vadd.s32 v1, v9;
	v1 =	vld [tilespmem:$0x1FEC0];
	_ =	sdelay $0x3  }
0x565: {  	[tilespmem:$0x1F9A0] =	vst v0;
	v0 =	vld [tilespmem:$0x1F8E0]  }
0x566: {  	v41 =	vadd.s32 v1, v9;
	v1 =	vld [tilespmem:$0x1FE50];
	_ =	sdelay $0x1  }
0x567: {  	v8 =	vld [tilespmem:$0x1FDA0];
	_ =	sdelay $0x2  }
0x568: {  	v62 =	vadd.s32 v1, v9;
	v1 =	vld [tilespmem:$0x1FE60];
	_ =	sdelay $0x1  }
0x569: {  	v43 =	vadd.s32 v8, v9  }
0x56a: {  	v0 =	vld.idx.msk [tilespmem:v0+s14+$0x0], $0xffff;
	_ =	sdelay $0x1  }
0x56b: {  	v5 =	vld [tilespmem:s29+$0x10];
	v9 =	vadd.s32 v1, v9;
	_ =	sdelay $0x1  }
0x56c: {  	v25 =	vld.idx.msk [tilespmem:v43+s14+$0x0], $0xffff  }
0x56d: {  	v13 =	vadd.f32 v20, v13;
	[tilespmem:$0x1FAE0] =	vst v0;
	v0 =	vld [tilespmem:$0x1F8F0]  }
0x56e: {  	v43 =	vld.idx.msk [tilespmem:v62+s14+$0x0], $0xffff  }
0x56f: {  	v10 =	vadd.f32 v16, v10;
	v13 =	vmul.f32 v13, v5;
	v9 =	vld.idx.msk [tilespmem:v9+s14+$0x0], $0xffff  }
0x570: {  	v36 =	vld.idx.msk [tilespmem:v36+s14+$0x0], $0xffff  }
0x571: {  	v10 =	vadd.f32 v13, v10;
	v33 =	vld.idx.msk [tilespmem:v41+s14+$0x0], $0xffff  }
0x572: {  	v16 =	vadd.f32 v24, v25;
	v37 =	vld.idx.msk [tilespmem:v40+s14+$0x0], $0xffff  }
0x573: {  	v15 =	vadd.f32 v15, v3;
	v10 =	vmul.f32 v10, v5  }
0x574: {  	v13 =	vmul.f32 v16, v5;
	v38 =	vld.idx.msk [tilespmem:v38+s14+$0x0], $0xffff;
	v21 =	vadd.f32 v21, v43;
	v9 =	vadd.f32 v26, v9  }
0x575: {  	v16 =	vadd.f32 v18, v4;
	v10 =	vadd.f32 v10, v15;
	v39 =	vld.idx.msk [tilespmem:v34+s14+$0x0], $0xffff  }
0x576: {  	v18 =	vld.idx.msk [tilespmem:v35+s14+$0x0], $0xffff;
	v19 =	vadd.f32 v19, v33;
	v13 =	vadd.f32 v13, v21;
	v9 =	vmul.f32 v9, v5  }
0x577: {  	v12 =	vadd.f32 v12, v36;
	v17 =	vadd.f32 v17, v37  }
0x578: {  	v19 =	vmul.f32 v19, v5;
	v13 =	vmul.f32 v13, v5;
	v9 =	vadd.f32 v9, v16  }
0x579: {  	v15 =	vld.idx.msk [tilespmem:v31+s14+$0x0], $0xffff;
	v10 =	vmul.f32 v10, v10;
	v14 =	vadd.f32 v14, v38  }
0x57a: {  	v0 =	vld.idx.msk [tilespmem:v0+s14+$0x0], $0xffff;
	v12 =	vadd.f32 v13, v12;
	v16 =	vadd.f32 v19, v17;
	v9 =	vmul.f32 v9, v5  }
0x57b: {  	v10 =	vmul.f32 v10, v39;
	v11 =	vadd.f32 v11, v18;
	v13 =	vld.idx.msk [tilespmem:v48+s14+$0x0], $0xffff  }
0x57c: {  	v12 =	vmul.f32 v12, v12;
	v16 =	vmul.f32 v16, v5;
	v9 =	vadd.f32 v9, v14  }
0x57d: {  	v25 =	vadd.s32 v56, v59;
	v6 =	vld.idx.msk [tilespmem:v6+s14+$0x0], $0xffff;
	v10 =	vadd.f32 $0.0e+00, v10  }
0x57e: {  	v12 =	vmul.f32 v12, v15;
	v11 =	vadd.f32 v16, v11;
	v9 =	vmul.f32 v9, v9  }
0x57f: {  	v27 =	vadd.s32 v32, v59;
	[tilespmem:$0x1FB10] =	vst v0;
	v0 =	vld [tilespmem:$0x1F900]  }
0x580: {  	v10 =	vadd.f32 v12, v10;
	v11 =	vmul.f32 v11, v11;
	v9 =	vmul.f32 v9, v13  }
0x581: {  	v18 =	vadd.s32 v50, v59  }
0x582: {  	v25 =	vld.idx.msk [tilespmem:v25+s14+$0x0], $0xffff;
	v6 =	vmul.f32 v11, v6;
	v9 =	vadd.f32 v9, v10  }
0x583: {  	v23 =	vor.u32 v52, v57;
	v4 =	vld [tilespmem:s28+$0x0];
	v40 =	vadd.s32 v60, v59  }
0x584: {  	v39 =	vadd.s32 v52, v58;
	v35 =	vadd.s32 v52, v59;
	v52 =	vld.idx.msk [tilespmem:v27+s14+$0x0], $0xffff;
	v6 =	vadd.f32 v6, v9  }
0x585: {  	v42 =	vor.u32 v54, v57;
	v1 =	vld [tilespmem:s29+$0xFFFFFFE0]  }
0x586: {  	v30 =	vor.u32 v45, v57;
	v18 =	vld.idx.msk [tilespmem:v18+s14+$0x0], $0xffff;
	v14 =	vor.u32 v50, v57;
	v6 =	vmax.f32 v6, $9.999999350e-39  }
0x587: {  	v28 =	vadd.s32 v44, v59;
	v29 =	vor.u32 v56, v57;
	v0 =	vld.idx.msk [tilespmem:v0+s14+$0x0], $0xffff;
	v48 =	vmul.f32 $1.677721600e+07, v6  }
0x588: {  	v24 =	vadd.s32 v32, v58;
	v22 =	vadd.s32 v56, v58;
	v31 =	vor.u32 v32, v57;
	v20 =	vld.idx.msk [tilespmem:v40+s14+$0x0], $0xffff  }
0x589: {  	v32 =	vor.u32 v44, v57;
	v41 =	vor.u32 v51, v57;
	v62 =	vld [tilespmem:s28+$0xFFFFFFE0];
	v56 =	vand.u32 $0x7FFFFF, v48  }
0x58a: {  	v34 =	vadd.s32 v47, v58;
	[tilespmem:$0x1F9C0] =	vst v1;
	v1 =	vld [tilespmem:$0x1FE00];
	v12 =	vadd.s32 v51, v59;
	v33 =	vor.u32 $0x3F800000, v56  }
0x58b: {  	v19 =	vadd.s32 v60, v58;
	v43 =	vld.idx.msk [tilespmem:v14+s14+$0x0], $0xffff;
	v14 =	vor.u32 v60, v57;
	v60 =	vmul.f32 $5.000000000e-01, v33  }
0x58c: {  	[tilespmem:$0x1FAF0] =	vst v0;
	v0 =	vor.u32 v49, v57;
	v13 =	vadd.s32 v54, v59;
	v10 =	vld.idx.msk [tilespmem:v42+s14+$0x0], $0xffff;
	vm0 =	vgt.f32 v33, $1.500000000e+00  }
0x58d: {  	[tilespmem:$0x1F910] =	vst v0;
	v0 =	vor.u32 v7, v57;
	v42 =	vld.idx.msk [tilespmem:v22+s14+$0x0], $0xffff;
	v22 =	vsel vm0, v60, v33  }
0x58e: {  	v18 =	vmul.f32 v18, v4;
	[tilespmem:$0x1F920] =	vst v0;
	v0 =	vor.u32 v55, v57;
	v21 =	vld.idx.msk [tilespmem:v41+s14+$0x0], $0xffff;
	v36 =	vadd.f32 $1.000000000e+00, v22  }
0x58f: {  	[tilespmem:$0x1F930] =	vst v0;
	v0 =	vadd.s32 v61, v58;
	v16 =	vadd.s32 v54, v58;
	v12 =	vld.idx.msk [tilespmem:v12+s14+$0x0], $0xffff  }
0x590: {  	v38 =	vadd.s32 v49, v58;
	[tilespmem:$0x1F940] =	vst v0;
	v0 =	vld [tilespmem:$0x1FE10];
	v11 =	vmul.f32 v43, v62;
	(erf) = vrcp.f32 v36  }
0x591: {  	v37 =	vadd.s32 v2, v58;
	v40 =	vadd.s32 v7, v58;
	v26 =	vadd.s32 v45, v59;
	v13 =	vld.idx.msk [tilespmem:v13+s14+$0x0], $0xffff  }
0x592: {  	v17 =	vadd.s32 v50, v58;
	v15 =	vadd.s32 v51, v58;
	v11 =	vadd.f32 v11, v10;
	v10 =	vld [tilespmem:$0x1FDE0]  }
0x593: {  	v5 =	vadd.s32 v46, v58;
	v51 =	vadd.s32 v7, v59;
	v7 =	vld.idx.msk [tilespmem:v29+s14+$0x0], $0xffff;
	v54 =	vadd.s32 v45, v58  }
0x594: {  	v45 =	vadd.s32 v49, v59;
	v9 =	vld.idx.msk [tilespmem:v16+s14+$0x0], $0xffff;
	v49 =	vmul.f32 v12, v4;
	v12 =	vadd.s32 v1, v59  }
0x595: {  	v16 =	vadd.s32 v44, v58;
	v44 =	vadd.s32 v2, v59;
	v43 =	vadd.s32 v47, v59;
	[tilespmem:$0x1F980] =	vst v12  }
0x596: {  	v12 =	vadd.s32 v0, v59;
	v6 =	vld.idx.msk [tilespmem:v30+s14+$0x0], $0xffff;
	v30 =	vadd.s32 v0, v58;
	v56 =	vor.u32 v47, v57  }
0x597: {  	v3 =	vld [tilespmem:s28+$0xFFFFFFF0];
	[tilespmem:$0x1F950] =	vst v5;
	v47 =	vadd.f32 v18, v13;
	v18 =	vadd.s32 v1, v58;
	v5 =	vadd.s32 v10, v59  }
0x598: {  	v15 =	vld.idx.msk [tilespmem:v15+s14+$0x0], $0xffff;
	v60 =	vor.u32 v2, v57;
	[tilespmem:$0x1F960] =	vst v5;
	v29 =	vadd.f32 $-1.000000000e+00, v22;
	v36 =	vadd.s32 v53, v59  }
0x599: {  	v50 =	vld.idx.msk [tilespmem:v24+s14+$0x0], $0xffff;
	v2 =	vmov v1;
	v1 =	vmov v0;
	[tilespmem:$0x1F970] =	vst v36;
	v36 =	vor.u32 v53, v57;
	v0 =	vpop (erf)  }
0x59a: {  	v24 =	vadd.s32 v53, v58;
	[tilespmem:$0x1F9F0] =	vst v36;
	v53 =	vmul.f32 v0, v29;
	v0 =	vor.u32 v61, v57  }
0x59b: {  	v17 =	vld.idx.msk [tilespmem:v17+s14+$0x0], $0xffff;
	[tilespmem:$0x1FA30] =	vst v0;
	v0 =	vor.u32 v2, v57  }
0x59c: {  	[tilespmem:$0x1FA00] =	vst v0;
	v0 =	vor.u32 v8, v57  }
0x59d: {  	v15 =	vmul.f32 v15, v3;
	v36 =	vmul.f32 v53, v53;
	[tilespmem:$0x1FA10] =	vst v0;
	v0 =	vor.u32 v1, v57  }
0x59e: {  	v20 =	vmul.f32 v20, v4;
	v5 =	vld.idx.msk [tilespmem:v32+s14+$0x0], $0xffff;
	[tilespmem:$0x1FA20] =	vst v0;
	v0 =	vor.u32 v46, v57  }
0x59f: {  	v21 =	vmul.f32 v21, v62;
	v42 =	vadd.f32 v15, v42;
	v15 =	vmul.f32 $1.428571490e-01, v36;
	[tilespmem:$0x1FA40] =	vst v0;
	v0 =	vld [tilespmem:$0x1FE40]  }
0x5a0: {  	v52 =	vadd.f32 v20, v52;
	v17 =	vmul.f32 v17, v3;
	v49 =	vadd.f32 v49, v25;
	v25 =	vld [tilespmem:$0x1FE50]  }
0x5a1: {  	v20 =	vadd.f32 v21, v7;
	v7 =	vld [tilespmem:$0x1FE90];
	[tilespmem:$0x1F990] =	vst v12;
	v12 =	vadd.s32 v46, v59;
	v15 =	vadd.f32 $2.000000030e-01, v15  }
0x5a2: {  	v9 =	vadd.f32 v17, v9;
	v17 =	vadd.s32 v61, v59;
	v33 =	vld.idx.msk [tilespmem:v54+s14+$0x0], $0xffff;
	v54 =	vadd.s32 v55, v59  }
0x5a3: {  	[tilespmem:$0x1F9B0] =	vst v17;
	v13 =	vadd.s32 v10, v58;
	v10 =	vor.u32 v10, v57;
	v2 =	vld [tilespmem:$0x1FE80];
	v15 =	vmul.f32 v15, v36  }
0x5a4: {  	v17 =	vld.idx.msk [tilespmem:v35+s14+$0x0], $0xffff;
	[tilespmem:$0x1F9E0] =	vst v10;
	v10 =	vmul.f32 v5, v62;
	v1 =	vadd.s32 v0, v59  }
0x5a5: {  	v29 =	vadd.s32 v0, v58;
	v46 =	vadd.f32 $3.333333430e-01, v15;
	v5 =	vmovc v0;
	v0 =	vadd.s32 v25, v59;
	[tilespmem:$0x1FA50] =	vst v1  }
0x5a6: {  	v22 =	vld.idx.msk [tilespmem:v34+s14+$0x0], $0xffff;
	v34 =	vimm.s32 $0xFFFFFF69;
	[tilespmem:$0x1FA60] =	vst v0;
	v0 =	vadd.s32 v7, v59  }
0x5a7: {  	v27 =	vld.idx.msk [tilespmem:v54+s14+$0x0], $0xffff;
	v1 =	vshra.s32 v48, $0x17;
	[tilespmem:$0x1FA70] =	vst v0;
	v0 =	vsel vm0, $0xFFFFFF6A, v34;
	v54 =	vmul.f32 v46, v36  }
0x5a8: {  	v35 =	vld.idx.msk [tilespmem:v56+s14+$0x0], $0xffff;
	v61 =	vadd.s32 v2, v58;
	v56 =	vadd.s32 v2, v59;
	v0 =	vadd.s32 v1, v0  }
0x5a9: {  	v15 =	vmovc v2;
	v1 =	vadd.f32 v53, v53;
	v2 =	vadd.f32 $1.000000000e+00, v54;
	v0 =	vcvt.s32.f32 v0;
	_ =	sdelay $0x1  }
0x5aa: {  	v0 =	vmul.f32 $6.931471820e-01, v0;
	v1 =	vmul.f32 v2, v1  }
0x5ab: {  	v26 =	vld.idx.msk [tilespmem:v26+s14+$0x0], $0xffff  }
0x5ac: {  	v0 =	vadd.f32 v1, v0;
	v1 =	vld [tilespmem:$0x1F960]  }
0x5ad: {  	v41 =	vadd.s32 v55, v58;
	v55 =	vld.idx.msk [tilespmem:v28+s14+$0x0], $0xffff  }
0x5ae: {  	[tilespmem:$0x1F9D0] =	vst v12;
	v12 =	vmul.f32 v6, v62;
	v6 =	vld [tilespmem:$0x1F910]  }
0x5af: {  	v28 =	vadd.s32 v8, v58;
	v32 =	vadd.s32 v8, v59;
	v8 =	vld.idx.msk [tilespmem:v51+s14+$0x0], $0xffff;
	_ =	sdelay $0x1  }
0x5b0: {  	v19 =	vld.idx.msk [tilespmem:v19+s14+$0x0], $0xffff  }
0x5b1: {  	s0 =	smov.u32 s30;
	s30 =	smov.u32 s31;
	s31 =	sadd.s32 $0x40, s31;
	v21 =	vmul.f32 v26, v4;
	v26 =	vld [tilespmem:$0x1FE60];
	v55 =	vmul.f32 v55, v4  }
0x5b2: {  	[tilespmem:s31+$0x10] =	vst v0;
	v0 =	vld [tilespmem:$0x1F940]  }
0x5b3: {  	v8 =	vadd.f32 v55, v8;
	v55 =	vld.idx.msk [tilespmem:v1+s14+$0x0], $0xffff  }
0x5b4: {  	v1 =	vld [tilespmem:$0x1F970]  }
0x5b5: {  	v19 =	vmul.f32 v19, v3;
	v6 =	vld.idx.msk [tilespmem:v6+s14+$0x0], $0xffff;
	_ =	sdelay $0x1  }
0x5b6: {  	v50 =	vadd.f32 v19, v50;
	v11 =	vmul.f32 v11, v62;
	v19 =	vmul.f32 v33, v3;
	v60 =	vld.idx.msk [tilespmem:v60+s14+$0x0], $0xffff  }
0x5b7: {  	v33 =	vadd.s32 v7, v58;
	v54 =	vor.u32 v5, v57;
	v5 =	vor.u32 v25, v57  }
0x5b8: {  	v51 =	vadd.s32 v26, v58;
	v48 =	vadd.s32 v26, v59;
	[tilespmem:$0x1FAA0] =	vst v5;
	v5 =	vor.u32 v7, v57  }
0x5b9: {  	v7 =	vor.u32 v26, v57;
	v26 =	vadd.f32 v12, v6;
	v12 =	vmul.f32 v22, v3;
	v22 =	vld.idx.msk [tilespmem:v0+s14+$0x0], $0xffff  }
0x5ba: {  	v0 =	vld [tilespmem:$0x1F950]  }
0x5bb: {  	v11 =	vadd.f32 v11, v60;
	v60 =	vmul.f32 v17, v4;
	v17 =	vld.idx.msk [tilespmem:v1+s14+$0x0], $0xffff  }
0x5bc: {  	v1 =	vld [tilespmem:$0x1F980]  }
0x5bd: {  	v45 =	vld.idx.msk [tilespmem:v45+s14+$0x0], $0xffff  }
0x5be: {  	v63 =	vld [tilespmem:s29+$0x0]  }
0x5bf: {  	v23 =	vld.idx.msk [tilespmem:v23+s14+$0x0], $0xffff  }
0x5c0: {  	v31 =	vld.idx.msk [tilespmem:v31+s14+$0x0], $0xffff  }
0x5c1: {  	v34 =	vld [tilespmem:$0x1FEA0]  }
0x5c2: {  	v21 =	vadd.f32 v21, v45;
	v45 =	vld.idx.msk [tilespmem:v0+s14+$0x0], $0xffff  }
0x5c3: {  	v0 =	vld [tilespmem:$0x1FEE0]  }
0x5c4: {  	[tilespmem:$0x1FA90] =	vst v56;
	v56 =	vld.idx.msk [tilespmem:v1+s14+$0x0], $0xffff  }
0x5c5: {  	v1 =	vld [tilespmem:$0x1FEB0]  }
0x5c6: {  	[tilespmem:$0x1FAB0] =	vst v5;
	v5 =	vld [tilespmem:$0x1F920]  }
0x5c7: {  	v39 =	vld.idx.msk [tilespmem:v39+s14+$0x0], $0xffff  }
0x5c8: {  	v38 =	vld.idx.msk [tilespmem:v38+s14+$0x0], $0xffff  }
0x5c9: {  	v14 =	vld.idx.msk [tilespmem:v14+s14+$0x0], $0xffff  }
0x5ca: {  	v37 =	vld.idx.msk [tilespmem:v37+s14+$0x0], $0xffff;
	v36 =	vor.u32 v0, v57;
	v0 =	vor.u32 v1, v57  }
0x5cb: {  	v44 =	vld.idx.msk [tilespmem:v44+s14+$0x0], $0xffff;
	[tilespmem:$0x1FB20] =	vst v0;
	v0 =	vor.u32 v34, v57  }
0x5cc: {  	[tilespmem:$0x1FB30] =	vst v0;
	v0 =	vld [tilespmem:$0x1F990]  }
0x5cd: {  	v40 =	vld.idx.msk [tilespmem:v40+s14+$0x0], $0xffff  }
0x5ce: {  	v14 =	vmul.f32 v14, v62;
	v5 =	vld.idx.msk [tilespmem:v5+s14+$0x0], $0xffff  }
0x5cf: {  	v9 =	vmul.f32 v9, v3;
	v47 =	vmul.f32 v47, v4;
	v46 =	vld [tilespmem:$0x1FEF0]  }
0x5d0: {  	v14 =	vadd.f32 v14, v31;
	[tilespmem:$0x1FA80] =	vst v48;
	v48 =	vld [tilespmem:$0x1FEC0];
	v2 =	vor.u32 v15, v57  }
0x5d1: {  	v15 =	vld.idx.msk [tilespmem:v13+s14+$0x0], $0xffff;
	v13 =	vadd.f32 v9, v37;
	v37 =	vadd.f32 v47, v44;
	v47 =	vmul.f32 v49, v4  }
0x5d2: {  	v16 =	vld.idx.msk [tilespmem:v16+s14+$0x0], $0xffff;
	v31 =	vadd.s32 v25, v58  }
0x5d3: {  	v25 =	vmul.f32 v14, v62;
	v9 =	vadd.f32 v10, v5;
	v17 =	vadd.f32 v47, v17;
	v47 =	vld [tilespmem:$0x1F9F0]  }
0x5d4: {  	v10 =	vmul.f32 v39, v3;
	v39 =	vadd.s32 v34, v59;
	v34 =	vld.idx.msk [tilespmem:v0+s14+$0x0], $0xffff;
	v0 =	vor.u32 v46, v57  }
0x5d5: {  	v14 =	vmul.f32 v23, v62;
	v23 =	vmul.f32 v8, v4;
	v8 =	vld [tilespmem:$0x1FA10];
	[tilespmem:$0x1FB40] =	vst v0;
	v0 =	vor.u32 v48, v57  }
0x5d6: {  	[tilespmem:$0x1FB50] =	vst v0;
	v0 =	vld [tilespmem:$0x1F9B0]  }
0x5d7: {  	v28 =	vld.idx.msk [tilespmem:v28+s14+$0x0], $0xffff  }
0x5d8: {  	v32 =	vld.idx.msk [tilespmem:v32+s14+$0x0], $0xffff  }
0x5d9: {  	v41 =	vld.idx.msk [tilespmem:v41+s14+$0x0], $0xffff  }
0x5da: {  	v19 =	vadd.f32 v19, v38;
	v38 =	vmul.f32 v50, v3;
	v50 =	vld.idx.msk [tilespmem:v30+s14+$0x0], $0xffff  }
0x5db: {  	v49 =	vmul.f32 v52, v4;
	[tilespmem:$0x1FAD0] =	vst v2;
	v2 =	vld [tilespmem:$0x1F9A0]  }
0x5dc: {  	v16 =	vmul.f32 v16, v3;
	v38 =	vadd.f32 v38, v28;
	v28 =	vld.idx.msk [tilespmem:v47+s14+$0x0], $0xffff  }
0x5dd: {  	v47 =	vadd.f32 v49, v32;
	v49 =	vld.idx.msk [tilespmem:v8+s14+$0x0], $0xffff  }
0x5de: {  	v16 =	vadd.f32 v16, v40;
	v40 =	vadd.s32 v1, v59;
	v1 =	vld.idx.msk [tilespmem:v0+s14+$0x0], $0xffff  }
0x5df: {  	v0 =	vld [tilespmem:$0x1F9D0]  }
0x5e0: {  	v52 =	vmul.f32 v41, v3;
	v41 =	vadd.s32 v46, v58;
	v30 =	vadd.s32 v46, v59;
	v46 =	vld [tilespmem:$0x1FF10]  }
0x5e1: {  	v20 =	vmul.f32 v20, v62  }
0x5e2: {  	v24 =	vld.idx.msk [tilespmem:v24+s14+$0x0], $0xffff;
	v44 =	vmul.f32 v42, v3;
	v37 =	vmul.f32 v37, v63  }
0x5e3: {  	v18 =	vld.idx.msk [tilespmem:v18+s14+$0x0], $0xffff;
	v13 =	vmul.f32 v13, v2;
	v50 =	vadd.f32 v10, v50;
	v10 =	vmul.f32 v22, v3  }
0x5e4: {  	v22 =	vld.idx.msk [tilespmem:v29+s14+$0x0], $0xffff;
	v17 =	vadd.f32 v37, v17;
	v37 =	vmul.f32 v38, v2;
	v20 =	vadd.f32 v20, v28  }
0x5e5: {  	v49 =	vadd.f32 v25, v49;
	v28 =	vadd.s32 v46, v59;
	v25 =	vor.u32 v46, v57;
	v46 =	vmovc v2;
	v2 =	vld [tilespmem:$0x1FA60]  }
0x5e6: {  	v8 =	vld [tilespmem:$0x1FA20]  }
0x5e7: {  	v44 =	vadd.f32 v44, v24;
	v24 =	vld.idx.msk [tilespmem:v0+s14+$0x0], $0xffff  }
0x5e8: {  	v0 =	vld [tilespmem:$0x1F9E0];
	_ =	sdelay $0x2  }
0x5e9: {  	v18 =	vmul.f32 v18, v3  }
0x5ea: {  	v43 =	vld.idx.msk [tilespmem:v43+s14+$0x0], $0xffff  }
0x5eb: {  	v18 =	vadd.f32 v18, v22;
	v22 =	vld.idx.msk [tilespmem:v2+s14+$0x0], $0xffff  }
0x5ec: {  	v2 =	vld [tilespmem:$0x1FA70]  }
0x5ed: {  	v45 =	vadd.f32 v52, v45;
	v52 =	vld.idx.msk [tilespmem:v8+s14+$0x0], $0xffff  }
0x5ee: {  	v6 =	vmul.f32 v27, v4;
	v0 =	vld.idx.msk [tilespmem:v0+s14+$0x0], $0xffff  }
0x5ef: {  	v27 =	vmul.f32 v9, v62;
	v9 =	vmul.f32 v1, v4;
	v1 =	vld.idx.msk [tilespmem:v31+s14+$0x0], $0xffff  }
0x5f0: {  	v8 =	vld [tilespmem:$0x1FA30]  }
0x5f1: {  	v35 =	vmul.f32 v35, v62;
	[tilespmem:$0x1FAC0] =	vst v7;
	v7 =	vld [tilespmem:$0x1F930]  }
0x5f2: {  	v19 =	vmul.f32 v19, v3  }
0x5f3: {  	v35 =	vadd.f32 v35, v0;
	v0 =	vld [tilespmem:$0x1FA40]  }
0x5f4: {  	v1 =	vadd.f32 v19, v1;
	v19 =	vmul.f32 v50, v3;
	v50 =	vld.idx.msk [tilespmem:v2+s14+$0x0], $0xffff  }
0x5f5: {  	v2 =	vld [tilespmem:$0x1FA80]  }
0x5f6: {  	v43 =	vmul.f32 v43, v4;
	v5 =	vld [tilespmem:$0x1F9C0];
	_ =	sdelay $0x1  }
0x5f7: {  	v43 =	vadd.f32 v43, v55;
	v55 =	vadd.f32 v60, v34;
	v60 =	vld.idx.msk [tilespmem:v8+s14+$0x0], $0xffff  }
0x5f8: {  	v7 =	vld.idx.msk [tilespmem:v7+s14+$0x0], $0xffff;
	_ =	sdelay $0x1  }
0x5f9: {  	v11 =	vmul.f32 v11, v5;
	v0 =	vld.idx.msk [tilespmem:v0+s14+$0x0], $0xffff;
	_ =	sdelay $0x1  }
0x5fa: {  	v11 =	vadd.f32 v11, v20;
	v20 =	vmul.f32 v60, v62;
	v60 =	vld.idx.msk [tilespmem:v2+s14+$0x0], $0xffff  }
0x5fb: {  	v7 =	vmul.f32 v7, v62;
	v2 =	vld [tilespmem:$0x1FA90];
	_ =	sdelay $0x1  }
0x5fc: {  	v7 =	vadd.f32 v7, v0;
	v0 =	vld [tilespmem:$0x1FA50]  }
0x5fd: {  	v33 =	vld.idx.msk [tilespmem:v33+s14+$0x0], $0xffff  }
0x5fe: {  	v54 =	vld.idx.msk [tilespmem:v54+s14+$0x0], $0xffff  }
0x5ff: {  	v15 =	vadd.f32 v12, v15;
	v12 =	vld [tilespmem:$0x1FA00]  }
0x600: {  	v41 =	vld.idx.msk [tilespmem:v41+s14+$0x0], $0xffff  }
0x601: {  	v42 =	vadd.s32 v48, v58;
	v13 =	vadd.f32 v13, v44;
	v44 =	vld.idx.msk [tilespmem:v61+s14+$0x0], $0xffff  }
0x602: {  	v61 =	vld.idx.msk [tilespmem:v2+s14+$0x0], $0xffff  }
0x603: {  	v6 =	vadd.f32 v6, v24;
	v2 =	vld [tilespmem:$0x1FAA0]  }
0x604: {  	v38 =	vld.idx.msk [tilespmem:v0+s14+$0x0], $0xffff  }
0x605: {  	v49 =	vmul.f32 v49, v5;
	v0 =	vmov v5;
	v5 =	vmul.f32 v6, v4;
	v6 =	vld [tilespmem:$0x1FAB0]  }
0x606: {  	v42 =	vld.idx.msk [tilespmem:v42+s14+$0x0], $0xffff  }
0x607: {  	v12 =	vld.idx.msk [tilespmem:v12+s14+$0x0], $0xffff  }
0x608: {  	v36 =	vld.idx.msk [tilespmem:v36+s14+$0x0], $0xffff  }
0x609: {  	v53 =	vadd.s32 v48, v59;
	v48 =	vld [tilespmem:$0x1FF00]  }
0x60a: {  	v8 =	vmul.f32 v56, v4;
	v56 =	vld [tilespmem:$0x1FF20]  }
0x60b: {  	v31 =	vld.idx.msk [tilespmem:v51+s14+$0x0], $0xffff  }
0x60c: {  	v10 =	vadd.f32 v10, v44;
	v44 =	vld.idx.msk [tilespmem:v2+s14+$0x0], $0xffff  }
0x60d: {  	v2 =	vadd.f32 v8, v38;
	v38 =	vld.idx.msk [tilespmem:v6+s14+$0x0], $0xffff  }
0x60e: {  	v6 =	vld [tilespmem:$0x1FAC0]  }
0x60f: {  	v29 =	vadd.s32 v48, v59;
	v51 =	vmul.f32 v15, v3;
	v15 =	vld [tilespmem:$0x1FF30]  }
0x610: {  	v40 =	vld.idx.msk [tilespmem:v40+s14+$0x0], $0xffff;
	v34 =	vadd.s32 v48, v58;
	v48 =	vor.u32 v48, v57  }
0x611: {  	[tilespmem:$0x1FB70] =	vst v48;
	v48 =	vld [tilespmem:$0x1FB00]  }
0x612: {  	v16 =	vmul.f32 v16, v3;
	v28 =	vld.idx.msk [tilespmem:v28+s14+$0x0], $0xffff  }
0x613: {  	v21 =	vmul.f32 v21, v4;
	v25 =	vld.idx.msk [tilespmem:v25+s14+$0x0], $0xffff;
	v32 =	vadd.s32 v56, v58  }
0x614: {  	v14 =	vadd.f32 v14, v52;
	v29 =	vld.idx.msk [tilespmem:v29+s14+$0x0], $0xffff;
	v31 =	vadd.f32 v16, v31;
	v16 =	vadd.s32 v15, v59  }
0x615: {  	v52 =	vadd.s32 v15, v58;
	v15 =	vor.u32 v15, v57;
	v8 =	vadd.f32 v23, v60;
	v60 =	vld [tilespmem:$0x1FAE0]  }
0x616: {  	v21 =	vadd.f32 v21, v22;
	v22 =	vld.idx.msk [tilespmem:v6+s14+$0x0], $0xffff  }
0x617: {  	v6 =	vld [tilespmem:$0x1FAD0]  }
0x618: {  	v32 =	vld.idx.msk [tilespmem:v32+s14+$0x0], $0xffff  }
0x619: {  	v26 =	vmul.f32 v26, v62;
	v12 =	vmul.f32 v12, v62;
	v16 =	vld.idx.msk [tilespmem:v16+s14+$0x0], $0xffff  }
0x61a: {  	v33 =	vmul.f32 v33, v3;
	v47 =	vmul.f32 v47, v63;
	v15 =	vld.idx.msk [tilespmem:v15+s14+$0x0], $0xffff  }
0x61b: {  	v41 =	vmul.f32 v41, v3;
	v12 =	vadd.f32 v12, v54;
	v26 =	vadd.f32 v26, v44;
	v44 =	vld.idx.msk [tilespmem:v48+s14+$0x0], $0xffff  }
0x61c: {  	v13 =	vmul.f32 v13, v46;
	v21 =	vadd.f32 v47, v21;
	v23 =	vld [tilespmem:$0x1FAF0];
	v47 =	vadd.f32 v51, v60  }
0x61d: {  	v43 =	vmul.f32 v43, v4;
	v10 =	vmul.f32 v10, v3;
	v51 =	vld [tilespmem:$0x1FB10]  }
0x61e: {  	v12 =	vmul.f32 v12, v62;
	v18 =	vmul.f32 v18, v3;
	v13 =	vadd.f32 v13, v47;
	v47 =	vld [tilespmem:$0x1FB40]  }
0x61f: {  	v1 =	vadd.f32 v37, v1;
	v37 =	vmul.f32 v50, v4;
	v54 =	vadd.f32 v27, v22;
	v50 =	vld.idx.msk [tilespmem:v6+s14+$0x0], $0xffff  }
0x620: {  	v45 =	vmul.f32 v45, v3;
	v17 =	vmul.f32 v17, v63;
	v6 =	vadd.f32 v9, v61;
	v61 =	vld [tilespmem:$0x1FF40]  }
0x621: {  	v35 =	vmul.f32 v35, v62;
	v9 =	vmul.f32 v54, v0;
	v54 =	vld [tilespmem:$0x1FB20]  }
0x622: {  	v42 =	vadd.f32 v45, v42;
	v14 =	vmul.f32 v14, v62;
	v19 =	vadd.f32 v19, v23;
	v22 =	vld.idx.msk [tilespmem:v39+s14+$0x0], $0xffff  }
0x623: {  	v55 =	vmul.f32 v55, v4;
	v23 =	vadd.f32 v49, v26;
	v26 =	vadd.f32 v35, v36;
	v36 =	vld [tilespmem:$0x1FB60]  }
0x624: {  	v10 =	vadd.f32 v10, v32;
	v31 =	vmul.f32 v31, v46;
	v27 =	vld.idx.msk [tilespmem:v30+s14+$0x0], $0xffff;
	v20 =	vadd.f32 v20, v50  }
0x625: {  	v39 =	vadd.s32 v61, v58;
	v45 =	vadd.s32 v61, v59;
	v50 =	vor.u32 v61, v57;
	v61 =	vld [tilespmem:$0x1FB30]  }
0x626: {  	v21 =	vmul.f32 v21, v63;
	v24 =	vadd.s32 v56, v59;
	v43 =	vadd.f32 v43, v44;
	v30 =	vld.idx.msk [tilespmem:v53+s14+$0x0], $0xffff  }
0x627: {  	v56 =	vor.u32 v56, v57;
	v2 =	vmul.f32 v2, v4;
	v22 =	vadd.f32 v55, v22;
	v55 =	vld [tilespmem:$0x1FB50]  }
0x628: {  	v7 =	vmul.f32 v7, v62;
	v11 =	vmul.f32 v11, v0;
	v17 =	vadd.f32 v17, v43;
	v60 =	vmovc v46;
	v46 =	vld [tilespmem:$0x1FF50]  }
0x629: {  	v8 =	vmul.f32 v8, v63;
	v2 =	vadd.f32 v2, v29;
	v33 =	vadd.f32 v33, v51;
	v51 =	vld.idx.msk [tilespmem:v54+s14+$0x0], $0xffff  }
0x62a: {  	v37 =	vadd.f32 v37, v40;
	v17 =	vmul.f32 v17, v17;
	v1 =	vmul.f32 v1, v60;
	v48 =	vld.idx.msk [tilespmem:v47+s14+$0x0], $0xffff  }
0x62b: {  	v2 =	vadd.f32 v21, v2;
	v23 =	vmul.f32 v23, v0;
	v11 =	vadd.f32 v11, v26;
	v47 =	vld [tilespmem:$0x1FF60]  }
0x62c: {  	v38 =	vmul.f32 v38, v62;
	v5 =	vadd.f32 v5, v30;
	v30 =	vmul.f32 v33, v3;
	v33 =	vld.idx.msk [tilespmem:v36+s14+$0x0], $0xffff  }
0x62d: {  	v2 =	vmul.f32 v2, v2;
	v13 =	vmul.f32 v13, v13;
	v49 =	vadd.s32 v46, v58;
	v53 =	vld.idx.msk [tilespmem:v61+s14+$0x0], $0xffff  }
0x62e: {  	v44 =	vadd.s32 v46, v59;
	v54 =	vor.u32 v46, v57;
	v46 =	vadd.f32 v38, v51;
	v51 =	vld [tilespmem:$0x1FB70]  }
0x62f: {  	v19 =	vadd.f32 v31, v19;
	v11 =	vmul.f32 v11, v11;
	v48 =	vmul.f32 v48, v62;
	v43 =	vld.idx.msk [tilespmem:v55+s14+$0x0], $0xffff  }
0x630: {  	v40 =	vor.u32 v47, v57;
	v6 =	vmul.f32 v6, v4;
	v8 =	vadd.f32 v8, v22;
	v61 =	vld.idx.msk [tilespmem:v34+s14+$0x0], $0xffff  }
0x631: {  	v27 =	vmul.f32 v27, v4;
	v36 =	vmul.f32 v37, v4;
	v55 =	vadd.f32 v41, v33;
	v33 =	vld [tilespmem:$0x1FF70]  }
0x632: {  	v32 =	vmovc v0;
	v5 =	vmul.f32 v5, v63;
	v22 =	vadd.s32 v47, v58;
	v8 =	vmul.f32 v8, v63  }
0x633: {  	v20 =	vmul.f32 v20, v62;
	v50 =	vld.idx.msk [tilespmem:v50+s14+$0x0], $0xffff;
	v3 =	vmul.f32 v55, v3;
	v14 =	vadd.f32 v14, v53  }
0x634: {  	v34 =	vmul.f32 v42, v60;
	v35 =	vmul.f32 v46, v62;
	v7 =	vadd.f32 v7, v43;
	v46 =	vld.idx.msk [tilespmem:v49+s14+$0x0], $0xffff  }
0x635: {  	v38 =	vadd.s32 v47, v59;
	v18 =	vadd.f32 v18, v61;
	v9 =	vadd.f32 v9, v14;
	v14 =	vld.idx.msk [tilespmem:v24+s14+$0x0], $0xffff  }
0x636: {  	v10 =	vadd.f32 v34, v10;
	v34 =	vadd.s32 v33, v58;
	v43 =	vadd.f32 v48, v25;
	v24 =	vld.idx.msk [tilespmem:v51+s14+$0x0], $0xffff  }
0x637: {  	v47 =	vld.idx.msk [tilespmem:v45+s14+$0x0], $0xffff;
	v1 =	vadd.f32 v1, v18;
	v18 =	vmul.f32 v19, v60;
	v19 =	vadd.f32 v27, v28  }
0x638: {  	v11 =	vmul.f32 v11, v50;
	v7 =	vmul.f32 v7, v0;
	v15 =	vadd.f32 v35, v15;
	v61 =	vld.idx.msk [tilespmem:v56+s14+$0x0], $0xffff  }
0x639: {  	v9 =	vmul.f32 v9, v0;
	v0 =	vld.idx.msk [tilespmem:v52+s14+$0x0], $0xffff;
	v4 =	vmul.f32 v19, v4;
	v19 =	vor.u32 v33, v57  }
0x63a: {  	v41 =	vadd.s32 v33, v59;
	v11 =	vadd.f32 $0.0e+00, v11;
	v51 =	vld [tilespmem:$0x1FC90];
	v6 =	vadd.f32 v6, v14  }
0x63b: {  	v48 =	vmul.f32 v43, v62;
	v3 =	vadd.f32 v3, v46;
	v14 =	vld.idx.msk [tilespmem:v39+s14+$0x0], $0xffff;
	v12 =	vadd.f32 v12, v24  }
0x63c: {  	v49 =	vld.idx.msk [tilespmem:v44+s14+$0x0], $0xffff;
	v17 =	vmul.f32 v17, v47;
	v9 =	vadd.f32 v9, v15;
	v5 =	vadd.f32 v5, v6  }
0x63d: {  	v10 =	vmul.f32 v10, v60;
	v15 =	vld.idx.msk [tilespmem:v40+s14+$0x0], $0xffff;
	v6 =	vadd.f32 v23, v12;
	v12 =	vadd.f32 v20, v61  }
0x63e: {  	v53 =	vimm.s32 $0xFFFFFF69;
	v17 =	vadd.f32 $0.0e+00, v17;
	v0 =	vadd.f32 v30, v0;
	v19 =	vld.idx.msk [tilespmem:v19+s14+$0x0], $0xffff  }
0x63f: {  	v52 =	vadd.s32 v51, v59;
	v7 =	vadd.f32 v7, v12;
	v12 =	vadd.f32 v36, v16;
	v16 =	vld.idx.msk [tilespmem:v54+s14+$0x0], $0xffff  }
0x640: {  	v0 =	vadd.f32 v18, v0;
	v18 =	vadd.s32 v51, v58;
	v13 =	vmul.f32 v13, v14;
	v14 =	vld.idx.msk [tilespmem:v22+s14+$0x0], $0xffff  }
0x641: {  	v1 =	vmul.f32 v1, v1;
	v3 =	vadd.f32 v10, v3;
	v4 =	vadd.f32 v4, v49;
	v54 =	vld.idx.msk [tilespmem:v34+s14+$0x0], $0xffff  }
0x642: {  	v5 =	vmul.f32 v5, v63;
	v6 =	vmul.f32 v6, v6;
	v8 =	vadd.f32 v8, v12;
	v12 =	vld.idx.msk [tilespmem:v38+s14+$0x0], $0xffff  }
0x643: {  	v21 =	vld.idx.msk [tilespmem:v41+s14+$0x0], $0xffff;
	v3 =	vmul.f32 v3, v3;
	v9 =	vmul.f32 v9, v9;
	v22 =	vor.u32 v51, v57  }
0x644: {  	v0 =	vmul.f32 v0, v0;
	v4 =	vadd.f32 v5, v4;
	v5 =	vmul.f32 v6, v15;
	v6 =	vld.idx.msk [tilespmem:v52+s14+$0x0], $0xffff  }
0x645: {  	v7 =	vmul.f32 v7, v32;
	v13 =	vadd.f32 $0.0e+00, v13;
	v55 =	vld.idx.msk [tilespmem:v18+s14+$0x0], $0xffff;
	v1 =	vmul.f32 v1, v14  }
0x646: {  	v9 =	vmul.f32 v9, v19;
	v8 =	vmul.f32 v8, v8;
	v18 =	vld [tilespmem:$0x1FB90];
	v16 =	vadd.f32 v48, v16  }
0x647: {  	v0 =	vmul.f32 v0, v54;
	v2 =	vmul.f32 v2, v12;
	v1 =	vadd.f32 v1, v13;
	v13 =	vld [tilespmem:$0x1FBA0]  }
0x648: {  	v4 =	vmul.f32 v4, v4;
	v5 =	vadd.f32 v5, v11;
	v7 =	vadd.f32 v7, v16;
	v12 =	vld.idx.msk [tilespmem:v22+s14+$0x0], $0xffff  }
0x649: {  	v8 =	vmul.f32 v8, v21;
	v2 =	vadd.f32 v2, v17;
	v0 =	vadd.f32 v0, v1;
	v1 =	vld [tilespmem:$0x1FB80]  }
0x64a: {  	v5 =	vadd.f32 v9, v5;
	v4 =	vmul.f32 v4, v6;
	v3 =	vmul.f32 v3, v55  }
0x64b: {  	v7 =	vmul.f32 v7, v7;
	v2 =	vadd.f32 v8, v2;
	v8 =	vmul.f32 v18, v18  }
0x64c: {  	v3 =	vadd.f32 v3, v0;
	v56 =	vmul.f32 v13, v13;
	v58 =	vadd.f32 v13, v13  }
0x64d: {  	v7 =	vmul.f32 v7, v12;
	v12 =	vmul.f32 $1.428571490e-01, v8;
	v2 =	vadd.f32 v4, v2  }
0x64e: {  	v3 =	vmax.f32 v3, $9.999999350e-39;
	v1 =	vmul.f32 v1, v1;
	v6 =	vmul.f32 $1.428571490e-01, v56  }
0x64f: {  	v5 =	vadd.f32 v7, v5;
	v3 =	vmul.f32 $1.677721600e+07, v3;
	v2 =	vmax.f32 v2, $9.999999350e-39  }
0x650: {  	v7 =	vadd.f32 $2.000000030e-01, v12;
	v57 =	vmul.f32 $1.428571490e-01, v1;
	v6 =	vadd.f32 $2.000000030e-01, v6  }
0x651: {  	v5 =	vmax.f32 v5, $9.999999350e-39;
	v2 =	vmul.f32 $1.677721600e+07, v2;
	v59 =	vand.u32 $0x7FFFFF, v3  }
0x652: {  	v5 =	vmul.f32 $1.677721600e+07, v5;
	v12 =	vmul.f32 v6, v56;
	v6 =	vor.u32 $0x3F800000, v59  }
0x653: {  	v4 =	vadd.f32 $2.000000030e-01, v57;
	v60 =	vand.u32 $0x7FFFFF, v2;
	v14 =	vmul.f32 $5.000000000e-01, v6  }
0x654: {  	v13 =	vand.u32 $0x7FFFFF, v5;
	v9 =	vor.u32 $0x3F800000, v60;
	vm15 =	vgt.f32 v6, $1.500000000e+00  }
0x655: {  	v5 =	vshra.s32 v5, $0x17;
	v15 =	vmul.f32 $5.000000000e-01, v9;
	v6 =	vsel vm15, v14, v6  }
0x656: {  	v13 =	vor.u32 $0x3F800000, v13;
	vm2 =	vgt.f32 v9, $1.500000000e+00;
	v14 =	vadd.f32 $1.000000000e+00, v6  }
0x657: {  	v4 =	vmul.f32 v4, v1;
	vm1 =	vgt.f32 v13, $1.500000000e+00;
	v9 =	vsel vm2, v15, v9  }
0x658: {  	v15 =	vadd.f32 $1.000000000e+00, v9;
	(erf) = vrcp.f32 v14;
	v14 =	vsel vm1, $0xFFFFFF6A, v53  }
0x659: {  	v4 =	vadd.f32 $3.333333430e-01, v4;
	v5 =	vadd.s32 v5, v14  }
0x65a: {  	(erf) = vrcp.f32 v15;
	v15 =	vcvt.s32.f32 v5;
	v5 =	vld [tilespmem:$0x1FBC0]  }
0x65b: {  	v4 =	vmul.f32 v4, v1;
	_ =	sdelay $0x1  }
0x65c: {  	v4 =	vadd.f32 $1.000000000e+00, v4  }
0x65d: {  	v63 =	vld [tilespmem:$0x1FBE0]  }
0x65e: {  	v7 =	vmul.f32 v7, v8;
	v5 =	vmul.f32 v4, v5;
	v4 =	vld [tilespmem:$0x1FBD0];
	_ =	sdelay $0x1  }
0x65f: {  	v7 =	vadd.f32 $3.333333430e-01, v7  }
0x660: {  	v61 =	vadd.f32 $3.333333430e-01, v12;
	v16 =	vmul.f32 $5.000000000e-01, v13  }
0x661: {  	v7 =	vmul.f32 v7, v8  }
0x662: {  	v8 =	vmul.f32 v61, v56;
	v13 =	vsel vm1, v16, v13;
	v11 =	vadd.f32 v63, v4;
	v4 =	vld [tilespmem:$0x1FBF0]  }
0x663: {  	v16 =	vadd.f32 $1.000000000e+00, v13  }
0x664: {  	v1 =	vadd.f32 $-1.000000000e+00, v13;
	v13 =	vsel vm2, $0xFFFFFF6A, v53;
	v8 =	vadd.f32 $1.000000000e+00, v8;
	_ =	sdelay $0x1  }
0x665: {  	v2 =	vshra.s32 v2, $0x17;
	v14 =	vmul.f32 v8, v58;
	v8 =	vld [tilespmem:$0x1FC10]  }
0x666: {  	v2 =	vadd.s32 v2, v13;
	v13 =	vmov v4;
	v4 =	vld [tilespmem:$0x1FC00];
	_ =	sdelay $0x1  }
0x667: {  	v0 =	vld [tilespmem:$0x1FBB0];
	_ =	sdelay $0x1  }
0x668: {  	s2 =	sadd.s32 $0x4, s2  }
0x669: {  	p0 =	slt.u32 s2, $0x7C;
	v4 =	vadd.f32 v8, v4;
	v8 =	vld [tilespmem:$0x1FC20]  }
.Ltmp1:
0x66a: {  	v62 =	vadd.f32 v18, v18;
	v3 =	vshra.s32 v3, $0x17;
	v12 =	vsel vm15, $0xFFFFFF6A, v53;
	(pc) =	sbr.rel @p0 .LBB2_5-.Ltmp1, $4  }
0x66b: {  	v0 =	vmul.f32 $6.931471820e-01, v0;
	v3 =	vadd.s32 v3, v12;
	v19 =	vadd.f32 $1.000000000e+00, v7  }
0x66c: {  	v17 =	vadd.f32 $-1.000000000e+00, v6;
	v3 =	vcvt.s32.f32 v3;
	(erf) = vrcp.f32 v16  }
0x66d: {  	v6 =	vadd.f32 $-1.000000000e+00, v9;
	v2 =	vcvt.s32.f32 v2;
	v16 =	vmul.f32 v19, v62;
	v12 =	vpop (erf)  }
0x66e: {  	s5 =	sadd.s32 $0x40, s5;
	v17 =	vmul.f32 v12, v17;
	v7 =	vpop (erf);
	v12 =	vmul.f32 $6.931471820e-01, v3;
	[tilespmem:s0+$0x0] =	vst v11;
	v5 =	vadd.f32 v5, v8  }
0x66f: {  	_ =	sdelay $0x4  }
0x670: {  	v6 =	vmul.f32 v7, v6  }
0x671: {  	v3 =	vpop (erf)  }
0x672: {  	v8 =	vmul.f32 v6, v6;
	v1 =	vmul.f32 v3, v1  }
0x673: {  	v3 =	vmul.f32 v17, v17  }
0x674: {  	v10 =	vmul.f32 $1.428571490e-01, v8;
	v61 =	vmul.f32 v1, v1  }
0x675: {  	v9 =	vmul.f32 $1.428571490e-01, v3  }
0x676: {  	v10 =	vadd.f32 $2.000000030e-01, v10;
	v11 =	vmul.f32 $1.428571490e-01, v61  }
0x677: {  	v9 =	vadd.f32 $2.000000030e-01, v9  }
0x678: {  	v10 =	vmul.f32 v10, v8;
	v11 =	vadd.f32 $2.000000030e-01, v11  }
0x679: {  	v9 =	vmul.f32 v9, v3  }
0x67a: {  	v10 =	vadd.f32 $3.333333430e-01, v10;
	v11 =	vmul.f32 v11, v61  }
0x67b: {  	v9 =	vadd.f32 $3.333333430e-01, v9  }
0x67c: {  	v8 =	vmul.f32 v10, v8;
	v11 =	vadd.f32 $3.333333430e-01, v11  }
0x67d: {  	v0 =	vadd.f32 v16, v0;
	v3 =	vmul.f32 v9, v3  }
0x67e: {  	v6 =	vadd.f32 v6, v6;
	v8 =	vadd.f32 $1.000000000e+00, v8;
	v7 =	vmul.f32 v11, v61  }
0x67f: {  	v2 =	vmul.f32 $6.931471820e-01, v2;
	v62 =	vadd.f32 v17, v17;
	v3 =	vadd.f32 $1.000000000e+00, v3  }
0x680: {  	[tilespmem:s30+$0xFFFFFFF0] =	vst v5;
	v1 =	vadd.f32 v1, v1;
	v5 =	vmul.f32 v8, v6;
	v7 =	vadd.f32 $1.000000000e+00, v7  }
0x681: {  	[tilespmem:s0+$0xFFFFFFE0] =	vst v4;
	v4 =	vadd.f32 v14, v13;
	v3 =	vmul.f32 v3, v62  }
0x682: {  	v63 =	vmul.f32 $6.931471820e-01, v15;
	[tilespmem:s30+$0xFFFFFFE0] =	vst v0;
	v0 =	vadd.f32 v5, v2;
	v1 =	vmul.f32 v7, v1  }
0x683: {  	[tilespmem:s30+$0x0] =	vst v4;
	v3 =	vadd.f32 v3, v12  }
0x684: {  	s25 =	sadd.s32 $0x1, s25;
	[tilespmem:s31+$0x0] =	vst v0;
	v1 =	vadd.f32 v1, v63  }
0x685: {  	s1 =	rddreg [dreg:$0x1];
	p0 =	sne.s32 s25, s8;
	s30 =	sshrl.u32 s26, $0x3;
	[tilespmem:s31+$0xFFFFFFF0] =	vst v3  }
.Ltmp2:
0x686: {  	s0 =	sadd.s32 s1, s30;
	[tilespmem:s31+$0xFFFFFFE0] =	vst v1;
	(pc) =	sbr.rel @p0 .LBB2_2-.Ltmp2, $4  }
0x687: {  	[hbm4b:s0+s3] =	stream.linear.scatter [tilespmem:s24], [sflag:$0x2], $0x800, $0x38;
	[tilespmem:$0x1F000] =	vst v63  }
0x688: {  	_ =	swait.ge [sflag:s10], $0x800  }
0x689: {  	[sflag:s10] =	ssyncset.done $0x0;
	v3 =	vld [tilespmem:$0x1FFF0]  }
0x68a: {  	v42 =	vimm.s32 $0x7F8;
	v43 =	vimm.s32 $0x0;
	v44 =	vimm.s32 $0x7F9;
	[sflag:s10] =	ssyncadd.s32 $0xFFFFF800  }
0x68b: {  	s1 =	rddreg [dreg:$0x5]  }
0x68c: {  	s0 =	rddreg [dreg:$0x4];
	s1 =	sadd.s32 $0x1, s1  }
0x68d: {  	p0 =	sne.s32 s1, s0  }
.Ltmp3:
0x68e: {  	_ = 	snop;
	(pc) =	sbr.rel @p0 .LBB2_1-.Ltmp3, $1  }
0x68f: {  	_ =	sdelay $0x3  }
0x690: {  	_ =	sfence.sel $0x180000  }
0x691: {  	[bflag:$0x0] =	sbarrier.arrive $0xFFFF  }
0x692: {  	_ =	strace $0x9000004D  }
0x693: {  	s0 =	stileid.u32;
	[bflag:$0x2] =	sbarrier.arrive $0xFFFF  }
0x694: {  	p0 =	sne.s32 s0, $0x0;
	s0 =	rddreg [dreg:$0x2]  }
0x695: {  	s0 =	sadd.s32 @!p0 $0x100000, s0  }
0x696: {  	[sflag:s0] =	ssyncadd.tile.s32 @!p0 $0x1;
	_ =	shalt  }
.Lfunc_end2:
_tile_overlayer_lowered:
.L_overlay_start_2:
0x697: {  	(tag) =	ssettag $0x2  }
0x698: {  	s0 =	rddreg [dreg:$0x0];
	s2 =	stileid.u32  }
0x699: {  	s1 =	rddreg [dreg:$0x1];
	p0 =	sne.s32 s2, $0x0  }
0x69a: {  	s3 =	rddreg [dreg:$0x2];
	[bflag:$0x3] =	sbarrier.arrive $0xFFFF;
	s2 =	simm.s32 @!p0 $0x1C02  }
0x69b: {  	[timem:s3], [sflag:s2] =	dma.local @!p0 [hbm:s0], s1  }
0x69c: {  	s0 =	simm.s32 @!p0 $0x2  }
0x69d: {  	_ =	swait.ge @!p0 [sflag:s0], s1  }
0x69e: {  	s1 =	ssub.s32 @!p0 $0x0, s1;
	[sflag:s0] =	ssyncset.done @!p0 $0x0  }
0x69f: {  	[sflag:s0] =	ssyncadd.s32 @!p0 s1  }
0x6a0: {  	[bflag:$0x3] =	sbarrier.arrive $0xFFFF  }
0x6a1: {  	_ =	shalt  }

// kernel: sparse-core-data-format-call.1.cloned.1.call-start
scs
called_computation.1_lowered:
.L_overlay_start_0:
0x0: {  	s1 =	sld [smem:$0x3FD9]  }
0x1: {  	s2 =	sld [smem:$0x3FFE];
	_ =	sdelay $0x1  }
0x2: {  	s3 =	srdreg.scid  }
0x3: {  	s0 =	sand.u32 $0x1, s3  }
0x4: {  	s17 =	sshll.u32 s0, $0xA;
	s1 =	sadd.s32 s2, s1  }
0x5: {  	s1 =	sadd.s32 s1, s17  }
0x6: {  	[smem:$0x3FC3] =	sst s1  }
0x7: {  	_ = 	snop  }
0x8: {  	(tm) =	ssettm $0x1  }
0x9: {  	s18 =	sld [smem:$0x3FFB];
	_ =	sdelay $0x3  }
0xa: {  	_ =	strace s18  }
0xb: {  	s1 =	sld [smem:$0x3FFC];
	_ =	sdelay $0x3  }
0xc: {  	_ =	strace s1  }
0xd: {  	s1 =	sld [smem:$0x3FFD];
	_ =	sdelay $0x3  }
0xe: {  	_ =	strace s1  }
0xf: {  	_ =	strace $0x8FFFFFFF  }
0x10: {  	s19 =	sld [smem:$0x3FDB];
	_ =	sdelay $0x1  }
0x11: {  	s20 =	simm.s32 $_scs_section_size  }
0x12: {  	s4 =	simm.s32 $_size__tile_overlayer_lowered;
	s5 =	simm.s32 $_tile_overlayer_lowered  }
0x13: {  	s23 =	simm.s32 $0x1BFF;
	s22 =	sshll.u32 s5, $0x1;
	s1 =	sadd.s32 s20, s19  }
0x14: {  	s6 =	simm.s32 $0x0;
	s21 =	sshll.u32 s4, $0x1;
	s4 =	sadd.s32 s22, s1  }
0x15: {  	[timem:s6], [sflag:s23] =	dma.local [hbm:s4], s21  }
0x16: {  	_ =	swait.ge [sflag:s23], s21  }
0x17: {  	s2 =	ssub.s32 $0x0, s21;
	[sflag:s23] =	ssyncset.done $0x0  }
0x18: {  	[sflag:s23] =	ssyncadd.s32 s2;
	_ =	sdelay $0x1  }
0x19: {  	s24 =	simm.s32 $0x1B8B  }
0x1a: {  	_ =	swait.ge [sflag:s24], $0x1  }
0x1b: {  	[sflag:s24] =	ssyncset.done $0x0  }
0x1c: {  	s26 =	simm.s32 $0x1B8E;
	s25 =	sld [smem:$0x3FFE];
	[sflag:s24] =	ssyncadd.s32 $0xFFFFFFFF  }
0x1d: {  	s27 =	simm.s32 $execute0_lowered;
	[smem:$0x3FD2] =	sst s26  }
0x1e: {  	s4 =	sshll.u32 s27, $0x1;
	_ =	strace $0x80000046;
	[dreg:$0x1] =	wrdreg $0xFFFFFFFF  }
0x1f: {  	s28 =	simm.s32 $_size_execute0_lowered;
	s1 =	sadd.s32 s1, s4;
	[dreg:$0x0] =	wrdreg $0x0  }
0x20: {  	s4 =	sshll.u32 s28, $0x1;
	[dreg:$0x2] =	wrdreg s1  }
0x21: {  	[dreg:$0x3] =	wrdreg s4  }
0x22: {  	[dreg:$0x4] =	wrdreg $0xC0  }
0x23: {  	_ =	task [dreg:s6], $0x5FFFF  }
0x24: {  	[dreg:$0x1] =	wrdreg $0xFFFFFFFF  }
0x25: {  	[dreg:$0x0] =	wrdreg $0x60  }
0x26: {  	[dreg:$0x2] =	wrdreg s25  }
0x27: {  	[dreg:$0x3] =	wrdreg $0x9  }
0x28: {  	_ =	task.clear_ibuf [dreg:s6], $0x4FFFF;
	_ =	strace $0x90000046  }
0x29: {  	s29 =	simm.s32 $0x9;
	_ =	strace $0x80000048  }
0x2a: {  	_ =	swait.ge [sflag:s29], $0x1  }
0x2b: {  	[sflag:s29] =	ssyncadd.s32 $0xFFFFFFFF  }
0x2c: {  	_ =	strace $0x90000048  }
0x2d: {  	_ =	sfence  }
0x2e: {  	s30 =	sld [smem:$0x0];
	_ =	sdelay $0x2  }
0x2f: {  	s31 =	sshll.u32 s3, $0xD;
	s3 =	sshrl.u32 s3, $0x2  }
0x30: {  	s2 =	sand.u32 $0x4000, s31;
	s1 =	sadd.s32 s3, s30  }
0x31: {  	s0 =	sor.u32 s2, s0;
	s1 =	sshll.u32 s1, $0x11  }
0x32: {  	s0 =	sor.u32 s1, s0  }
0x33: {  	s0 =	sadd.s32 $0x8F2B, s0  }
0x34: {  	[sflag:s0] =	ssyncadd.remote.s32 $0x1  }
0x35: {  	_ =	sfence.sel $0xFFFF  }
0x36: {  	[dreg:$0x0] =	wrdreg $0xFFFFFFFF;
	(pc) =	sbr.abs _section_cstart, $3  }
0x37: {  	[dreg:$0x1] =	wrdreg $0xFFFFFFFF  }
0x38: {  	_ =	task.clear_ibuf [dreg:s6], $0x2FFFF;
	_ =	strace $0x9FFFFFFF  }
0x39: {  	(tm) =	ssettm $0x7FFFFFFF  }
tec
execute0_lowered:
.L_overlay_start_1:
0x0: {  	(tag) =	ssettag $0x1  }
0x1: {  	s0 =	srdreg.scid  }
0x2: {  	s5 =	rddreg [dreg:$0x0];
	s6 =	simm.s32 $0x2;
	s14 =	simm.s32 $0x0  }
0x3: {  	s8 =	simm.s32 $0x3FC800;
	s9 =	simm.s32 $0x0;
	s1 =	sshll.u32 s0, $0x4  }
0x4: {  	s15 =	simm.s32 $0x0;
	s0 =	stileid.u32;
	s1 =	sand.u32 $0x10, s1  }
0x5: {  	s16 =	simm.s32 $0x0;
	s11 =	simm.s32 $0x0;
	s1 =	sor.u32 s0, s1  }
0x6: {  	s12 =	simm.s32 $0x0;
	s13 =	simm.s32 $0x0;
	s2 =	sshll.u32 s1, $0x7  }
.Ltmp0:
0x7: {  	s23 =	simm.s32 $0x0;
	s3 =	ssub.s32 $0x3FC00, s2;
	(pc) =	sbr.rel .LBB1_1-.Ltmp0, $4  }
0x8: {  	s1 =	rddreg [dreg:$0x1];
	_ =	strace $0x80000047;
	s4 =	sshrl.u32 s3, $0xC  }
0x9: {  	s10 =	smov.u32 s2;
	s3 =	simm.s32 $0x1;
	s7 =	smul.u32 $0x5, s4  }
0xa: {  	s4 =	sadd.s32 $0x121400, s5;
	[sflag:s3] =	ssyncpa.u1 $0x0;
	s5 =	sadd.s32 $0x240600, s5  }
0xb: {  	[sflag:s6] =	ssyncpa.u1 $0x0;
	s6 =	sadd.s32 $0x5, s7;
	s7 =	sadd.s32 $0x6, s7  }
.LBB1_7:
0xc: {  	s17 =	sadd.s32 $0x1000, s10  }
0xd: {  	s14 =	sadd.s32 $0x4, s11;
	s18 =	smov.u32 s11;
	p1 =	sgt.s32 s17, $0x3FC00  }
0xe: {  	s18 =	smov.u32 @p1 s14  }
0xf: {  	s20 =	smov.u32 s12;
	s14 =	sadd.s32 $0x2, s12;
	p2 =	sgt.s32 s18, $0x3  }
0x10: {  	s20 =	smov.u32 @p2 s14  }
0x11: {  	s17 =	smov.u32 @p1 s2;
	p1 =	sgt.s32 s20, $0x8  }
0x12: {  	p0 =	slt.u32 s13, $0x2;
	s20 =	simm.s32 @p1 $0x0;
	p1 =	sne.s32 s13, s7  }
.Ltmp1:
0x13: {  	s19 =	simm.s32 @!p0 $0x2;
	(pc) =	sbr.rel @!p1 .LBB1_8-.Ltmp1, $4  }
0x14: {  	s15 =	smov.u32 s11;
	s16 =	smov.u32 s12;
	_ =	swait.ge @!p0 [sflag:s19], $0x400  }
0x15: {  	s9 =	sadd.s32 $0x400, s9;
	[sflag:s19] =	ssyncset.done @!p0 $0x0;
	s18 =	simm.s32 @p2 $0x0  }
0x16: {  	s14 =	smov.u32 s10;
	[sflag:s19] =	ssyncadd.s32 @!p0 $0xFFFFFC00;
	s10 =	smov.u32 s17  }
0x17: {  	s11 =	smov.u32 s18;
	s13 =	sadd.s32 $0x1, s13;
	s12 =	smov.u32 s20  }
.LBB1_1:
0x18: {  	p0 =	sge.u32 s13, s6  }
0x19: {  	s17 =	sshrl.u32 @!p0 s11, $0x2;
	s18 =	sshll.u32 @!p0 s10, $0x2  }
0x1a: {  	p1 =	sgt.s32 @!p0 s12, $0x7;
	s19 =	sshra.s32 @!p0 s12, $0x1F;
	s20 =	sshll.u32 @!p0 s11, $0x7  }
0x1b: {  	s22 =	sshra.s32 @!p0 s10, $0x1F;
	s17 =	smul.u32 @!p0 $0xFF200, s17;
	s18 =	sand.u32 @!p0 $0xFFFFFE00, s18  }
0x1c: {  	p1 =	por !p1, p0;
	s19 =	sand.u32 @!p0 s19, s12;
	s20 =	sand.u32 @!p0 $0x180, s20  }
0x1d: {  	s22 =	sand.u32 @!p0 s22, s10;
	s17 =	sadd.s32 @!p0 s17, s18;
	s18 =	smov.u32 s12  }
0x1e: {  	s18 =	simm.s32 @p1 $0x7;
	p1 =	sgt.s32 @!p0 s10, $0x3FC00;
	s17 =	sor.u32 @!p0 s20, s17  }
0x1f: {  	s20 =	smov.u32 s10;
	s18 =	ssub.s32 @!p0 s18, s19;
	p1 =	por !p1, p0  }
0x20: {  	s21 =	sshrl.u32 @!p0 s17, $0x7;
	s19 =	sadd.s32 @!p0 $0xFFFFFFF9, s18;
	s20 =	simm.s32 @p1 $0x3FC00  }
0x21: {  	s18 =	ssub.s32 @!p0 $0x9, s18;
	p1 =	sgt.s32 @!p0 s19, $0x1;
	s19 =	ssub.s32 @!p0 $0x0, s11  }
0x22: {  	s21 =	smulhi.u32 @!p0 $0x100E0C5, s21;
	p1 =	por !p1, p0;
	s19 =	smin.u32 @!p0 s11, s19  }
0x23: {  	s20 =	ssub.s32 @!p0 s20, s22;
	s18 =	simm.s32 @!p1 $0x0;
	p1 =	sgt.s32 @!p0 s19, $0x3  }
0x24: {  	s22 =	sadd.s32 @!p0 $0xFFFC0400, s20;
	s19 =	ssub.s32 @!p0 $0x4, s19;
	p1 =	por !p1, p0  }
0x25: {  	s21 =	sshrl.u32 @!p0 s21, $0x3;
	s19 =	simm.s32 @!p1 $0x0;
	p1 =	sgt.s32 @!p0 s22, $0x7F  }
0x26: {  	s18 =	smul.u32 @!p0 s19, s18;
	s19 =	ssub.s32 @!p0 $0x3FC80, s20;
	p1 =	por !p1, p0  }
0x27: {  	s22 =	smul.u32 @!p0 $0x3FC80, s21;
	s20 =	sxor.u32 @!p0 $0xFFFFFFFF, s13;
	s19 =	simm.s32 @!p1 $0x0  }
0x28: {  	s18 =	smul.u32 @!p0 s19, s18;
	s19 =	sshll.u32 @!p0 s20, $0xA;
	s20 =	sand.u32 @!p0 $0x7F, s10  }
0x29: {  	s17 =	sor.u32 @!p0 s20, s17;
	s20 =	sand.u32 @!p0 $0x3, s21;
	s21 =	smul.u32 @!p0 $0x1FE40, s12  }
0x2a: {  	s19 =	sand.u32 @!p0 $0x400, s19;
	s17 =	ssub.s32 @!p0 s17, s22;
	s20 =	smul.u32 @!p0 $0x7F90, s20  }
0x2b: {  	s18 =	sand.u32 @!p0 $0x3FFFFFFF, s18;
	s21 =	sadd.s32 @!p0 s4, s21;
	s22 =	sand.u32 @!p0 $0x7, s17  }
0x2c: {  	s17 =	sshrl.u32 @!p0 s17, $0x3;
	s20 =	sadd.s32 @!p0 s20, s21;
	s21 =	sshll.u32 @!p0 s22, $0x12  }
0x2d: {  	s17 =	sadd.s32 @!p0 s17, s20;
	s20 =	sor.u32 @!p0 $0x200, s21;
	s21 =	simm.s32 @!p0 $0xFF200  }
0x2e: {  	[tilespmem:s19], [sflag:$0x1] =	stream.strided.gather @!p0 [hbm4b:s17+s20], s18, s21, s20, $0x38;
	[tilespmem:$0x1000] =	vst v63  }
0x2f: {  	p0 =	seq.s32 s13, $0x0  }
0x30: {  	p1 =	sge.u32 @!p0 s13, s7  }
0x31: {  	p0 =	por p0, p1  }
.Ltmp2:
0x32: {  	_ = 	snop;
	(pc) =	sbr.rel @p0 .LBB1_7-.Ltmp2, $1  }
0x33: {  	_ =	sdelay $0x3  }
0x34: {  	p0 =	sgt.s32 s16, $0x7  }
0x35: {  	s17 =	smov.u32 s16;
	s18 =	sshra.s32 s16, $0x1F;
	s27 =	ssub.s32 $0x0, s15  }
0x36: {  	p1 =	sgt.s32 s14, $0x3FC00;
	s17 =	simm.s32 @!p0 $0x7;
	s18 =	sand.u32 s18, s16  }
0x37: {  	s19 =	smov.u32 s14;
	s20 =	sshra.s32 s14, $0x1F;
	s17 =	ssub.s32 s17, s18  }
0x38: {  	s19 =	simm.s32 @!p1 $0x3FC00;
	s20 =	sand.u32 s20, s14;
	s18 =	sadd.s32 $0xFFFFFFF9, s17  }
0x39: {  	s19 =	ssub.s32 s19, s20;
	p0 =	sgt.s32 s18, $0x1;
	s18 =	smin.u32 s15, s27  }
0x3a: {  	s17 =	ssub.s32 $0x9, s17;
	p1 =	sgt.s32 s18, $0x3;
	s18 =	ssub.s32 $0x4, s18  }
0x3b: {  	s20 =	sadd.s32 $0xFFFC0400, s19;
	s17 =	simm.s32 @p0 $0x0;
	s18 =	simm.s32 @p1 $0x0  }
0x3c: {  	p0 =	sgt.s32 s20, $0x7F;
	s17 =	smul.u32 s18, s17;
	s18 =	ssub.s32 $0x3FC80, s19  }
0x3d: {  	s18 =	simm.s32 @p0 $0x0  }
0x3e: {  	s28 =	sshll.u32 s9, $0x2;
	s17 =	smul.u32 s18, s17  }
0x3f: {  	s30 =	sshll.u32 s13, $0xA;
	s18 =	sand.u32 $0x1000, s28  }
0x40: {  	s20 =	simm.s32 $0x0;
	s31 =	sshrl.u32 s18, $0x2;
	s17 =	sand.u32 $0x3FFFFFFF, s17  }
0x41: {  	p1 =	por $0x1, $0x1;
	s18 =	sadd.s32 $0x840, s31;
	_ =	swait.ge [sflag:s3], s17  }
0x42: {  	s29 =	ssub.s32 $0x0, s17;
	s17 =	sand.u32 $0x400, s30;
	[sflag:s3] =	ssyncset.done $0x0  }
0x43: {  	s19 =	sadd.s32 $0x40, s31;
	s17 =	sor.u32 $0x800, s17;
	[sflag:s3] =	ssyncadd.s32 s29  }
.LBB1_3:
0x44: {  	s21 =	sshll.u32 s20, $0x2  }
0x45: {  	s21 =	sshra.s32 s21, $0x2  }
0x46: {  	s21 =	sadd.s32 s21, s19  }
0x47: {  	v0 =	vmov s21;
	_ =	sdelay $0x4  }
0x48: {  	v6 =	vld.idx.msk [tilespmem:v0+s23+$0x30 ss:$0x1], $0xffff  }
0x49: {  	v7 =	vld.idx.msk [tilespmem:v0+s23+$0xFFFFFFC0 ss:$0x1], $0xffff  }
0x4a: {  	v5 =	vld.idx.msk [tilespmem:v0+s23+$0xFFFFFFD0 ss:$0x1], $0xffff  }
0x4b: {  	v1 =	vld.idx.msk [tilespmem:v0+s23+$0xFFFFFFE0 ss:$0x1], $0xffff  }
0x4c: {  	s31 =	sshra.s32 s20, $0x2;
	v2 =	vld.idx.msk [tilespmem:v0+s23+$0xFFFFFFF0 ss:$0x1], $0xffff  }
0x4d: {  	s20 =	sadd.s32 s31, s18;
	v3 =	vld.idx.msk [tilespmem:v0+s23+$0x0 ss:$0x1], $0xffff  }
0x4e: {  	v4 =	vld.idx.msk [tilespmem:v0+s23+$0x10 ss:$0x1], $0xffff;
	[tilespmem:s20+$0x30] =	vst v6  }
0x4f: {  	p0 =	por p1, p1;
	s22 =	simm.s32 $0x400;
	s21 =	simm.s32 $0x80;
	[tilespmem:s20+$0xFFFFFFC0] =	vst v7;
	v6 =	vld.idx.msk [tilespmem:v0+s23+$0x20 ss:$0x1], $0xffff  }
.LBB1_4:
0x50: {  	p1 =	sne.s32 s22, $0x600;
	v7 =	vld.idx.msk [tilespmem:v0+s21+$0x30 ss:$0x1], $0xffff;
	[tilespmem:s20+$0xFFFFFFD0] =	vst v5  }
0x51: {  	v8 =	vld.idx.msk [tilespmem:v0+s21+$0xFFFFFFC0 ss:$0x1], $0xffff;
	[tilespmem:s20+$0xFFFFFFE0] =	vst v1  }
0x52: {  	v5 =	vld.idx.msk [tilespmem:v0+s21+$0xFFFFFFD0 ss:$0x1], $0xffff;
	[tilespmem:s20+$0xFFFFFFF0] =	vst v2  }
.Ltmp3:
0x53: {  	v1 =	vld.idx.msk [tilespmem:v0+s21+$0xFFFFFFE0 ss:$0x1], $0xffff;
	[tilespmem:s20+$0x0] =	vst v3;
	(pc) =	sbr.rel @p1 .LBB1_4-.Ltmp3, $4  }
0x54: {  	v2 =	vld.idx.msk [tilespmem:v0+s21+$0xFFFFFFF0 ss:$0x1], $0xffff;
	[tilespmem:s20+$0x10] =	vst v4  }
0x55: {  	v3 =	vld.idx.msk [tilespmem:v0+s21+$0x0 ss:$0x1], $0xffff;
	[tilespmem:s20+$0x20] =	vst v6;
	s20 =	sadd.s32 $0x100, s20  }
0x56: {  	v4 =	vld.idx.msk [tilespmem:v0+s21+$0x10 ss:$0x1], $0xffff;
	[tilespmem:s20+$0x30] =	vst v7  }
0x57: {  	[tilespmem:s20+$0xFFFFFFC0] =	vst v8;
	v6 =	vld.idx.msk [tilespmem:v0+s21+$0x20 ss:$0x1], $0xffff;
	s21 =	sshra.s32 s22, $0x2;
	s22 =	sadd.s32 $0x200, s22  }
0x58: {  	_ =	sdelay $0x2  }
0x59: {  	[tilespmem:s20+$0xFFFFFFD0] =	vst v5  }
0x5a: {  	v56 =	vld.idx.msk [tilespmem:v0+s21+$0x30 ss:$0x1], $0xffff;
	[tilespmem:s20+$0xFFFFFFE0] =	vst v1  }
0x5b: {  	v57 =	vld.idx.msk [tilespmem:v0+s21+$0xFFFFFFC0 ss:$0x1], $0xffff;
	[tilespmem:s20+$0xFFFFFFF0] =	vst v2  }
0x5c: {  	v58 =	vld.idx.msk [tilespmem:v0+s21+$0xFFFFFFD0 ss:$0x1], $0xffff;
	[tilespmem:s20+$0x0] =	vst v3  }
0x5d: {  	v59 =	vld.idx.msk [tilespmem:v0+s21+$0xFFFFFFE0 ss:$0x1], $0xffff;
	[tilespmem:s20+$0x10] =	vst v4  }
0x5e: {  	v60 =	vld.idx.msk [tilespmem:v0+s21+$0xFFFFFFF0 ss:$0x1], $0xffff;
	s31 =	sadd.s32 $0x100, s20;
	[tilespmem:s20+$0x20] =	vst v6  }
0x5f: {  	v61 =	vld.idx.msk [tilespmem:v0+s21+$0x0 ss:$0x1], $0xffff;
	[tilespmem:s31+$0x30] =	vst v56  }
0x60: {  	v62 =	vld.idx.msk [tilespmem:v0+s21+$0x10 ss:$0x1], $0xffff;
	[tilespmem:s31+$0xFFFFFFC0] =	vst v57  }
0x61: {  	v63 =	vld.idx.msk [tilespmem:v0+s21+$0x20 ss:$0x1], $0xffff;
	[tilespmem:s31+$0xFFFFFFD0] =	vst v58  }
.Ltmp4:
0x62: {  	[tilespmem:s31+$0xFFFFFFE0] =	vst v59;
	(pc) =	sbr.rel @p0 .LBB1_3-.Ltmp4, $4  }
0x63: {  	[tilespmem:s31+$0xFFFFFFF0] =	vst v60  }
0x64: {  	[tilespmem:s31+$0x0] =	vst v61  }
0x65: {  	[tilespmem:s31+$0x10] =	vst v62  }
0x66: {  	p1 =	por $0x0, $0x0;
	s20 =	simm.s32 $0x200;
	[tilespmem:s31+$0x20] =	vst v63  }
0x67: {  	s18 =	sshrl.u32 s16, $0x3  }
0x68: {  	s19 =	sshll.u32 s14, $0x3;
	s18 =	smul.u32 $0x1FE400, s18  }
0x69: {  	s25 =	sshll.u32 s16, $0x7;
	s19 =	sand.u32 $0xFFFFFC00, s19  }
0x6a: {  	s16 =	sand.u32 $0x380, s25;
	s18 =	sadd.s32 s18, s19  }
0x6b: {  	s16 =	sor.u32 s16, s18  }
0x6c: {  	s18 =	sshrl.u32 s16, $0x7  }
0x6d: {  	s18 =	smulhi.u32 $0x100E0C5, s18;
	_ =	sdelay $0x1  }
0x6e: {  	s15 =	smul.u32 $0x7F900, s15;
	s18 =	sshrl.u32 s18, $0x3  }
0x6f: {  	s26 =	sand.u32 $0x7F, s14;
	s27 =	smul.u32 $0x3FC80, s18;
	s28 =	sand.u32 $0xF, s18  }
0x70: {  	s14 =	sor.u32 s26, s16;
	s16 =	smul.u32 $0x7F90, s28  }
.Ltmp5:
0x71: {  	s14 =	ssub.s32 s14, s27;
	(pc) =	sbr.rel .LBB1_7-.Ltmp5, $4  }
0x72: {  	s15 =	sadd.s32 s5, s15;
	s29 =	sand.u32 $0x7, s14  }
0x73: {  	s14 =	sshrl.u32 s14, $0x3;
	s15 =	sadd.s32 s16, s15;
	s30 =	sshll.u32 s29, $0x12  }
0x74: {  	s14 =	sadd.s32 s14, s15;
	s31 =	sor.u32 $0x100, s30  }
0x75: {  	[hbm4b:s14+s31] =	stream.strided.scatter [tilespmem:s17], [sflag:$0x2], $0x400, s8, s31, $0x38;
	[tilespmem:$0x1000] =	vst v63  }
.LBB1_8:
0x76: {  	_ =	sfence.sel $0x180000  }
0x77: {  	s2 =	simm.s32 $0x1;
	[bflag:$0x0] =	sbarrier.arrive $0xFFFF  }
0x78: {  	s31 =	simm.s32 $0x2;
	[sflag:s2] =	ssyncpa.u1 $0x1  }
0x79: {  	[sflag:s31] =	ssyncpa.u1 $0x1  }
0x7a: {  	p0 =	sne.s32 s0, $0x0;
	_ =	strace $0x90000047  }
0x7b: {  	s0 =	sadd.s32 @!p0 $0x100000, s1;
	[bflag:$0x2] =	sbarrier.arrive $0xFFFF  }
0x7c: {  	[sflag:s0] =	ssyncadd.tile.s32 @!p0 $0x1;
	_ =	shalt  }
.Lfunc_end1:
_tile_overlayer_lowered:
.L_overlay_start_2:
0x7d: {  	(tag) =	ssettag $0x2  }
0x7e: {  	s0 =	rddreg [dreg:$0x0];
	s2 =	stileid.u32  }
0x7f: {  	s1 =	rddreg [dreg:$0x1];
	p0 =	sne.s32 s2, $0x0  }
0x80: {  	s3 =	rddreg [dreg:$0x2];
	[bflag:$0x3] =	sbarrier.arrive $0xFFFF;
	s2 =	simm.s32 @!p0 $0x1C01  }
0x81: {  	[timem:s3], [sflag:s2] =	dma.local @!p0 [hbm:s0], s1  }
0x82: {  	s0 =	simm.s32 @!p0 $0x1  }
0x83: {  	_ =	swait.ge @!p0 [sflag:s0], s1  }
0x84: {  	s1 =	ssub.s32 @!p0 $0x0, s1;
	[sflag:s0] =	ssyncset.done @!p0 $0x0  }
0x85: {  	[sflag:s0] =	ssyncadd.s32 @!p0 s1  }
0x86: {  	[bflag:$0x3] =	sbarrier.arrive $0xFFFF  }
0x87: {  	_ =	shalt  }

// kernel: sparse-core-data-format-call.cloned.1.call-start
scs
called_computation_lowered:
.L_overlay_start_0:
0x0: {  	s1 =	sld [smem:$0x3FD9]  }
0x1: {  	s2 =	sld [smem:$0x3FFE];
	_ =	sdelay $0x1  }
0x2: {  	s3 =	srdreg.scid  }
0x3: {  	s0 =	sand.u32 $0x1, s3  }
0x4: {  	s17 =	sshll.u32 s0, $0xA;
	s1 =	sadd.s32 s2, s1  }
0x5: {  	s1 =	sadd.s32 s1, s17  }
0x6: {  	[smem:$0x3FC3] =	sst s1  }
0x7: {  	_ = 	snop  }
0x8: {  	(tm) =	ssettm $0x1  }
0x9: {  	s18 =	sld [smem:$0x3FFB];
	_ =	sdelay $0x3  }
0xa: {  	_ =	strace s18  }
0xb: {  	s1 =	sld [smem:$0x3FFC];
	_ =	sdelay $0x3  }
0xc: {  	_ =	strace s1  }
0xd: {  	s1 =	sld [smem:$0x3FFD];
	_ =	sdelay $0x3  }
0xe: {  	_ =	strace s1  }
0xf: {  	_ =	strace $0x8FFFFFFF  }
0x10: {  	s19 =	sld [smem:$0x3FDB];
	_ =	sdelay $0x1  }
0x11: {  	s20 =	simm.s32 $_scs_section_size  }
0x12: {  	s4 =	simm.s32 $_size__tile_overlayer_lowered;
	s5 =	simm.s32 $_tile_overlayer_lowered  }
0x13: {  	s23 =	simm.s32 $0x1BFF;
	s22 =	sshll.u32 s5, $0x1;
	s1 =	sadd.s32 s20, s19  }
0x14: {  	s6 =	simm.s32 $0x0;
	s21 =	sshll.u32 s4, $0x1;
	s4 =	sadd.s32 s22, s1  }
0x15: {  	[timem:s6], [sflag:s23] =	dma.local [hbm:s4], s21  }
0x16: {  	_ =	swait.ge [sflag:s23], s21  }
0x17: {  	s2 =	ssub.s32 $0x0, s21;
	[sflag:s23] =	ssyncset.done $0x0  }
0x18: {  	[sflag:s23] =	ssyncadd.s32 s2;
	_ =	sdelay $0x1  }
0x19: {  	s24 =	simm.s32 $0x1B8B  }
0x1a: {  	_ =	swait.ge [sflag:s24], $0x1  }
0x1b: {  	[sflag:s24] =	ssyncset.done $0x0  }
0x1c: {  	s26 =	simm.s32 $0x1B8E;
	s25 =	sld [smem:$0x3FFE];
	[sflag:s24] =	ssyncadd.s32 $0xFFFFFFFF  }
0x1d: {  	s27 =	simm.s32 $execute0_lowered;
	[smem:$0x3FD2] =	sst s26  }
0x1e: {  	s4 =	sshll.u32 s27, $0x1;
	_ =	strace $0x80000049;
	[dreg:$0x1] =	wrdreg $0xFFFFFFFF  }
0x1f: {  	s28 =	simm.s32 $_size_execute0_lowered;
	s1 =	sadd.s32 s1, s4;
	[dreg:$0x0] =	wrdreg $0x0  }
0x20: {  	s4 =	sshll.u32 s28, $0x1;
	[dreg:$0x2] =	wrdreg s1  }
0x21: {  	[dreg:$0x3] =	wrdreg s4  }
0x22: {  	[dreg:$0x4] =	wrdreg $0xC0  }
0x23: {  	_ =	task [dreg:s6], $0x5FFFF  }
0x24: {  	[dreg:$0x1] =	wrdreg $0xFFFFFFFF  }
0x25: {  	[dreg:$0x0] =	wrdreg $0x60  }
0x26: {  	[dreg:$0x2] =	wrdreg s25  }
0x27: {  	[dreg:$0x3] =	wrdreg $0x9  }
0x28: {  	_ =	task.clear_ibuf [dreg:s6], $0x4FFFF;
	_ =	strace $0x90000049  }
0x29: {  	s29 =	simm.s32 $0x9;
	_ =	strace $0x8000004B  }
0x2a: {  	_ =	swait.ge [sflag:s29], $0x1  }
0x2b: {  	[sflag:s29] =	ssyncadd.s32 $0xFFFFFFFF  }
0x2c: {  	_ =	strace $0x9000004B  }
0x2d: {  	_ =	sfence  }
0x2e: {  	s30 =	sld [smem:$0x0];
	_ =	sdelay $0x2  }
0x2f: {  	s31 =	sshll.u32 s3, $0xD;
	s3 =	sshrl.u32 s3, $0x2  }
0x30: {  	s2 =	sand.u32 $0x4000, s31;
	s1 =	sadd.s32 s3, s30  }
0x31: {  	s0 =	sor.u32 s2, s0;
	s1 =	sshll.u32 s1, $0x11  }
0x32: {  	s0 =	sor.u32 s1, s0  }
0x33: {  	s0 =	sadd.s32 $0x8F2B, s0  }
0x34: {  	[sflag:s0] =	ssyncadd.remote.s32 $0x1  }
0x35: {  	_ =	sfence.sel $0xFFFF  }
0x36: {  	[dreg:$0x0] =	wrdreg $0xFFFFFFFF;
	(pc) =	sbr.abs _section_cstart, $3  }
0x37: {  	[dreg:$0x1] =	wrdreg $0xFFFFFFFF  }
0x38: {  	_ =	task.clear_ibuf [dreg:s6], $0x2FFFF;
	_ =	strace $0x9FFFFFFF  }
0x39: {  	(tm) =	ssettm $0x7FFFFFFF  }
tec
execute0_lowered:
.L_overlay_start_1:
0x0: {  	(tag) =	ssettag $0x1  }
0x1: {  	s0 =	srdreg.scid;
	s1 =	rddreg [dreg:$0x0]  }
0x2: {  	s2 =	stileid.u32;
	_ =	strace $0x8000004A;
	s29 =	simm.s32 $0x1  }
0x3: {  	s31 =	simm.s32 $0x2;
	s15 =	simm.s32 $0x0;
	s0 =	sshll.u32 s0, $0x4  }
0x4: {  	s14 =	simm.s32 $0x0;
	s9 =	simm.s32 $0x0;
	s0 =	sand.u32 $0x10, s0  }
0x5: {  	s27 =	sadd.s32 $0x140400, s1;
	s28 =	sadd.s32 $0x2BF000, s1;
	s0 =	sor.u32 s2, s0  }
.Ltmp0:
0x6: {  	[dreg:$0x2] =	wrdreg s27;
	s10 =	sshll.u32 s0, $0x7;
	(pc) =	sbr.rel .LBB1_1-.Ltmp0, $4  }
0x7: {  	s11 =	simm.s32 $0x0;
	[dreg:$0x4] =	wrdreg s28;
	s30 =	ssub.s32 $0x3FC00, s10  }
0x8: {  	s12 =	simm.s32 $0x0;
	[dreg:$0x3] =	wrdreg s10;
	s0 =	sshrl.u32 s30, $0xC  }
0x9: {  	[sflag:s29] =	ssyncpa.u1 $0x0;
	[dreg:$0x5] =	wrdreg s0;
	s8 =	sadd.s32 $0x2, s0  }
0xa: {  	s13 =	simm.s32 $0x0;
	[sflag:s31] =	ssyncpa.u1 $0x0;
	[dreg:$0x6] =	wrdreg s8  }
.LBB1_12:
0xb: {  	s9 =	rddreg [dreg:$0x7]  }
0xc: {  	s4 =	rddreg [dreg:$0xb]  }
0xd: {  	s1 =	sshll.u32 s11, $0x3;
	s24 =	rddreg [dreg:$0xa]  }
0xe: {  	s3 =	smov.u32 s11;
	s27 =	sshrl.u32 s11, $0x3;
	s29 =	rddreg [dreg:$0x4]  }
0xf: {  	s28 =	sand.u32 $0x7, s11;
	s8 =	rddreg [dreg:$0x6];
	s0 =	sshll.u32 s9, $0x7  }
0x10: {  	s1 =	sand.u32 $0xFFFFFC00, s1;
	p0 =	sgt.s32 s9, $0x3FB88;
	s2 =	sand.u32 $0xFFFFFC00, s0  }
0x11: {  	s0 =	sand.u32 $0x380, s0;
	s1 =	sadd.s32 s1, s2;
	s2 =	smov.u32 s9  }
0x12: {  	s14 =	rddreg [dreg:$0x8];
	s0 =	sor.u32 s0, s1;
	s2 =	simm.s32 @!p0 $0x3FB88  }
0x13: {  	p0 =	sgt.s32 s11, $0x40;
	s0 =	sshrl.u32 s0, $0x7;
	s2 =	sadd.s32 s4, s2  }
0x14: {  	s3 =	simm.s32 @!p0 $0x40;
	s23 =	smulhi.u32 $0x100FEFD, s0;
	s25 =	sadd.s32 $0xFFFC0478, s2  }
0x15: {  	s3 =	sadd.s32 s24, s3;
	s2 =	ssub.s32 $0x3FC08, s2;
	p0 =	sgt.s32 s25, $0x7F  }
0x16: {  	s26 =	sadd.s32 $0xFFFFFFC0, s3;
	s3 =	ssub.s32 $0x80, s3;
	s1 =	sshrl.u32 s23, $0xA  }
0x17: {  	s2 =	simm.s32 @p0 $0x0;
	p0 =	sgt.s32 s26, $0x3F;
	s1 =	smul.u32 $0x3FC08, s1  }
0x18: {  	s31 =	simm.s32 $0x80;
	s15 =	rddreg [dreg:$0x9];
	s3 =	simm.s32 @p0 $0x0  }
0x19: {  	s2 =	smul.u32 s3, s2;
	s0 =	ssub.s32 s0, s1;
	s1 =	sand.u32 $0xF, s27  }
0x1a: {  	s3 =	sshll.u32 s28, $0x12;
	s0 =	sshll.u32 s0, $0x4;
	s1 =	sadd.s32 s29, s1  }
0x1b: {  	s30 =	sor.u32 $0x40, s3;
	s2 =	sand.u32 $0x3FFFFFFF, s2;
	s0 =	sadd.s32 s0, s1  }
0x1c: {  	[hbm4b:s0+s30] =	stream.strided.scatter [tilespmem:s18], [sflag:$0x2], s2, s31, s30, $0x18;
	[tilespmem:$0x8100] =	vst v63  }
.LBB1_13:
0x1d: {  	p0 =	slt.u32 s13, $0x2  }
0x1e: {  	s1 =	smov.u32 s15;
	s2 =	smov.u32 s14;
	p1 =	sgt.s32 @!p0 s15, $0x3FB88  }
0x1f: {  	s0 =	sshra.s32 @!p0 s15, $0x1F;
	p2 =	sgt.s32 @!p0 s14, $0x40;
	s3 =	sshra.s32 @!p0 s14, $0x1F  }
0x20: {  	p1 =	por !p1, p0;
	s0 =	sand.u32 @!p0 s0, s15;
	p2 =	por !p2, p0  }
0x21: {  	s3 =	sand.u32 @!p0 s3, s14;
	s1 =	simm.s32 @p1 $0x3FB88;
	s2 =	simm.s32 @p2 $0x40  }
0x22: {  	s0 =	ssub.s32 @!p0 s1, s0;
	s1 =	ssub.s32 @!p0 s2, s3  }
0x23: {  	s2 =	sadd.s32 @!p0 $0xFFFC0478, s0;
	s3 =	sadd.s32 @!p0 $0xFFFFFFC0, s1  }
0x24: {  	s0 =	ssub.s32 @!p0 $0x3FC08, s0;
	p1 =	sgt.s32 @!p0 s2, $0x7F;
	p2 =	sgt.s32 @!p0 s3, $0x3F  }
0x25: {  	s1 =	ssub.s32 @!p0 $0x80, s1;
	p1 =	por !p1, p0;
	p2 =	por !p2, p0  }
0x26: {  	s0 =	simm.s32 @!p1 $0x0;
	s1 =	simm.s32 @!p2 $0x0  }
0x27: {  	s0 =	smul.u32 @!p0 s1, s0  }
0x28: {  	s4 =	smov.u32 s12  }
0x29: {  	s2 =	simm.s32 @!p0 $0x2;
	s1 =	sadd.s32 $0x1000, s10;
	s0 =	sand.u32 @!p0 $0x3FFFFFFF, s0  }
0x2a: {  	s3 =	sadd.s32 $0x40, s12;
	p1 =	sgt.s32 s1, $0x3FC00;
	_ =	swait.ge @!p0 [sflag:s2], s0  }
0x2b: {  	s4 =	smov.u32 @p1 s3;
	s3 =	rddreg [dreg:$0x3]  }
0x2c: {  	s1 =	smov.u32 @p1 s3;
	p1 =	sgt.s32 s4, $0x2F  }
0x2d: {  	s4 =	simm.s32 @p1 $0x0;
	p1 =	sne.s32 s13, s8  }
.Ltmp1:
0x2e: {  	_ = 	snop;
	(pc) =	sbr.rel @!p1 .LBB1_14-.Ltmp1, $4  }
0x2f: {  	s15 =	smov.u32 s9  }
0x30: {  	s14 =	smov.u32 s11;
	s0 =	ssub.s32 @!p0 $0x0, s0;
	[sflag:s2] =	ssyncset.done @!p0 $0x0  }
0x31: {  	s9 =	smov.u32 s10;
	s11 =	smov.u32 s12;
	[sflag:s2] =	ssyncadd.s32 @!p0 s0  }
0x32: {  	s13 =	sadd.s32 $0x1, s13;
	s10 =	smov.u32 s1;
	s12 =	smov.u32 s4  }
.LBB1_1:
0x33: {  	s0 =	rddreg [dreg:$0x5]  }
0x34: {  	p0 =	sgt.u32 s13, s0  }
0x35: {  	s6 =	smov.u32 s10;
	s0 =	sshrl.u32 @!p0 s12, $0x3  }
0x36: {  	s1 =	sshll.u32 @!p0 s10, $0x3;
	s2 =	sshll.u32 @!p0 s12, $0x7;
	s0 =	smul.u32 @!p0 $0x1FE400, s0  }
0x37: {  	s3 =	sand.u32 @!p0 $0x7F, s10;
	p1 =	sgt.s32 @!p0 s12, $0xFFFFFFF0;
	s1 =	sand.u32 @!p0 $0xFFFFFC00, s1  }
0x38: {  	s5 =	sshra.s32 @!p0 s12, $0x1F;
	s0 =	sadd.s32 @!p0 s0, s1;
	s1 =	sand.u32 @!p0 $0x380, s2  }
0x39: {  	s7 =	sshra.s32 @!p0 s10, $0x1F;
	p1 =	por !p1, p0;
	s0 =	sor.u32 @!p0 s1, s0  }
0x3a: {  	s5 =	sand.u32 @!p0 s5, s12;
	s7 =	sand.u32 @!p0 s7, s10;
	s1 =	sshrl.u32 @!p0 s0, $0x7  }
0x3b: {  	s0 =	sor.u32 @!p0 s3, s0;
	s3 =	smov.u32 s12;
	s1 =	smulhi.u32 @!p0 $0x100E0C5, s1  }
0x3c: {  	s2 =	sxor.u32 @!p0 $0xFFFFFFFF, s13;
	s3 =	simm.s32 @p1 $0xFFFFFFF0;
	p1 =	sgt.s32 @!p0 s10, $0x3FC00  }
0x3d: {  	s2 =	sshll.u32 @!p0 s2, $0xD;
	p1 =	por !p1, p0;
	s1 =	sshrl.u32 @!p0 s1, $0x3  }
0x3e: {  	s3 =	ssub.s32 @!p0 s3, s5;
	s6 =	simm.s32 @p1 $0x3FC00;
	s4 =	smul.u32 @!p0 $0x2AAB, s1  }
0x3f: {  	s5 =	ssub.s32 @!p0 s6, s7;
	s6 =	sadd.s32 @!p0 $0x10, s3;
	s3 =	ssub.s32 @!p0 $0x30, s3  }
0x40: {  	s7 =	sadd.s32 @!p0 $0xFFFC0400, s5;
	p1 =	sgt.s32 @!p0 s6, $0x3F;
	s4 =	sshrl.u32 @!p0 s4, $0x13  }
0x41: {  	p2 =	sgt.s32 @!p0 s7, $0x7F;
	p1 =	por !p1, p0;
	s4 =	smul.u32 @!p0 $0x30, s4  }
0x42: {  	s5 =	ssub.s32 @!p0 $0x3FC80, s5;
	p2 =	por !p2, p0;
	s3 =	simm.s32 @!p1 $0x0  }
0x43: {  	s5 =	simm.s32 @!p2 $0x0;
	s4 =	ssub.s32 @!p0 s1, s4;
	s1 =	smul.u32 @!p0 $0x3FC80, s1  }
0x44: {  	s2 =	sand.u32 @!p0 $0x2000, s2;
	s3 =	smul.u32 @!p0 s3, s5  }
0x45: {  	s5 =	rddreg [dreg:$0x2];
	s0 =	ssub.s32 @!p0 s0, s1;
	s1 =	sand.u32 @!p0 $0xFFFF, s4  }
0x46: {  	s1 =	smul.u32 @!p0 $0x7F90, s1;
	s4 =	sshrl.u32 @!p0 s0, $0x3;
	s0 =	sand.u32 @!p0 $0x7, s0  }
0x47: {  	s3 =	sand.u32 @!p0 $0x3FFFFFFF, s3;
	s4 =	sadd.s32 @!p0 s5, s4;
	s0 =	sshll.u32 @!p0 s0, $0x12  }
0x48: {  	s1 =	sadd.s32 @!p0 s1, s4;
	s0 =	sor.u32 @!p0 $0x400, s0;
	s4 =	simm.s32 @!p0 $0x1FE400  }
0x49: {  	[tilespmem:s2], [sflag:$0x1] =	stream.strided.gather @!p0 [hbm4b:s1+s0], s3, s4, s0, $0x38;
	[tilespmem:$0x8100] =	vst v63  }
0x4a: {  	p0 =	seq.s32 s13, $0x0  }
0x4b: {  	p1 =	sge.u32 @!p0 s13, s8  }
0x4c: {  	p0 =	por p0, p1  }
.Ltmp2:
0x4d: {  	_ = 	snop;
	(pc) =	sbr.rel @p0 .LBB1_13-.Ltmp2, $1  }
0x4e: {  	_ =	sdelay $0x3  }
0x4f: {  	s0 =	ssub.s32 $0x0, s11;
	s1 =	sshra.s32 s11, $0x1F;
	p0 =	sgt.s32 s11, $0xFFFFFFF0  }
0x50: {  	s2 =	smov.u32 s11;
	s25 =	ssub.s32 $0x0, s9;
	s26 =	sshra.s32 s9, $0x1F  }
0x51: {  	s3 =	smov.u32 s9;
	s2 =	simm.s32 @!p0 $0xFFFFFFF0;
	p0 =	sgt.s32 s9, $0x3FC00  }
0x52: {  	s4 =	sand.u32 s0, s1;
	s1 =	sand.u32 s25, s26;
	s3 =	simm.s32 @!p0 $0x3FC00  }
0x53: {  	s2 =	sadd.s32 s4, s2;
	[dreg:$0xb] =	wrdreg s1;
	s1 =	sadd.s32 s1, s3  }
0x54: {  	s27 =	sadd.s32 $0x10, s2;
	s2 =	ssub.s32 $0x30, s2;
	s28 =	sadd.s32 $0xFFFC0400, s1  }
0x55: {  	p0 =	sgt.s32 s27, $0x3F;
	s0 =	ssub.s32 $0x3FC80, s1;
	p1 =	sgt.s32 s28, $0x7F  }
0x56: {  	s2 =	simm.s32 @p0 $0x0;
	s0 =	simm.s32 @p1 $0x0  }
0x57: {  	s29 =	smul.u32 s2, s0;
	s2 =	sadd.s32 $0x40, s11  }
0x58: {  	p0 =	slt.s32 s2, $0x30  }
0x59: {  	s2 =	simm.s32 @!p0 $0x30  }
0x5a: {  	[dreg:$0x9] =	wrdreg s15;
	s19 =	ssub.s32 s2, s11  }
0x5b: {  	[dreg:$0x8] =	wrdreg s14;
	p0 =	slt.s32 s19, $0x1  }
.Ltmp3:
0x5c: {  	[dreg:$0x7] =	wrdreg s9;
	s30 =	simm.s32 $0x1;
	(pc) =	sbr.rel @p0 .LBB1_12-.Ltmp3, $4  }
0x5d: {  	[dreg:$0xa] =	wrdreg s4;
	s0 =	sand.u32 $0x1, s13;
	s1 =	sand.u32 $0x3FFFFFFF, s29  }
0x5e: {  	s31 =	smul.u32 $0x2080, s0;
	_ =	swait.ge [sflag:s30], s1  }
0x5f: {  	s1 =	ssub.s32 $0x0, s1;
	[sflag:s30] =	ssyncset.done $0x0  }
0x60: {  	s18 =	sor.u32 $0x4000, s31;
	[sflag:s30] =	ssyncadd.s32 s1  }
0x61: {  	s2 =	rddreg [dreg:$0x7]  }
0x62: {  	s1 =	sadd.s32 $0x80, s2  }
0x63: {  	p0 =	slt.s32 s1, $0x3FC01  }
.Ltmp4:
0x64: {  	s1 =	simm.s32 @!p0 $0x3FC01;
	(pc) =	sbr.rel .LBB1_4-.Ltmp4, $4  }
0x65: {  	s22 =	sshll.u32 s0, $0xD;
	s1 =	ssub.s32 s1, s2  }
0x66: {  	s24 =	simm.s32 $0x0;
	s25 =	simm.s32 $0x400;
	s1 =	sadd.s32 $0xF, s1  }
0x67: {  	s20 =	sand.u32 $0xFFFFFFF0, s1;
	s21 =	sand.u32 $0xFFFFFF00, s1;
	s31 =	sshll.u32 s1, $0x3  }
0x68: {  	p0 =	slt.s32 s1, $0x100;
	s23 =	sand.u32 $0xFFFFF800, s31;
	p1 =	sge.s32 s21, s20  }
.LBB1_11:
0x69: {  	s24 =	sadd.s32 $0x1, s24  }
0x6a: {  	p2 =	sne.s32 s24, s19  }
.Ltmp5:
0x6b: {  	_ = 	snop;
	(pc) =	sbr.rel @!p2 .LBB1_12-.Ltmp5, $2  }
0x6c: {  	_ =	sdelay $0x2  }
0x6d: {  	s25 =	sadd.s32 $0x80, s25  }
.LBB1_4:
.Ltmp6:
0x6e: {  	(pc) =	sbr.rel @p0 .LBB1_8-.Ltmp6, $2  }
0x6f: {  	_ =	sdelay $0x2  }
0x70: {  	s26 =	sshll.u32 s24, $0x7;
	s27 =	sand.u32 $0x7F, s24  }
0x71: {  	s1 =	sshll.u32 s24, $0x3  }
0x72: {  	s5 =	sand.u32 $0x380, s26;
	s2 =	sshrl.u32 s1, $0x7  }
0x73: {  	s3 =	sadd.s32 $0x800, s1;
	s6 =	sadd.s32 $0x1000, s1;
	s17 =	sadd.s32 s5, s22  }
0x74: {  	s9 =	sadd.s32 $0x1800, s1;
	s16 =	sadd.s32 $0x2800, s1;
	s7 =	sadd.s32 $0x3000, s1  }
0x75: {  	s1 =	sadd.s32 $0x3800, s1;
	s0 =	sand.u32 $0x78, s2;
	s3 =	sshrl.u32 s3, $0x7  }
0x76: {  	s8 =	sshrl.u32 s6, $0x7;
	s6 =	sshrl.u32 s9, $0x7;
	s9 =	sshrl.u32 s1, $0x7  }
0x77: {  	v0 =	vmov s17;
	s17 =	sand.u32 $0x1C00, s25;
	s4 =	smul.u32 $0x104, s0;
	s3 =	sand.u32 $0x78, s3  }
0x78: {  	s5 =	sand.u32 $0x78, s8;
	s14 =	sand.u32 $0x78, s6;
	s3 =	smul.u32 $0x104, s3  }
0x79: {  	s0 =	sxor.u32 $0x40, s0;
	s5 =	smul.u32 $0x104, s5;
	s4 =	sshrl.u32 s4, $0x2  }
0x7a: {  	s8 =	sshrl.u32 s7, $0x7;
	s0 =	smul.u32 $0x104, s0;
	s4 =	sadd.s32 s4, s18  }
0x7b: {  	s3 =	sshrl.u32 s3, $0x2;
	s15 =	sshrl.u32 s5, $0x2;
	s5 =	sshrl.u32 s16, $0x7  }
0x7c: {  	s0 =	sshrl.u32 s0, $0x2;
	s16 =	sadd.s32 $0x20, s2;
	s3 =	sadd.s32 s3, s18  }
0x7d: {  	s28 =	sadd.s32 s27, s4;
	s4 =	sadd.s32 s15, s18;
	s6 =	sadd.s32 s0, s18  }
0x7e: {  	s15 =	sadd.s32 $0x10, s2;
	s7 =	sand.u32 $0x78, s16;
	s16 =	sadd.s32 $0x30, s2  }
0x7f: {  	s29 =	sadd.s32 s27, s3;
	s3 =	smul.u32 $0x104, s14;
	s30 =	sadd.s32 s27, s4  }
0x80: {  	s4 =	sand.u32 $0x78, s5;
	s31 =	sadd.s32 s27, s6;
	s6 =	smul.u32 $0x104, s7  }
0x81: {  	s5 =	sand.u32 $0x78, s15;
	s7 =	sadd.s32 $0x50, s2;
	s4 =	smul.u32 $0x104, s4  }
0x82: {  	s14 =	sand.u32 $0x78, s9;
	s5 =	smul.u32 $0x104, s5;
	s7 =	sand.u32 $0x78, s7  }
0x83: {  	s3 =	sshrl.u32 s3, $0x2;
	s6 =	sshrl.u32 s6, $0x2;
	s7 =	smul.u32 $0x104, s7  }
0x84: {  	s3 =	sadd.s32 s3, s18;
	s4 =	sshrl.u32 s4, $0x2;
	s5 =	sshrl.u32 s5, $0x2  }
0x85: {  	s15 =	sadd.s32 s6, s18;
	s0 =	sadd.s32 s27, s3;
	s3 =	sand.u32 $0x78, s8  }
0x86: {  	s4 =	sadd.s32 s4, s18;
	s9 =	sadd.s32 s5, s18;
	s5 =	sand.u32 $0x78, s16  }
0x87: {  	s7 =	sshrl.u32 s7, $0x2;
	s3 =	smul.u32 $0x104, s3;
	s1 =	sadd.s32 s27, s4  }
0x88: {  	s4 =	smul.u32 $0x104, s14;
	s14 =	sadd.s32 $0x60, s2;
	s2 =	sadd.s32 $0x70, s2  }
0x89: {  	s6 =	sadd.s32 s27, s9;
	s14 =	sand.u32 $0x78, s14;
	s2 =	sand.u32 $0x78, s2  }
0x8a: {  	v1 =	vld.idx.msk [tilespmem:v0+s17+$0x0 ss:$0x1], $0xffff;
	s3 =	sshrl.u32 s3, $0x2;
	s4 =	sshrl.u32 s4, $0x2;
	s14 =	smul.u32 $0x104, s14  }
0x8b: {  	s16 =	smul.u32 $0x104, s2;
	s2 =	sadd.s32 s27, s15;
	s3 =	sadd.s32 s3, s18  }
0x8c: {  	s8 =	sadd.s32 s27, s3;
	s3 =	sadd.s32 s4, s18;
	s15 =	sshrl.u32 s14, $0x2  }
0x8d: {  	s9 =	sshrl.u32 s16, $0x2;
	s4 =	sadd.s32 s27, s3;
	s3 =	sadd.s32 s7, s18  }
0x8e: {  	s7 =	sadd.s32 s15, s18;
	s14 =	sadd.s32 s9, s18;
	s15 =	sadd.s32 $0xFFFFFC00, s25  }
0x8f: {  	[tilespmem:s28+$0x0 ss:$0x41] =	vst.msk $0xffff, v1;
	v1 =	vld.idx.msk [tilespmem:v0+s17+$0x20 ss:$0x1], $0xffff;
	s16 =	sadd.s32 s27, s14;
	s14 =	sand.u32 $0x1C00, s15  }
0x90: {  	v2 =	vld.idx.msk [tilespmem:v0+s14+$0x70 ss:$0x1], $0xffff  }
0x91: {  	v3 =	vld.idx.msk [tilespmem:v0+s14+$0x0 ss:$0x1], $0xffff  }
0x92: {  	v4 =	vld.idx.msk [tilespmem:v0+s14+$0x10 ss:$0x1], $0xffff  }
0x93: {  	v5 =	vld.idx.msk [tilespmem:v0+s14+$0x20 ss:$0x1], $0xffff  }
0x94: {  	v6 =	vld.idx.msk [tilespmem:v0+s14+$0x30 ss:$0x1], $0xffff  }
0x95: {  	v7 =	vld.idx.msk [tilespmem:v0+s14+$0x40 ss:$0x1], $0xffff;
	[tilespmem:s4+$0x0 ss:$0x41] =	vst.msk $0xffff, v2  }
0x96: {  	v8 =	vld.idx.msk [tilespmem:v0+s14+$0x50 ss:$0x1], $0xffff;
	[tilespmem:s28+$0x0 ss:$0x41] =	vst.msk $0xffff, v3  }
0x97: {  	p2 =	sgt.s32 s21, $0x100;
	s5 =	smul.u32 $0x104, s5;
	v9 =	vld.idx.msk [tilespmem:v0+s14+$0x60 ss:$0x1], $0xffff;
	[tilespmem:s29+$0x0 ss:$0x41] =	vst.msk $0xffff, v4  }
.Ltmp7:
0x98: {  	v4 =	vld.idx.msk [tilespmem:v0+s17+$0x10 ss:$0x1], $0xffff;
	[tilespmem:s30+$0x0 ss:$0x41] =	vst.msk $0xffff, v5;
	(pc) =	sbr.rel @!p2 .LBB1_7-.Ltmp7, $4  }
0x99: {  	s5 =	sshrl.u32 s5, $0x2;
	[tilespmem:s0+$0x0 ss:$0x41] =	vst.msk $0xffff, v6;
	v2 =	vld.idx.msk [tilespmem:v0+s17+$0x30 ss:$0x1], $0xffff  }
0x9a: {  	s5 =	sadd.s32 s5, s18;
	[tilespmem:s31+$0x0 ss:$0x41] =	vst.msk $0xffff, v7;
	v3 =	vld.idx.msk [tilespmem:v0+s17+$0x40 ss:$0x1], $0xffff  }
0x9b: {  	s5 =	sadd.s32 s27, s5;
	s3 =	sadd.s32 s27, s3;
	[tilespmem:s1+$0x0 ss:$0x41] =	vst.msk $0xffff, v8;
	v5 =	vld.idx.msk [tilespmem:v0+s17+$0x50 ss:$0x1], $0xffff  }
0x9c: {  	s7 =	sadd.s32 s27, s7;
	s15 =	sadd.s32 $0x800, s25;
	s14 =	simm.s32 $0x100;
	[tilespmem:s8+$0x0 ss:$0x41] =	vst.msk $0xffff, v9;
	v6 =	vld.idx.msk [tilespmem:v0+s17+$0x60 ss:$0x1], $0xffff  }
.LBB1_6:
0x9d: {  	s9 =	sadd.s32 $0xFFFFFC00, s15;
	s14 =	sadd.s32 $0x100, s14;
	[tilespmem:s6+$0x0 ss:$0x41] =	vst.msk $0xffff, v4;
	v4 =	vld.idx.msk [tilespmem:v0+s17+$0x70 ss:$0x1], $0xffff;
	s17 =	sand.u32 $0x1C00, s15  }
0x9e: {  	s9 =	sand.u32 $0x1C00, s9;
	v7 =	vld.idx.msk [tilespmem:v0+s17+$0x0 ss:$0x1], $0xffff;
	p2 =	slt.s32 s14, s21;
	[tilespmem:s2+$0x0 ss:$0x41] =	vst.msk $0xffff, v1  }
0x9f: {  	v1 =	vld.idx.msk [tilespmem:v0+s9+$0x70 ss:$0x1], $0xffff;
	[tilespmem:s5+$0x0 ss:$0x41] =	vst.msk $0xffff, v2  }
0xa0: {  	v2 =	vld.idx.msk [tilespmem:v0+s9+$0x0 ss:$0x1], $0xffff;
	[tilespmem:s31+$0x0 ss:$0x41] =	vst.msk $0xffff, v3  }
0xa1: {  	v3 =	vld.idx.msk [tilespmem:v0+s9+$0x10 ss:$0x1], $0xffff;
	[tilespmem:s3+$0x0 ss:$0x41] =	vst.msk $0xffff, v5  }
0xa2: {  	v5 =	vld.idx.msk [tilespmem:v0+s9+$0x20 ss:$0x1], $0xffff;
	[tilespmem:s7+$0x0 ss:$0x41] =	vst.msk $0xffff, v6  }
0xa3: {  	v6 =	vld.idx.msk [tilespmem:v0+s9+$0x30 ss:$0x1], $0xffff;
	[tilespmem:s16+$0x0 ss:$0x41] =	vst.msk $0xffff, v4  }
0xa4: {  	v8 =	vld.idx.msk [tilespmem:v0+s9+$0x40 ss:$0x1], $0xffff;
	[tilespmem:s28+$0x0 ss:$0x41] =	vst.msk $0xffff, v7  }
0xa5: {  	v7 =	vld.idx.msk [tilespmem:v0+s9+$0x50 ss:$0x1], $0xffff;
	[tilespmem:s4+$0x0 ss:$0x41] =	vst.msk $0xffff, v1  }
0xa6: {  	[tilespmem:s28+$0x0 ss:$0x41] =	vst.msk $0xffff, v2;
	v9 =	vld.idx.msk [tilespmem:v0+s9+$0x60 ss:$0x1], $0xffff  }
0xa7: {  	[tilespmem:s29+$0x0 ss:$0x41] =	vst.msk $0xffff, v3;
	v4 =	vld.idx.msk [tilespmem:v0+s17+$0x10 ss:$0x1], $0xffff  }
.Ltmp8:
0xa8: {  	[tilespmem:s30+$0x0 ss:$0x41] =	vst.msk $0xffff, v5;
	v1 =	vld.idx.msk [tilespmem:v0+s17+$0x20 ss:$0x1], $0xffff;
	(pc) =	sbr.rel @p2 .LBB1_6-.Ltmp8, $4  }
0xa9: {  	[tilespmem:s0+$0x0 ss:$0x41] =	vst.msk $0xffff, v6;
	v2 =	vld.idx.msk [tilespmem:v0+s17+$0x30 ss:$0x1], $0xffff  }
0xaa: {  	[tilespmem:s31+$0x0 ss:$0x41] =	vst.msk $0xffff, v8;
	v3 =	vld.idx.msk [tilespmem:v0+s17+$0x40 ss:$0x1], $0xffff  }
0xab: {  	[tilespmem:s1+$0x0 ss:$0x41] =	vst.msk $0xffff, v7;
	v5 =	vld.idx.msk [tilespmem:v0+s17+$0x50 ss:$0x1], $0xffff  }
0xac: {  	s15 =	sadd.s32 $0x800, s15;
	[tilespmem:s8+$0x0 ss:$0x41] =	vst.msk $0xffff, v9;
	v6 =	vld.idx.msk [tilespmem:v0+s17+$0x60 ss:$0x1], $0xffff  }
.LBB1_7:
0xad: {  	_ =	sdelay $0x2  }
0xae: {  	[tilespmem:s6+$0x0 ss:$0x41] =	vst.msk $0xffff, v4  }
0xaf: {  	v0 =	vld.idx.msk [tilespmem:v0+s17+$0x70 ss:$0x1], $0xffff;
	[tilespmem:s2+$0x0 ss:$0x41] =	vst.msk $0xffff, v1  }
0xb0: {  	[tilespmem:s5+$0x0 ss:$0x41] =	vst.msk $0xffff, v2  }
0xb1: {  	[tilespmem:s31+$0x0 ss:$0x41] =	vst.msk $0xffff, v3  }
0xb2: {  	[tilespmem:s3+$0x0 ss:$0x41] =	vst.msk $0xffff, v5  }
0xb3: {  	[tilespmem:s7+$0x0 ss:$0x41] =	vst.msk $0xffff, v6  }
0xb4: {  	[tilespmem:s16+$0x0 ss:$0x41] =	vst.msk $0xffff, v0  }
.LBB1_8:
.Ltmp9:
0xb5: {  	(pc) =	sbr.rel @p1 .LBB1_11-.Ltmp9, $1  }
0xb6: {  	_ =	sdelay $0x3  }
0xb7: {  	s1 =	sand.u32 $0x380, s26;
	s0 =	sshrl.u32 s24, $0x4;
	s2 =	sadd.s32 s27, s18  }
0xb8: {  	s3 =	smov.u32 s23;
	s4 =	smov.u32 s21;
	s1 =	sadd.s32 s1, s22  }
.LBB1_10:
0xb9: {  	s5 =	sand.u32 $0x1C00, s3  }
0xba: {  	s5 =	sadd.s32 s26, s5  }
0xbb: {  	s5 =	sand.u32 $0x1C00, s5  }
0xbc: {  	s6 =	sand.u32 $0x70, s4;
	s30 =	sadd.s32 s4, s0;
	s5 =	sadd.s32 s5, s1  }
0xbd: {  	s4 =	sadd.s32 $0x10, s4;
	s31 =	sand.u32 $0x78, s30;
	s5 =	sadd.s32 s6, s5  }
0xbe: {  	p2 =	slt.s32 s4, s20;
	v0 =	vld [tilespmem:s5+$0x0];
	s5 =	smul.u32 $0x104, s31  }
.Ltmp10:
0xbf: {  	_ = 	snop;
	(pc) =	sbr.rel @p2 .LBB1_10-.Ltmp10, $4  }
0xc0: {  	_ = 	snop  }
0xc1: {  	s5 =	sshrl.u32 s5, $0x2  }
0xc2: {  	s5 =	sadd.s32 s5, s2  }
0xc3: {  	s3 =	sadd.s32 $0x80, s3;
	[tilespmem:s5+$0x0 ss:$0x41] =	vst.msk $0xffff, v0  }
.Ltmp11:
0xc4: {  	_ = 	snop;
	(pc) =	sbr.rel .LBB1_11-.Ltmp11, $1  }
0xc5: {  	_ =	sdelay $0x3  }
.LBB1_14:
0xc6: {  	_ =	sfence.sel $0x180000  }
0xc7: {  	s0 =	simm.s32 $0x1;
	[bflag:$0x0] =	sbarrier.arrive $0xFFFF  }
0xc8: {  	s30 =	simm.s32 $0x2;
	[sflag:s0] =	ssyncpa.u1 $0x1  }
0xc9: {  	[sflag:s30] =	ssyncpa.u1 $0x1  }
0xca: {  	_ =	strace $0x9000004A  }
0xcb: {  	s31 =	stileid.u32;
	[bflag:$0x2] =	sbarrier.arrive $0xFFFF  }
0xcc: {  	p0 =	sne.s32 s31, $0x0;
	s0 =	rddreg [dreg:$0x1]  }
0xcd: {  	s0 =	sadd.s32 @!p0 $0x100000, s0  }
0xce: {  	[sflag:s0] =	ssyncadd.tile.s32 @!p0 $0x1;
	_ =	shalt  }
.Lfunc_end1:
_tile_overlayer_lowered:
.L_overlay_start_2:
0xcf: {  	(tag) =	ssettag $0x2  }
0xd0: {  	s0 =	rddreg [dreg:$0x0];
	s2 =	stileid.u32  }
0xd1: {  	s1 =	rddreg [dreg:$0x1];
	p0 =	sne.s32 s2, $0x0  }
0xd2: {  	s3 =	rddreg [dreg:$0x2];
	[bflag:$0x3] =	sbarrier.arrive $0xFFFF;
	s2 =	simm.s32 @!p0 $0x1C01  }
0xd3: {  	[timem:s3], [sflag:s2] =	dma.local @!p0 [hbm:s0], s1  }
0xd4: {  	s0 =	simm.s32 @!p0 $0x1  }
0xd5: {  	_ =	swait.ge @!p0 [sflag:s0], s1  }
0xd6: {  	s1 =	ssub.s32 @!p0 $0x0, s1;
	[sflag:s0] =	ssyncset.done @!p0 $0x0  }
0xd7: {  	[sflag:s0] =	ssyncadd.s32 @!p0 s1  }
0xd8: {  	[bflag:$0x3] =	sbarrier.arrive $0xFFFF  }
0xd9: {  	_ =	shalt  }

</sc_bundles>
